<compile_context>
chip_gen: v7x
topology: tpu7x:2x2x1
jax: 0.10.2.dev20260603
libtpu: 0.0.44.dev20260713+nightly
codegen_flags: <defaults>
</compile_context>

<pallas_src>
import functools

import jax
import jax.numpy as jnp
from jax import lax
from jax.experimental import pallas as pl
from jax.experimental.pallas import tpu as pltpu
from jax.experimental.pallas import tpu_sc as plsc

_NCLS = 19
_ROWP = 32
_HROWS = 20
_HSIZE = _HROWS * _ROWP
_STRIDE = _HSIZE + 1
_LANES = 16
_NWORKERS = 32
_RBLK = 128


def _argmax_bin_body(pref, tref, oref):
    x = pref[0]
    best = x[0]
    pc = jnp.zeros(best.shape, jnp.int32)
    for c in range(1, _NCLS):
        v = x[c]
        take = v > best
        best = jnp.where(take, v, best)
        pc = jnp.where(take, c, pc)
    t = tref[0]
    valid = (t >= 0) & (t < _NCLS)
    binv = jnp.where(valid, t * _ROWP + pc, _NCLS * _ROWP)
    col = lax.broadcasted_iota(jnp.int32, binv.shape, 1)
    oref[0] = binv + (col % _LANES) * _STRIDE


def _stage1(preds, target):
    b, c, h, w = preds.shape
    nch = h // _RBLK
    return pl.pallas_call(
        _argmax_bin_body,
        grid=(b, nch),
        in_specs=[
            pl.BlockSpec((1, c, _RBLK, w), lambda i, j: (i, 0, j, 0)),
            pl.BlockSpec((1, _RBLK, w), lambda i, j: (i, j, 0)),
        ],
        out_specs=pl.BlockSpec((1, _RBLK, w), lambda i, j: (i, j, 0)),
        out_shape=jax.ShapeDtypeStruct((b, h, w), jnp.int32),
    )(preds, target)


def _make_sc_hist(b, h, w):
    rows_per_w = (b * h) // _NWORKERS
    vecs_per_row = w // _LANES
    mesh = plsc.VectorSubcoreMesh(core_axis_name="c", subcore_axis_name="s")

    @functools.partial(
        pl.kernel,
        mesh=mesh,
        compiler_params=pltpu.CompilerParams(needs_layout_passes=False),
        out_type=jax.ShapeDtypeStruct((_NWORKERS, _HROWS, _ROWP), jnp.float32),
        scratch_types=[
            pltpu.VMEM((rows_per_w, w), jnp.int32),
            pltpu.SemaphoreType.DMA,
            pltpu.VMEM((((_LANES * _STRIDE + 127) // 128) * 128,), jnp.float32),
            pltpu.VMEM((_HROWS, _ROWP), jnp.float32),
        ],
    )
    def sc_hist(bins_hbm, out_hbm, idx_v, sem, hist_v, red_v):
        wid = lax.axis_index("s") * 2 + lax.axis_index("c")
        wpb = h // rows_per_w
        bi = wid // wpb
        r0 = (wid % wpb) * rows_per_w
        cp = pltpu.async_copy(bins_hbm.at[bi, pl.ds(r0, rows_per_w), :], idx_v, sem)

        zero16 = jnp.zeros((_LANES,), jnp.float32)

        def zero_body(i, carry):
            for u in range(8):
                hist_v[pl.ds((i * 8 + u) * _LANES, _LANES)] = zero16
            return carry

        lax.fori_loop(0, _LANES * _STRIDE // _LANES // 8 + 1, zero_body, 0)
        cp.wait()

        ones = jnp.ones((_LANES,), jnp.float32)
        n_vecs = w // _LANES

        @plsc.parallel_loop(0, rows_per_w, unroll=1)
        def _scat(r):
            vecs = [idx_v[r, pl.ds(u * _LANES, _LANES)] for u in range(n_vecs)]
            for v in vecs:
                plsc.addupdate_scatter(hist_v, [v], ones)

        nslots = _HSIZE // _LANES
        accs = [hist_v[pl.ds(j * _LANES, _LANES)] for j in range(nslots)]
        for r in range(1, _LANES):
            base = r * _STRIDE
            vals = [hist_v[pl.ds(base + j * _LANES, _LANES)] for j in range(nslots)]
            accs = [a + v for a, v in zip(accs, vals)]
        for j in range(nslots):
            red_v[j // 2, pl.ds((j % 2) * _LANES, _LANES)] = accs[j]
        pltpu.sync_copy(red_v, out_hbm.at[wid])

    return sc_hist


def _iou_body(href, oref):
    h = href[...]
    hs = jnp.sum(h, axis=0)
    ri = lax.broadcasted_iota(jnp.int32, (_HROWS, _ROWP), 0)
    ci = lax.broadcasted_iota(jnp.int32, (_HROWS, _ROWP), 1)
    rowsum = jnp.sum(hs, axis=1, keepdims=True)
    colsum = jnp.sum(jnp.where(ri < _NCLS, hs, 0.0), axis=0, keepdims=True)
    union = rowsum + colsum - hs
    iou = hs / jnp.maximum(union, 1.0)
    oref[...] = jnp.sum(jnp.where(ri == ci, iou, 0.0), axis=0, keepdims=True)


def _stage3(part):
    return pl.pallas_call(
        _iou_body,
        out_shape=jax.ShapeDtypeStruct((1, _ROWP), jnp.float32),
    )(part)


def kernel(preds, target):
    b, c, h, w = preds.shape
    bins = _stage1(preds, target)
    part = _make_sc_hist(b, h, w)(bins)
    ious = _stage3(part)
    return ious[0, :_NCLS]

# --- scband reference (transcript-rebuilt; emitter-appended) ---
"""Pipeline reference for scband-seg-io-umetric-33904471835464 (READ-ONLY COPY).

The authoritative reference and input builder live on the scoring server;
editing this copy changes nothing except your own understanding.
"""

import jax, jax.numpy as jnp
import numpy as np

NUM_CLASSES = 19

def setup_inputs(seed: int = 0) -> dict:
    key = jax.random.key(seed)
    k1, k2 = jax.random.split(key)
    preds = jax.random.normal(k1, (8, NUM_CLASSES, 512, 512), dtype=jnp.float32)
    target = jax.random.randint(k2, (8, 512, 512), 0, NUM_CLASSES, dtype=jnp.int32)
    return {"preds": preds, "target": target}

def reference(preds, target):
    n = NUM_CLASSES
    # preds: [B, C, H, W] -> argmax over class dim
    pred_cls = jnp.argmax(preds, axis=1)
    pred_flat = pred_cls.reshape(-1)
    label_flat = target.reshape(-1)
    # mask of valid labels: (label >= 0) & (label < n)
    k = (label_flat >= 0) & (label_flat < n)
    # confusion matrix via bincount; invalid entries routed to bin 0 with weight 0
    idx = jnp.where(k, n * label_flat + pred_flat, 0)
    hist = jnp.bincount(idx, weights=k.astype(jnp.float32), length=n * n).reshape((n, n))
    insert = jnp.diag(hist)
    union = hist.sum(axis=1) + hist.sum(axis=0) - jnp.diag(hist)
    union = jnp.maximum(union, jnp.ones_like(jnp.diag(hist)))
    ious = insert / union
    return ious

if __name__ == "__main__":
    import jax
    _d = setup_inputs()
    print(jax.jit(kernel)(*tuple(_d.values())))

</pallas_src>

<mosaic_0001>
#map = affine_map<(d0, d1) -> (0, 0, 0)>
module attributes {stable_mosaic.version = 14 : i64} {
  func.func @sc_hist(%arg0: i32, %arg1: i32, %arg2: memref<8x512x512xi32, #tpu.memory_space<hbm>>, %arg3: memref<32x20x32xf32, #tpu.memory_space<hbm>>, %arg4: memref<128x512xi32, #tpu.memory_space<vmem>>, %arg5: memref<!tpu.dma_semaphore, #tpu.memory_space<semaphore_mem>>, %arg6: memref<10368xf32, #tpu.memory_space<vmem>>, %arg7: memref<20x32xf32, #tpu.memory_space<vmem>>) attributes {dimension_semantics = [#tpu.dimension_semantics<core_parallel>, #tpu.dimension_semantics<subcore_parallel>], iteration_bounds = array<i64: 2, 16>, scalar_prefetch = 0 : i64, scratch_operands = 4 : i64, tpu.core_type = #tpu.core_type<sc_vector_subcore>, window_params = [{transform_indices = #map}, {transform_indices = #map}]} {
    %mul3A = arith.constant 2 : i32
    %mul3A_0 = arith.muli %arg1, %mul3A : i32
    %add3A = arith.addi %mul3A_0, %arg0 : i32
    %jit3A = arith.constant 4 : i32
    %div3A = arith.divsi %add3A, %jit3A : i32
    %sign3A = arith.constant 0 : i32
    %sign3A_1 = arith.cmpi sgt, %add3A, %sign3A : i32
    %sign3A_2 = arith.extui %sign3A_1 : i1 to i32
    %sign3A_3 = arith.constant 0 : i32
    %sign3A_4 = arith.cmpi slt, %add3A, %sign3A_3 : i32
    %sign3A_5 = arith.extui %sign3A_4 : i1 to i32
    %sign3A_6 = arith.subi %sign3A_2, %sign3A_5 : i32
    %sign3A_7 = arith.constant 0 : i32
    %sign3A_8 = arith.cmpi sgt, %jit3A, %sign3A_7 : i32
    %sign3A_9 = arith.extui %sign3A_8 : i1 to i32
    %sign3A_10 = arith.constant 0 : i32
    %sign3A_11 = arith.cmpi slt, %jit3A, %sign3A_10 : i32
    %sign3A_12 = arith.extui %sign3A_11 : i1 to i32
    %sign3A_13 = arith.subi %sign3A_9, %sign3A_12 : i32
    %ne3A = arith.cmpi ne, %sign3A_6, %sign3A_13 : i32
    %rem3A = arith.remsi %add3A, %jit3A : i32
    %ne3A_14 = arith.constant 0 : i32
    %ne3A_15 = arith.cmpi ne, %rem3A, %ne3A_14 : i32
    %and3A = arith.andi %ne3A, %ne3A_15 : i1
    %sub3A = arith.constant 1 : i32
    %sub3A_16 = arith.subi %div3A, %sub3A : i32
    %select_n3A = arith.select %and3A, %sub3A_16, %div3A : i32
    %jit3A_17 = arith.constant 4 : i32
    %eq3A = arith.constant 0 : i32
    %eq3A_18 = arith.cmpi eq, %jit3A_17, %eq3A : i32
    %jit3A_19 = arith.constant 1 : i32
    %select_n3A_20 = arith.select %eq3A_18, %jit3A_19, %jit3A_17 : i32
    %rem3A_21 = arith.remsi %add3A, %select_n3A_20 : i32
    %ne3A_22 = arith.constant 0 : i32
    %ne3A_23 = arith.cmpi ne, %rem3A_21, %ne3A_22 : i32
    %lt3A = arith.constant 0 : i32
    %lt3A_24 = arith.cmpi slt, %rem3A_21, %lt3A : i32
    %lt3A_25 = arith.constant 0 : i32
    %lt3A_26 = arith.cmpi slt, %select_n3A_20, %lt3A_25 : i32
    %ne3A_27 = arith.xori %lt3A_24, %lt3A_26 : i1
    %and3A_28 = arith.andi %ne3A_27, %ne3A_23 : i1
    %add3A_29 = arith.addi %rem3A_21, %select_n3A_20 : i32
    %select_n3A_30 = arith.select %and3A_28, %add3A_29, %rem3A_21 : i32
    %mul3A_31 = arith.constant 128 : i32
    %mul3A_32 = arith.muli %select_n3A_30, %mul3A_31 : i32
    %dma_start3A = arith.constant 0 : i32
    %dma_start3A_33 = tpu.memref_slice %arg2[%select_n3A, %mul3A_32, %dma_start3A] : memref<8x512x512xi32, #tpu.memory_space<hbm>> -> memref<1x128x512xi32, #tpu.memory_space<hbm>>
    %dma_start3A_34 = tpu.memref_squeeze %dma_start3A_33 : memref<1x128x512xi32, #tpu.memory_space<hbm>> -> memref<128x512xi32, #tpu.memory_space<hbm>>
    %dma_start3A_35 = arith.constant 0 : i32
    %dma_start3A_36 = tpu.memref_slice %arg2[%select_n3A, %mul3A_32, %dma_start3A_35] : memref<8x512x512xi32, #tpu.memory_space<hbm>> -> memref<1x128x512xi32, #tpu.memory_space<hbm>>
    %dma_start3A_37 = tpu.memref_squeeze %dma_start3A_36 : memref<1x128x512xi32, #tpu.memory_space<hbm>> -> memref<128x512xi32, #tpu.memory_space<hbm>>
    tpu.enqueue_dma source(%dma_start3A_37 : memref<128x512xi32, #tpu.memory_space<hbm>>) target(%arg4 : memref<128x512xi32, #tpu.memory_space<vmem>>) target_semaphore(%arg5 : memref<!tpu.dma_semaphore, #tpu.memory_space<semaphore_mem>>)
    %broadcast_in_dim3A = arith.constant 0.000000e+00 : f32
    %broadcast_in_dim3A_38 = vector.broadcast %broadcast_in_dim3A : f32 to vector<16xf32>
    %scan3A = arith.constant 0 : i32
    %scan3A_39 = arith.constant 0 : i32
    %scan3A_40 = arith.constant 81 : i32
    %scan3A_41 = arith.addi %scan3A_39, %scan3A_40 : i32
    %scan3A_42 = arith.constant 1 : i32
    scf.for %scan3A_2091 = %scan3A_39 to %scan3A_41 step %scan3A_42  : i32 {
      %mul3A_2092 = arith.constant 8 : i32
      %mul3A_2093 = arith.muli %scan3A_2091, %mul3A_2092 : i32
      %add3A_2094 = arith.constant 0 : i32
      %add3A_2095 = arith.addi %mul3A_2093, %add3A_2094 : i32
      %mul3A_2096 = arith.constant 16 : i32
      %mul3A_2097 = arith.muli %add3A_2095, %mul3A_2096 : i32
      %swap3A_2098 = arith.index_cast %mul3A_2097 : i32 to index
      %swap3A_2099 = tpu.vector_load %arg6[%swap3A_2098] {strides = array<i32>} : memref<10368xf32, #tpu.memory_space<vmem>>, vector<16xf32>,
      tpu.vector_store %arg6[%swap3A_2098], %broadcast_in_dim3A_38 {strides = array<i32>} : memref<10368xf32, #tpu.memory_space<vmem>>, vector<16xf32>,
      %mul3A_2100 = arith.constant 8 : i32
      %mul3A_2101 = arith.muli %scan3A_2091, %mul3A_2100 : i32
      %add3A_2102 = arith.constant 1 : i32
      %add3A_2103 = arith.addi %mul3A_2101, %add3A_2102 : i32
      %mul3A_2104 = arith.constant 16 : i32
      %mul3A_2105 = arith.muli %add3A_2103, %mul3A_2104 : i32
      %swap3A_2106 = arith.index_cast %mul3A_2105 : i32 to index
      %swap3A_2107 = tpu.vector_load %arg6[%swap3A_2106] {strides = array<i32>} : memref<10368xf32, #tpu.memory_space<vmem>>, vector<16xf32>,
      tpu.vector_store %arg6[%swap3A_2106], %broadcast_in_dim3A_38 {strides = array<i32>} : memref<10368xf32, #tpu.memory_space<vmem>>, vector<16xf32>,
      %mul3A_2108 = arith.constant 8 : i32
      %mul3A_2109 = arith.muli %scan3A_2091, %mul3A_2108 : i32
      %add3A_2110 = arith.constant 2 : i32
      %add3A_2111 = arith.addi %mul3A_2109, %add3A_2110 : i32
      %mul3A_2112 = arith.constant 16 : i32
      %mul3A_2113 = arith.muli %add3A_2111, %mul3A_2112 : i32
      %swap3A_2114 = arith.index_cast %mul3A_2113 : i32 to index
      %swap3A_2115 = tpu.vector_load %arg6[%swap3A_2114] {strides = array<i32>} : memref<10368xf32, #tpu.memory_space<vmem>>, vector<16xf32>,
      tpu.vector_store %arg6[%swap3A_2114], %broadcast_in_dim3A_38 {strides = array<i32>} : memref<10368xf32, #tpu.memory_space<vmem>>, vector<16xf32>,
      %mul3A_2116 = arith.constant 8 : i32
      %mul3A_2117 = arith.muli %scan3A_2091, %mul3A_2116 : i32
      %add3A_2118 = arith.constant 3 : i32
      %add3A_2119 = arith.addi %mul3A_2117, %add3A_2118 : i32
      %mul3A_2120 = arith.constant 16 : i32
      %mul3A_2121 = arith.muli %add3A_2119, %mul3A_2120 : i32
      %swap3A_2122 = arith.index_cast %mul3A_2121 : i32 to index
      %swap3A_2123 = tpu.vector_load %arg6[%swap3A_2122] {strides = array<i32>} : memref<10368xf32, #tpu.memory_space<vmem>>, vector<16xf32>,
      tpu.vector_store %arg6[%swap3A_2122], %broadcast_in_dim3A_38 {strides = array<i32>} : memref<10368xf32, #tpu.memory_space<vmem>>, vector<16xf32>,
      %mul3A_2124 = arith.constant 8 : i32
      %mul3A_2125 = arith.muli %scan3A_2091, %mul3A_2124 : i32
      %add3A_2126 = arith.constant 4 : i32
      %add3A_2127 = arith.addi %mul3A_2125, %add3A_2126 : i32
      %mul3A_2128 = arith.constant 16 : i32
      %mul3A_2129 = arith.muli %add3A_2127, %mul3A_2128 : i32
      %swap3A_2130 = arith.index_cast %mul3A_2129 : i32 to index
      %swap3A_2131 = tpu.vector_load %arg6[%swap3A_2130] {strides = array<i32>} : memref<10368xf32, #tpu.memory_space<vmem>>, vector<16xf32>,
      tpu.vector_store %arg6[%swap3A_2130], %broadcast_in_dim3A_38 {strides = array<i32>} : memref<10368xf32, #tpu.memory_space<vmem>>, vector<16xf32>,
      %mul3A_2132 = arith.constant 8 : i32
      %mul3A_2133 = arith.muli %scan3A_2091, %mul3A_2132 : i32
      %add3A_2134 = arith.constant 5 : i32
      %add3A_2135 = arith.addi %mul3A_2133, %add3A_2134 : i32
      %mul3A_2136 = arith.constant 16 : i32
      %mul3A_2137 = arith.muli %add3A_2135, %mul3A_2136 : i32
      %swap3A_2138 = arith.index_cast %mul3A_2137 : i32 to index
      %swap3A_2139 = tpu.vector_load %arg6[%swap3A_2138] {strides = array<i32>} : memref<10368xf32, #tpu.memory_space<vmem>>, vector<16xf32>,
      tpu.vector_store %arg6[%swap3A_2138], %broadcast_in_dim3A_38 {strides = array<i32>} : memref<10368xf32, #tpu.memory_space<vmem>>, vector<16xf32>,
      %mul3A_2140 = arith.constant 8 : i32
      %mul3A_2141 = arith.muli %scan3A_2091, %mul3A_2140 : i32
      %add3A_2142 = arith.constant 6 : i32
      %add3A_2143 = arith.addi %mul3A_2141, %add3A_2142 : i32
      %mul3A_2144 = arith.constant 16 : i32
      %mul3A_2145 = arith.muli %add3A_2143, %mul3A_2144 : i32
      %swap3A_2146 = arith.index_cast %mul3A_2145 : i32 to index
      %swap3A_2147 = tpu.vector_load %arg6[%swap3A_2146] {strides = array<i32>} : memref<10368xf32, #tpu.memory_space<vmem>>, vector<16xf32>,
      tpu.vector_store %arg6[%swap3A_2146], %broadcast_in_dim3A_38 {strides = array<i32>} : memref<10368xf32, #tpu.memory_space<vmem>>, vector<16xf32>,
      %mul3A_2148 = arith.constant 8 : i32
      %mul3A_2149 = arith.muli %scan3A_2091, %mul3A_2148 : i32
      %add3A_2150 = arith.constant 7 : i32
      %add3A_2151 = arith.addi %mul3A_2149, %add3A_2150 : i32
      %mul3A_2152 = arith.constant 16 : i32
      %mul3A_2153 = arith.muli %add3A_2151, %mul3A_2152 : i32
      %swap3A_2154 = arith.index_cast %mul3A_2153 : i32 to index
      %swap3A_2155 = tpu.vector_load %arg6[%swap3A_2154] {strides = array<i32>} : memref<10368xf32, #tpu.memory_space<vmem>>, vector<16xf32>,
      tpu.vector_store %arg6[%swap3A_2154], %broadcast_in_dim3A_38 {strides = array<i32>} : memref<10368xf32, #tpu.memory_space<vmem>>, vector<16xf32>,
    }
    %scan3A_43 = arith.constant 81 : i32
    %dma_wait3A = arith.constant 0 : i32
    %dma_wait3A_44 = tpu.memref_slice %arg2[%select_n3A, %mul3A_32, %dma_wait3A] : memref<8x512x512xi32, #tpu.memory_space<hbm>> -> memref<1x128x512xi32, #tpu.memory_space<hbm>>
    %dma_wait3A_45 = tpu.memref_squeeze %dma_wait3A_44 : memref<1x128x512xi32, #tpu.memory_space<hbm>> -> memref<128x512xi32, #tpu.memory_space<hbm>>
    %dma_wait3A_46 = arith.constant 0 : i32
    %dma_wait3A_47 = tpu.memref_slice %arg2[%select_n3A, %mul3A_32, %dma_wait3A_46] : memref<8x512x512xi32, #tpu.memory_space<hbm>> -> memref<1x128x512xi32, #tpu.memory_space<hbm>>
    %dma_wait3A_48 = tpu.memref_squeeze %dma_wait3A_47 : memref<1x128x512xi32, #tpu.memory_space<hbm>> -> memref<128x512xi32, #tpu.memory_space<hbm>>
    tpu.wait_dma2 semaphore(%arg5 : memref<!tpu.dma_semaphore, #tpu.memory_space<semaphore_mem>>) src(%dma_wait3A_48 : memref<128x512xi32, #tpu.memory_space<hbm>>) dst(%arg4 : memref<128x512xi32, #tpu.memory_space<vmem>>)
    %broadcast_in_dim3A_49 = arith.constant 1.000000e+00 : f32
    %broadcast_in_dim3A_50 = vector.broadcast %broadcast_in_dim3A_49 : f32 to vector<16xf32>
    %parallel_loop3A = arith.constant 0 : i32
    %parallel_loop3A_51 = arith.constant 128 : i32
    %parallel_loop3A_52 = arith.constant 1 : i32
    scf.for %parallel_loop3A_2091 = %parallel_loop3A to %parallel_loop3A_51 step %parallel_loop3A_52  : i32 {
      %parallel_loop3A_2092 = arith.index_cast %parallel_loop3A_2091 : i32 to index
      %parallel_loop3A_2093 = arith.constant 0 : index
      %parallel_loop3A_2094 = tpu.vector_load %arg4[%parallel_loop3A_2092, %parallel_loop3A_2093] {strides = array<i32>} : memref<128x512xi32, #tpu.memory_space<vmem>>, vector<16xi32>,
      %parallel_loop3A_2095 = arith.index_cast %parallel_loop3A_2091 : i32 to index
      %parallel_loop3A_2096 = arith.constant 16 : index
      %parallel_loop3A_2097 = tpu.vector_load %arg4[%parallel_loop3A_2095, %parallel_loop3A_2096] {strides = array<i32>} : memref<128x512xi32, #tpu.memory_space<vmem>>, vector<16xi32>,
      %parallel_loop3A_2098 = arith.index_cast %parallel_loop3A_2091 : i32 to index
      %parallel_loop3A_2099 = arith.constant 32 : index
      %parallel_loop3A_2100 = tpu.vector_load %arg4[%parallel_loop3A_2098, %parallel_loop3A_2099] {strides = array<i32>} : memref<128x512xi32, #tpu.memory_space<vmem>>, vector<16xi32>,
      %parallel_loop3A_2101 = arith.index_cast %parallel_loop3A_2091 : i32 to index
      %parallel_loop3A_2102 = arith.constant 48 : index
      %parallel_loop3A_2103 = tpu.vector_load %arg4[%parallel_loop3A_2101, %parallel_loop3A_2102] {strides = array<i32>} : memref<128x512xi32, #tpu.memory_space<vmem>>, vector<16xi32>,
      %parallel_loop3A_2104 = arith.index_cast %parallel_loop3A_2091 : i32 to index
      %parallel_loop3A_2105 = arith.constant 64 : index
      %parallel_loop3A_2106 = tpu.vector_load %arg4[%parallel_loop3A_2104, %parallel_loop3A_2105] {strides = array<i32>} : memref<128x512xi32, #tpu.memory_space<vmem>>, vector<16xi32>,
      %parallel_loop3A_2107 = arith.index_cast %parallel_loop3A_2091 : i32 to index
      %parallel_loop3A_2108 = arith.constant 80 : index
      %parallel_loop3A_2109 = tpu.vector_load %arg4[%parallel_loop3A_2107, %parallel_loop3A_2108] {strides = array<i32>} : memref<128x512xi32, #tpu.memory_space<vmem>>, vector<16xi32>,
      %parallel_loop3A_2110 = arith.index_cast %parallel_loop3A_2091 : i32 to index
      %parallel_loop3A_2111 = arith.constant 96 : index
      %parallel_loop3A_2112 = tpu.vector_load %arg4[%parallel_loop3A_2110, %parallel_loop3A_2111] {strides = array<i32>} : memref<128x512xi32, #tpu.memory_space<vmem>>, vector<16xi32>,
      %parallel_loop3A_2113 = arith.index_cast %parallel_loop3A_2091 : i32 to index
      %parallel_loop3A_2114 = arith.constant 112 : index
      %parallel_loop3A_2115 = tpu.vector_load %arg4[%parallel_loop3A_2113, %parallel_loop3A_2114] {strides = array<i32>} : memref<128x512xi32, #tpu.memory_space<vmem>>, vector<16xi32>,
      %parallel_loop3A_2116 = arith.index_cast %parallel_loop3A_2091 : i32 to index
      %parallel_loop3A_2117 = arith.constant 128 : index
      %parallel_loop3A_2118 = tpu.vector_load %arg4[%parallel_loop3A_2116, %parallel_loop3A_2117] {strides = array<i32>} : memref<128x512xi32, #tpu.memory_space<vmem>>, vector<16xi32>,
      %parallel_loop3A_2119 = arith.index_cast %parallel_loop3A_2091 : i32 to index
      %parallel_loop3A_2120 = arith.constant 144 : index
      %parallel_loop3A_2121 = tpu.vector_load %arg4[%parallel_loop3A_2119, %parallel_loop3A_2120] {strides = array<i32>} : memref<128x512xi32, #tpu.memory_space<vmem>>, vector<16xi32>,
      %parallel_loop3A_2122 = arith.index_cast %parallel_loop3A_2091 : i32 to index
      %parallel_loop3A_2123 = arith.constant 160 : index
      %parallel_loop3A_2124 = tpu.vector_load %arg4[%parallel_loop3A_2122, %parallel_loop3A_2123] {strides = array<i32>} : memref<128x512xi32, #tpu.memory_space<vmem>>, vector<16xi32>,
      %parallel_loop3A_2125 = arith.index_cast %parallel_loop3A_2091 : i32 to index
      %parallel_loop3A_2126 = arith.constant 176 : index
      %parallel_loop3A_2127 = tpu.vector_load %arg4[%parallel_loop3A_2125, %parallel_loop3A_2126] {strides = array<i32>} : memref<128x512xi32, #tpu.memory_space<vmem>>, vector<16xi32>,
      %parallel_loop3A_2128 = arith.index_cast %parallel_loop3A_2091 : i32 to index
      %parallel_loop3A_2129 = arith.constant 192 : index
      %parallel_loop3A_2130 = tpu.vector_load %arg4[%parallel_loop3A_2128, %parallel_loop3A_2129] {strides = array<i32>} : memref<128x512xi32, #tpu.memory_space<vmem>>, vector<16xi32>,
      %parallel_loop3A_2131 = arith.index_cast %parallel_loop3A_2091 : i32 to index
      %parallel_loop3A_2132 = arith.constant 208 : index
      %parallel_loop3A_2133 = tpu.vector_load %arg4[%parallel_loop3A_2131, %parallel_loop3A_2132] {strides = array<i32>} : memref<128x512xi32, #tpu.memory_space<vmem>>, vector<16xi32>,
      %parallel_loop3A_2134 = arith.index_cast %parallel_loop3A_2091 : i32 to index
      %parallel_loop3A_2135 = arith.constant 224 : index
      %parallel_loop3A_2136 = tpu.vector_load %arg4[%parallel_loop3A_2134, %parallel_loop3A_2135] {strides = array<i32>} : memref<128x512xi32, #tpu.memory_space<vmem>>, vector<16xi32>,
      %parallel_loop3A_2137 = arith.index_cast %parallel_loop3A_2091 : i32 to index
      %parallel_loop3A_2138 = arith.constant 240 : index
      %parallel_loop3A_2139 = tpu.vector_load %arg4[%parallel_loop3A_2137, %parallel_loop3A_2138] {strides = array<i32>} : memref<128x512xi32, #tpu.memory_space<vmem>>, vector<16xi32>,
      %parallel_loop3A_2140 = arith.index_cast %parallel_loop3A_2091 : i32 to index
      %parallel_loop3A_2141 = arith.constant 256 : index
      %parallel_loop3A_2142 = tpu.vector_load %arg4[%parallel_loop3A_2140, %parallel_loop3A_2141] {strides = array<i32>} : memref<128x512xi32, #tpu.memory_space<vmem>>, vector<16xi32>,
      %parallel_loop3A_2143 = arith.index_cast %parallel_loop3A_2091 : i32 to index
      %parallel_loop3A_2144 = arith.constant 272 : index
      %parallel_loop3A_2145 = tpu.vector_load %arg4[%parallel_loop3A_2143, %parallel_loop3A_2144] {strides = array<i32>} : memref<128x512xi32, #tpu.memory_space<vmem>>, vector<16xi32>,
      %parallel_loop3A_2146 = arith.index_cast %parallel_loop3A_2091 : i32 to index
      %parallel_loop3A_2147 = arith.constant 288 : index
      %parallel_loop3A_2148 = tpu.vector_load %arg4[%parallel_loop3A_2146, %parallel_loop3A_2147] {strides = array<i32>} : memref<128x512xi32, #tpu.memory_space<vmem>>, vector<16xi32>,
      %parallel_loop3A_2149 = arith.index_cast %parallel_loop3A_2091 : i32 to index
      %parallel_loop3A_2150 = arith.constant 304 : index
      %parallel_loop3A_2151 = tpu.vector_load %arg4[%parallel_loop3A_2149, %parallel_loop3A_2150] {strides = array<i32>} : memref<128x512xi32, #tpu.memory_space<vmem>>, vector<16xi32>,
      %parallel_loop3A_2152 = arith.index_cast %parallel_loop3A_2091 : i32 to index
      %parallel_loop3A_2153 = arith.constant 320 : index
      %parallel_loop3A_2154 = tpu.vector_load %arg4[%parallel_loop3A_2152, %parallel_loop3A_2153] {strides = array<i32>} : memref<128x512xi32, #tpu.memory_space<vmem>>, vector<16xi32>,
      %parallel_loop3A_2155 = arith.index_cast %parallel_loop3A_2091 : i32 to index
      %parallel_loop3A_2156 = arith.constant 336 : index
      %parallel_loop3A_2157 = tpu.vector_load %arg4[%parallel_loop3A_2155, %parallel_loop3A_2156] {strides = array<i32>} : memref<128x512xi32, #tpu.memory_space<vmem>>, vector<16xi32>,
      %parallel_loop3A_2158 = arith.index_cast %parallel_loop3A_2091 : i32 to index
      %parallel_loop3A_2159 = arith.constant 352 : index
      %parallel_loop3A_2160 = tpu.vector_load %arg4[%parallel_loop3A_2158, %parallel_loop3A_2159] {strides = array<i32>} : memref<128x512xi32, #tpu.memory_space<vmem>>, vector<16xi32>,
      %parallel_loop3A_2161 = arith.index_cast %parallel_loop3A_2091 : i32 to index
      %parallel_loop3A_2162 = arith.constant 368 : index
      %parallel_loop3A_2163 = tpu.vector_load %arg4[%parallel_loop3A_2161, %parallel_loop3A_2162] {strides = array<i32>} : memref<128x512xi32, #tpu.memory_space<vmem>>, vector<16xi32>,
      %parallel_loop3A_2164 = arith.index_cast %parallel_loop3A_2091 : i32 to index
      %parallel_loop3A_2165 = arith.constant 384 : index
      %parallel_loop3A_2166 = tpu.vector_load %arg4[%parallel_loop3A_2164, %parallel_loop3A_2165] {strides = array<i32>} : memref<128x512xi32, #tpu.memory_space<vmem>>, vector<16xi32>,
      %parallel_loop3A_2167 = arith.index_cast %parallel_loop3A_2091 : i32 to index
      %parallel_loop3A_2168 = arith.constant 400 : index
      %parallel_loop3A_2169 = tpu.vector_load %arg4[%parallel_loop3A_2167, %parallel_loop3A_2168] {strides = array<i32>} : memref<128x512xi32, #tpu.memory_space<vmem>>, vector<16xi32>,
      %parallel_loop3A_2170 = arith.index_cast %parallel_loop3A_2091 : i32 to index
      %parallel_loop3A_2171 = arith.constant 416 : index
      %parallel_loop3A_2172 = tpu.vector_load %arg4[%parallel_loop3A_2170, %parallel_loop3A_2171] {strides = array<i32>} : memref<128x512xi32, #tpu.memory_space<vmem>>, vector<16xi32>,
      %parallel_loop3A_2173 = arith.index_cast %parallel_loop3A_2091 : i32 to index
      %parallel_loop3A_2174 = arith.constant 432 : index
      %parallel_loop3A_2175 = tpu.vector_load %arg4[%parallel_loop3A_2173, %parallel_loop3A_2174] {strides = array<i32>} : memref<128x512xi32, #tpu.memory_space<vmem>>, vector<16xi32>,
      %parallel_loop3A_2176 = arith.index_cast %parallel_loop3A_2091 : i32 to index
      %parallel_loop3A_2177 = arith.constant 448 : index
      %parallel_loop3A_2178 = tpu.vector_load %arg4[%parallel_loop3A_2176, %parallel_loop3A_2177] {strides = array<i32>} : memref<128x512xi32, #tpu.memory_space<vmem>>, vector<16xi32>,
      %parallel_loop3A_2179 = arith.index_cast %parallel_loop3A_2091 : i32 to index
      %parallel_loop3A_2180 = arith.constant 464 : index
      %parallel_loop3A_2181 = tpu.vector_load %arg4[%parallel_loop3A_2179, %parallel_loop3A_2180] {strides = array<i32>} : memref<128x512xi32, #tpu.memory_space<vmem>>, vector<16xi32>,
      %parallel_loop3A_2182 = arith.index_cast %parallel_loop3A_2091 : i32 to index
      %parallel_loop3A_2183 = arith.constant 480 : index
      %parallel_loop3A_2184 = tpu.vector_load %arg4[%parallel_loop3A_2182, %parallel_loop3A_2183] {strides = array<i32>} : memref<128x512xi32, #tpu.memory_space<vmem>>, vector<16xi32>,
      %parallel_loop3A_2185 = arith.index_cast %parallel_loop3A_2091 : i32 to index
      %parallel_loop3A_2186 = arith.constant 496 : index
      %parallel_loop3A_2187 = tpu.vector_load %arg4[%parallel_loop3A_2185, %parallel_loop3A_2186] {strides = array<i32>} : memref<128x512xi32, #tpu.memory_space<vmem>>, vector<16xi32>,
      tpu.vector_store_idx %arg6[%parallel_loop3A_2094], %broadcast_in_dim3A_50 {add = true} : memref<10368xf32, #tpu.memory_space<vmem>>[vector<16xi32>], vector<16xf32>,
      tpu.vector_store_idx %arg6[%parallel_loop3A_2097], %broadcast_in_dim3A_50 {add = true} : memref<10368xf32, #tpu.memory_space<vmem>>[vector<16xi32>], vector<16xf32>,
      tpu.vector_store_idx %arg6[%parallel_loop3A_2100], %broadcast_in_dim3A_50 {add = true} : memref<10368xf32, #tpu.memory_space<vmem>>[vector<16xi32>], vector<16xf32>,
      tpu.vector_store_idx %arg6[%parallel_loop3A_2103], %broadcast_in_dim3A_50 {add = true} : memref<10368xf32, #tpu.memory_space<vmem>>[vector<16xi32>], vector<16xf32>,
      tpu.vector_store_idx %arg6[%parallel_loop3A_2106], %broadcast_in_dim3A_50 {add = true} : memref<10368xf32, #tpu.memory_space<vmem>>[vector<16xi32>], vector<16xf32>,
      tpu.vector_store_idx %arg6[%parallel_loop3A_2109], %broadcast_in_dim3A_50 {add = true} : memref<10368xf32, #tpu.memory_space<vmem>>[vector<16xi32>], vector<16xf32>,
      tpu.vector_store_idx %arg6[%parallel_loop3A_2112], %broadcast_in_dim3A_50 {add = true} : memref<10368xf32, #tpu.memory_space<vmem>>[vector<16xi32>], vector<16xf32>,
      tpu.vector_store_idx %arg6[%parallel_loop3A_2115], %broadcast_in_dim3A_50 {add = true} : memref<10368xf32, #tpu.memory_space<vmem>>[vector<16xi32>], vector<16xf32>,
      tpu.vector_store_idx %arg6[%parallel_loop3A_2118], %broadcast_in_dim3A_50 {add = true} : memref<10368xf32, #tpu.memory_space<vmem>>[vector<16xi32>], vector<16xf32>,
      tpu.vector_store_idx %arg6[%parallel_loop3A_2121], %broadcast_in_dim3A_50 {add = true} : memref<10368xf32, #tpu.memory_space<vmem>>[vector<16xi32>], vector<16xf32>,
      tpu.vector_store_idx %arg6[%parallel_loop3A_2124], %broadcast_in_dim3A_50 {add = true} : memref<10368xf32, #tpu.memory_space<vmem>>[vector<16xi32>], vector<16xf32>,
      tpu.vector_store_idx %arg6[%parallel_loop3A_2127], %broadcast_in_dim3A_50 {add = true} : memref<10368xf32, #tpu.memory_space<vmem>>[vector<16xi32>], vector<16xf32>,
      tpu.vector_store_idx %arg6[%parallel_loop3A_2130], %broadcast_in_dim3A_50 {add = true} : memref<10368xf32, #tpu.memory_space<vmem>>[vector<16xi32>], vector<16xf32>,
      tpu.vector_store_idx %arg6[%parallel_loop3A_2133], %broadcast_in_dim3A_50 {add = true} : memref<10368xf32, #tpu.memory_space<vmem>>[vector<16xi32>], vector<16xf32>,
      tpu.vector_store_idx %arg6[%parallel_loop3A_2136], %broadcast_in_dim3A_50 {add = true} : memref<10368xf32, #tpu.memory_space<vmem>>[vector<16xi32>], vector<16xf32>,
      tpu.vector_store_idx %arg6[%parallel_loop3A_2139], %broadcast_in_dim3A_50 {add = true} : memref<10368xf32, #tpu.memory_space<vmem>>[vector<16xi32>], vector<16xf32>,
      tpu.vector_store_idx %arg6[%parallel_loop3A_2142], %broadcast_in_dim3A_50 {add = true} : memref<10368xf32, #tpu.memory_space<vmem>>[vector<16xi32>], vector<16xf32>,
      tpu.vector_store_idx %arg6[%parallel_loop3A_2145], %broadcast_in_dim3A_50 {add = true} : memref<10368xf32, #tpu.memory_space<vmem>>[vector<16xi32>], vector<16xf32>,
      tpu.vector_store_idx %arg6[%parallel_loop3A_2148], %broadcast_in_dim3A_50 {add = true} : memref<10368xf32, #tpu.memory_space<vmem>>[vector<16xi32>], vector<16xf32>,
      tpu.vector_store_idx %arg6[%parallel_loop3A_2151], %broadcast_in_dim3A_50 {add = true} : memref<10368xf32, #tpu.memory_space<vmem>>[vector<16xi32>], vector<16xf32>,
      tpu.vector_store_idx %arg6[%parallel_loop3A_2154], %broadcast_in_dim3A_50 {add = true} : memref<10368xf32, #tpu.memory_space<vmem>>[vector<16xi32>], vector<16xf32>,
      tpu.vector_store_idx %arg6[%parallel_loop3A_2157], %broadcast_in_dim3A_50 {add = true} : memref<10368xf32, #tpu.memory_space<vmem>>[vector<16xi32>], vector<16xf32>,
      tpu.vector_store_idx %arg6[%parallel_loop3A_2160], %broadcast_in_dim3A_50 {add = true} : memref<10368xf32, #tpu.memory_space<vmem>>[vector<16xi32>], vector<16xf32>,
      tpu.vector_store_idx %arg6[%parallel_loop3A_2163], %broadcast_in_dim3A_50 {add = true} : memref<10368xf32, #tpu.memory_space<vmem>>[vector<16xi32>], vector<16xf32>,
      tpu.vector_store_idx %arg6[%parallel_loop3A_2166], %broadcast_in_dim3A_50 {add = true} : memref<10368xf32, #tpu.memory_space<vmem>>[vector<16xi32>], vector<16xf32>,
      tpu.vector_store_idx %arg6[%parallel_loop3A_2169], %broadcast_in_dim3A_50 {add = true} : memref<10368xf32, #tpu.memory_space<vmem>>[vector<16xi32>], vector<16xf32>,
      tpu.vector_store_idx %arg6[%parallel_loop3A_2172], %broadcast_in_dim3A_50 {add = true} : memref<10368xf32, #tpu.memory_space<vmem>>[vector<16xi32>], vector<16xf32>,
      tpu.vector_store_idx %arg6[%parallel_loop3A_2175], %broadcast_in_dim3A_50 {add = true} : memref<10368xf32, #tpu.memory_space<vmem>>[vector<16xi32>], vector<16xf32>,
      tpu.vector_store_idx %arg6[%parallel_loop3A_2178], %broadcast_in_dim3A_50 {add = true} : memref<10368xf32, #tpu.memory_space<vmem>>[vector<16xi32>], vector<16xf32>,
      tpu.vector_store_idx %arg6[%parallel_loop3A_2181], %broadcast_in_dim3A_50 {add = true} : memref<10368xf32, #tpu.memory_space<vmem>>[vector<16xi32>], vector<16xf32>,
      tpu.vector_store_idx %arg6[%parallel_loop3A_2184], %broadcast_in_dim3A_50 {add = true} : memref<10368xf32, #tpu.memory_space<vmem>>[vector<16xi32>], vector<16xf32>,
      tpu.vector_store_idx %arg6[%parallel_loop3A_2187], %broadcast_in_dim3A_50 {add = true} : memref<10368xf32, #tpu.memory_space<vmem>>[vector<16xi32>], vector<16xf32>,
    } {sc.loop_unroll_factor = 1 : i64, sc.parallel_access}
    %get3A = arith.constant 0 : index
    %get3A_53 = tpu.vector_load %arg6[%get3A] {strides = array<i32>} : memref<10368xf32, #tpu.memory_space<vmem>>, vector<16xf32>,
    %get3A_54 = arith.constant 16 : index
    %get3A_55 = tpu.vector_load %arg6[%get3A_54] {strides = array<i32>} : memref<10368xf32, #tpu.memory_space<vmem>>, vector<16xf32>,
    %get3A_56 = arith.constant 32 : index
    %get3A_57 = tpu.vector_load %arg6[%get3A_56] {strides = array<i32>} : memref<10368xf32, #tpu.memory_space<vmem>>, vector<16xf32>,
    %get3A_58 = arith.constant 48 : index
    %get3A_59 = tpu.vector_load %arg6[%get3A_58] {strides = array<i32>} : memref<10368xf32, #tpu.memory_space<vmem>>, vector<16xf32>,
    %get3A_60 = arith.constant 64 : index
    %get3A_61 = tpu.vector_load %arg6[%get3A_60] {strides = array<i32>} : memref<10368xf32, #tpu.memory_space<vmem>>, vector<16xf32>,
    %get3A_62 = arith.constant 80 : index
    %get3A_63 = tpu.vector_load %arg6[%get3A_62] {strides = array<i32>} : memref<10368xf32, #tpu.memory_space<vmem>>, vector<16xf32>,
    %get3A_64 = arith.constant 96 : index
    %get3A_65 = tpu.vector_load %arg6[%get3A_64] {strides = array<i32>} : memref<10368xf32, #tpu.memory_space<vmem>>, vector<16xf32>,
    %get3A_66 = arith.constant 112 : index
    %get3A_67 = tpu.vector_load %arg6[%get3A_66] {strides = array<i32>} : memref<10368xf32, #tpu.memory_space<vmem>>, vector<16xf32>,
    %get3A_68 = arith.constant 128 : index
    %get3A_69 = tpu.vector_load %arg6[%get3A_68] {strides = array<i32>} : memref<10368xf32, #tpu.memory_space<vmem>>, vector<16xf32>,
    %get3A_70 = arith.constant 144 : index
    %get3A_71 = tpu.vector_load %arg6[%get3A_70] {strides = array<i32>} : memref<10368xf32, #tpu.memory_space<vmem>>, vector<16xf32>,
    %get3A_72 = arith.constant 160 : index
    %get3A_73 = tpu.vector_load %arg6[%get3A_72] {strides = array<i32>} : memref<10368xf32, #tpu.memory_space<vmem>>, vector<16xf32>,
    %get3A_74 = arith.constant 176 : index
    %get3A_75 = tpu.vector_load %arg6[%get3A_74] {strides = array<i32>} : memref<10368xf32, #tpu.memory_space<vmem>>, vector<16xf32>,
    %get3A_76 = arith.constant 192 : index
    %get3A_77 = tpu.vector_load %arg6[%get3A_76] {strides = array<i32>} : memref<10368xf32, #tpu.memory_space<vmem>>, vector<16xf32>,
    %get3A_78 = arith.constant 208 : index
    %get3A_79 = tpu.vector_load %arg6[%get3A_78] {strides = array<i32>} : memref<10368xf32, #tpu.memory_space<vmem>>, vector<16xf32>,
    %get3A_80 = arith.constant 224 : index
    %get3A_81 = tpu.vector_load %arg6[%get3A_80] {strides = array<i32>} : memref<10368xf32, #tpu.memory_space<vmem>>, vector<16xf32>,
    %get3A_82 = arith.constant 240 : index
    %get3A_83 = tpu.vector_load %arg6[%get3A_82] {strides = array<i32>} : memref<10368xf32, #tpu.memory_space<vmem>>, vector<16xf32>,
    %get3A_84 = arith.constant 256 : index
    %get3A_85 = tpu.vector_load %arg6[%get3A_84] {strides = array<i32>} : memref<10368xf32, #tpu.memory_space<vmem>>, vector<16xf32>,
    %get3A_86 = arith.constant 272 : index
    %get3A_87 = tpu.vector_load %arg6[%get3A_86] {strides = array<i32>} : memref<10368xf32, #tpu.memory_space<vmem>>, vector<16xf32>,
    %get3A_88 = arith.constant 288 : index
    %get3A_89 = tpu.vector_load %arg6[%get3A_88] {strides = array<i32>} : memref<10368xf32, #tpu.memory_space<vmem>>, vector<16xf32>,
    %get3A_90 = arith.constant 304 : index
    %get3A_91 = tpu.vector_load %arg6[%get3A_90] {strides = array<i32>} : memref<10368xf32, #tpu.memory_space<vmem>>, vector<16xf32>,
    %get3A_92 = arith.constant 320 : index
    %get3A_93 = tpu.vector_load %arg6[%get3A_92] {strides = array<i32>} : memref<10368xf32, #tpu.memory_space<vmem>>, vector<16xf32>,
    %get3A_94 = arith.constant 336 : index
    %get3A_95 = tpu.vector_load %arg6[%get3A_94] {strides = array<i32>} : memref<10368xf32, #tpu.memory_space<vmem>>, vector<16xf32>,
    %get3A_96 = arith.constant 352 : index
    %get3A_97 = tpu.vector_load %arg6[%get3A_96] {strides = array<i32>} : memref<10368xf32, #tpu.memory_space<vmem>>, vector<16xf32>,
    %get3A_98 = arith.constant 368 : index
    %get3A_99 = tpu.vector_load %arg6[%get3A_98] {strides = array<i32>} : memref<10368xf32, #tpu.memory_space<vmem>>, vector<16xf32>,
    %get3A_100 = arith.constant 384 : index
    %get3A_101 = tpu.vector_load %arg6[%get3A_100] {strides = array<i32>} : memref<10368xf32, #tpu.memory_space<vmem>>, vector<16xf32>,
    %get3A_102 = arith.constant 400 : index
    %get3A_103 = tpu.vector_load %arg6[%get3A_102] {strides = array<i32>} : memref<10368xf32, #tpu.memory_space<vmem>>, vector<16xf32>,
    %get3A_104 = arith.constant 416 : index
    %get3A_105 = tpu.vector_load %arg6[%get3A_104] {strides = array<i32>} : memref<10368xf32, #tpu.memory_space<vmem>>, vector<16xf32>,
    %get3A_106 = arith.constant 432 : index
    %get3A_107 = tpu.vector_load %arg6[%get3A_106] {strides = array<i32>} : memref<10368xf32, #tpu.memory_space<vmem>>, vector<16xf32>,
    %get3A_108 = arith.constant 448 : index
    %get3A_109 = tpu.vector_load %arg6[%get3A_108] {strides = array<i32>} : memref<10368xf32, #tpu.memory_space<vmem>>, vector<16xf32>,
    %get3A_110 = arith.constant 464 : index
    %get3A_111 = tpu.vector_load %arg6[%get3A_110] {strides = array<i32>} : memref<10368xf32, #tpu.memory_space<vmem>>, vector<16xf32>,
    %get3A_112 = arith.constant 480 : index
    %get3A_113 = tpu.vector_load %arg6[%get3A_112] {strides = array<i32>} : memref<10368xf32, #tpu.memory_space<vmem>>, vector<16xf32>,
    %get3A_114 = arith.constant 496 : index
    %get3A_115 = tpu.vector_load %arg6[%get3A_114] {strides = array<i32>} : memref<10368xf32, #tpu.memory_space<vmem>>, vector<16xf32>,
    %get3A_116 = arith.constant 512 : index
    %get3A_117 = tpu.vector_load %arg6[%get3A_116] {strides = array<i32>} : memref<10368xf32, #tpu.memory_space<vmem>>, vector<16xf32>,
    %get3A_118 = arith.constant 528 : index
    %get3A_119 = tpu.vector_load %arg6[%get3A_118] {strides = array<i32>} : memref<10368xf32, #tpu.memory_space<vmem>>, vector<16xf32>,
    %get3A_120 = arith.constant 544 : index
    %get3A_121 = tpu.vector_load %arg6[%get3A_120] {strides = array<i32>} : memref<10368xf32, #tpu.memory_space<vmem>>, vector<16xf32>,
    %get3A_122 = arith.constant 560 : index
    %get3A_123 = tpu.vector_load %arg6[%get3A_122] {strides = array<i32>} : memref<10368xf32, #tpu.memory_space<vmem>>, vector<16xf32>,
    %get3A_124 = arith.constant 576 : index
    %get3A_125 = tpu.vector_load %arg6[%get3A_124] {strides = array<i32>} : memref<10368xf32, #tpu.memory_space<vmem>>, vector<16xf32>,
    %get3A_126 = arith.constant 592 : index
    %get3A_127 = tpu.vector_load %arg6[%get3A_126] {strides = array<i32>} : memref<10368xf32, #tpu.memory_space<vmem>>, vector<16xf32>,
    %get3A_128 = arith.constant 608 : index
    %get3A_129 = tpu.vector_load %arg6[%get3A_128] {strides = array<i32>} : memref<10368xf32, #tpu.memory_space<vmem>>, vector<16xf32>,
    %get3A_130 = arith.constant 624 : index
    %get3A_131 = tpu.vector_load %arg6[%get3A_130] {strides = array<i32>} : memref<10368xf32, #tpu.memory_space<vmem>>, vector<16xf32>,
    %get3A_132 = arith.constant 641 : index
    %get3A_133 = tpu.vector_load %arg6[%get3A_132] {strides = array<i32>} : memref<10368xf32, #tpu.memory_space<vmem>>, vector<16xf32>,
    %get3A_134 = arith.constant 657 : index
    %get3A_135 = tpu.vector_load %arg6[%get3A_134] {strides = array<i32>} : memref<10368xf32, #tpu.memory_space<vmem>>, vector<16xf32>,
    %get3A_136 = arith.constant 673 : index
    %get3A_137 = tpu.vector_load %arg6[%get3A_136] {strides = array<i32>} : memref<10368xf32, #tpu.memory_space<vmem>>, vector<16xf32>,
    %get3A_138 = arith.constant 689 : index
    %get3A_139 = tpu.vector_load %arg6[%get3A_138] {strides = array<i32>} : memref<10368xf32, #tpu.memory_space<vmem>>, vector<16xf32>,
    %get3A_140 = arith.constant 705 : index
    %get3A_141 = tpu.vector_load %arg6[%get3A_140] {strides = array<i32>} : memref<10368xf32, #tpu.memory_space<vmem>>, vector<16xf32>,
    %get3A_142 = arith.constant 721 : index
    %get3A_143 = tpu.vector_load %arg6[%get3A_142] {strides = array<i32>} : memref<10368xf32, #tpu.memory_space<vmem>>, vector<16xf32>,
    %get3A_144 = arith.constant 737 : index
    %get3A_145 = tpu.vector_load %arg6[%get3A_144] {strides = array<i32>} : memref<10368xf32, #tpu.memory_space<vmem>>, vector<16xf32>,
    %get3A_146 = arith.constant 753 : index
    %get3A_147 = tpu.vector_load %arg6[%get3A_146] {strides = array<i32>} : memref<10368xf32, #tpu.memory_space<vmem>>, vector<16xf32>,
    %get3A_148 = arith.constant 769 : index
    %get3A_149 = tpu.vector_load %arg6[%get3A_148] {strides = array<i32>} : memref<10368xf32, #tpu.memory_space<vmem>>, vector<16xf32>,
    %get3A_150 = arith.constant 785 : index
    %get3A_151 = tpu.vector_load %arg6[%get3A_150] {strides = array<i32>} : memref<10368xf32, #tpu.memory_space<vmem>>, vector<16xf32>,
    %get3A_152 = arith.constant 801 : index
    %get3A_153 = tpu.vector_load %arg6[%get3A_152] {strides = array<i32>} : memref<10368xf32, #tpu.memory_space<vmem>>, vector<16xf32>,
    %get3A_154 = arith.constant 817 : index
    %get3A_155 = tpu.vector_load %arg6[%get3A_154] {strides = array<i32>} : memref<10368xf32, #tpu.memory_space<vmem>>, vector<16xf32>,
    %get3A_156 = arith.constant 833 : index
    %get3A_157 = tpu.vector_load %arg6[%get3A_156] {strides = array<i32>} : memref<10368xf32, #tpu.memory_space<vmem>>, vector<16xf32>,
    %get3A_158 = arith.constant 849 : index
    %get3A_159 = tpu.vector_load %arg6[%get3A_158] {strides = array<i32>} : memref<10368xf32, #tpu.memory_space<vmem>>, vector<16xf32>,
    %get3A_160 = arith.constant 865 : index
    %get3A_161 = tpu.vector_load %arg6[%get3A_160] {strides = array<i32>} : memref<10368xf32, #tpu.memory_space<vmem>>, vector<16xf32>,
    %get3A_162 = arith.constant 881 : index
    %get3A_163 = tpu.vector_load %arg6[%get3A_162] {strides = array<i32>} : memref<10368xf32, #tpu.memory_space<vmem>>, vector<16xf32>,
    %get3A_164 = arith.constant 897 : index
    %get3A_165 = tpu.vector_load %arg6[%get3A_164] {strides = array<i32>} : memref<10368xf32, #tpu.memory_space<vmem>>, vector<16xf32>,
    %get3A_166 = arith.constant 913 : index
    %get3A_167 = tpu.vector_load %arg6[%get3A_166] {strides = array<i32>} : memref<10368xf32, #tpu.memory_space<vmem>>, vector<16xf32>,
    %get3A_168 = arith.constant 929 : index
    %get3A_169 = tpu.vector_load %arg6[%get3A_168] {strides = array<i32>} : memref<10368xf32, #tpu.memory_space<vmem>>, vector<16xf32>,
    %get3A_170 = arith.constant 945 : index
    %get3A_171 = tpu.vector_load %arg6[%get3A_170] {strides = array<i32>} : memref<10368xf32, #tpu.memory_space<vmem>>, vector<16xf32>,
    %get3A_172 = arith.constant 961 : index
    %get3A_173 = tpu.vector_load %arg6[%get3A_172] {strides = array<i32>} : memref<10368xf32, #tpu.memory_space<vmem>>, vector<16xf32>,
    %get3A_174 = arith.constant 977 : index
    %get3A_175 = tpu.vector_load %arg6[%get3A_174] {strides = array<i32>} : memref<10368xf32, #tpu.memory_space<vmem>>, vector<16xf32>,
    %get3A_176 = arith.constant 993 : index
    %get3A_177 = tpu.vector_load %arg6[%get3A_176] {strides = array<i32>} : memref<10368xf32, #tpu.memory_space<vmem>>, vector<16xf32>,
    %get3A_178 = arith.constant 1009 : index
    %get3A_179 = tpu.vector_load %arg6[%get3A_178] {strides = array<i32>} : memref<10368xf32, #tpu.memory_space<vmem>>, vector<16xf32>,
    %get3A_180 = arith.constant 1025 : index
    %get3A_181 = tpu.vector_load %arg6[%get3A_180] {strides = array<i32>} : memref<10368xf32, #tpu.memory_space<vmem>>, vector<16xf32>,
    %get3A_182 = arith.constant 1041 : index
    %get3A_183 = tpu.vector_load %arg6[%get3A_182] {strides = array<i32>} : memref<10368xf32, #tpu.memory_space<vmem>>, vector<16xf32>,
    %get3A_184 = arith.constant 1057 : index
    %get3A_185 = tpu.vector_load %arg6[%get3A_184] {strides = array<i32>} : memref<10368xf32, #tpu.memory_space<vmem>>, vector<16xf32>,
    %get3A_186 = arith.constant 1073 : index
    %get3A_187 = tpu.vector_load %arg6[%get3A_186] {strides = array<i32>} : memref<10368xf32, #tpu.memory_space<vmem>>, vector<16xf32>,
    %get3A_188 = arith.constant 1089 : index
    %get3A_189 = tpu.vector_load %arg6[%get3A_188] {strides = array<i32>} : memref<10368xf32, #tpu.memory_space<vmem>>, vector<16xf32>,
    %get3A_190 = arith.constant 1105 : index
    %get3A_191 = tpu.vector_load %arg6[%get3A_190] {strides = array<i32>} : memref<10368xf32, #tpu.memory_space<vmem>>, vector<16xf32>,
    %get3A_192 = arith.constant 1121 : index
    %get3A_193 = tpu.vector_load %arg6[%get3A_192] {strides = array<i32>} : memref<10368xf32, #tpu.memory_space<vmem>>, vector<16xf32>,
    %get3A_194 = arith.constant 1137 : index
    %get3A_195 = tpu.vector_load %arg6[%get3A_194] {strides = array<i32>} : memref<10368xf32, #tpu.memory_space<vmem>>, vector<16xf32>,
    %get3A_196 = arith.constant 1153 : index
    %get3A_197 = tpu.vector_load %arg6[%get3A_196] {strides = array<i32>} : memref<10368xf32, #tpu.memory_space<vmem>>, vector<16xf32>,
    %get3A_198 = arith.constant 1169 : index
    %get3A_199 = tpu.vector_load %arg6[%get3A_198] {strides = array<i32>} : memref<10368xf32, #tpu.memory_space<vmem>>, vector<16xf32>,
    %get3A_200 = arith.constant 1185 : index
    %get3A_201 = tpu.vector_load %arg6[%get3A_200] {strides = array<i32>} : memref<10368xf32, #tpu.memory_space<vmem>>, vector<16xf32>,
    %get3A_202 = arith.constant 1201 : index
    %get3A_203 = tpu.vector_load %arg6[%get3A_202] {strides = array<i32>} : memref<10368xf32, #tpu.memory_space<vmem>>, vector<16xf32>,
    %get3A_204 = arith.constant 1217 : index
    %get3A_205 = tpu.vector_load %arg6[%get3A_204] {strides = array<i32>} : memref<10368xf32, #tpu.memory_space<vmem>>, vector<16xf32>,
    %get3A_206 = arith.constant 1233 : index
    %get3A_207 = tpu.vector_load %arg6[%get3A_206] {strides = array<i32>} : memref<10368xf32, #tpu.memory_space<vmem>>, vector<16xf32>,
    %get3A_208 = arith.constant 1249 : index
    %get3A_209 = tpu.vector_load %arg6[%get3A_208] {strides = array<i32>} : memref<10368xf32, #tpu.memory_space<vmem>>, vector<16xf32>,
    %get3A_210 = arith.constant 1265 : index
    %get3A_211 = tpu.vector_load %arg6[%get3A_210] {strides = array<i32>} : memref<10368xf32, #tpu.memory_space<vmem>>, vector<16xf32>,
    %add3A_212 = arith.addf %get3A_53, %get3A_133 : vector<16xf32>
    %add3A_213 = arith.addf %get3A_55, %get3A_135 : vector<16xf32>
    %add3A_214 = arith.addf %get3A_57, %get3A_137 : vector<16xf32>
    %add3A_215 = arith.addf %get3A_59, %get3A_139 : vector<16xf32>
    %add3A_216 = arith.addf %get3A_61, %get3A_141 : vector<16xf32>
    %add3A_217 = arith.addf %get3A_63, %get3A_143 : vector<16xf32>
    %add3A_218 = arith.addf %get3A_65, %get3A_145 : vector<16xf32>
    %add3A_219 = arith.addf %get3A_67, %get3A_147 : vector<16xf32>
    %add3A_220 = arith.addf %get3A_69, %get3A_149 : vector<16xf32>
    %add3A_221 = arith.addf %get3A_71, %get3A_151 : vector<16xf32>
    %add3A_222 = arith.addf %get3A_73, %get3A_153 : vector<16xf32>
    %add3A_223 = arith.addf %get3A_75, %get3A_155 : vector<16xf32>
    %add3A_224 = arith.addf %get3A_77, %get3A_157 : vector<16xf32>
    %add3A_225 = arith.addf %get3A_79, %get3A_159 : vector<16xf32>
    %add3A_226 = arith.addf %get3A_81, %get3A_161 : vector<16xf32>
    %add3A_227 = arith.addf %get3A_83, %get3A_163 : vector<16xf32>
    %add3A_228 = arith.addf %get3A_85, %get3A_165 : vector<16xf32>
    %add3A_229 = arith.addf %get3A_87, %get3A_167 : vector<16xf32>
    %add3A_230 = arith.addf %get3A_89, %get3A_169 : vector<16xf32>
    %add3A_231 = arith.addf %get3A_91, %get3A_171 : vector<16xf32>
    %add3A_232 = arith.addf %get3A_93, %get3A_173 : vector<16xf32>
    %add3A_233 = arith.addf %get3A_95, %get3A_175 : vector<16xf32>
    %add3A_234 = arith.addf %get3A_97, %get3A_177 : vector<16xf32>
    %add3A_235 = arith.addf %get3A_99, %get3A_179 : vector<16xf32>
    %add3A_236 = arith.addf %get3A_101, %get3A_181 : vector<16xf32>
    %add3A_237 = arith.addf %get3A_103, %get3A_183 : vector<16xf32>
    %add3A_238 = arith.addf %get3A_105, %get3A_185 : vector<16xf32>
    %add3A_239 = arith.addf %get3A_107, %get3A_187 : vector<16xf32>
    %add3A_240 = arith.addf %get3A_109, %get3A_189 : vector<16xf32>
    %add3A_241 = arith.addf %get3A_111, %get3A_191 : vector<16xf32>
    %add3A_242 = arith.addf %get3A_113, %get3A_193 : vector<16xf32>
    %add3A_243 = arith.addf %get3A_115, %get3A_195 : vector<16xf32>
    %add3A_244 = arith.addf %get3A_117, %get3A_197 : vector<16xf32>
    %add3A_245 = arith.addf %get3A_119, %get3A_199 : vector<16xf32>
    %add3A_246 = arith.addf %get3A_121, %get3A_201 : vector<16xf32>
    %add3A_247 = arith.addf %get3A_123, %get3A_203 : vector<16xf32>
    %add3A_248 = arith.addf %get3A_125, %get3A_205 : vector<16xf32>
    %add3A_249 = arith.addf %get3A_127, %get3A_207 : vector<16xf32>
    %add3A_250 = arith.addf %get3A_129, %get3A_209 : vector<16xf32>
    %add3A_251 = arith.addf %get3A_131, %get3A_211 : vector<16xf32>
    %get3A_252 = arith.constant 1282 : index
    %get3A_253 = tpu.vector_load %arg6[%get3A_252] {strides = array<i32>} : memref<10368xf32, #tpu.memory_space<vmem>>, vector<16xf32>,
    %get3A_254 = arith.constant 1298 : index
    %get3A_255 = tpu.vector_load %arg6[%get3A_254] {strides = array<i32>} : memref<10368xf32, #tpu.memory_space<vmem>>, vector<16xf32>,
    %get3A_256 = arith.constant 1314 : index
    %get3A_257 = tpu.vector_load %arg6[%get3A_256] {strides = array<i32>} : memref<10368xf32, #tpu.memory_space<vmem>>, vector<16xf32>,
    %get3A_258 = arith.constant 1330 : index
    %get3A_259 = tpu.vector_load %arg6[%get3A_258] {strides = array<i32>} : memref<10368xf32, #tpu.memory_space<vmem>>, vector<16xf32>,
    %get3A_260 = arith.constant 1346 : index
    %get3A_261 = tpu.vector_load %arg6[%get3A_260] {strides = array<i32>} : memref<10368xf32, #tpu.memory_space<vmem>>, vector<16xf32>,
    %get3A_262 = arith.constant 1362 : index
    %get3A_263 = tpu.vector_load %arg6[%get3A_262] {strides = array<i32>} : memref<10368xf32, #tpu.memory_space<vmem>>, vector<16xf32>,
    %get3A_264 = arith.constant 1378 : index
    %get3A_265 = tpu.vector_load %arg6[%get3A_264] {strides = array<i32>} : memref<10368xf32, #tpu.memory_space<vmem>>, vector<16xf32>,
    %get3A_266 = arith.constant 1394 : index
    %get3A_267 = tpu.vector_load %arg6[%get3A_266] {strides = array<i32>} : memref<10368xf32, #tpu.memory_space<vmem>>, vector<16xf32>,
    %get3A_268 = arith.constant 1410 : index
    %get3A_269 = tpu.vector_load %arg6[%get3A_268] {strides = array<i32>} : memref<10368xf32, #tpu.memory_space<vmem>>, vector<16xf32>,
    %get3A_270 = arith.constant 1426 : index
    %get3A_271 = tpu.vector_load %arg6[%get3A_270] {strides = array<i32>} : memref<10368xf32, #tpu.memory_space<vmem>>, vector<16xf32>,
    %get3A_272 = arith.constant 1442 : index
    %get3A_273 = tpu.vector_load %arg6[%get3A_272] {strides = array<i32>} : memref<10368xf32, #tpu.memory_space<vmem>>, vector<16xf32>,
    %get3A_274 = arith.constant 1458 : index
    %get3A_275 = tpu.vector_load %arg6[%get3A_274] {strides = array<i32>} : memref<10368xf32, #tpu.memory_space<vmem>>, vector<16xf32>,
    %get3A_276 = arith.constant 1474 : index
    %get3A_277 = tpu.vector_load %arg6[%get3A_276] {strides = array<i32>} : memref<10368xf32, #tpu.memory_space<vmem>>, vector<16xf32>,
    %get3A_278 = arith.constant 1490 : index
    %get3A_279 = tpu.vector_load %arg6[%get3A_278] {strides = array<i32>} : memref<10368xf32, #tpu.memory_space<vmem>>, vector<16xf32>,
    %get3A_280 = arith.constant 1506 : index
    %get3A_281 = tpu.vector_load %arg6[%get3A_280] {strides = array<i32>} : memref<10368xf32, #tpu.memory_space<vmem>>, vector<16xf32>,
    %get3A_282 = arith.constant 1522 : index
    %get3A_283 = tpu.vector_load %arg6[%get3A_282] {strides = array<i32>} : memref<10368xf32, #tpu.memory_space<vmem>>, vector<16xf32>,
    %get3A_284 = arith.constant 1538 : index
    %get3A_285 = tpu.vector_load %arg6[%get3A_284] {strides = array<i32>} : memref<10368xf32, #tpu.memory_space<vmem>>, vector<16xf32>,
    %get3A_286 = arith.constant 1554 : index
    %get3A_287 = tpu.vector_load %arg6[%get3A_286] {strides = array<i32>} : memref<10368xf32, #tpu.memory_space<vmem>>, vector<16xf32>,
    %get3A_288 = arith.constant 1570 : index
    %get3A_289 = tpu.vector_load %arg6[%get3A_288] {strides = array<i32>} : memref<10368xf32, #tpu.memory_space<vmem>>, vector<16xf32>,
    %get3A_290 = arith.constant 1586 : index
    %get3A_291 = tpu.vector_load %arg6[%get3A_290] {strides = array<i32>} : memref<10368xf32, #tpu.memory_space<vmem>>, vector<16xf32>,
    %get3A_292 = arith.constant 1602 : index
    %get3A_293 = tpu.vector_load %arg6[%get3A_292] {strides = array<i32>} : memref<10368xf32, #tpu.memory_space<vmem>>, vector<16xf32>,
    %get3A_294 = arith.constant 1618 : index
    %get3A_295 = tpu.vector_load %arg6[%get3A_294] {strides = array<i32>} : memref<10368xf32, #tpu.memory_space<vmem>>, vector<16xf32>,
    %get3A_296 = arith.constant 1634 : index
    %get3A_297 = tpu.vector_load %arg6[%get3A_296] {strides = array<i32>} : memref<10368xf32, #tpu.memory_space<vmem>>, vector<16xf32>,
    %get3A_298 = arith.constant 1650 : index
    %get3A_299 = tpu.vector_load %arg6[%get3A_298] {strides = array<i32>} : memref<10368xf32, #tpu.memory_space<vmem>>, vector<16xf32>,
    %get3A_300 = arith.constant 1666 : index
    %get3A_301 = tpu.vector_load %arg6[%get3A_300] {strides = array<i32>} : memref<10368xf32, #tpu.memory_space<vmem>>, vector<16xf32>,
    %get3A_302 = arith.constant 1682 : index
    %get3A_303 = tpu.vector_load %arg6[%get3A_302] {strides = array<i32>} : memref<10368xf32, #tpu.memory_space<vmem>>, vector<16xf32>,
    %get3A_304 = arith.constant 1698 : index
    %get3A_305 = tpu.vector_load %arg6[%get3A_304] {strides = array<i32>} : memref<10368xf32, #tpu.memory_space<vmem>>, vector<16xf32>,
    %get3A_306 = arith.constant 1714 : index
    %get3A_307 = tpu.vector_load %arg6[%get3A_306] {strides = array<i32>} : memref<10368xf32, #tpu.memory_space<vmem>>, vector<16xf32>,
    %get3A_308 = arith.constant 1730 : index
    %get3A_309 = tpu.vector_load %arg6[%get3A_308] {strides = array<i32>} : memref<10368xf32, #tpu.memory_space<vmem>>, vector<16xf32>,
    %get3A_310 = arith.constant 1746 : index
    %get3A_311 = tpu.vector_load %arg6[%get3A_310] {strides = array<i32>} : memref<10368xf32, #tpu.memory_space<vmem>>, vector<16xf32>,
    %get3A_312 = arith.constant 1762 : index
    %get3A_313 = tpu.vector_load %arg6[%get3A_312] {strides = array<i32>} : memref<10368xf32, #tpu.memory_space<vmem>>, vector<16xf32>,
    %get3A_314 = arith.constant 1778 : index
    %get3A_315 = tpu.vector_load %arg6[%get3A_314] {strides = array<i32>} : memref<10368xf32, #tpu.memory_space<vmem>>, vector<16xf32>,
    %get3A_316 = arith.constant 1794 : index
    %get3A_317 = tpu.vector_load %arg6[%get3A_316] {strides = array<i32>} : memref<10368xf32, #tpu.memory_space<vmem>>, vector<16xf32>,
    %get3A_318 = arith.constant 1810 : index
    %get3A_319 = tpu.vector_load %arg6[%get3A_318] {strides = array<i32>} : memref<10368xf32, #tpu.memory_space<vmem>>, vector<16xf32>,
    %get3A_320 = arith.constant 1826 : index
    %get3A_321 = tpu.vector_load %arg6[%get3A_320] {strides = array<i32>} : memref<10368xf32, #tpu.memory_space<vmem>>, vector<16xf32>,
    %get3A_322 = arith.constant 1842 : index
    %get3A_323 = tpu.vector_load %arg6[%get3A_322] {strides = array<i32>} : memref<10368xf32, #tpu.memory_space<vmem>>, vector<16xf32>,
    %get3A_324 = arith.constant 1858 : index
    %get3A_325 = tpu.vector_load %arg6[%get3A_324] {strides = array<i32>} : memref<10368xf32, #tpu.memory_space<vmem>>, vector<16xf32>,
    %get3A_326 = arith.constant 1874 : index
    %get3A_327 = tpu.vector_load %arg6[%get3A_326] {strides = array<i32>} : memref<10368xf32, #tpu.memory_space<vmem>>, vector<16xf32>,
    %get3A_328 = arith.constant 1890 : index
    %get3A_329 = tpu.vector_load %arg6[%get3A_328] {strides = array<i32>} : memref<10368xf32, #tpu.memory_space<vmem>>, vector<16xf32>,
    %get3A_330 = arith.constant 1906 : index
    %get3A_331 = tpu.vector_load %arg6[%get3A_330] {strides = array<i32>} : memref<10368xf32, #tpu.memory_space<vmem>>, vector<16xf32>,
    %add3A_332 = arith.addf %add3A_212, %get3A_253 : vector<16xf32>
    %add3A_333 = arith.addf %add3A_213, %get3A_255 : vector<16xf32>
    %add3A_334 = arith.addf %add3A_214, %get3A_257 : vector<16xf32>
    %add3A_335 = arith.addf %add3A_215, %get3A_259 : vector<16xf32>
    %add3A_336 = arith.addf %add3A_216, %get3A_261 : vector<16xf32>
    %add3A_337 = arith.addf %add3A_217, %get3A_263 : vector<16xf32>
    %add3A_338 = arith.addf %add3A_218, %get3A_265 : vector<16xf32>
    %add3A_339 = arith.addf %add3A_219, %get3A_267 : vector<16xf32>
    %add3A_340 = arith.addf %add3A_220, %get3A_269 : vector<16xf32>
    %add3A_341 = arith.addf %add3A_221, %get3A_271 : vector<16xf32>
    %add3A_342 = arith.addf %add3A_222, %get3A_273 : vector<16xf32>
    %add3A_343 = arith.addf %add3A_223, %get3A_275 : vector<16xf32>
    %add3A_344 = arith.addf %add3A_224, %get3A_277 : vector<16xf32>
    %add3A_345 = arith.addf %add3A_225, %get3A_279 : vector<16xf32>
    %add3A_346 = arith.addf %add3A_226, %get3A_281 : vector<16xf32>
    %add3A_347 = arith.addf %add3A_227, %get3A_283 : vector<16xf32>
    %add3A_348 = arith.addf %add3A_228, %get3A_285 : vector<16xf32>
    %add3A_349 = arith.addf %add3A_229, %get3A_287 : vector<16xf32>
    %add3A_350 = arith.addf %add3A_230, %get3A_289 : vector<16xf32>
    %add3A_351 = arith.addf %add3A_231, %get3A_291 : vector<16xf32>
    %add3A_352 = arith.addf %add3A_232, %get3A_293 : vector<16xf32>
    %add3A_353 = arith.addf %add3A_233, %get3A_295 : vector<16xf32>
    %add3A_354 = arith.addf %add3A_234, %get3A_297 : vector<16xf32>
    %add3A_355 = arith.addf %add3A_235, %get3A_299 : vector<16xf32>
    %add3A_356 = arith.addf %add3A_236, %get3A_301 : vector<16xf32>
    %add3A_357 = arith.addf %add3A_237, %get3A_303 : vector<16xf32>
    %add3A_358 = arith.addf %add3A_238, %get3A_305 : vector<16xf32>
    %add3A_359 = arith.addf %add3A_239, %get3A_307 : vector<16xf32>
    %add3A_360 = arith.addf %add3A_240, %get3A_309 : vector<16xf32>
    %add3A_361 = arith.addf %add3A_241, %get3A_311 : vector<16xf32>
    %add3A_362 = arith.addf %add3A_242, %get3A_313 : vector<16xf32>
    %add3A_363 = arith.addf %add3A_243, %get3A_315 : vector<16xf32>
    %add3A_364 = arith.addf %add3A_244, %get3A_317 : vector<16xf32>
    %add3A_365 = arith.addf %add3A_245, %get3A_319 : vector<16xf32>
    %add3A_366 = arith.addf %add3A_246, %get3A_321 : vector<16xf32>
    %add3A_367 = arith.addf %add3A_247, %get3A_323 : vector<16xf32>
    %add3A_368 = arith.addf %add3A_248, %get3A_325 : vector<16xf32>
    %add3A_369 = arith.addf %add3A_249, %get3A_327 : vector<16xf32>
    %add3A_370 = arith.addf %add3A_250, %get3A_329 : vector<16xf32>
    %add3A_371 = arith.addf %add3A_251, %get3A_331 : vector<16xf32>
    %get3A_372 = arith.constant 1923 : index
    %get3A_373 = tpu.vector_load %arg6[%get3A_372] {strides = array<i32>} : memref<10368xf32, #tpu.memory_space<vmem>>, vector<16xf32>,
    %get3A_374 = arith.constant 1939 : index
    %get3A_375 = tpu.vector_load %arg6[%get3A_374] {strides = array<i32>} : memref<10368xf32, #tpu.memory_space<vmem>>, vector<16xf32>,
    %get3A_376 = arith.constant 1955 : index
    %get3A_377 = tpu.vector_load %arg6[%get3A_376] {strides = array<i32>} : memref<10368xf32, #tpu.memory_space<vmem>>, vector<16xf32>,
    %get3A_378 = arith.constant 1971 : index
    %get3A_379 = tpu.vector_load %arg6[%get3A_378] {strides = array<i32>} : memref<10368xf32, #tpu.memory_space<vmem>>, vector<16xf32>,
    %get3A_380 = arith.constant 1987 : index
    %get3A_381 = tpu.vector_load %arg6[%get3A_380] {strides = array<i32>} : memref<10368xf32, #tpu.memory_space<vmem>>, vector<16xf32>,
    %get3A_382 = arith.constant 2003 : index
    %get3A_383 = tpu.vector_load %arg6[%get3A_382] {strides = array<i32>} : memref<10368xf32, #tpu.memory_space<vmem>>, vector<16xf32>,
    %get3A_384 = arith.constant 2019 : index
    %get3A_385 = tpu.vector_load %arg6[%get3A_384] {strides = array<i32>} : memref<10368xf32, #tpu.memory_space<vmem>>, vector<16xf32>,
    %get3A_386 = arith.constant 2035 : index
    %get3A_387 = tpu.vector_load %arg6[%get3A_386] {strides = array<i32>} : memref<10368xf32, #tpu.memory_space<vmem>>, vector<16xf32>,
    %get3A_388 = arith.constant 2051 : index
    %get3A_389 = tpu.vector_load %arg6[%get3A_388] {strides = array<i32>} : memref<10368xf32, #tpu.memory_space<vmem>>, vector<16xf32>,
    %get3A_390 = arith.constant 2067 : index
    %get3A_391 = tpu.vector_load %arg6[%get3A_390] {strides = array<i32>} : memref<10368xf32, #tpu.memory_space<vmem>>, vector<16xf32>,
    %get3A_392 = arith.constant 2083 : index
    %get3A_393 = tpu.vector_load %arg6[%get3A_392] {strides = array<i32>} : memref<10368xf32, #tpu.memory_space<vmem>>, vector<16xf32>,
    %get3A_394 = arith.constant 2099 : index
    %get3A_395 = tpu.vector_load %arg6[%get3A_394] {strides = array<i32>} : memref<10368xf32, #tpu.memory_space<vmem>>, vector<16xf32>,
    %get3A_396 = arith.constant 2115 : index
    %get3A_397 = tpu.vector_load %arg6[%get3A_396] {strides = array<i32>} : memref<10368xf32, #tpu.memory_space<vmem>>, vector<16xf32>,
    %get3A_398 = arith.constant 2131 : index
    %get3A_399 = tpu.vector_load %arg6[%get3A_398] {strides = array<i32>} : memref<10368xf32, #tpu.memory_space<vmem>>, vector<16xf32>,
    %get3A_400 = arith.constant 2147 : index
    %get3A_401 = tpu.vector_load %arg6[%get3A_400] {strides = array<i32>} : memref<10368xf32, #tpu.memory_space<vmem>>, vector<16xf32>,
    %get3A_402 = arith.constant 2163 : index
    %get3A_403 = tpu.vector_load %arg6[%get3A_402] {strides = array<i32>} : memref<10368xf32, #tpu.memory_space<vmem>>, vector<16xf32>,
    %get3A_404 = arith.constant 2179 : index
    %get3A_405 = tpu.vector_load %arg6[%get3A_404] {strides = array<i32>} : memref<10368xf32, #tpu.memory_space<vmem>>, vector<16xf32>,
    %get3A_406 = arith.constant 2195 : index
    %get3A_407 = tpu.vector_load %arg6[%get3A_406] {strides = array<i32>} : memref<10368xf32, #tpu.memory_space<vmem>>, vector<16xf32>,
    %get3A_408 = arith.constant 2211 : index
    %get3A_409 = tpu.vector_load %arg6[%get3A_408] {strides = array<i32>} : memref<10368xf32, #tpu.memory_space<vmem>>, vector<16xf32>,
    %get3A_410 = arith.constant 2227 : index
    %get3A_411 = tpu.vector_load %arg6[%get3A_410] {strides = array<i32>} : memref<10368xf32, #tpu.memory_space<vmem>>, vector<16xf32>,
    %get3A_412 = arith.constant 2243 : index
    %get3A_413 = tpu.vector_load %arg6[%get3A_412] {strides = array<i32>} : memref<10368xf32, #tpu.memory_space<vmem>>, vector<16xf32>,
    %get3A_414 = arith.constant 2259 : index
    %get3A_415 = tpu.vector_load %arg6[%get3A_414] {strides = array<i32>} : memref<10368xf32, #tpu.memory_space<vmem>>, vector<16xf32>,
    %get3A_416 = arith.constant 2275 : index
    %get3A_417 = tpu.vector_load %arg6[%get3A_416] {strides = array<i32>} : memref<10368xf32, #tpu.memory_space<vmem>>, vector<16xf32>,
    %get3A_418 = arith.constant 2291 : index
    %get3A_419 = tpu.vector_load %arg6[%get3A_418] {strides = array<i32>} : memref<10368xf32, #tpu.memory_space<vmem>>, vector<16xf32>,
    %get3A_420 = arith.constant 2307 : index
    %get3A_421 = tpu.vector_load %arg6[%get3A_420] {strides = array<i32>} : memref<10368xf32, #tpu.memory_space<vmem>>, vector<16xf32>,
    %get3A_422 = arith.constant 2323 : index
    %get3A_423 = tpu.vector_load %arg6[%get3A_422] {strides = array<i32>} : memref<10368xf32, #tpu.memory_space<vmem>>, vector<16xf32>,
    %get3A_424 = arith.constant 2339 : index
    %get3A_425 = tpu.vector_load %arg6[%get3A_424] {strides = array<i32>} : memref<10368xf32, #tpu.memory_space<vmem>>, vector<16xf32>,
    %get3A_426 = arith.constant 2355 : index
    %get3A_427 = tpu.vector_load %arg6[%get3A_426] {strides = array<i32>} : memref<10368xf32, #tpu.memory_space<vmem>>, vector<16xf32>,
    %get3A_428 = arith.constant 2371 : index
    %get3A_429 = tpu.vector_load %arg6[%get3A_428] {strides = array<i32>} : memref<10368xf32, #tpu.memory_space<vmem>>, vector<16xf32>,
    %get3A_430 = arith.constant 2387 : index
    %get3A_431 = tpu.vector_load %arg6[%get3A_430] {strides = array<i32>} : memref<10368xf32, #tpu.memory_space<vmem>>, vector<16xf32>,
    %get3A_432 = arith.constant 2403 : index
    %get3A_433 = tpu.vector_load %arg6[%get3A_432] {strides = array<i32>} : memref<10368xf32, #tpu.memory_space<vmem>>, vector<16xf32>,
    %get3A_434 = arith.constant 2419 : index
    %get3A_435 = tpu.vector_load %arg6[%get3A_434] {strides = array<i32>} : memref<10368xf32, #tpu.memory_space<vmem>>, vector<16xf32>,
    %get3A_436 = arith.constant 2435 : index
    %get3A_437 = tpu.vector_load %arg6[%get3A_436] {strides = array<i32>} : memref<10368xf32, #tpu.memory_space<vmem>>, vector<16xf32>,
    %get3A_438 = arith.constant 2451 : index
    %get3A_439 = tpu.vector_load %arg6[%get3A_438] {strides = array<i32>} : memref<10368xf32, #tpu.memory_space<vmem>>, vector<16xf32>,
    %get3A_440 = arith.constant 2467 : index
    %get3A_441 = tpu.vector_load %arg6[%get3A_440] {strides = array<i32>} : memref<10368xf32, #tpu.memory_space<vmem>>, vector<16xf32>,
    %get3A_442 = arith.constant 2483 : index
    %get3A_443 = tpu.vector_load %arg6[%get3A_442] {strides = array<i32>} : memref<10368xf32, #tpu.memory_space<vmem>>, vector<16xf32>,
    %get3A_444 = arith.constant 2499 : index
    %get3A_445 = tpu.vector_load %arg6[%get3A_444] {strides = array<i32>} : memref<10368xf32, #tpu.memory_space<vmem>>, vector<16xf32>,
    %get3A_446 = arith.constant 2515 : index
    %get3A_447 = tpu.vector_load %arg6[%get3A_446] {strides = array<i32>} : memref<10368xf32, #tpu.memory_space<vmem>>, vector<16xf32>,
    %get3A_448 = arith.constant 2531 : index
    %get3A_449 = tpu.vector_load %arg6[%get3A_448] {strides = array<i32>} : memref<10368xf32, #tpu.memory_space<vmem>>, vector<16xf32>,
    %get3A_450 = arith.constant 2547 : index
    %get3A_451 = tpu.vector_load %arg6[%get3A_450] {strides = array<i32>} : memref<10368xf32, #tpu.memory_space<vmem>>, vector<16xf32>,
    %add3A_452 = arith.addf %add3A_332, %get3A_373 : vector<16xf32>
    %add3A_453 = arith.addf %add3A_333, %get3A_375 : vector<16xf32>
    %add3A_454 = arith.addf %add3A_334, %get3A_377 : vector<16xf32>
    %add3A_455 = arith.addf %add3A_335, %get3A_379 : vector<16xf32>
    %add3A_456 = arith.addf %add3A_336, %get3A_381 : vector<16xf32>
    %add3A_457 = arith.addf %add3A_337, %get3A_383 : vector<16xf32>
    %add3A_458 = arith.addf %add3A_338, %get3A_385 : vector<16xf32>
    %add3A_459 = arith.addf %add3A_339, %get3A_387 : vector<16xf32>
    %add3A_460 = arith.addf %add3A_340, %get3A_389 : vector<16xf32>
    %add3A_461 = arith.addf %add3A_341, %get3A_391 : vector<16xf32>
    %add3A_462 = arith.addf %add3A_342, %get3A_393 : vector<16xf32>
    %add3A_463 = arith.addf %add3A_343, %get3A_395 : vector<16xf32>
    %add3A_464 = arith.addf %add3A_344, %get3A_397 : vector<16xf32>
    %add3A_465 = arith.addf %add3A_345, %get3A_399 : vector<16xf32>
    %add3A_466 = arith.addf %add3A_346, %get3A_401 : vector<16xf32>
    %add3A_467 = arith.addf %add3A_347, %get3A_403 : vector<16xf32>
    %add3A_468 = arith.addf %add3A_348, %get3A_405 : vector<16xf32>
    %add3A_469 = arith.addf %add3A_349, %get3A_407 : vector<16xf32>
    %add3A_470 = arith.addf %add3A_350, %get3A_409 : vector<16xf32>
    %add3A_471 = arith.addf %add3A_351, %get3A_411 : vector<16xf32>
    %add3A_472 = arith.addf %add3A_352, %get3A_413 : vector<16xf32>
    %add3A_473 = arith.addf %add3A_353, %get3A_415 : vector<16xf32>
    %add3A_474 = arith.addf %add3A_354, %get3A_417 : vector<16xf32>
    %add3A_475 = arith.addf %add3A_355, %get3A_419 : vector<16xf32>
    %add3A_476 = arith.addf %add3A_356, %get3A_421 : vector<16xf32>
    %add3A_477 = arith.addf %add3A_357, %get3A_423 : vector<16xf32>
    %add3A_478 = arith.addf %add3A_358, %get3A_425 : vector<16xf32>
    %add3A_479 = arith.addf %add3A_359, %get3A_427 : vector<16xf32>
    %add3A_480 = arith.addf %add3A_360, %get3A_429 : vector<16xf32>
    %add3A_481 = arith.addf %add3A_361, %get3A_431 : vector<16xf32>
    %add3A_482 = arith.addf %add3A_362, %get3A_433 : vector<16xf32>
    %add3A_483 = arith.addf %add3A_363, %get3A_435 : vector<16xf32>
    %add3A_484 = arith.addf %add3A_364, %get3A_437 : vector<16xf32>
    %add3A_485 = arith.addf %add3A_365, %get3A_439 : vector<16xf32>
    %add3A_486 = arith.addf %add3A_366, %get3A_441 : vector<16xf32>
    %add3A_487 = arith.addf %add3A_367, %get3A_443 : vector<16xf32>
    %add3A_488 = arith.addf %add3A_368, %get3A_445 : vector<16xf32>
    %add3A_489 = arith.addf %add3A_369, %get3A_447 : vector<16xf32>
    %add3A_490 = arith.addf %add3A_370, %get3A_449 : vector<16xf32>
    %add3A_491 = arith.addf %add3A_371, %get3A_451 : vector<16xf32>
    %get3A_492 = arith.constant 2564 : index
    %get3A_493 = tpu.vector_load %arg6[%get3A_492] {strides = array<i32>} : memref<10368xf32, #tpu.memory_space<vmem>>, vector<16xf32>,
    %get3A_494 = arith.constant 2580 : index
    %get3A_495 = tpu.vector_load %arg6[%get3A_494] {strides = array<i32>} : memref<10368xf32, #tpu.memory_space<vmem>>, vector<16xf32>,
    %get3A_496 = arith.constant 2596 : index
    %get3A_497 = tpu.vector_load %arg6[%get3A_496] {strides = array<i32>} : memref<10368xf32, #tpu.memory_space<vmem>>, vector<16xf32>,
    %get3A_498 = arith.constant 2612 : index
    %get3A_499 = tpu.vector_load %arg6[%get3A_498] {strides = array<i32>} : memref<10368xf32, #tpu.memory_space<vmem>>, vector<16xf32>,
    %get3A_500 = arith.constant 2628 : index
    %get3A_501 = tpu.vector_load %arg6[%get3A_500] {strides = array<i32>} : memref<10368xf32, #tpu.memory_space<vmem>>, vector<16xf32>,
    %get3A_502 = arith.constant 2644 : index
    %get3A_503 = tpu.vector_load %arg6[%get3A_502] {strides = array<i32>} : memref<10368xf32, #tpu.memory_space<vmem>>, vector<16xf32>,
    %get3A_504 = arith.constant 2660 : index
    %get3A_505 = tpu.vector_load %arg6[%get3A_504] {strides = array<i32>} : memref<10368xf32, #tpu.memory_space<vmem>>, vector<16xf32>,
    %get3A_506 = arith.constant 2676 : index
    %get3A_507 = tpu.vector_load %arg6[%get3A_506] {strides = array<i32>} : memref<10368xf32, #tpu.memory_space<vmem>>, vector<16xf32>,
    %get3A_508 = arith.constant 2692 : index
    %get3A_509 = tpu.vector_load %arg6[%get3A_508] {strides = array<i32>} : memref<10368xf32, #tpu.memory_space<vmem>>, vector<16xf32>,
    %get3A_510 = arith.constant 2708 : index
    %get3A_511 = tpu.vector_load %arg6[%get3A_510] {strides = array<i32>} : memref<10368xf32, #tpu.memory_space<vmem>>, vector<16xf32>,
    %get3A_512 = arith.constant 2724 : index
    %get3A_513 = tpu.vector_load %arg6[%get3A_512] {strides = array<i32>} : memref<10368xf32, #tpu.memory_space<vmem>>, vector<16xf32>,
    %get3A_514 = arith.constant 2740 : index
    %get3A_515 = tpu.vector_load %arg6[%get3A_514] {strides = array<i32>} : memref<10368xf32, #tpu.memory_space<vmem>>, vector<16xf32>,
    %get3A_516 = arith.constant 2756 : index
    %get3A_517 = tpu.vector_load %arg6[%get3A_516] {strides = array<i32>} : memref<10368xf32, #tpu.memory_space<vmem>>, vector<16xf32>,
    %get3A_518 = arith.constant 2772 : index
    %get3A_519 = tpu.vector_load %arg6[%get3A_518] {strides = array<i32>} : memref<10368xf32, #tpu.memory_space<vmem>>, vector<16xf32>,
    %get3A_520 = arith.constant 2788 : index
    %get3A_521 = tpu.vector_load %arg6[%get3A_520] {strides = array<i32>} : memref<10368xf32, #tpu.memory_space<vmem>>, vector<16xf32>,
    %get3A_522 = arith.constant 2804 : index
    %get3A_523 = tpu.vector_load %arg6[%get3A_522] {strides = array<i32>} : memref<10368xf32, #tpu.memory_space<vmem>>, vector<16xf32>,
    %get3A_524 = arith.constant 2820 : index
    %get3A_525 = tpu.vector_load %arg6[%get3A_524] {strides = array<i32>} : memref<10368xf32, #tpu.memory_space<vmem>>, vector<16xf32>,
    %get3A_526 = arith.constant 2836 : index
    %get3A_527 = tpu.vector_load %arg6[%get3A_526] {strides = array<i32>} : memref<10368xf32, #tpu.memory_space<vmem>>, vector<16xf32>,
    %get3A_528 = arith.constant 2852 : index
    %get3A_529 = tpu.vector_load %arg6[%get3A_528] {strides = array<i32>} : memref<10368xf32, #tpu.memory_space<vmem>>, vector<16xf32>,
    %get3A_530 = arith.constant 2868 : index
    %get3A_531 = tpu.vector_load %arg6[%get3A_530] {strides = array<i32>} : memref<10368xf32, #tpu.memory_space<vmem>>, vector<16xf32>,
    %get3A_532 = arith.constant 2884 : index
    %get3A_533 = tpu.vector_load %arg6[%get3A_532] {strides = array<i32>} : memref<10368xf32, #tpu.memory_space<vmem>>, vector<16xf32>,
    %get3A_534 = arith.constant 2900 : index
    %get3A_535 = tpu.vector_load %arg6[%get3A_534] {strides = array<i32>} : memref<10368xf32, #tpu.memory_space<vmem>>, vector<16xf32>,
    %get3A_536 = arith.constant 2916 : index
    %get3A_537 = tpu.vector_load %arg6[%get3A_536] {strides = array<i32>} : memref<10368xf32, #tpu.memory_space<vmem>>, vector<16xf32>,
    %get3A_538 = arith.constant 2932 : index
    %get3A_539 = tpu.vector_load %arg6[%get3A_538] {strides = array<i32>} : memref<10368xf32, #tpu.memory_space<vmem>>, vector<16xf32>,
    %get3A_540 = arith.constant 2948 : index
    %get3A_541 = tpu.vector_load %arg6[%get3A_540] {strides = array<i32>} : memref<10368xf32, #tpu.memory_space<vmem>>, vector<16xf32>,
    %get3A_542 = arith.constant 2964 : index
    %get3A_543 = tpu.vector_load %arg6[%get3A_542] {strides = array<i32>} : memref<10368xf32, #tpu.memory_space<vmem>>, vector<16xf32>,
    %get3A_544 = arith.constant 2980 : index
    %get3A_545 = tpu.vector_load %arg6[%get3A_544] {strides = array<i32>} : memref<10368xf32, #tpu.memory_space<vmem>>, vector<16xf32>,
    %get3A_546 = arith.constant 2996 : index
    %get3A_547 = tpu.vector_load %arg6[%get3A_546] {strides = array<i32>} : memref<10368xf32, #tpu.memory_space<vmem>>, vector<16xf32>,
    %get3A_548 = arith.constant 3012 : index
    %get3A_549 = tpu.vector_load %arg6[%get3A_548] {strides = array<i32>} : memref<10368xf32, #tpu.memory_space<vmem>>, vector<16xf32>,
    %get3A_550 = arith.constant 3028 : index
    %get3A_551 = tpu.vector_load %arg6[%get3A_550] {strides = array<i32>} : memref<10368xf32, #tpu.memory_space<vmem>>, vector<16xf32>,
    %get3A_552 = arith.constant 3044 : index
    %get3A_553 = tpu.vector_load %arg6[%get3A_552] {strides = array<i32>} : memref<10368xf32, #tpu.memory_space<vmem>>, vector<16xf32>,
    %get3A_554 = arith.constant 3060 : index
    %get3A_555 = tpu.vector_load %arg6[%get3A_554] {strides = array<i32>} : memref<10368xf32, #tpu.memory_space<vmem>>, vector<16xf32>,
    %get3A_556 = arith.constant 3076 : index
    %get3A_557 = tpu.vector_load %arg6[%get3A_556] {strides = array<i32>} : memref<10368xf32, #tpu.memory_space<vmem>>, vector<16xf32>,
    %get3A_558 = arith.constant 3092 : index
    %get3A_559 = tpu.vector_load %arg6[%get3A_558] {strides = array<i32>} : memref<10368xf32, #tpu.memory_space<vmem>>, vector<16xf32>,
    %get3A_560 = arith.constant 3108 : index
    %get3A_561 = tpu.vector_load %arg6[%get3A_560] {strides = array<i32>} : memref<10368xf32, #tpu.memory_space<vmem>>, vector<16xf32>,
    %get3A_562 = arith.constant 3124 : index
    %get3A_563 = tpu.vector_load %arg6[%get3A_562] {strides = array<i32>} : memref<10368xf32, #tpu.memory_space<vmem>>, vector<16xf32>,
    %get3A_564 = arith.constant 3140 : index
    %get3A_565 = tpu.vector_load %arg6[%get3A_564] {strides = array<i32>} : memref<10368xf32, #tpu.memory_space<vmem>>, vector<16xf32>,
    %get3A_566 = arith.constant 3156 : index
    %get3A_567 = tpu.vector_load %arg6[%get3A_566] {strides = array<i32>} : memref<10368xf32, #tpu.memory_space<vmem>>, vector<16xf32>,
    %get3A_568 = arith.constant 3172 : index
    %get3A_569 = tpu.vector_load %arg6[%get3A_568] {strides = array<i32>} : memref<10368xf32, #tpu.memory_space<vmem>>, vector<16xf32>,
    %get3A_570 = arith.constant 3188 : index
    %get3A_571 = tpu.vector_load %arg6[%get3A_570] {strides = array<i32>} : memref<10368xf32, #tpu.memory_space<vmem>>, vector<16xf32>,
    %add3A_572 = arith.addf %add3A_452, %get3A_493 : vector<16xf32>
    %add3A_573 = arith.addf %add3A_453, %get3A_495 : vector<16xf32>
    %add3A_574 = arith.addf %add3A_454, %get3A_497 : vector<16xf32>
    %add3A_575 = arith.addf %add3A_455, %get3A_499 : vector<16xf32>
    %add3A_576 = arith.addf %add3A_456, %get3A_501 : vector<16xf32>
    %add3A_577 = arith.addf %add3A_457, %get3A_503 : vector<16xf32>
    %add3A_578 = arith.addf %add3A_458, %get3A_505 : vector<16xf32>
    %add3A_579 = arith.addf %add3A_459, %get3A_507 : vector<16xf32>
    %add3A_580 = arith.addf %add3A_460, %get3A_509 : vector<16xf32>
    %add3A_581 = arith.addf %add3A_461, %get3A_511 : vector<16xf32>
    %add3A_582 = arith.addf %add3A_462, %get3A_513 : vector<16xf32>
    %add3A_583 = arith.addf %add3A_463, %get3A_515 : vector<16xf32>
    %add3A_584 = arith.addf %add3A_464, %get3A_517 : vector<16xf32>
    %add3A_585 = arith.addf %add3A_465, %get3A_519 : vector<16xf32>
    %add3A_586 = arith.addf %add3A_466, %get3A_521 : vector<16xf32>
    %add3A_587 = arith.addf %add3A_467, %get3A_523 : vector<16xf32>
    %add3A_588 = arith.addf %add3A_468, %get3A_525 : vector<16xf32>
    %add3A_589 = arith.addf %add3A_469, %get3A_527 : vector<16xf32>
    %add3A_590 = arith.addf %add3A_470, %get3A_529 : vector<16xf32>
    %add3A_591 = arith.addf %add3A_471, %get3A_531 : vector<16xf32>
    %add3A_592 = arith.addf %add3A_472, %get3A_533 : vector<16xf32>
    %add3A_593 = arith.addf %add3A_473, %get3A_535 : vector<16xf32>
    %add3A_594 = arith.addf %add3A_474, %get3A_537 : vector<16xf32>
    %add3A_595 = arith.addf %add3A_475, %get3A_539 : vector<16xf32>
    %add3A_596 = arith.addf %add3A_476, %get3A_541 : vector<16xf32>
    %add3A_597 = arith.addf %add3A_477, %get3A_543 : vector<16xf32>
    %add3A_598 = arith.addf %add3A_478, %get3A_545 : vector<16xf32>
    %add3A_599 = arith.addf %add3A_479, %get3A_547 : vector<16xf32>
    %add3A_600 = arith.addf %add3A_480, %get3A_549 : vector<16xf32>
    %add3A_601 = arith.addf %add3A_481, %get3A_551 : vector<16xf32>
    %add3A_602 = arith.addf %add3A_482, %get3A_553 : vector<16xf32>
    %add3A_603 = arith.addf %add3A_483, %get3A_555 : vector<16xf32>
    %add3A_604 = arith.addf %add3A_484, %get3A_557 : vector<16xf32>
    %add3A_605 = arith.addf %add3A_485, %get3A_559 : vector<16xf32>
    %add3A_606 = arith.addf %add3A_486, %get3A_561 : vector<16xf32>
    %add3A_607 = arith.addf %add3A_487, %get3A_563 : vector<16xf32>
    %add3A_608 = arith.addf %add3A_488, %get3A_565 : vector<16xf32>
    %add3A_609 = arith.addf %add3A_489, %get3A_567 : vector<16xf32>
    %add3A_610 = arith.addf %add3A_490, %get3A_569 : vector<16xf32>
    %add3A_611 = arith.addf %add3A_491, %get3A_571 : vector<16xf32>
    %get3A_612 = arith.constant 3205 : index
    %get3A_613 = tpu.vector_load %arg6[%get3A_612] {strides = array<i32>} : memref<10368xf32, #tpu.memory_space<vmem>>, vector<16xf32>,
    %get3A_614 = arith.constant 3221 : index
    %get3A_615 = tpu.vector_load %arg6[%get3A_614] {strides = array<i32>} : memref<10368xf32, #tpu.memory_space<vmem>>, vector<16xf32>,
    %get3A_616 = arith.constant 3237 : index
    %get3A_617 = tpu.vector_load %arg6[%get3A_616] {strides = array<i32>} : memref<10368xf32, #tpu.memory_space<vmem>>, vector<16xf32>,
    %get3A_618 = arith.constant 3253 : index
    %get3A_619 = tpu.vector_load %arg6[%get3A_618] {strides = array<i32>} : memref<10368xf32, #tpu.memory_space<vmem>>, vector<16xf32>,
    %get3A_620 = arith.constant 3269 : index
    %get3A_621 = tpu.vector_load %arg6[%get3A_620] {strides = array<i32>} : memref<10368xf32, #tpu.memory_space<vmem>>, vector<16xf32>,
    %get3A_622 = arith.constant 3285 : index
    %get3A_623 = tpu.vector_load %arg6[%get3A_622] {strides = array<i32>} : memref<10368xf32, #tpu.memory_space<vmem>>, vector<16xf32>,
    %get3A_624 = arith.constant 3301 : index
    %get3A_625 = tpu.vector_load %arg6[%get3A_624] {strides = array<i32>} : memref<10368xf32, #tpu.memory_space<vmem>>, vector<16xf32>,
    %get3A_626 = arith.constant 3317 : index
    %get3A_627 = tpu.vector_load %arg6[%get3A_626] {strides = array<i32>} : memref<10368xf32, #tpu.memory_space<vmem>>, vector<16xf32>,
    %get3A_628 = arith.constant 3333 : index
    %get3A_629 = tpu.vector_load %arg6[%get3A_628] {strides = array<i32>} : memref<10368xf32, #tpu.memory_space<vmem>>, vector<16xf32>,
    %get3A_630 = arith.constant 3349 : index
    %get3A_631 = tpu.vector_load %arg6[%get3A_630] {strides = array<i32>} : memref<10368xf32, #tpu.memory_space<vmem>>, vector<16xf32>,
    %get3A_632 = arith.constant 3365 : index
    %get3A_633 = tpu.vector_load %arg6[%get3A_632] {strides = array<i32>} : memref<10368xf32, #tpu.memory_space<vmem>>, vector<16xf32>,
    %get3A_634 = arith.constant 3381 : index
    %get3A_635 = tpu.vector_load %arg6[%get3A_634] {strides = array<i32>} : memref<10368xf32, #tpu.memory_space<vmem>>, vector<16xf32>,
    %get3A_636 = arith.constant 3397 : index
    %get3A_637 = tpu.vector_load %arg6[%get3A_636] {strides = array<i32>} : memref<10368xf32, #tpu.memory_space<vmem>>, vector<16xf32>,
    %get3A_638 = arith.constant 3413 : index
    %get3A_639 = tpu.vector_load %arg6[%get3A_638] {strides = array<i32>} : memref<10368xf32, #tpu.memory_space<vmem>>, vector<16xf32>,
    %get3A_640 = arith.constant 3429 : index
    %get3A_641 = tpu.vector_load %arg6[%get3A_640] {strides = array<i32>} : memref<10368xf32, #tpu.memory_space<vmem>>, vector<16xf32>,
    %get3A_642 = arith.constant 3445 : index
    %get3A_643 = tpu.vector_load %arg6[%get3A_642] {strides = array<i32>} : memref<10368xf32, #tpu.memory_space<vmem>>, vector<16xf32>,
    %get3A_644 = arith.constant 3461 : index
    %get3A_645 = tpu.vector_load %arg6[%get3A_644] {strides = array<i32>} : memref<10368xf32, #tpu.memory_space<vmem>>, vector<16xf32>,
    %get3A_646 = arith.constant 3477 : index
    %get3A_647 = tpu.vector_load %arg6[%get3A_646] {strides = array<i32>} : memref<10368xf32, #tpu.memory_space<vmem>>, vector<16xf32>,
    %get3A_648 = arith.constant 3493 : index
    %get3A_649 = tpu.vector_load %arg6[%get3A_648] {strides = array<i32>} : memref<10368xf32, #tpu.memory_space<vmem>>, vector<16xf32>,
    %get3A_650 = arith.constant 3509 : index
    %get3A_651 = tpu.vector_load %arg6[%get3A_650] {strides = array<i32>} : memref<10368xf32, #tpu.memory_space<vmem>>, vector<16xf32>,
    %get3A_652 = arith.constant 3525 : index
    %get3A_653 = tpu.vector_load %arg6[%get3A_652] {strides = array<i32>} : memref<10368xf32, #tpu.memory_space<vmem>>, vector<16xf32>,
    %get3A_654 = arith.constant 3541 : index
    %get3A_655 = tpu.vector_load %arg6[%get3A_654] {strides = array<i32>} : memref<10368xf32, #tpu.memory_space<vmem>>, vector<16xf32>,
    %get3A_656 = arith.constant 3557 : index
    %get3A_657 = tpu.vector_load %arg6[%get3A_656] {strides = array<i32>} : memref<10368xf32, #tpu.memory_space<vmem>>, vector<16xf32>,
    %get3A_658 = arith.constant 3573 : index
    %get3A_659 = tpu.vector_load %arg6[%get3A_658] {strides = array<i32>} : memref<10368xf32, #tpu.memory_space<vmem>>, vector<16xf32>,
    %get3A_660 = arith.constant 3589 : index
    %get3A_661 = tpu.vector_load %arg6[%get3A_660] {strides = array<i32>} : memref<10368xf32, #tpu.memory_space<vmem>>, vector<16xf32>,
    %get3A_662 = arith.constant 3605 : index
    %get3A_663 = tpu.vector_load %arg6[%get3A_662] {strides = array<i32>} : memref<10368xf32, #tpu.memory_space<vmem>>, vector<16xf32>,
    %get3A_664 = arith.constant 3621 : index
    %get3A_665 = tpu.vector_load %arg6[%get3A_664] {strides = array<i32>} : memref<10368xf32, #tpu.memory_space<vmem>>, vector<16xf32>,
    %get3A_666 = arith.constant 3637 : index
    %get3A_667 = tpu.vector_load %arg6[%get3A_666] {strides = array<i32>} : memref<10368xf32, #tpu.memory_space<vmem>>, vector<16xf32>,
    %get3A_668 = arith.constant 3653 : index
    %get3A_669 = tpu.vector_load %arg6[%get3A_668] {strides = array<i32>} : memref<10368xf32, #tpu.memory_space<vmem>>, vector<16xf32>,
    %get3A_670 = arith.constant 3669 : index
    %get3A_671 = tpu.vector_load %arg6[%get3A_670] {strides = array<i32>} : memref<10368xf32, #tpu.memory_space<vmem>>, vector<16xf32>,
    %get3A_672 = arith.constant 3685 : index
    %get3A_673 = tpu.vector_load %arg6[%get3A_672] {strides = array<i32>} : memref<10368xf32, #tpu.memory_space<vmem>>, vector<16xf32>,
    %get3A_674 = arith.constant 3701 : index
    %get3A_675 = tpu.vector_load %arg6[%get3A_674] {strides = array<i32>} : memref<10368xf32, #tpu.memory_space<vmem>>, vector<16xf32>,
    %get3A_676 = arith.constant 3717 : index
    %get3A_677 = tpu.vector_load %arg6[%get3A_676] {strides = array<i32>} : memref<10368xf32, #tpu.memory_space<vmem>>, vector<16xf32>,
    %get3A_678 = arith.constant 3733 : index
    %get3A_679 = tpu.vector_load %arg6[%get3A_678] {strides = array<i32>} : memref<10368xf32, #tpu.memory_space<vmem>>, vector<16xf32>,
    %get3A_680 = arith.constant 3749 : index
    %get3A_681 = tpu.vector_load %arg6[%get3A_680] {strides = array<i32>} : memref<10368xf32, #tpu.memory_space<vmem>>, vector<16xf32>,
    %get3A_682 = arith.constant 3765 : index
    %get3A_683 = tpu.vector_load %arg6[%get3A_682] {strides = array<i32>} : memref<10368xf32, #tpu.memory_space<vmem>>, vector<16xf32>,
    %get3A_684 = arith.constant 3781 : index
    %get3A_685 = tpu.vector_load %arg6[%get3A_684] {strides = array<i32>} : memref<10368xf32, #tpu.memory_space<vmem>>, vector<16xf32>,
    %get3A_686 = arith.constant 3797 : index
    %get3A_687 = tpu.vector_load %arg6[%get3A_686] {strides = array<i32>} : memref<10368xf32, #tpu.memory_space<vmem>>, vector<16xf32>,
    %get3A_688 = arith.constant 3813 : index
    %get3A_689 = tpu.vector_load %arg6[%get3A_688] {strides = array<i32>} : memref<10368xf32, #tpu.memory_space<vmem>>, vector<16xf32>,
    %get3A_690 = arith.constant 3829 : index
    %get3A_691 = tpu.vector_load %arg6[%get3A_690] {strides = array<i32>} : memref<10368xf32, #tpu.memory_space<vmem>>, vector<16xf32>,
    %add3A_692 = arith.addf %add3A_572, %get3A_613 : vector<16xf32>
    %add3A_693 = arith.addf %add3A_573, %get3A_615 : vector<16xf32>
    %add3A_694 = arith.addf %add3A_574, %get3A_617 : vector<16xf32>
    %add3A_695 = arith.addf %add3A_575, %get3A_619 : vector<16xf32>
    %add3A_696 = arith.addf %add3A_576, %get3A_621 : vector<16xf32>
    %add3A_697 = arith.addf %add3A_577, %get3A_623 : vector<16xf32>
    %add3A_698 = arith.addf %add3A_578, %get3A_625 : vector<16xf32>
    %add3A_699 = arith.addf %add3A_579, %get3A_627 : vector<16xf32>
    %add3A_700 = arith.addf %add3A_580, %get3A_629 : vector<16xf32>
    %add3A_701 = arith.addf %add3A_581, %get3A_631 : vector<16xf32>
    %add3A_702 = arith.addf %add3A_582, %get3A_633 : vector<16xf32>
    %add3A_703 = arith.addf %add3A_583, %get3A_635 : vector<16xf32>
    %add3A_704 = arith.addf %add3A_584, %get3A_637 : vector<16xf32>
    %add3A_705 = arith.addf %add3A_585, %get3A_639 : vector<16xf32>
    %add3A_706 = arith.addf %add3A_586, %get3A_641 : vector<16xf32>
    %add3A_707 = arith.addf %add3A_587, %get3A_643 : vector<16xf32>
    %add3A_708 = arith.addf %add3A_588, %get3A_645 : vector<16xf32>
    %add3A_709 = arith.addf %add3A_589, %get3A_647 : vector<16xf32>
    %add3A_710 = arith.addf %add3A_590, %get3A_649 : vector<16xf32>
    %add3A_711 = arith.addf %add3A_591, %get3A_651 : vector<16xf32>
    %add3A_712 = arith.addf %add3A_592, %get3A_653 : vector<16xf32>
    %add3A_713 = arith.addf %add3A_593, %get3A_655 : vector<16xf32>
    %add3A_714 = arith.addf %add3A_594, %get3A_657 : vector<16xf32>
    %add3A_715 = arith.addf %add3A_595, %get3A_659 : vector<16xf32>
    %add3A_716 = arith.addf %add3A_596, %get3A_661 : vector<16xf32>
    %add3A_717 = arith.addf %add3A_597, %get3A_663 : vector<16xf32>
    %add3A_718 = arith.addf %add3A_598, %get3A_665 : vector<16xf32>
    %add3A_719 = arith.addf %add3A_599, %get3A_667 : vector<16xf32>
    %add3A_720 = arith.addf %add3A_600, %get3A_669 : vector<16xf32>
    %add3A_721 = arith.addf %add3A_601, %get3A_671 : vector<16xf32>
    %add3A_722 = arith.addf %add3A_602, %get3A_673 : vector<16xf32>
    %add3A_723 = arith.addf %add3A_603, %get3A_675 : vector<16xf32>
    %add3A_724 = arith.addf %add3A_604, %get3A_677 : vector<16xf32>
    %add3A_725 = arith.addf %add3A_605, %get3A_679 : vector<16xf32>
    %add3A_726 = arith.addf %add3A_606, %get3A_681 : vector<16xf32>
    %add3A_727 = arith.addf %add3A_607, %get3A_683 : vector<16xf32>
    %add3A_728 = arith.addf %add3A_608, %get3A_685 : vector<16xf32>
    %add3A_729 = arith.addf %add3A_609, %get3A_687 : vector<16xf32>
    %add3A_730 = arith.addf %add3A_610, %get3A_689 : vector<16xf32>
    %add3A_731 = arith.addf %add3A_611, %get3A_691 : vector<16xf32>
    %get3A_732 = arith.constant 3846 : index
    %get3A_733 = tpu.vector_load %arg6[%get3A_732] {strides = array<i32>} : memref<10368xf32, #tpu.memory_space<vmem>>, vector<16xf32>,
    %get3A_734 = arith.constant 3862 : index
    %get3A_735 = tpu.vector_load %arg6[%get3A_734] {strides = array<i32>} : memref<10368xf32, #tpu.memory_space<vmem>>, vector<16xf32>,
    %get3A_736 = arith.constant 3878 : index
    %get3A_737 = tpu.vector_load %arg6[%get3A_736] {strides = array<i32>} : memref<10368xf32, #tpu.memory_space<vmem>>, vector<16xf32>,
    %get3A_738 = arith.constant 3894 : index
    %get3A_739 = tpu.vector_load %arg6[%get3A_738] {strides = array<i32>} : memref<10368xf32, #tpu.memory_space<vmem>>, vector<16xf32>,
    %get3A_740 = arith.constant 3910 : index
    %get3A_741 = tpu.vector_load %arg6[%get3A_740] {strides = array<i32>} : memref<10368xf32, #tpu.memory_space<vmem>>, vector<16xf32>,
    %get3A_742 = arith.constant 3926 : index
    %get3A_743 = tpu.vector_load %arg6[%get3A_742] {strides = array<i32>} : memref<10368xf32, #tpu.memory_space<vmem>>, vector<16xf32>,
    %get3A_744 = arith.constant 3942 : index
    %get3A_745 = tpu.vector_load %arg6[%get3A_744] {strides = array<i32>} : memref<10368xf32, #tpu.memory_space<vmem>>, vector<16xf32>,
    %get3A_746 = arith.constant 3958 : index
    %get3A_747 = tpu.vector_load %arg6[%get3A_746] {strides = array<i32>} : memref<10368xf32, #tpu.memory_space<vmem>>, vector<16xf32>,
    %get3A_748 = arith.constant 3974 : index
    %get3A_749 = tpu.vector_load %arg6[%get3A_748] {strides = array<i32>} : memref<10368xf32, #tpu.memory_space<vmem>>, vector<16xf32>,
    %get3A_750 = arith.constant 3990 : index
    %get3A_751 = tpu.vector_load %arg6[%get3A_750] {strides = array<i32>} : memref<10368xf32, #tpu.memory_space<vmem>>, vector<16xf32>,
    %get3A_752 = arith.constant 4006 : index
    %get3A_753 = tpu.vector_load %arg6[%get3A_752] {strides = array<i32>} : memref<10368xf32, #tpu.memory_space<vmem>>, vector<16xf32>,
    %get3A_754 = arith.constant 4022 : index
    %get3A_755 = tpu.vector_load %arg6[%get3A_754] {strides = array<i32>} : memref<10368xf32, #tpu.memory_space<vmem>>, vector<16xf32>,
    %get3A_756 = arith.constant 4038 : index
    %get3A_757 = tpu.vector_load %arg6[%get3A_756] {strides = array<i32>} : memref<10368xf32, #tpu.memory_space<vmem>>, vector<16xf32>,
    %get3A_758 = arith.constant 4054 : index
    %get3A_759 = tpu.vector_load %arg6[%get3A_758] {strides = array<i32>} : memref<10368xf32, #tpu.memory_space<vmem>>, vector<16xf32>,
    %get3A_760 = arith.constant 4070 : index
    %get3A_761 = tpu.vector_load %arg6[%get3A_760] {strides = array<i32>} : memref<10368xf32, #tpu.memory_space<vmem>>, vector<16xf32>,
    %get3A_762 = arith.constant 4086 : index
    %get3A_763 = tpu.vector_load %arg6[%get3A_762] {strides = array<i32>} : memref<10368xf32, #tpu.memory_space<vmem>>, vector<16xf32>,
    %get3A_764 = arith.constant 4102 : index
    %get3A_765 = tpu.vector_load %arg6[%get3A_764] {strides = array<i32>} : memref<10368xf32, #tpu.memory_space<vmem>>, vector<16xf32>,
    %get3A_766 = arith.constant 4118 : index
    %get3A_767 = tpu.vector_load %arg6[%get3A_766] {strides = array<i32>} : memref<10368xf32, #tpu.memory_space<vmem>>, vector<16xf32>,
    %get3A_768 = arith.constant 4134 : index
    %get3A_769 = tpu.vector_load %arg6[%get3A_768] {strides = array<i32>} : memref<10368xf32, #tpu.memory_space<vmem>>, vector<16xf32>,
    %get3A_770 = arith.constant 4150 : index
    %get3A_771 = tpu.vector_load %arg6[%get3A_770] {strides = array<i32>} : memref<10368xf32, #tpu.memory_space<vmem>>, vector<16xf32>,
    %get3A_772 = arith.constant 4166 : index
    %get3A_773 = tpu.vector_load %arg6[%get3A_772] {strides = array<i32>} : memref<10368xf32, #tpu.memory_space<vmem>>, vector<16xf32>,
    %get3A_774 = arith.constant 4182 : index
    %get3A_775 = tpu.vector_load %arg6[%get3A_774] {strides = array<i32>} : memref<10368xf32, #tpu.memory_space<vmem>>, vector<16xf32>,
    %get3A_776 = arith.constant 4198 : index
    %get3A_777 = tpu.vector_load %arg6[%get3A_776] {strides = array<i32>} : memref<10368xf32, #tpu.memory_space<vmem>>, vector<16xf32>,
    %get3A_778 = arith.constant 4214 : index
    %get3A_779 = tpu.vector_load %arg6[%get3A_778] {strides = array<i32>} : memref<10368xf32, #tpu.memory_space<vmem>>, vector<16xf32>,
    %get3A_780 = arith.constant 4230 : index
    %get3A_781 = tpu.vector_load %arg6[%get3A_780] {strides = array<i32>} : memref<10368xf32, #tpu.memory_space<vmem>>, vector<16xf32>,
    %get3A_782 = arith.constant 4246 : index
    %get3A_783 = tpu.vector_load %arg6[%get3A_782] {strides = array<i32>} : memref<10368xf32, #tpu.memory_space<vmem>>, vector<16xf32>,
    %get3A_784 = arith.constant 4262 : index
    %get3A_785 = tpu.vector_load %arg6[%get3A_784] {strides = array<i32>} : memref<10368xf32, #tpu.memory_space<vmem>>, vector<16xf32>,
    %get3A_786 = arith.constant 4278 : index
    %get3A_787 = tpu.vector_load %arg6[%get3A_786] {strides = array<i32>} : memref<10368xf32, #tpu.memory_space<vmem>>, vector<16xf32>,
    %get3A_788 = arith.constant 4294 : index
    %get3A_789 = tpu.vector_load %arg6[%get3A_788] {strides = array<i32>} : memref<10368xf32, #tpu.memory_space<vmem>>, vector<16xf32>,
    %get3A_790 = arith.constant 4310 : index
    %get3A_791 = tpu.vector_load %arg6[%get3A_790] {strides = array<i32>} : memref<10368xf32, #tpu.memory_space<vmem>>, vector<16xf32>,
    %get3A_792 = arith.constant 4326 : index
    %get3A_793 = tpu.vector_load %arg6[%get3A_792] {strides = array<i32>} : memref<10368xf32, #tpu.memory_space<vmem>>, vector<16xf32>,
    %get3A_794 = arith.constant 4342 : index
    %get3A_795 = tpu.vector_load %arg6[%get3A_794] {strides = array<i32>} : memref<10368xf32, #tpu.memory_space<vmem>>, vector<16xf32>,
    %get3A_796 = arith.constant 4358 : index
    %get3A_797 = tpu.vector_load %arg6[%get3A_796] {strides = array<i32>} : memref<10368xf32, #tpu.memory_space<vmem>>, vector<16xf32>,
    %get3A_798 = arith.constant 4374 : index
    %get3A_799 = tpu.vector_load %arg6[%get3A_798] {strides = array<i32>} : memref<10368xf32, #tpu.memory_space<vmem>>, vector<16xf32>,
    %get3A_800 = arith.constant 4390 : index
    %get3A_801 = tpu.vector_load %arg6[%get3A_800] {strides = array<i32>} : memref<10368xf32, #tpu.memory_space<vmem>>, vector<16xf32>,
    %get3A_802 = arith.constant 4406 : index
    %get3A_803 = tpu.vector_load %arg6[%get3A_802] {strides = array<i32>} : memref<10368xf32, #tpu.memory_space<vmem>>, vector<16xf32>,
    %get3A_804 = arith.constant 4422 : index
    %get3A_805 = tpu.vector_load %arg6[%get3A_804] {strides = array<i32>} : memref<10368xf32, #tpu.memory_space<vmem>>, vector<16xf32>,
    %get3A_806 = arith.constant 4438 : index
    %get3A_807 = tpu.vector_load %arg6[%get3A_806] {strides = array<i32>} : memref<10368xf32, #tpu.memory_space<vmem>>, vector<16xf32>,
    %get3A_808 = arith.constant 4454 : index
    %get3A_809 = tpu.vector_load %arg6[%get3A_808] {strides = array<i32>} : memref<10368xf32, #tpu.memory_space<vmem>>, vector<16xf32>,
    %get3A_810 = arith.constant 4470 : index
    %get3A_811 = tpu.vector_load %arg6[%get3A_810] {strides = array<i32>} : memref<10368xf32, #tpu.memory_space<vmem>>, vector<16xf32>,
    %add3A_812 = arith.addf %add3A_692, %get3A_733 : vector<16xf32>
    %add3A_813 = arith.addf %add3A_693, %get3A_735 : vector<16xf32>
    %add3A_814 = arith.addf %add3A_694, %get3A_737 : vector<16xf32>
    %add3A_815 = arith.addf %add3A_695, %get3A_739 : vector<16xf32>
    %add3A_816 = arith.addf %add3A_696, %get3A_741 : vector<16xf32>
    %add3A_817 = arith.addf %add3A_697, %get3A_743 : vector<16xf32>
    %add3A_818 = arith.addf %add3A_698, %get3A_745 : vector<16xf32>
    %add3A_819 = arith.addf %add3A_699, %get3A_747 : vector<16xf32>
    %add3A_820 = arith.addf %add3A_700, %get3A_749 : vector<16xf32>
    %add3A_821 = arith.addf %add3A_701, %get3A_751 : vector<16xf32>
    %add3A_822 = arith.addf %add3A_702, %get3A_753 : vector<16xf32>
    %add3A_823 = arith.addf %add3A_703, %get3A_755 : vector<16xf32>
    %add3A_824 = arith.addf %add3A_704, %get3A_757 : vector<16xf32>
    %add3A_825 = arith.addf %add3A_705, %get3A_759 : vector<16xf32>
    %add3A_826 = arith.addf %add3A_706, %get3A_761 : vector<16xf32>
    %add3A_827 = arith.addf %add3A_707, %get3A_763 : vector<16xf32>
    %add3A_828 = arith.addf %add3A_708, %get3A_765 : vector<16xf32>
    %add3A_829 = arith.addf %add3A_709, %get3A_767 : vector<16xf32>
    %add3A_830 = arith.addf %add3A_710, %get3A_769 : vector<16xf32>
    %add3A_831 = arith.addf %add3A_711, %get3A_771 : vector<16xf32>
    %add3A_832 = arith.addf %add3A_712, %get3A_773 : vector<16xf32>
    %add3A_833 = arith.addf %add3A_713, %get3A_775 : vector<16xf32>
    %add3A_834 = arith.addf %add3A_714, %get3A_777 : vector<16xf32>
    %add3A_835 = arith.addf %add3A_715, %get3A_779 : vector<16xf32>
    %add3A_836 = arith.addf %add3A_716, %get3A_781 : vector<16xf32>
    %add3A_837 = arith.addf %add3A_717, %get3A_783 : vector<16xf32>
    %add3A_838 = arith.addf %add3A_718, %get3A_785 : vector<16xf32>
    %add3A_839 = arith.addf %add3A_719, %get3A_787 : vector<16xf32>
    %add3A_840 = arith.addf %add3A_720, %get3A_789 : vector<16xf32>
    %add3A_841 = arith.addf %add3A_721, %get3A_791 : vector<16xf32>
    %add3A_842 = arith.addf %add3A_722, %get3A_793 : vector<16xf32>
    %add3A_843 = arith.addf %add3A_723, %get3A_795 : vector<16xf32>
    %add3A_844 = arith.addf %add3A_724, %get3A_797 : vector<16xf32>
    %add3A_845 = arith.addf %add3A_725, %get3A_799 : vector<16xf32>
    %add3A_846 = arith.addf %add3A_726, %get3A_801 : vector<16xf32>
    %add3A_847 = arith.addf %add3A_727, %get3A_803 : vector<16xf32>
    %add3A_848 = arith.addf %add3A_728, %get3A_805 : vector<16xf32>
    %add3A_849 = arith.addf %add3A_729, %get3A_807 : vector<16xf32>
    %add3A_850 = arith.addf %add3A_730, %get3A_809 : vector<16xf32>
    %add3A_851 = arith.addf %add3A_731, %get3A_811 : vector<16xf32>
    %get3A_852 = arith.constant 4487 : index
    %get3A_853 = tpu.vector_load %arg6[%get3A_852] {strides = array<i32>} : memref<10368xf32, #tpu.memory_space<vmem>>, vector<16xf32>,
    %get3A_854 = arith.constant 4503 : index
    %get3A_855 = tpu.vector_load %arg6[%get3A_854] {strides = array<i32>} : memref<10368xf32, #tpu.memory_space<vmem>>, vector<16xf32>,
    %get3A_856 = arith.constant 4519 : index
    %get3A_857 = tpu.vector_load %arg6[%get3A_856] {strides = array<i32>} : memref<10368xf32, #tpu.memory_space<vmem>>, vector<16xf32>,
    %get3A_858 = arith.constant 4535 : index
    %get3A_859 = tpu.vector_load %arg6[%get3A_858] {strides = array<i32>} : memref<10368xf32, #tpu.memory_space<vmem>>, vector<16xf32>,
    %get3A_860 = arith.constant 4551 : index
    %get3A_861 = tpu.vector_load %arg6[%get3A_860] {strides = array<i32>} : memref<10368xf32, #tpu.memory_space<vmem>>, vector<16xf32>,
    %get3A_862 = arith.constant 4567 : index
    %get3A_863 = tpu.vector_load %arg6[%get3A_862] {strides = array<i32>} : memref<10368xf32, #tpu.memory_space<vmem>>, vector<16xf32>,
    %get3A_864 = arith.constant 4583 : index
    %get3A_865 = tpu.vector_load %arg6[%get3A_864] {strides = array<i32>} : memref<10368xf32, #tpu.memory_space<vmem>>, vector<16xf32>,
    %get3A_866 = arith.constant 4599 : index
    %get3A_867 = tpu.vector_load %arg6[%get3A_866] {strides = array<i32>} : memref<10368xf32, #tpu.memory_space<vmem>>, vector<16xf32>,
    %get3A_868 = arith.constant 4615 : index
    %get3A_869 = tpu.vector_load %arg6[%get3A_868] {strides = array<i32>} : memref<10368xf32, #tpu.memory_space<vmem>>, vector<16xf32>,
    %get3A_870 = arith.constant 4631 : index
    %get3A_871 = tpu.vector_load %arg6[%get3A_870] {strides = array<i32>} : memref<10368xf32, #tpu.memory_space<vmem>>, vector<16xf32>,
    %get3A_872 = arith.constant 4647 : index
    %get3A_873 = tpu.vector_load %arg6[%get3A_872] {strides = array<i32>} : memref<10368xf32, #tpu.memory_space<vmem>>, vector<16xf32>,
    %get3A_874 = arith.constant 4663 : index
    %get3A_875 = tpu.vector_load %arg6[%get3A_874] {strides = array<i32>} : memref<10368xf32, #tpu.memory_space<vmem>>, vector<16xf32>,
    %get3A_876 = arith.constant 4679 : index
    %get3A_877 = tpu.vector_load %arg6[%get3A_876] {strides = array<i32>} : memref<10368xf32, #tpu.memory_space<vmem>>, vector<16xf32>,
    %get3A_878 = arith.constant 4695 : index
    %get3A_879 = tpu.vector_load %arg6[%get3A_878] {strides = array<i32>} : memref<10368xf32, #tpu.memory_space<vmem>>, vector<16xf32>,
    %get3A_880 = arith.constant 4711 : index
    %get3A_881 = tpu.vector_load %arg6[%get3A_880] {strides = array<i32>} : memref<10368xf32, #tpu.memory_space<vmem>>, vector<16xf32>,
    %get3A_882 = arith.constant 4727 : index
    %get3A_883 = tpu.vector_load %arg6[%get3A_882] {strides = array<i32>} : memref<10368xf32, #tpu.memory_space<vmem>>, vector<16xf32>,
    %get3A_884 = arith.constant 4743 : index
    %get3A_885 = tpu.vector_load %arg6[%get3A_884] {strides = array<i32>} : memref<10368xf32, #tpu.memory_space<vmem>>, vector<16xf32>,
    %get3A_886 = arith.constant 4759 : index
    %get3A_887 = tpu.vector_load %arg6[%get3A_886] {strides = array<i32>} : memref<10368xf32, #tpu.memory_space<vmem>>, vector<16xf32>,
    %get3A_888 = arith.constant 4775 : index
    %get3A_889 = tpu.vector_load %arg6[%get3A_888] {strides = array<i32>} : memref<10368xf32, #tpu.memory_space<vmem>>, vector<16xf32>,
    %get3A_890 = arith.constant 4791 : index
    %get3A_891 = tpu.vector_load %arg6[%get3A_890] {strides = array<i32>} : memref<10368xf32, #tpu.memory_space<vmem>>, vector<16xf32>,
    %get3A_892 = arith.constant 4807 : index
    %get3A_893 = tpu.vector_load %arg6[%get3A_892] {strides = array<i32>} : memref<10368xf32, #tpu.memory_space<vmem>>, vector<16xf32>,
    %get3A_894 = arith.constant 4823 : index
    %get3A_895 = tpu.vector_load %arg6[%get3A_894] {strides = array<i32>} : memref<10368xf32, #tpu.memory_space<vmem>>, vector<16xf32>,
    %get3A_896 = arith.constant 4839 : index
    %get3A_897 = tpu.vector_load %arg6[%get3A_896] {strides = array<i32>} : memref<10368xf32, #tpu.memory_space<vmem>>, vector<16xf32>,
    %get3A_898 = arith.constant 4855 : index
    %get3A_899 = tpu.vector_load %arg6[%get3A_898] {strides = array<i32>} : memref<10368xf32, #tpu.memory_space<vmem>>, vector<16xf32>,
    %get3A_900 = arith.constant 4871 : index
    %get3A_901 = tpu.vector_load %arg6[%get3A_900] {strides = array<i32>} : memref<10368xf32, #tpu.memory_space<vmem>>, vector<16xf32>,
    %get3A_902 = arith.constant 4887 : index
    %get3A_903 = tpu.vector_load %arg6[%get3A_902] {strides = array<i32>} : memref<10368xf32, #tpu.memory_space<vmem>>, vector<16xf32>,
    %get3A_904 = arith.constant 4903 : index
    %get3A_905 = tpu.vector_load %arg6[%get3A_904] {strides = array<i32>} : memref<10368xf32, #tpu.memory_space<vmem>>, vector<16xf32>,
    %get3A_906 = arith.constant 4919 : index
    %get3A_907 = tpu.vector_load %arg6[%get3A_906] {strides = array<i32>} : memref<10368xf32, #tpu.memory_space<vmem>>, vector<16xf32>,
    %get3A_908 = arith.constant 4935 : index
    %get3A_909 = tpu.vector_load %arg6[%get3A_908] {strides = array<i32>} : memref<10368xf32, #tpu.memory_space<vmem>>, vector<16xf32>,
    %get3A_910 = arith.constant 4951 : index
    %get3A_911 = tpu.vector_load %arg6[%get3A_910] {strides = array<i32>} : memref<10368xf32, #tpu.memory_space<vmem>>, vector<16xf32>,
    %get3A_912 = arith.constant 4967 : index
    %get3A_913 = tpu.vector_load %arg6[%get3A_912] {strides = array<i32>} : memref<10368xf32, #tpu.memory_space<vmem>>, vector<16xf32>,
    %get3A_914 = arith.constant 4983 : index
    %get3A_915 = tpu.vector_load %arg6[%get3A_914] {strides = array<i32>} : memref<10368xf32, #tpu.memory_space<vmem>>, vector<16xf32>,
    %get3A_916 = arith.constant 4999 : index
    %get3A_917 = tpu.vector_load %arg6[%get3A_916] {strides = array<i32>} : memref<10368xf32, #tpu.memory_space<vmem>>, vector<16xf32>,
    %get3A_918 = arith.constant 5015 : index
    %get3A_919 = tpu.vector_load %arg6[%get3A_918] {strides = array<i32>} : memref<10368xf32, #tpu.memory_space<vmem>>, vector<16xf32>,
    %get3A_920 = arith.constant 5031 : index
    %get3A_921 = tpu.vector_load %arg6[%get3A_920] {strides = array<i32>} : memref<10368xf32, #tpu.memory_space<vmem>>, vector<16xf32>,
    %get3A_922 = arith.constant 5047 : index
    %get3A_923 = tpu.vector_load %arg6[%get3A_922] {strides = array<i32>} : memref<10368xf32, #tpu.memory_space<vmem>>, vector<16xf32>,
    %get3A_924 = arith.constant 5063 : index
    %get3A_925 = tpu.vector_load %arg6[%get3A_924] {strides = array<i32>} : memref<10368xf32, #tpu.memory_space<vmem>>, vector<16xf32>,
    %get3A_926 = arith.constant 5079 : index
    %get3A_927 = tpu.vector_load %arg6[%get3A_926] {strides = array<i32>} : memref<10368xf32, #tpu.memory_space<vmem>>, vector<16xf32>,
    %get3A_928 = arith.constant 5095 : index
    %get3A_929 = tpu.vector_load %arg6[%get3A_928] {strides = array<i32>} : memref<10368xf32, #tpu.memory_space<vmem>>, vector<16xf32>,
    %get3A_930 = arith.constant 5111 : index
    %get3A_931 = tpu.vector_load %arg6[%get3A_930] {strides = array<i32>} : memref<10368xf32, #tpu.memory_space<vmem>>, vector<16xf32>,
    %add3A_932 = arith.addf %add3A_812, %get3A_853 : vector<16xf32>
    %add3A_933 = arith.addf %add3A_813, %get3A_855 : vector<16xf32>
    %add3A_934 = arith.addf %add3A_814, %get3A_857 : vector<16xf32>
    %add3A_935 = arith.addf %add3A_815, %get3A_859 : vector<16xf32>
    %add3A_936 = arith.addf %add3A_816, %get3A_861 : vector<16xf32>
    %add3A_937 = arith.addf %add3A_817, %get3A_863 : vector<16xf32>
    %add3A_938 = arith.addf %add3A_818, %get3A_865 : vector<16xf32>
    %add3A_939 = arith.addf %add3A_819, %get3A_867 : vector<16xf32>
    %add3A_940 = arith.addf %add3A_820, %get3A_869 : vector<16xf32>
    %add3A_941 = arith.addf %add3A_821, %get3A_871 : vector<16xf32>
    %add3A_942 = arith.addf %add3A_822, %get3A_873 : vector<16xf32>
    %add3A_943 = arith.addf %add3A_823, %get3A_875 : vector<16xf32>
    %add3A_944 = arith.addf %add3A_824, %get3A_877 : vector<16xf32>
    %add3A_945 = arith.addf %add3A_825, %get3A_879 : vector<16xf32>
    %add3A_946 = arith.addf %add3A_826, %get3A_881 : vector<16xf32>
    %add3A_947 = arith.addf %add3A_827, %get3A_883 : vector<16xf32>
    %add3A_948 = arith.addf %add3A_828, %get3A_885 : vector<16xf32>
    %add3A_949 = arith.addf %add3A_829, %get3A_887 : vector<16xf32>
    %add3A_950 = arith.addf %add3A_830, %get3A_889 : vector<16xf32>
    %add3A_951 = arith.addf %add3A_831, %get3A_891 : vector<16xf32>
    %add3A_952 = arith.addf %add3A_832, %get3A_893 : vector<16xf32>
    %add3A_953 = arith.addf %add3A_833, %get3A_895 : vector<16xf32>
    %add3A_954 = arith.addf %add3A_834, %get3A_897 : vector<16xf32>
    %add3A_955 = arith.addf %add3A_835, %get3A_899 : vector<16xf32>
    %add3A_956 = arith.addf %add3A_836, %get3A_901 : vector<16xf32>
    %add3A_957 = arith.addf %add3A_837, %get3A_903 : vector<16xf32>
    %add3A_958 = arith.addf %add3A_838, %get3A_905 : vector<16xf32>
    %add3A_959 = arith.addf %add3A_839, %get3A_907 : vector<16xf32>
    %add3A_960 = arith.addf %add3A_840, %get3A_909 : vector<16xf32>
    %add3A_961 = arith.addf %add3A_841, %get3A_911 : vector<16xf32>
    %add3A_962 = arith.addf %add3A_842, %get3A_913 : vector<16xf32>
    %add3A_963 = arith.addf %add3A_843, %get3A_915 : vector<16xf32>
    %add3A_964 = arith.addf %add3A_844, %get3A_917 : vector<16xf32>
    %add3A_965 = arith.addf %add3A_845, %get3A_919 : vector<16xf32>
    %add3A_966 = arith.addf %add3A_846, %get3A_921 : vector<16xf32>
    %add3A_967 = arith.addf %add3A_847, %get3A_923 : vector<16xf32>
    %add3A_968 = arith.addf %add3A_848, %get3A_925 : vector<16xf32>
    %add3A_969 = arith.addf %add3A_849, %get3A_927 : vector<16xf32>
    %add3A_970 = arith.addf %add3A_850, %get3A_929 : vector<16xf32>
    %add3A_971 = arith.addf %add3A_851, %get3A_931 : vector<16xf32>
    %get3A_972 = arith.constant 5128 : index
    %get3A_973 = tpu.vector_load %arg6[%get3A_972] {strides = array<i32>} : memref<10368xf32, #tpu.memory_space<vmem>>, vector<16xf32>,
    %get3A_974 = arith.constant 5144 : index
    %get3A_975 = tpu.vector_load %arg6[%get3A_974] {strides = array<i32>} : memref<10368xf32, #tpu.memory_space<vmem>>, vector<16xf32>,
    %get3A_976 = arith.constant 5160 : index
    %get3A_977 = tpu.vector_load %arg6[%get3A_976] {strides = array<i32>} : memref<10368xf32, #tpu.memory_space<vmem>>, vector<16xf32>,
    %get3A_978 = arith.constant 5176 : index
    %get3A_979 = tpu.vector_load %arg6[%get3A_978] {strides = array<i32>} : memref<10368xf32, #tpu.memory_space<vmem>>, vector<16xf32>,
    %get3A_980 = arith.constant 5192 : index
    %get3A_981 = tpu.vector_load %arg6[%get3A_980] {strides = array<i32>} : memref<10368xf32, #tpu.memory_space<vmem>>, vector<16xf32>,
    %get3A_982 = arith.constant 5208 : index
    %get3A_983 = tpu.vector_load %arg6[%get3A_982] {strides = array<i32>} : memref<10368xf32, #tpu.memory_space<vmem>>, vector<16xf32>,
    %get3A_984 = arith.constant 5224 : index
    %get3A_985 = tpu.vector_load %arg6[%get3A_984] {strides = array<i32>} : memref<10368xf32, #tpu.memory_space<vmem>>, vector<16xf32>,
    %get3A_986 = arith.constant 5240 : index
    %get3A_987 = tpu.vector_load %arg6[%get3A_986] {strides = array<i32>} : memref<10368xf32, #tpu.memory_space<vmem>>, vector<16xf32>,
    %get3A_988 = arith.constant 5256 : index
    %get3A_989 = tpu.vector_load %arg6[%get3A_988] {strides = array<i32>} : memref<10368xf32, #tpu.memory_space<vmem>>, vector<16xf32>,
    %get3A_990 = arith.constant 5272 : index
    %get3A_991 = tpu.vector_load %arg6[%get3A_990] {strides = array<i32>} : memref<10368xf32, #tpu.memory_space<vmem>>, vector<16xf32>,
    %get3A_992 = arith.constant 5288 : index
    %get3A_993 = tpu.vector_load %arg6[%get3A_992] {strides = array<i32>} : memref<10368xf32, #tpu.memory_space<vmem>>, vector<16xf32>,
    %get3A_994 = arith.constant 5304 : index
    %get3A_995 = tpu.vector_load %arg6[%get3A_994] {strides = array<i32>} : memref<10368xf32, #tpu.memory_space<vmem>>, vector<16xf32>,
    %get3A_996 = arith.constant 5320 : index
    %get3A_997 = tpu.vector_load %arg6[%get3A_996] {strides = array<i32>} : memref<10368xf32, #tpu.memory_space<vmem>>, vector<16xf32>,
    %get3A_998 = arith.constant 5336 : index
    %get3A_999 = tpu.vector_load %arg6[%get3A_998] {strides = array<i32>} : memref<10368xf32, #tpu.memory_space<vmem>>, vector<16xf32>,
    %get3A_1000 = arith.constant 5352 : index
    %get3A_1001 = tpu.vector_load %arg6[%get3A_1000] {strides = array<i32>} : memref<10368xf32, #tpu.memory_space<vmem>>, vector<16xf32>,
    %get3A_1002 = arith.constant 5368 : index
    %get3A_1003 = tpu.vector_load %arg6[%get3A_1002] {strides = array<i32>} : memref<10368xf32, #tpu.memory_space<vmem>>, vector<16xf32>,
    %get3A_1004 = arith.constant 5384 : index
    %get3A_1005 = tpu.vector_load %arg6[%get3A_1004] {strides = array<i32>} : memref<10368xf32, #tpu.memory_space<vmem>>, vector<16xf32>,
    %get3A_1006 = arith.constant 5400 : index
    %get3A_1007 = tpu.vector_load %arg6[%get3A_1006] {strides = array<i32>} : memref<10368xf32, #tpu.memory_space<vmem>>, vector<16xf32>,
    %get3A_1008 = arith.constant 5416 : index
    %get3A_1009 = tpu.vector_load %arg6[%get3A_1008] {strides = array<i32>} : memref<10368xf32, #tpu.memory_space<vmem>>, vector<16xf32>,
    %get3A_1010 = arith.constant 5432 : index
    %get3A_1011 = tpu.vector_load %arg6[%get3A_1010] {strides = array<i32>} : memref<10368xf32, #tpu.memory_space<vmem>>, vector<16xf32>,
    %get3A_1012 = arith.constant 5448 : index
    %get3A_1013 = tpu.vector_load %arg6[%get3A_1012] {strides = array<i32>} : memref<10368xf32, #tpu.memory_space<vmem>>, vector<16xf32>,
    %get3A_1014 = arith.constant 5464 : index
    %get3A_1015 = tpu.vector_load %arg6[%get3A_1014] {strides = array<i32>} : memref<10368xf32, #tpu.memory_space<vmem>>, vector<16xf32>,
    %get3A_1016 = arith.constant 5480 : index
    %get3A_1017 = tpu.vector_load %arg6[%get3A_1016] {strides = array<i32>} : memref<10368xf32, #tpu.memory_space<vmem>>, vector<16xf32>,
    %get3A_1018 = arith.constant 5496 : index
    %get3A_1019 = tpu.vector_load %arg6[%get3A_1018] {strides = array<i32>} : memref<10368xf32, #tpu.memory_space<vmem>>, vector<16xf32>,
    %get3A_1020 = arith.constant 5512 : index
    %get3A_1021 = tpu.vector_load %arg6[%get3A_1020] {strides = array<i32>} : memref<10368xf32, #tpu.memory_space<vmem>>, vector<16xf32>,
    %get3A_1022 = arith.constant 5528 : index
    %get3A_1023 = tpu.vector_load %arg6[%get3A_1022] {strides = array<i32>} : memref<10368xf32, #tpu.memory_space<vmem>>, vector<16xf32>,
    %get3A_1024 = arith.constant 5544 : index
    %get3A_1025 = tpu.vector_load %arg6[%get3A_1024] {strides = array<i32>} : memref<10368xf32, #tpu.memory_space<vmem>>, vector<16xf32>,
    %get3A_1026 = arith.constant 5560 : index
    %get3A_1027 = tpu.vector_load %arg6[%get3A_1026] {strides = array<i32>} : memref<10368xf32, #tpu.memory_space<vmem>>, vector<16xf32>,
    %get3A_1028 = arith.constant 5576 : index
    %get3A_1029 = tpu.vector_load %arg6[%get3A_1028] {strides = array<i32>} : memref<10368xf32, #tpu.memory_space<vmem>>, vector<16xf32>,
    %get3A_1030 = arith.constant 5592 : index
    %get3A_1031 = tpu.vector_load %arg6[%get3A_1030] {strides = array<i32>} : memref<10368xf32, #tpu.memory_space<vmem>>, vector<16xf32>,
    %get3A_1032 = arith.constant 5608 : index
    %get3A_1033 = tpu.vector_load %arg6[%get3A_1032] {strides = array<i32>} : memref<10368xf32, #tpu.memory_space<vmem>>, vector<16xf32>,
    %get3A_1034 = arith.constant 5624 : index
    %get3A_1035 = tpu.vector_load %arg6[%get3A_1034] {strides = array<i32>} : memref<10368xf32, #tpu.memory_space<vmem>>, vector<16xf32>,
    %get3A_1036 = arith.constant 5640 : index
    %get3A_1037 = tpu.vector_load %arg6[%get3A_1036] {strides = array<i32>} : memref<10368xf32, #tpu.memory_space<vmem>>, vector<16xf32>,
    %get3A_1038 = arith.constant 5656 : index
    %get3A_1039 = tpu.vector_load %arg6[%get3A_1038] {strides = array<i32>} : memref<10368xf32, #tpu.memory_space<vmem>>, vector<16xf32>,
    %get3A_1040 = arith.constant 5672 : index
    %get3A_1041 = tpu.vector_load %arg6[%get3A_1040] {strides = array<i32>} : memref<10368xf32, #tpu.memory_space<vmem>>, vector<16xf32>,
    %get3A_1042 = arith.constant 5688 : index
    %get3A_1043 = tpu.vector_load %arg6[%get3A_1042] {strides = array<i32>} : memref<10368xf32, #tpu.memory_space<vmem>>, vector<16xf32>,
    %get3A_1044 = arith.constant 5704 : index
    %get3A_1045 = tpu.vector_load %arg6[%get3A_1044] {strides = array<i32>} : memref<10368xf32, #tpu.memory_space<vmem>>, vector<16xf32>,
    %get3A_1046 = arith.constant 5720 : index
    %get3A_1047 = tpu.vector_load %arg6[%get3A_1046] {strides = array<i32>} : memref<10368xf32, #tpu.memory_space<vmem>>, vector<16xf32>,
    %get3A_1048 = arith.constant 5736 : index
    %get3A_1049 = tpu.vector_load %arg6[%get3A_1048] {strides = array<i32>} : memref<10368xf32, #tpu.memory_space<vmem>>, vector<16xf32>,
    %get3A_1050 = arith.constant 5752 : index
    %get3A_1051 = tpu.vector_load %arg6[%get3A_1050] {strides = array<i32>} : memref<10368xf32, #tpu.memory_space<vmem>>, vector<16xf32>,
    %add3A_1052 = arith.addf %add3A_932, %get3A_973 : vector<16xf32>
    %add3A_1053 = arith.addf %add3A_933, %get3A_975 : vector<16xf32>
    %add3A_1054 = arith.addf %add3A_934, %get3A_977 : vector<16xf32>
    %add3A_1055 = arith.addf %add3A_935, %get3A_979 : vector<16xf32>
    %add3A_1056 = arith.addf %add3A_936, %get3A_981 : vector<16xf32>
    %add3A_1057 = arith.addf %add3A_937, %get3A_983 : vector<16xf32>
    %add3A_1058 = arith.addf %add3A_938, %get3A_985 : vector<16xf32>
    %add3A_1059 = arith.addf %add3A_939, %get3A_987 : vector<16xf32>
    %add3A_1060 = arith.addf %add3A_940, %get3A_989 : vector<16xf32>
    %add3A_1061 = arith.addf %add3A_941, %get3A_991 : vector<16xf32>
    %add3A_1062 = arith.addf %add3A_942, %get3A_993 : vector<16xf32>
    %add3A_1063 = arith.addf %add3A_943, %get3A_995 : vector<16xf32>
    %add3A_1064 = arith.addf %add3A_944, %get3A_997 : vector<16xf32>
    %add3A_1065 = arith.addf %add3A_945, %get3A_999 : vector<16xf32>
    %add3A_1066 = arith.addf %add3A_946, %get3A_1001 : vector<16xf32>
    %add3A_1067 = arith.addf %add3A_947, %get3A_1003 : vector<16xf32>
    %add3A_1068 = arith.addf %add3A_948, %get3A_1005 : vector<16xf32>
    %add3A_1069 = arith.addf %add3A_949, %get3A_1007 : vector<16xf32>
    %add3A_1070 = arith.addf %add3A_950, %get3A_1009 : vector<16xf32>
    %add3A_1071 = arith.addf %add3A_951, %get3A_1011 : vector<16xf32>
    %add3A_1072 = arith.addf %add3A_952, %get3A_1013 : vector<16xf32>
    %add3A_1073 = arith.addf %add3A_953, %get3A_1015 : vector<16xf32>
    %add3A_1074 = arith.addf %add3A_954, %get3A_1017 : vector<16xf32>
    %add3A_1075 = arith.addf %add3A_955, %get3A_1019 : vector<16xf32>
    %add3A_1076 = arith.addf %add3A_956, %get3A_1021 : vector<16xf32>
    %add3A_1077 = arith.addf %add3A_957, %get3A_1023 : vector<16xf32>
    %add3A_1078 = arith.addf %add3A_958, %get3A_1025 : vector<16xf32>
    %add3A_1079 = arith.addf %add3A_959, %get3A_1027 : vector<16xf32>
    %add3A_1080 = arith.addf %add3A_960, %get3A_1029 : vector<16xf32>
    %add3A_1081 = arith.addf %add3A_961, %get3A_1031 : vector<16xf32>
    %add3A_1082 = arith.addf %add3A_962, %get3A_1033 : vector<16xf32>
    %add3A_1083 = arith.addf %add3A_963, %get3A_1035 : vector<16xf32>
    %add3A_1084 = arith.addf %add3A_964, %get3A_1037 : vector<16xf32>
    %add3A_1085 = arith.addf %add3A_965, %get3A_1039 : vector<16xf32>
    %add3A_1086 = arith.addf %add3A_966, %get3A_1041 : vector<16xf32>
    %add3A_1087 = arith.addf %add3A_967, %get3A_1043 : vector<16xf32>
    %add3A_1088 = arith.addf %add3A_968, %get3A_1045 : vector<16xf32>
    %add3A_1089 = arith.addf %add3A_969, %get3A_1047 : vector<16xf32>
    %add3A_1090 = arith.addf %add3A_970, %get3A_1049 : vector<16xf32>
    %add3A_1091 = arith.addf %add3A_971, %get3A_1051 : vector<16xf32>
    %get3A_1092 = arith.constant 5769 : index
    %get3A_1093 = tpu.vector_load %arg6[%get3A_1092] {strides = array<i32>} : memref<10368xf32, #tpu.memory_space<vmem>>, vector<16xf32>,
    %get3A_1094 = arith.constant 5785 : index
    %get3A_1095 = tpu.vector_load %arg6[%get3A_1094] {strides = array<i32>} : memref<10368xf32, #tpu.memory_space<vmem>>, vector<16xf32>,
    %get3A_1096 = arith.constant 5801 : index
    %get3A_1097 = tpu.vector_load %arg6[%get3A_1096] {strides = array<i32>} : memref<10368xf32, #tpu.memory_space<vmem>>, vector<16xf32>,
    %get3A_1098 = arith.constant 5817 : index
    %get3A_1099 = tpu.vector_load %arg6[%get3A_1098] {strides = array<i32>} : memref<10368xf32, #tpu.memory_space<vmem>>, vector<16xf32>,
    %get3A_1100 = arith.constant 5833 : index
    %get3A_1101 = tpu.vector_load %arg6[%get3A_1100] {strides = array<i32>} : memref<10368xf32, #tpu.memory_space<vmem>>, vector<16xf32>,
    %get3A_1102 = arith.constant 5849 : index
    %get3A_1103 = tpu.vector_load %arg6[%get3A_1102] {strides = array<i32>} : memref<10368xf32, #tpu.memory_space<vmem>>, vector<16xf32>,
    %get3A_1104 = arith.constant 5865 : index
    %get3A_1105 = tpu.vector_load %arg6[%get3A_1104] {strides = array<i32>} : memref<10368xf32, #tpu.memory_space<vmem>>, vector<16xf32>,
    %get3A_1106 = arith.constant 5881 : index
    %get3A_1107 = tpu.vector_load %arg6[%get3A_1106] {strides = array<i32>} : memref<10368xf32, #tpu.memory_space<vmem>>, vector<16xf32>,
    %get3A_1108 = arith.constant 5897 : index
    %get3A_1109 = tpu.vector_load %arg6[%get3A_1108] {strides = array<i32>} : memref<10368xf32, #tpu.memory_space<vmem>>, vector<16xf32>,
    %get3A_1110 = arith.constant 5913 : index
    %get3A_1111 = tpu.vector_load %arg6[%get3A_1110] {strides = array<i32>} : memref<10368xf32, #tpu.memory_space<vmem>>, vector<16xf32>,
    %get3A_1112 = arith.constant 5929 : index
    %get3A_1113 = tpu.vector_load %arg6[%get3A_1112] {strides = array<i32>} : memref<10368xf32, #tpu.memory_space<vmem>>, vector<16xf32>,
    %get3A_1114 = arith.constant 5945 : index
    %get3A_1115 = tpu.vector_load %arg6[%get3A_1114] {strides = array<i32>} : memref<10368xf32, #tpu.memory_space<vmem>>, vector<16xf32>,
    %get3A_1116 = arith.constant 5961 : index
    %get3A_1117 = tpu.vector_load %arg6[%get3A_1116] {strides = array<i32>} : memref<10368xf32, #tpu.memory_space<vmem>>, vector<16xf32>,
    %get3A_1118 = arith.constant 5977 : index
    %get3A_1119 = tpu.vector_load %arg6[%get3A_1118] {strides = array<i32>} : memref<10368xf32, #tpu.memory_space<vmem>>, vector<16xf32>,
    %get3A_1120 = arith.constant 5993 : index
    %get3A_1121 = tpu.vector_load %arg6[%get3A_1120] {strides = array<i32>} : memref<10368xf32, #tpu.memory_space<vmem>>, vector<16xf32>,
    %get3A_1122 = arith.constant 6009 : index
    %get3A_1123 = tpu.vector_load %arg6[%get3A_1122] {strides = array<i32>} : memref<10368xf32, #tpu.memory_space<vmem>>, vector<16xf32>,
    %get3A_1124 = arith.constant 6025 : index
    %get3A_1125 = tpu.vector_load %arg6[%get3A_1124] {strides = array<i32>} : memref<10368xf32, #tpu.memory_space<vmem>>, vector<16xf32>,
    %get3A_1126 = arith.constant 6041 : index
    %get3A_1127 = tpu.vector_load %arg6[%get3A_1126] {strides = array<i32>} : memref<10368xf32, #tpu.memory_space<vmem>>, vector<16xf32>,
    %get3A_1128 = arith.constant 6057 : index
    %get3A_1129 = tpu.vector_load %arg6[%get3A_1128] {strides = array<i32>} : memref<10368xf32, #tpu.memory_space<vmem>>, vector<16xf32>,
    %get3A_1130 = arith.constant 6073 : index
    %get3A_1131 = tpu.vector_load %arg6[%get3A_1130] {strides = array<i32>} : memref<10368xf32, #tpu.memory_space<vmem>>, vector<16xf32>,
    %get3A_1132 = arith.constant 6089 : index
    %get3A_1133 = tpu.vector_load %arg6[%get3A_1132] {strides = array<i32>} : memref<10368xf32, #tpu.memory_space<vmem>>, vector<16xf32>,
    %get3A_1134 = arith.constant 6105 : index
    %get3A_1135 = tpu.vector_load %arg6[%get3A_1134] {strides = array<i32>} : memref<10368xf32, #tpu.memory_space<vmem>>, vector<16xf32>,
    %get3A_1136 = arith.constant 6121 : index
    %get3A_1137 = tpu.vector_load %arg6[%get3A_1136] {strides = array<i32>} : memref<10368xf32, #tpu.memory_space<vmem>>, vector<16xf32>,
    %get3A_1138 = arith.constant 6137 : index
    %get3A_1139 = tpu.vector_load %arg6[%get3A_1138] {strides = array<i32>} : memref<10368xf32, #tpu.memory_space<vmem>>, vector<16xf32>,
    %get3A_1140 = arith.constant 6153 : index
    %get3A_1141 = tpu.vector_load %arg6[%get3A_1140] {strides = array<i32>} : memref<10368xf32, #tpu.memory_space<vmem>>, vector<16xf32>,
    %get3A_1142 = arith.constant 6169 : index
    %get3A_1143 = tpu.vector_load %arg6[%get3A_1142] {strides = array<i32>} : memref<10368xf32, #tpu.memory_space<vmem>>, vector<16xf32>,
    %get3A_1144 = arith.constant 6185 : index
    %get3A_1145 = tpu.vector_load %arg6[%get3A_1144] {strides = array<i32>} : memref<10368xf32, #tpu.memory_space<vmem>>, vector<16xf32>,
    %get3A_1146 = arith.constant 6201 : index
    %get3A_1147 = tpu.vector_load %arg6[%get3A_1146] {strides = array<i32>} : memref<10368xf32, #tpu.memory_space<vmem>>, vector<16xf32>,
    %get3A_1148 = arith.constant 6217 : index
    %get3A_1149 = tpu.vector_load %arg6[%get3A_1148] {strides = array<i32>} : memref<10368xf32, #tpu.memory_space<vmem>>, vector<16xf32>,
    %get3A_1150 = arith.constant 6233 : index
    %get3A_1151 = tpu.vector_load %arg6[%get3A_1150] {strides = array<i32>} : memref<10368xf32, #tpu.memory_space<vmem>>, vector<16xf32>,
    %get3A_1152 = arith.constant 6249 : index
    %get3A_1153 = tpu.vector_load %arg6[%get3A_1152] {strides = array<i32>} : memref<10368xf32, #tpu.memory_space<vmem>>, vector<16xf32>,
    %get3A_1154 = arith.constant 6265 : index
    %get3A_1155 = tpu.vector_load %arg6[%get3A_1154] {strides = array<i32>} : memref<10368xf32, #tpu.memory_space<vmem>>, vector<16xf32>,
    %get3A_1156 = arith.constant 6281 : index
    %get3A_1157 = tpu.vector_load %arg6[%get3A_1156] {strides = array<i32>} : memref<10368xf32, #tpu.memory_space<vmem>>, vector<16xf32>,
    %get3A_1158 = arith.constant 6297 : index
    %get3A_1159 = tpu.vector_load %arg6[%get3A_1158] {strides = array<i32>} : memref<10368xf32, #tpu.memory_space<vmem>>, vector<16xf32>,
    %get3A_1160 = arith.constant 6313 : index
    %get3A_1161 = tpu.vector_load %arg6[%get3A_1160] {strides = array<i32>} : memref<10368xf32, #tpu.memory_space<vmem>>, vector<16xf32>,
    %get3A_1162 = arith.constant 6329 : index
    %get3A_1163 = tpu.vector_load %arg6[%get3A_1162] {strides = array<i32>} : memref<10368xf32, #tpu.memory_space<vmem>>, vector<16xf32>,
    %get3A_1164 = arith.constant 6345 : index
    %get3A_1165 = tpu.vector_load %arg6[%get3A_1164] {strides = array<i32>} : memref<10368xf32, #tpu.memory_space<vmem>>, vector<16xf32>,
    %get3A_1166 = arith.constant 6361 : index
    %get3A_1167 = tpu.vector_load %arg6[%get3A_1166] {strides = array<i32>} : memref<10368xf32, #tpu.memory_space<vmem>>, vector<16xf32>,
    %get3A_1168 = arith.constant 6377 : index
    %get3A_1169 = tpu.vector_load %arg6[%get3A_1168] {strides = array<i32>} : memref<10368xf32, #tpu.memory_space<vmem>>, vector<16xf32>,
    %get3A_1170 = arith.constant 6393 : index
    %get3A_1171 = tpu.vector_load %arg6[%get3A_1170] {strides = array<i32>} : memref<10368xf32, #tpu.memory_space<vmem>>, vector<16xf32>,
    %add3A_1172 = arith.addf %add3A_1052, %get3A_1093 : vector<16xf32>
    %add3A_1173 = arith.addf %add3A_1053, %get3A_1095 : vector<16xf32>
    %add3A_1174 = arith.addf %add3A_1054, %get3A_1097 : vector<16xf32>
    %add3A_1175 = arith.addf %add3A_1055, %get3A_1099 : vector<16xf32>
    %add3A_1176 = arith.addf %add3A_1056, %get3A_1101 : vector<16xf32>
    %add3A_1177 = arith.addf %add3A_1057, %get3A_1103 : vector<16xf32>
    %add3A_1178 = arith.addf %add3A_1058, %get3A_1105 : vector<16xf32>
    %add3A_1179 = arith.addf %add3A_1059, %get3A_1107 : vector<16xf32>
    %add3A_1180 = arith.addf %add3A_1060, %get3A_1109 : vector<16xf32>
    %add3A_1181 = arith.addf %add3A_1061, %get3A_1111 : vector<16xf32>
    %add3A_1182 = arith.addf %add3A_1062, %get3A_1113 : vector<16xf32>
    %add3A_1183 = arith.addf %add3A_1063, %get3A_1115 : vector<16xf32>
    %add3A_1184 = arith.addf %add3A_1064, %get3A_1117 : vector<16xf32>
    %add3A_1185 = arith.addf %add3A_1065, %get3A_1119 : vector<16xf32>
    %add3A_1186 = arith.addf %add3A_1066, %get3A_1121 : vector<16xf32>
    %add3A_1187 = arith.addf %add3A_1067, %get3A_1123 : vector<16xf32>
    %add3A_1188 = arith.addf %add3A_1068, %get3A_1125 : vector<16xf32>
    %add3A_1189 = arith.addf %add3A_1069, %get3A_1127 : vector<16xf32>
    %add3A_1190 = arith.addf %add3A_1070, %get3A_1129 : vector<16xf32>
    %add3A_1191 = arith.addf %add3A_1071, %get3A_1131 : vector<16xf32>
    %add3A_1192 = arith.addf %add3A_1072, %get3A_1133 : vector<16xf32>
    %add3A_1193 = arith.addf %add3A_1073, %get3A_1135 : vector<16xf32>
    %add3A_1194 = arith.addf %add3A_1074, %get3A_1137 : vector<16xf32>
    %add3A_1195 = arith.addf %add3A_1075, %get3A_1139 : vector<16xf32>
    %add3A_1196 = arith.addf %add3A_1076, %get3A_1141 : vector<16xf32>
    %add3A_1197 = arith.addf %add3A_1077, %get3A_1143 : vector<16xf32>
    %add3A_1198 = arith.addf %add3A_1078, %get3A_1145 : vector<16xf32>
    %add3A_1199 = arith.addf %add3A_1079, %get3A_1147 : vector<16xf32>
    %add3A_1200 = arith.addf %add3A_1080, %get3A_1149 : vector<16xf32>
    %add3A_1201 = arith.addf %add3A_1081, %get3A_1151 : vector<16xf32>
    %add3A_1202 = arith.addf %add3A_1082, %get3A_1153 : vector<16xf32>
    %add3A_1203 = arith.addf %add3A_1083, %get3A_1155 : vector<16xf32>
    %add3A_1204 = arith.addf %add3A_1084, %get3A_1157 : vector<16xf32>
    %add3A_1205 = arith.addf %add3A_1085, %get3A_1159 : vector<16xf32>
    %add3A_1206 = arith.addf %add3A_1086, %get3A_1161 : vector<16xf32>
    %add3A_1207 = arith.addf %add3A_1087, %get3A_1163 : vector<16xf32>
    %add3A_1208 = arith.addf %add3A_1088, %get3A_1165 : vector<16xf32>
    %add3A_1209 = arith.addf %add3A_1089, %get3A_1167 : vector<16xf32>
    %add3A_1210 = arith.addf %add3A_1090, %get3A_1169 : vector<16xf32>
    %add3A_1211 = arith.addf %add3A_1091, %get3A_1171 : vector<16xf32>
    %get3A_1212 = arith.constant 6410 : index
    %get3A_1213 = tpu.vector_load %arg6[%get3A_1212] {strides = array<i32>} : memref<10368xf32, #tpu.memory_space<vmem>>, vector<16xf32>,
    %get3A_1214 = arith.constant 6426 : index
    %get3A_1215 = tpu.vector_load %arg6[%get3A_1214] {strides = array<i32>} : memref<10368xf32, #tpu.memory_space<vmem>>, vector<16xf32>,
    %get3A_1216 = arith.constant 6442 : index
    %get3A_1217 = tpu.vector_load %arg6[%get3A_1216] {strides = array<i32>} : memref<10368xf32, #tpu.memory_space<vmem>>, vector<16xf32>,
    %get3A_1218 = arith.constant 6458 : index
    %get3A_1219 = tpu.vector_load %arg6[%get3A_1218] {strides = array<i32>} : memref<10368xf32, #tpu.memory_space<vmem>>, vector<16xf32>,
    %get3A_1220 = arith.constant 6474 : index
    %get3A_1221 = tpu.vector_load %arg6[%get3A_1220] {strides = array<i32>} : memref<10368xf32, #tpu.memory_space<vmem>>, vector<16xf32>,
    %get3A_1222 = arith.constant 6490 : index
    %get3A_1223 = tpu.vector_load %arg6[%get3A_1222] {strides = array<i32>} : memref<10368xf32, #tpu.memory_space<vmem>>, vector<16xf32>,
    %get3A_1224 = arith.constant 6506 : index
    %get3A_1225 = tpu.vector_load %arg6[%get3A_1224] {strides = array<i32>} : memref<10368xf32, #tpu.memory_space<vmem>>, vector<16xf32>,
    %get3A_1226 = arith.constant 6522 : index
    %get3A_1227 = tpu.vector_load %arg6[%get3A_1226] {strides = array<i32>} : memref<10368xf32, #tpu.memory_space<vmem>>, vector<16xf32>,
    %get3A_1228 = arith.constant 6538 : index
    %get3A_1229 = tpu.vector_load %arg6[%get3A_1228] {strides = array<i32>} : memref<10368xf32, #tpu.memory_space<vmem>>, vector<16xf32>,
    %get3A_1230 = arith.constant 6554 : index
    %get3A_1231 = tpu.vector_load %arg6[%get3A_1230] {strides = array<i32>} : memref<10368xf32, #tpu.memory_space<vmem>>, vector<16xf32>,
    %get3A_1232 = arith.constant 6570 : index
    %get3A_1233 = tpu.vector_load %arg6[%get3A_1232] {strides = array<i32>} : memref<10368xf32, #tpu.memory_space<vmem>>, vector<16xf32>,
    %get3A_1234 = arith.constant 6586 : index
    %get3A_1235 = tpu.vector_load %arg6[%get3A_1234] {strides = array<i32>} : memref<10368xf32, #tpu.memory_space<vmem>>, vector<16xf32>,
    %get3A_1236 = arith.constant 6602 : index
    %get3A_1237 = tpu.vector_load %arg6[%get3A_1236] {strides = array<i32>} : memref<10368xf32, #tpu.memory_space<vmem>>, vector<16xf32>,
    %get3A_1238 = arith.constant 6618 : index
    %get3A_1239 = tpu.vector_load %arg6[%get3A_1238] {strides = array<i32>} : memref<10368xf32, #tpu.memory_space<vmem>>, vector<16xf32>,
    %get3A_1240 = arith.constant 6634 : index
    %get3A_1241 = tpu.vector_load %arg6[%get3A_1240] {strides = array<i32>} : memref<10368xf32, #tpu.memory_space<vmem>>, vector<16xf32>,
    %get3A_1242 = arith.constant 6650 : index
    %get3A_1243 = tpu.vector_load %arg6[%get3A_1242] {strides = array<i32>} : memref<10368xf32, #tpu.memory_space<vmem>>, vector<16xf32>,
    %get3A_1244 = arith.constant 6666 : index
    %get3A_1245 = tpu.vector_load %arg6[%get3A_1244] {strides = array<i32>} : memref<10368xf32, #tpu.memory_space<vmem>>, vector<16xf32>,
    %get3A_1246 = arith.constant 6682 : index
    %get3A_1247 = tpu.vector_load %arg6[%get3A_1246] {strides = array<i32>} : memref<10368xf32, #tpu.memory_space<vmem>>, vector<16xf32>,
    %get3A_1248 = arith.constant 6698 : index
    %get3A_1249 = tpu.vector_load %arg6[%get3A_1248] {strides = array<i32>} : memref<10368xf32, #tpu.memory_space<vmem>>, vector<16xf32>,
    %get3A_1250 = arith.constant 6714 : index
    %get3A_1251 = tpu.vector_load %arg6[%get3A_1250] {strides = array<i32>} : memref<10368xf32, #tpu.memory_space<vmem>>, vector<16xf32>,
    %get3A_1252 = arith.constant 6730 : index
    %get3A_1253 = tpu.vector_load %arg6[%get3A_1252] {strides = array<i32>} : memref<10368xf32, #tpu.memory_space<vmem>>, vector<16xf32>,
    %get3A_1254 = arith.constant 6746 : index
    %get3A_1255 = tpu.vector_load %arg6[%get3A_1254] {strides = array<i32>} : memref<10368xf32, #tpu.memory_space<vmem>>, vector<16xf32>,
    %get3A_1256 = arith.constant 6762 : index
    %get3A_1257 = tpu.vector_load %arg6[%get3A_1256] {strides = array<i32>} : memref<10368xf32, #tpu.memory_space<vmem>>, vector<16xf32>,
    %get3A_1258 = arith.constant 6778 : index
    %get3A_1259 = tpu.vector_load %arg6[%get3A_1258] {strides = array<i32>} : memref<10368xf32, #tpu.memory_space<vmem>>, vector<16xf32>,
    %get3A_1260 = arith.constant 6794 : index
    %get3A_1261 = tpu.vector_load %arg6[%get3A_1260] {strides = array<i32>} : memref<10368xf32, #tpu.memory_space<vmem>>, vector<16xf32>,
    %get3A_1262 = arith.constant 6810 : index
    %get3A_1263 = tpu.vector_load %arg6[%get3A_1262] {strides = array<i32>} : memref<10368xf32, #tpu.memory_space<vmem>>, vector<16xf32>,
    %get3A_1264 = arith.constant 6826 : index
    %get3A_1265 = tpu.vector_load %arg6[%get3A_1264] {strides = array<i32>} : memref<10368xf32, #tpu.memory_space<vmem>>, vector<16xf32>,
    %get3A_1266 = arith.constant 6842 : index
    %get3A_1267 = tpu.vector_load %arg6[%get3A_1266] {strides = array<i32>} : memref<10368xf32, #tpu.memory_space<vmem>>, vector<16xf32>,
    %get3A_1268 = arith.constant 6858 : index
    %get3A_1269 = tpu.vector_load %arg6[%get3A_1268] {strides = array<i32>} : memref<10368xf32, #tpu.memory_space<vmem>>, vector<16xf32>,
    %get3A_1270 = arith.constant 6874 : index
    %get3A_1271 = tpu.vector_load %arg6[%get3A_1270] {strides = array<i32>} : memref<10368xf32, #tpu.memory_space<vmem>>, vector<16xf32>,
    %get3A_1272 = arith.constant 6890 : index
    %get3A_1273 = tpu.vector_load %arg6[%get3A_1272] {strides = array<i32>} : memref<10368xf32, #tpu.memory_space<vmem>>, vector<16xf32>,
    %get3A_1274 = arith.constant 6906 : index
    %get3A_1275 = tpu.vector_load %arg6[%get3A_1274] {strides = array<i32>} : memref<10368xf32, #tpu.memory_space<vmem>>, vector<16xf32>,
    %get3A_1276 = arith.constant 6922 : index
    %get3A_1277 = tpu.vector_load %arg6[%get3A_1276] {strides = array<i32>} : memref<10368xf32, #tpu.memory_space<vmem>>, vector<16xf32>,
    %get3A_1278 = arith.constant 6938 : index
    %get3A_1279 = tpu.vector_load %arg6[%get3A_1278] {strides = array<i32>} : memref<10368xf32, #tpu.memory_space<vmem>>, vector<16xf32>,
    %get3A_1280 = arith.constant 6954 : index
    %get3A_1281 = tpu.vector_load %arg6[%get3A_1280] {strides = array<i32>} : memref<10368xf32, #tpu.memory_space<vmem>>, vector<16xf32>,
    %get3A_1282 = arith.constant 6970 : index
    %get3A_1283 = tpu.vector_load %arg6[%get3A_1282] {strides = array<i32>} : memref<10368xf32, #tpu.memory_space<vmem>>, vector<16xf32>,
    %get3A_1284 = arith.constant 6986 : index
    %get3A_1285 = tpu.vector_load %arg6[%get3A_1284] {strides = array<i32>} : memref<10368xf32, #tpu.memory_space<vmem>>, vector<16xf32>,
    %get3A_1286 = arith.constant 7002 : index
    %get3A_1287 = tpu.vector_load %arg6[%get3A_1286] {strides = array<i32>} : memref<10368xf32, #tpu.memory_space<vmem>>, vector<16xf32>,
    %get3A_1288 = arith.constant 7018 : index
    %get3A_1289 = tpu.vector_load %arg6[%get3A_1288] {strides = array<i32>} : memref<10368xf32, #tpu.memory_space<vmem>>, vector<16xf32>,
    %get3A_1290 = arith.constant 7034 : index
    %get3A_1291 = tpu.vector_load %arg6[%get3A_1290] {strides = array<i32>} : memref<10368xf32, #tpu.memory_space<vmem>>, vector<16xf32>,
    %add3A_1292 = arith.addf %add3A_1172, %get3A_1213 : vector<16xf32>
    %add3A_1293 = arith.addf %add3A_1173, %get3A_1215 : vector<16xf32>
    %add3A_1294 = arith.addf %add3A_1174, %get3A_1217 : vector<16xf32>
    %add3A_1295 = arith.addf %add3A_1175, %get3A_1219 : vector<16xf32>
    %add3A_1296 = arith.addf %add3A_1176, %get3A_1221 : vector<16xf32>
    %add3A_1297 = arith.addf %add3A_1177, %get3A_1223 : vector<16xf32>
    %add3A_1298 = arith.addf %add3A_1178, %get3A_1225 : vector<16xf32>
    %add3A_1299 = arith.addf %add3A_1179, %get3A_1227 : vector<16xf32>
    %add3A_1300 = arith.addf %add3A_1180, %get3A_1229 : vector<16xf32>
    %add3A_1301 = arith.addf %add3A_1181, %get3A_1231 : vector<16xf32>
    %add3A_1302 = arith.addf %add3A_1182, %get3A_1233 : vector<16xf32>
    %add3A_1303 = arith.addf %add3A_1183, %get3A_1235 : vector<16xf32>
    %add3A_1304 = arith.addf %add3A_1184, %get3A_1237 : vector<16xf32>
    %add3A_1305 = arith.addf %add3A_1185, %get3A_1239 : vector<16xf32>
    %add3A_1306 = arith.addf %add3A_1186, %get3A_1241 : vector<16xf32>
    %add3A_1307 = arith.addf %add3A_1187, %get3A_1243 : vector<16xf32>
    %add3A_1308 = arith.addf %add3A_1188, %get3A_1245 : vector<16xf32>
    %add3A_1309 = arith.addf %add3A_1189, %get3A_1247 : vector<16xf32>
    %add3A_1310 = arith.addf %add3A_1190, %get3A_1249 : vector<16xf32>
    %add3A_1311 = arith.addf %add3A_1191, %get3A_1251 : vector<16xf32>
    %add3A_1312 = arith.addf %add3A_1192, %get3A_1253 : vector<16xf32>
    %add3A_1313 = arith.addf %add3A_1193, %get3A_1255 : vector<16xf32>
    %add3A_1314 = arith.addf %add3A_1194, %get3A_1257 : vector<16xf32>
    %add3A_1315 = arith.addf %add3A_1195, %get3A_1259 : vector<16xf32>
    %add3A_1316 = arith.addf %add3A_1196, %get3A_1261 : vector<16xf32>
    %add3A_1317 = arith.addf %add3A_1197, %get3A_1263 : vector<16xf32>
    %add3A_1318 = arith.addf %add3A_1198, %get3A_1265 : vector<16xf32>
    %add3A_1319 = arith.addf %add3A_1199, %get3A_1267 : vector<16xf32>
    %add3A_1320 = arith.addf %add3A_1200, %get3A_1269 : vector<16xf32>
    %add3A_1321 = arith.addf %add3A_1201, %get3A_1271 : vector<16xf32>
    %add3A_1322 = arith.addf %add3A_1202, %get3A_1273 : vector<16xf32>
    %add3A_1323 = arith.addf %add3A_1203, %get3A_1275 : vector<16xf32>
    %add3A_1324 = arith.addf %add3A_1204, %get3A_1277 : vector<16xf32>
    %add3A_1325 = arith.addf %add3A_1205, %get3A_1279 : vector<16xf32>
    %add3A_1326 = arith.addf %add3A_1206, %get3A_1281 : vector<16xf32>
    %add3A_1327 = arith.addf %add3A_1207, %get3A_1283 : vector<16xf32>
    %add3A_1328 = arith.addf %add3A_1208, %get3A_1285 : vector<16xf32>
    %add3A_1329 = arith.addf %add3A_1209, %get3A_1287 : vector<16xf32>
    %add3A_1330 = arith.addf %add3A_1210, %get3A_1289 : vector<16xf32>
    %add3A_1331 = arith.addf %add3A_1211, %get3A_1291 : vector<16xf32>
    %get3A_1332 = arith.constant 7051 : index
    %get3A_1333 = tpu.vector_load %arg6[%get3A_1332] {strides = array<i32>} : memref<10368xf32, #tpu.memory_space<vmem>>, vector<16xf32>,
    %get3A_1334 = arith.constant 7067 : index
    %get3A_1335 = tpu.vector_load %arg6[%get3A_1334] {strides = array<i32>} : memref<10368xf32, #tpu.memory_space<vmem>>, vector<16xf32>,
    %get3A_1336 = arith.constant 7083 : index
    %get3A_1337 = tpu.vector_load %arg6[%get3A_1336] {strides = array<i32>} : memref<10368xf32, #tpu.memory_space<vmem>>, vector<16xf32>,
    %get3A_1338 = arith.constant 7099 : index
    %get3A_1339 = tpu.vector_load %arg6[%get3A_1338] {strides = array<i32>} : memref<10368xf32, #tpu.memory_space<vmem>>, vector<16xf32>,
    %get3A_1340 = arith.constant 7115 : index
    %get3A_1341 = tpu.vector_load %arg6[%get3A_1340] {strides = array<i32>} : memref<10368xf32, #tpu.memory_space<vmem>>, vector<16xf32>,
    %get3A_1342 = arith.constant 7131 : index
    %get3A_1343 = tpu.vector_load %arg6[%get3A_1342] {strides = array<i32>} : memref<10368xf32, #tpu.memory_space<vmem>>, vector<16xf32>,
    %get3A_1344 = arith.constant 7147 : index
    %get3A_1345 = tpu.vector_load %arg6[%get3A_1344] {strides = array<i32>} : memref<10368xf32, #tpu.memory_space<vmem>>, vector<16xf32>,
    %get3A_1346 = arith.constant 7163 : index
    %get3A_1347 = tpu.vector_load %arg6[%get3A_1346] {strides = array<i32>} : memref<10368xf32, #tpu.memory_space<vmem>>, vector<16xf32>,
    %get3A_1348 = arith.constant 7179 : index
    %get3A_1349 = tpu.vector_load %arg6[%get3A_1348] {strides = array<i32>} : memref<10368xf32, #tpu.memory_space<vmem>>, vector<16xf32>,
    %get3A_1350 = arith.constant 7195 : index
    %get3A_1351 = tpu.vector_load %arg6[%get3A_1350] {strides = array<i32>} : memref<10368xf32, #tpu.memory_space<vmem>>, vector<16xf32>,
    %get3A_1352 = arith.constant 7211 : index
    %get3A_1353 = tpu.vector_load %arg6[%get3A_1352] {strides = array<i32>} : memref<10368xf32, #tpu.memory_space<vmem>>, vector<16xf32>,
    %get3A_1354 = arith.constant 7227 : index
    %get3A_1355 = tpu.vector_load %arg6[%get3A_1354] {strides = array<i32>} : memref<10368xf32, #tpu.memory_space<vmem>>, vector<16xf32>,
    %get3A_1356 = arith.constant 7243 : index
    %get3A_1357 = tpu.vector_load %arg6[%get3A_1356] {strides = array<i32>} : memref<10368xf32, #tpu.memory_space<vmem>>, vector<16xf32>,
    %get3A_1358 = arith.constant 7259 : index
    %get3A_1359 = tpu.vector_load %arg6[%get3A_1358] {strides = array<i32>} : memref<10368xf32, #tpu.memory_space<vmem>>, vector<16xf32>,
    %get3A_1360 = arith.constant 7275 : index
    %get3A_1361 = tpu.vector_load %arg6[%get3A_1360] {strides = array<i32>} : memref<10368xf32, #tpu.memory_space<vmem>>, vector<16xf32>,
    %get3A_1362 = arith.constant 7291 : index
    %get3A_1363 = tpu.vector_load %arg6[%get3A_1362] {strides = array<i32>} : memref<10368xf32, #tpu.memory_space<vmem>>, vector<16xf32>,
    %get3A_1364 = arith.constant 7307 : index
    %get3A_1365 = tpu.vector_load %arg6[%get3A_1364] {strides = array<i32>} : memref<10368xf32, #tpu.memory_space<vmem>>, vector<16xf32>,
    %get3A_1366 = arith.constant 7323 : index
    %get3A_1367 = tpu.vector_load %arg6[%get3A_1366] {strides = array<i32>} : memref<10368xf32, #tpu.memory_space<vmem>>, vector<16xf32>,
    %get3A_1368 = arith.constant 7339 : index
    %get3A_1369 = tpu.vector_load %arg6[%get3A_1368] {strides = array<i32>} : memref<10368xf32, #tpu.memory_space<vmem>>, vector<16xf32>,
    %get3A_1370 = arith.constant 7355 : index
    %get3A_1371 = tpu.vector_load %arg6[%get3A_1370] {strides = array<i32>} : memref<10368xf32, #tpu.memory_space<vmem>>, vector<16xf32>,
    %get3A_1372 = arith.constant 7371 : index
    %get3A_1373 = tpu.vector_load %arg6[%get3A_1372] {strides = array<i32>} : memref<10368xf32, #tpu.memory_space<vmem>>, vector<16xf32>,
    %get3A_1374 = arith.constant 7387 : index
    %get3A_1375 = tpu.vector_load %arg6[%get3A_1374] {strides = array<i32>} : memref<10368xf32, #tpu.memory_space<vmem>>, vector<16xf32>,
    %get3A_1376 = arith.constant 7403 : index
    %get3A_1377 = tpu.vector_load %arg6[%get3A_1376] {strides = array<i32>} : memref<10368xf32, #tpu.memory_space<vmem>>, vector<16xf32>,
    %get3A_1378 = arith.constant 7419 : index
    %get3A_1379 = tpu.vector_load %arg6[%get3A_1378] {strides = array<i32>} : memref<10368xf32, #tpu.memory_space<vmem>>, vector<16xf32>,
    %get3A_1380 = arith.constant 7435 : index
    %get3A_1381 = tpu.vector_load %arg6[%get3A_1380] {strides = array<i32>} : memref<10368xf32, #tpu.memory_space<vmem>>, vector<16xf32>,
    %get3A_1382 = arith.constant 7451 : index
    %get3A_1383 = tpu.vector_load %arg6[%get3A_1382] {strides = array<i32>} : memref<10368xf32, #tpu.memory_space<vmem>>, vector<16xf32>,
    %get3A_1384 = arith.constant 7467 : index
    %get3A_1385 = tpu.vector_load %arg6[%get3A_1384] {strides = array<i32>} : memref<10368xf32, #tpu.memory_space<vmem>>, vector<16xf32>,
    %get3A_1386 = arith.constant 7483 : index
    %get3A_1387 = tpu.vector_load %arg6[%get3A_1386] {strides = array<i32>} : memref<10368xf32, #tpu.memory_space<vmem>>, vector<16xf32>,
    %get3A_1388 = arith.constant 7499 : index
    %get3A_1389 = tpu.vector_load %arg6[%get3A_1388] {strides = array<i32>} : memref<10368xf32, #tpu.memory_space<vmem>>, vector<16xf32>,
    %get3A_1390 = arith.constant 7515 : index
    %get3A_1391 = tpu.vector_load %arg6[%get3A_1390] {strides = array<i32>} : memref<10368xf32, #tpu.memory_space<vmem>>, vector<16xf32>,
    %get3A_1392 = arith.constant 7531 : index
    %get3A_1393 = tpu.vector_load %arg6[%get3A_1392] {strides = array<i32>} : memref<10368xf32, #tpu.memory_space<vmem>>, vector<16xf32>,
    %get3A_1394 = arith.constant 7547 : index
    %get3A_1395 = tpu.vector_load %arg6[%get3A_1394] {strides = array<i32>} : memref<10368xf32, #tpu.memory_space<vmem>>, vector<16xf32>,
    %get3A_1396 = arith.constant 7563 : index
    %get3A_1397 = tpu.vector_load %arg6[%get3A_1396] {strides = array<i32>} : memref<10368xf32, #tpu.memory_space<vmem>>, vector<16xf32>,
    %get3A_1398 = arith.constant 7579 : index
    %get3A_1399 = tpu.vector_load %arg6[%get3A_1398] {strides = array<i32>} : memref<10368xf32, #tpu.memory_space<vmem>>, vector<16xf32>,
    %get3A_1400 = arith.constant 7595 : index
    %get3A_1401 = tpu.vector_load %arg6[%get3A_1400] {strides = array<i32>} : memref<10368xf32, #tpu.memory_space<vmem>>, vector<16xf32>,
    %get3A_1402 = arith.constant 7611 : index
    %get3A_1403 = tpu.vector_load %arg6[%get3A_1402] {strides = array<i32>} : memref<10368xf32, #tpu.memory_space<vmem>>, vector<16xf32>,
    %get3A_1404 = arith.constant 7627 : index
    %get3A_1405 = tpu.vector_load %arg6[%get3A_1404] {strides = array<i32>} : memref<10368xf32, #tpu.memory_space<vmem>>, vector<16xf32>,
    %get3A_1406 = arith.constant 7643 : index
    %get3A_1407 = tpu.vector_load %arg6[%get3A_1406] {strides = array<i32>} : memref<10368xf32, #tpu.memory_space<vmem>>, vector<16xf32>,
    %get3A_1408 = arith.constant 7659 : index
    %get3A_1409 = tpu.vector_load %arg6[%get3A_1408] {strides = array<i32>} : memref<10368xf32, #tpu.memory_space<vmem>>, vector<16xf32>,
    %get3A_1410 = arith.constant 7675 : index
    %get3A_1411 = tpu.vector_load %arg6[%get3A_1410] {strides = array<i32>} : memref<10368xf32, #tpu.memory_space<vmem>>, vector<16xf32>,
    %add3A_1412 = arith.addf %add3A_1292, %get3A_1333 : vector<16xf32>
    %add3A_1413 = arith.addf %add3A_1293, %get3A_1335 : vector<16xf32>
    %add3A_1414 = arith.addf %add3A_1294, %get3A_1337 : vector<16xf32>
    %add3A_1415 = arith.addf %add3A_1295, %get3A_1339 : vector<16xf32>
    %add3A_1416 = arith.addf %add3A_1296, %get3A_1341 : vector<16xf32>
    %add3A_1417 = arith.addf %add3A_1297, %get3A_1343 : vector<16xf32>
    %add3A_1418 = arith.addf %add3A_1298, %get3A_1345 : vector<16xf32>
    %add3A_1419 = arith.addf %add3A_1299, %get3A_1347 : vector<16xf32>
    %add3A_1420 = arith.addf %add3A_1300, %get3A_1349 : vector<16xf32>
    %add3A_1421 = arith.addf %add3A_1301, %get3A_1351 : vector<16xf32>
    %add3A_1422 = arith.addf %add3A_1302, %get3A_1353 : vector<16xf32>
    %add3A_1423 = arith.addf %add3A_1303, %get3A_1355 : vector<16xf32>
    %add3A_1424 = arith.addf %add3A_1304, %get3A_1357 : vector<16xf32>
    %add3A_1425 = arith.addf %add3A_1305, %get3A_1359 : vector<16xf32>
    %add3A_1426 = arith.addf %add3A_1306, %get3A_1361 : vector<16xf32>
    %add3A_1427 = arith.addf %add3A_1307, %get3A_1363 : vector<16xf32>
    %add3A_1428 = arith.addf %add3A_1308, %get3A_1365 : vector<16xf32>
    %add3A_1429 = arith.addf %add3A_1309, %get3A_1367 : vector<16xf32>
    %add3A_1430 = arith.addf %add3A_1310, %get3A_1369 : vector<16xf32>
    %add3A_1431 = arith.addf %add3A_1311, %get3A_1371 : vector<16xf32>
    %add3A_1432 = arith.addf %add3A_1312, %get3A_1373 : vector<16xf32>
    %add3A_1433 = arith.addf %add3A_1313, %get3A_1375 : vector<16xf32>
    %add3A_1434 = arith.addf %add3A_1314, %get3A_1377 : vector<16xf32>
    %add3A_1435 = arith.addf %add3A_1315, %get3A_1379 : vector<16xf32>
    %add3A_1436 = arith.addf %add3A_1316, %get3A_1381 : vector<16xf32>
    %add3A_1437 = arith.addf %add3A_1317, %get3A_1383 : vector<16xf32>
    %add3A_1438 = arith.addf %add3A_1318, %get3A_1385 : vector<16xf32>
    %add3A_1439 = arith.addf %add3A_1319, %get3A_1387 : vector<16xf32>
    %add3A_1440 = arith.addf %add3A_1320, %get3A_1389 : vector<16xf32>
    %add3A_1441 = arith.addf %add3A_1321, %get3A_1391 : vector<16xf32>
    %add3A_1442 = arith.addf %add3A_1322, %get3A_1393 : vector<16xf32>
    %add3A_1443 = arith.addf %add3A_1323, %get3A_1395 : vector<16xf32>
    %add3A_1444 = arith.addf %add3A_1324, %get3A_1397 : vector<16xf32>
    %add3A_1445 = arith.addf %add3A_1325, %get3A_1399 : vector<16xf32>
    %add3A_1446 = arith.addf %add3A_1326, %get3A_1401 : vector<16xf32>
    %add3A_1447 = arith.addf %add3A_1327, %get3A_1403 : vector<16xf32>
    %add3A_1448 = arith.addf %add3A_1328, %get3A_1405 : vector<16xf32>
    %add3A_1449 = arith.addf %add3A_1329, %get3A_1407 : vector<16xf32>
    %add3A_1450 = arith.addf %add3A_1330, %get3A_1409 : vector<16xf32>
    %add3A_1451 = arith.addf %add3A_1331, %get3A_1411 : vector<16xf32>
    %get3A_1452 = arith.constant 7692 : index
    %get3A_1453 = tpu.vector_load %arg6[%get3A_1452] {strides = array<i32>} : memref<10368xf32, #tpu.memory_space<vmem>>, vector<16xf32>,
    %get3A_1454 = arith.constant 7708 : index
    %get3A_1455 = tpu.vector_load %arg6[%get3A_1454] {strides = array<i32>} : memref<10368xf32, #tpu.memory_space<vmem>>, vector<16xf32>,
    %get3A_1456 = arith.constant 7724 : index
    %get3A_1457 = tpu.vector_load %arg6[%get3A_1456] {strides = array<i32>} : memref<10368xf32, #tpu.memory_space<vmem>>, vector<16xf32>,
    %get3A_1458 = arith.constant 7740 : index
    %get3A_1459 = tpu.vector_load %arg6[%get3A_1458] {strides = array<i32>} : memref<10368xf32, #tpu.memory_space<vmem>>, vector<16xf32>,
    %get3A_1460 = arith.constant 7756 : index
    %get3A_1461 = tpu.vector_load %arg6[%get3A_1460] {strides = array<i32>} : memref<10368xf32, #tpu.memory_space<vmem>>, vector<16xf32>,
    %get3A_1462 = arith.constant 7772 : index
    %get3A_1463 = tpu.vector_load %arg6[%get3A_1462] {strides = array<i32>} : memref<10368xf32, #tpu.memory_space<vmem>>, vector<16xf32>,
    %get3A_1464 = arith.constant 7788 : index
    %get3A_1465 = tpu.vector_load %arg6[%get3A_1464] {strides = array<i32>} : memref<10368xf32, #tpu.memory_space<vmem>>, vector<16xf32>,
    %get3A_1466 = arith.constant 7804 : index
    %get3A_1467 = tpu.vector_load %arg6[%get3A_1466] {strides = array<i32>} : memref<10368xf32, #tpu.memory_space<vmem>>, vector<16xf32>,
    %get3A_1468 = arith.constant 7820 : index
    %get3A_1469 = tpu.vector_load %arg6[%get3A_1468] {strides = array<i32>} : memref<10368xf32, #tpu.memory_space<vmem>>, vector<16xf32>,
    %get3A_1470 = arith.constant 7836 : index
    %get3A_1471 = tpu.vector_load %arg6[%get3A_1470] {strides = array<i32>} : memref<10368xf32, #tpu.memory_space<vmem>>, vector<16xf32>,
    %get3A_1472 = arith.constant 7852 : index
    %get3A_1473 = tpu.vector_load %arg6[%get3A_1472] {strides = array<i32>} : memref<10368xf32, #tpu.memory_space<vmem>>, vector<16xf32>,
    %get3A_1474 = arith.constant 7868 : index
    %get3A_1475 = tpu.vector_load %arg6[%get3A_1474] {strides = array<i32>} : memref<10368xf32, #tpu.memory_space<vmem>>, vector<16xf32>,
    %get3A_1476 = arith.constant 7884 : index
    %get3A_1477 = tpu.vector_load %arg6[%get3A_1476] {strides = array<i32>} : memref<10368xf32, #tpu.memory_space<vmem>>, vector<16xf32>,
    %get3A_1478 = arith.constant 7900 : index
    %get3A_1479 = tpu.vector_load %arg6[%get3A_1478] {strides = array<i32>} : memref<10368xf32, #tpu.memory_space<vmem>>, vector<16xf32>,
    %get3A_1480 = arith.constant 7916 : index
    %get3A_1481 = tpu.vector_load %arg6[%get3A_1480] {strides = array<i32>} : memref<10368xf32, #tpu.memory_space<vmem>>, vector<16xf32>,
    %get3A_1482 = arith.constant 7932 : index
    %get3A_1483 = tpu.vector_load %arg6[%get3A_1482] {strides = array<i32>} : memref<10368xf32, #tpu.memory_space<vmem>>, vector<16xf32>,
    %get3A_1484 = arith.constant 7948 : index
    %get3A_1485 = tpu.vector_load %arg6[%get3A_1484] {strides = array<i32>} : memref<10368xf32, #tpu.memory_space<vmem>>, vector<16xf32>,
    %get3A_1486 = arith.constant 7964 : index
    %get3A_1487 = tpu.vector_load %arg6[%get3A_1486] {strides = array<i32>} : memref<10368xf32, #tpu.memory_space<vmem>>, vector<16xf32>,
    %get3A_1488 = arith.constant 7980 : index
    %get3A_1489 = tpu.vector_load %arg6[%get3A_1488] {strides = array<i32>} : memref<10368xf32, #tpu.memory_space<vmem>>, vector<16xf32>,
    %get3A_1490 = arith.constant 7996 : index
    %get3A_1491 = tpu.vector_load %arg6[%get3A_1490] {strides = array<i32>} : memref<10368xf32, #tpu.memory_space<vmem>>, vector<16xf32>,
    %get3A_1492 = arith.constant 8012 : index
    %get3A_1493 = tpu.vector_load %arg6[%get3A_1492] {strides = array<i32>} : memref<10368xf32, #tpu.memory_space<vmem>>, vector<16xf32>,
    %get3A_1494 = arith.constant 8028 : index
    %get3A_1495 = tpu.vector_load %arg6[%get3A_1494] {strides = array<i32>} : memref<10368xf32, #tpu.memory_space<vmem>>, vector<16xf32>,
    %get3A_1496 = arith.constant 8044 : index
    %get3A_1497 = tpu.vector_load %arg6[%get3A_1496] {strides = array<i32>} : memref<10368xf32, #tpu.memory_space<vmem>>, vector<16xf32>,
    %get3A_1498 = arith.constant 8060 : index
    %get3A_1499 = tpu.vector_load %arg6[%get3A_1498] {strides = array<i32>} : memref<10368xf32, #tpu.memory_space<vmem>>, vector<16xf32>,
    %get3A_1500 = arith.constant 8076 : index
    %get3A_1501 = tpu.vector_load %arg6[%get3A_1500] {strides = array<i32>} : memref<10368xf32, #tpu.memory_space<vmem>>, vector<16xf32>,
    %get3A_1502 = arith.constant 8092 : index
    %get3A_1503 = tpu.vector_load %arg6[%get3A_1502] {strides = array<i32>} : memref<10368xf32, #tpu.memory_space<vmem>>, vector<16xf32>,
    %get3A_1504 = arith.constant 8108 : index
    %get3A_1505 = tpu.vector_load %arg6[%get3A_1504] {strides = array<i32>} : memref<10368xf32, #tpu.memory_space<vmem>>, vector<16xf32>,
    %get3A_1506 = arith.constant 8124 : index
    %get3A_1507 = tpu.vector_load %arg6[%get3A_1506] {strides = array<i32>} : memref<10368xf32, #tpu.memory_space<vmem>>, vector<16xf32>,
    %get3A_1508 = arith.constant 8140 : index
    %get3A_1509 = tpu.vector_load %arg6[%get3A_1508] {strides = array<i32>} : memref<10368xf32, #tpu.memory_space<vmem>>, vector<16xf32>,
    %get3A_1510 = arith.constant 8156 : index
    %get3A_1511 = tpu.vector_load %arg6[%get3A_1510] {strides = array<i32>} : memref<10368xf32, #tpu.memory_space<vmem>>, vector<16xf32>,
    %get3A_1512 = arith.constant 8172 : index
    %get3A_1513 = tpu.vector_load %arg6[%get3A_1512] {strides = array<i32>} : memref<10368xf32, #tpu.memory_space<vmem>>, vector<16xf32>,
    %get3A_1514 = arith.constant 8188 : index
    %get3A_1515 = tpu.vector_load %arg6[%get3A_1514] {strides = array<i32>} : memref<10368xf32, #tpu.memory_space<vmem>>, vector<16xf32>,
    %get3A_1516 = arith.constant 8204 : index
    %get3A_1517 = tpu.vector_load %arg6[%get3A_1516] {strides = array<i32>} : memref<10368xf32, #tpu.memory_space<vmem>>, vector<16xf32>,
    %get3A_1518 = arith.constant 8220 : index
    %get3A_1519 = tpu.vector_load %arg6[%get3A_1518] {strides = array<i32>} : memref<10368xf32, #tpu.memory_space<vmem>>, vector<16xf32>,
    %get3A_1520 = arith.constant 8236 : index
    %get3A_1521 = tpu.vector_load %arg6[%get3A_1520] {strides = array<i32>} : memref<10368xf32, #tpu.memory_space<vmem>>, vector<16xf32>,
    %get3A_1522 = arith.constant 8252 : index
    %get3A_1523 = tpu.vector_load %arg6[%get3A_1522] {strides = array<i32>} : memref<10368xf32, #tpu.memory_space<vmem>>, vector<16xf32>,
    %get3A_1524 = arith.constant 8268 : index
    %get3A_1525 = tpu.vector_load %arg6[%get3A_1524] {strides = array<i32>} : memref<10368xf32, #tpu.memory_space<vmem>>, vector<16xf32>,
    %get3A_1526 = arith.constant 8284 : index
    %get3A_1527 = tpu.vector_load %arg6[%get3A_1526] {strides = array<i32>} : memref<10368xf32, #tpu.memory_space<vmem>>, vector<16xf32>,
    %get3A_1528 = arith.constant 8300 : index
    %get3A_1529 = tpu.vector_load %arg6[%get3A_1528] {strides = array<i32>} : memref<10368xf32, #tpu.memory_space<vmem>>, vector<16xf32>,
    %get3A_1530 = arith.constant 8316 : index
    %get3A_1531 = tpu.vector_load %arg6[%get3A_1530] {strides = array<i32>} : memref<10368xf32, #tpu.memory_space<vmem>>, vector<16xf32>,
    %add3A_1532 = arith.addf %add3A_1412, %get3A_1453 : vector<16xf32>
    %add3A_1533 = arith.addf %add3A_1413, %get3A_1455 : vector<16xf32>
    %add3A_1534 = arith.addf %add3A_1414, %get3A_1457 : vector<16xf32>
    %add3A_1535 = arith.addf %add3A_1415, %get3A_1459 : vector<16xf32>
    %add3A_1536 = arith.addf %add3A_1416, %get3A_1461 : vector<16xf32>
    %add3A_1537 = arith.addf %add3A_1417, %get3A_1463 : vector<16xf32>
    %add3A_1538 = arith.addf %add3A_1418, %get3A_1465 : vector<16xf32>
    %add3A_1539 = arith.addf %add3A_1419, %get3A_1467 : vector<16xf32>
    %add3A_1540 = arith.addf %add3A_1420, %get3A_1469 : vector<16xf32>
    %add3A_1541 = arith.addf %add3A_1421, %get3A_1471 : vector<16xf32>
    %add3A_1542 = arith.addf %add3A_1422, %get3A_1473 : vector<16xf32>
    %add3A_1543 = arith.addf %add3A_1423, %get3A_1475 : vector<16xf32>
    %add3A_1544 = arith.addf %add3A_1424, %get3A_1477 : vector<16xf32>
    %add3A_1545 = arith.addf %add3A_1425, %get3A_1479 : vector<16xf32>
    %add3A_1546 = arith.addf %add3A_1426, %get3A_1481 : vector<16xf32>
    %add3A_1547 = arith.addf %add3A_1427, %get3A_1483 : vector<16xf32>
    %add3A_1548 = arith.addf %add3A_1428, %get3A_1485 : vector<16xf32>
    %add3A_1549 = arith.addf %add3A_1429, %get3A_1487 : vector<16xf32>
    %add3A_1550 = arith.addf %add3A_1430, %get3A_1489 : vector<16xf32>
    %add3A_1551 = arith.addf %add3A_1431, %get3A_1491 : vector<16xf32>
    %add3A_1552 = arith.addf %add3A_1432, %get3A_1493 : vector<16xf32>
    %add3A_1553 = arith.addf %add3A_1433, %get3A_1495 : vector<16xf32>
    %add3A_1554 = arith.addf %add3A_1434, %get3A_1497 : vector<16xf32>
    %add3A_1555 = arith.addf %add3A_1435, %get3A_1499 : vector<16xf32>
    %add3A_1556 = arith.addf %add3A_1436, %get3A_1501 : vector<16xf32>
    %add3A_1557 = arith.addf %add3A_1437, %get3A_1503 : vector<16xf32>
    %add3A_1558 = arith.addf %add3A_1438, %get3A_1505 : vector<16xf32>
    %add3A_1559 = arith.addf %add3A_1439, %get3A_1507 : vector<16xf32>
    %add3A_1560 = arith.addf %add3A_1440, %get3A_1509 : vector<16xf32>
    %add3A_1561 = arith.addf %add3A_1441, %get3A_1511 : vector<16xf32>
    %add3A_1562 = arith.addf %add3A_1442, %get3A_1513 : vector<16xf32>
    %add3A_1563 = arith.addf %add3A_1443, %get3A_1515 : vector<16xf32>
    %add3A_1564 = arith.addf %add3A_1444, %get3A_1517 : vector<16xf32>
    %add3A_1565 = arith.addf %add3A_1445, %get3A_1519 : vector<16xf32>
    %add3A_1566 = arith.addf %add3A_1446, %get3A_1521 : vector<16xf32>
    %add3A_1567 = arith.addf %add3A_1447, %get3A_1523 : vector<16xf32>
    %add3A_1568 = arith.addf %add3A_1448, %get3A_1525 : vector<16xf32>
    %add3A_1569 = arith.addf %add3A_1449, %get3A_1527 : vector<16xf32>
    %add3A_1570 = arith.addf %add3A_1450, %get3A_1529 : vector<16xf32>
    %add3A_1571 = arith.addf %add3A_1451, %get3A_1531 : vector<16xf32>
    %get3A_1572 = arith.constant 8333 : index
    %get3A_1573 = tpu.vector_load %arg6[%get3A_1572] {strides = array<i32>} : memref<10368xf32, #tpu.memory_space<vmem>>, vector<16xf32>,
    %get3A_1574 = arith.constant 8349 : index
    %get3A_1575 = tpu.vector_load %arg6[%get3A_1574] {strides = array<i32>} : memref<10368xf32, #tpu.memory_space<vmem>>, vector<16xf32>,
    %get3A_1576 = arith.constant 8365 : index
    %get3A_1577 = tpu.vector_load %arg6[%get3A_1576] {strides = array<i32>} : memref<10368xf32, #tpu.memory_space<vmem>>, vector<16xf32>,
    %get3A_1578 = arith.constant 8381 : index
    %get3A_1579 = tpu.vector_load %arg6[%get3A_1578] {strides = array<i32>} : memref<10368xf32, #tpu.memory_space<vmem>>, vector<16xf32>,
    %get3A_1580 = arith.constant 8397 : index
    %get3A_1581 = tpu.vector_load %arg6[%get3A_1580] {strides = array<i32>} : memref<10368xf32, #tpu.memory_space<vmem>>, vector<16xf32>,
    %get3A_1582 = arith.constant 8413 : index
    %get3A_1583 = tpu.vector_load %arg6[%get3A_1582] {strides = array<i32>} : memref<10368xf32, #tpu.memory_space<vmem>>, vector<16xf32>,
    %get3A_1584 = arith.constant 8429 : index
    %get3A_1585 = tpu.vector_load %arg6[%get3A_1584] {strides = array<i32>} : memref<10368xf32, #tpu.memory_space<vmem>>, vector<16xf32>,
    %get3A_1586 = arith.constant 8445 : index
    %get3A_1587 = tpu.vector_load %arg6[%get3A_1586] {strides = array<i32>} : memref<10368xf32, #tpu.memory_space<vmem>>, vector<16xf32>,
    %get3A_1588 = arith.constant 8461 : index
    %get3A_1589 = tpu.vector_load %arg6[%get3A_1588] {strides = array<i32>} : memref<10368xf32, #tpu.memory_space<vmem>>, vector<16xf32>,
    %get3A_1590 = arith.constant 8477 : index
    %get3A_1591 = tpu.vector_load %arg6[%get3A_1590] {strides = array<i32>} : memref<10368xf32, #tpu.memory_space<vmem>>, vector<16xf32>,
    %get3A_1592 = arith.constant 8493 : index
    %get3A_1593 = tpu.vector_load %arg6[%get3A_1592] {strides = array<i32>} : memref<10368xf32, #tpu.memory_space<vmem>>, vector<16xf32>,
    %get3A_1594 = arith.constant 8509 : index
    %get3A_1595 = tpu.vector_load %arg6[%get3A_1594] {strides = array<i32>} : memref<10368xf32, #tpu.memory_space<vmem>>, vector<16xf32>,
    %get3A_1596 = arith.constant 8525 : index
    %get3A_1597 = tpu.vector_load %arg6[%get3A_1596] {strides = array<i32>} : memref<10368xf32, #tpu.memory_space<vmem>>, vector<16xf32>,
    %get3A_1598 = arith.constant 8541 : index
    %get3A_1599 = tpu.vector_load %arg6[%get3A_1598] {strides = array<i32>} : memref<10368xf32, #tpu.memory_space<vmem>>, vector<16xf32>,
    %get3A_1600 = arith.constant 8557 : index
    %get3A_1601 = tpu.vector_load %arg6[%get3A_1600] {strides = array<i32>} : memref<10368xf32, #tpu.memory_space<vmem>>, vector<16xf32>,
    %get3A_1602 = arith.constant 8573 : index
    %get3A_1603 = tpu.vector_load %arg6[%get3A_1602] {strides = array<i32>} : memref<10368xf32, #tpu.memory_space<vmem>>, vector<16xf32>,
    %get3A_1604 = arith.constant 8589 : index
    %get3A_1605 = tpu.vector_load %arg6[%get3A_1604] {strides = array<i32>} : memref<10368xf32, #tpu.memory_space<vmem>>, vector<16xf32>,
    %get3A_1606 = arith.constant 8605 : index
    %get3A_1607 = tpu.vector_load %arg6[%get3A_1606] {strides = array<i32>} : memref<10368xf32, #tpu.memory_space<vmem>>, vector<16xf32>,
    %get3A_1608 = arith.constant 8621 : index
    %get3A_1609 = tpu.vector_load %arg6[%get3A_1608] {strides = array<i32>} : memref<10368xf32, #tpu.memory_space<vmem>>, vector<16xf32>,
    %get3A_1610 = arith.constant 8637 : index
    %get3A_1611 = tpu.vector_load %arg6[%get3A_1610] {strides = array<i32>} : memref<10368xf32, #tpu.memory_space<vmem>>, vector<16xf32>,
    %get3A_1612 = arith.constant 8653 : index
    %get3A_1613 = tpu.vector_load %arg6[%get3A_1612] {strides = array<i32>} : memref<10368xf32, #tpu.memory_space<vmem>>, vector<16xf32>,
    %get3A_1614 = arith.constant 8669 : index
    %get3A_1615 = tpu.vector_load %arg6[%get3A_1614] {strides = array<i32>} : memref<10368xf32, #tpu.memory_space<vmem>>, vector<16xf32>,
    %get3A_1616 = arith.constant 8685 : index
    %get3A_1617 = tpu.vector_load %arg6[%get3A_1616] {strides = array<i32>} : memref<10368xf32, #tpu.memory_space<vmem>>, vector<16xf32>,
    %get3A_1618 = arith.constant 8701 : index
    %get3A_1619 = tpu.vector_load %arg6[%get3A_1618] {strides = array<i32>} : memref<10368xf32, #tpu.memory_space<vmem>>, vector<16xf32>,
    %get3A_1620 = arith.constant 8717 : index
    %get3A_1621 = tpu.vector_load %arg6[%get3A_1620] {strides = array<i32>} : memref<10368xf32, #tpu.memory_space<vmem>>, vector<16xf32>,
    %get3A_1622 = arith.constant 8733 : index
    %get3A_1623 = tpu.vector_load %arg6[%get3A_1622] {strides = array<i32>} : memref<10368xf32, #tpu.memory_space<vmem>>, vector<16xf32>,
    %get3A_1624 = arith.constant 8749 : index
    %get3A_1625 = tpu.vector_load %arg6[%get3A_1624] {strides = array<i32>} : memref<10368xf32, #tpu.memory_space<vmem>>, vector<16xf32>,
    %get3A_1626 = arith.constant 8765 : index
    %get3A_1627 = tpu.vector_load %arg6[%get3A_1626] {strides = array<i32>} : memref<10368xf32, #tpu.memory_space<vmem>>, vector<16xf32>,
    %get3A_1628 = arith.constant 8781 : index
    %get3A_1629 = tpu.vector_load %arg6[%get3A_1628] {strides = array<i32>} : memref<10368xf32, #tpu.memory_space<vmem>>, vector<16xf32>,
    %get3A_1630 = arith.constant 8797 : index
    %get3A_1631 = tpu.vector_load %arg6[%get3A_1630] {strides = array<i32>} : memref<10368xf32, #tpu.memory_space<vmem>>, vector<16xf32>,
    %get3A_1632 = arith.constant 8813 : index
    %get3A_1633 = tpu.vector_load %arg6[%get3A_1632] {strides = array<i32>} : memref<10368xf32, #tpu.memory_space<vmem>>, vector<16xf32>,
    %get3A_1634 = arith.constant 8829 : index
    %get3A_1635 = tpu.vector_load %arg6[%get3A_1634] {strides = array<i32>} : memref<10368xf32, #tpu.memory_space<vmem>>, vector<16xf32>,
    %get3A_1636 = arith.constant 8845 : index
    %get3A_1637 = tpu.vector_load %arg6[%get3A_1636] {strides = array<i32>} : memref<10368xf32, #tpu.memory_space<vmem>>, vector<16xf32>,
    %get3A_1638 = arith.constant 8861 : index
    %get3A_1639 = tpu.vector_load %arg6[%get3A_1638] {strides = array<i32>} : memref<10368xf32, #tpu.memory_space<vmem>>, vector<16xf32>,
    %get3A_1640 = arith.constant 8877 : index
    %get3A_1641 = tpu.vector_load %arg6[%get3A_1640] {strides = array<i32>} : memref<10368xf32, #tpu.memory_space<vmem>>, vector<16xf32>,
    %get3A_1642 = arith.constant 8893 : index
    %get3A_1643 = tpu.vector_load %arg6[%get3A_1642] {strides = array<i32>} : memref<10368xf32, #tpu.memory_space<vmem>>, vector<16xf32>,
    %get3A_1644 = arith.constant 8909 : index
    %get3A_1645 = tpu.vector_load %arg6[%get3A_1644] {strides = array<i32>} : memref<10368xf32, #tpu.memory_space<vmem>>, vector<16xf32>,
    %get3A_1646 = arith.constant 8925 : index
    %get3A_1647 = tpu.vector_load %arg6[%get3A_1646] {strides = array<i32>} : memref<10368xf32, #tpu.memory_space<vmem>>, vector<16xf32>,
    %get3A_1648 = arith.constant 8941 : index
    %get3A_1649 = tpu.vector_load %arg6[%get3A_1648] {strides = array<i32>} : memref<10368xf32, #tpu.memory_space<vmem>>, vector<16xf32>,
    %get3A_1650 = arith.constant 8957 : index
    %get3A_1651 = tpu.vector_load %arg6[%get3A_1650] {strides = array<i32>} : memref<10368xf32, #tpu.memory_space<vmem>>, vector<16xf32>,
    %add3A_1652 = arith.addf %add3A_1532, %get3A_1573 : vector<16xf32>
    %add3A_1653 = arith.addf %add3A_1533, %get3A_1575 : vector<16xf32>
    %add3A_1654 = arith.addf %add3A_1534, %get3A_1577 : vector<16xf32>
    %add3A_1655 = arith.addf %add3A_1535, %get3A_1579 : vector<16xf32>
    %add3A_1656 = arith.addf %add3A_1536, %get3A_1581 : vector<16xf32>
    %add3A_1657 = arith.addf %add3A_1537, %get3A_1583 : vector<16xf32>
    %add3A_1658 = arith.addf %add3A_1538, %get3A_1585 : vector<16xf32>
    %add3A_1659 = arith.addf %add3A_1539, %get3A_1587 : vector<16xf32>
    %add3A_1660 = arith.addf %add3A_1540, %get3A_1589 : vector<16xf32>
    %add3A_1661 = arith.addf %add3A_1541, %get3A_1591 : vector<16xf32>
    %add3A_1662 = arith.addf %add3A_1542, %get3A_1593 : vector<16xf32>
    %add3A_1663 = arith.addf %add3A_1543, %get3A_1595 : vector<16xf32>
    %add3A_1664 = arith.addf %add3A_1544, %get3A_1597 : vector<16xf32>
    %add3A_1665 = arith.addf %add3A_1545, %get3A_1599 : vector<16xf32>
    %add3A_1666 = arith.addf %add3A_1546, %get3A_1601 : vector<16xf32>
    %add3A_1667 = arith.addf %add3A_1547, %get3A_1603 : vector<16xf32>
    %add3A_1668 = arith.addf %add3A_1548, %get3A_1605 : vector<16xf32>
    %add3A_1669 = arith.addf %add3A_1549, %get3A_1607 : vector<16xf32>
    %add3A_1670 = arith.addf %add3A_1550, %get3A_1609 : vector<16xf32>
    %add3A_1671 = arith.addf %add3A_1551, %get3A_1611 : vector<16xf32>
    %add3A_1672 = arith.addf %add3A_1552, %get3A_1613 : vector<16xf32>
    %add3A_1673 = arith.addf %add3A_1553, %get3A_1615 : vector<16xf32>
    %add3A_1674 = arith.addf %add3A_1554, %get3A_1617 : vector<16xf32>
    %add3A_1675 = arith.addf %add3A_1555, %get3A_1619 : vector<16xf32>
    %add3A_1676 = arith.addf %add3A_1556, %get3A_1621 : vector<16xf32>
    %add3A_1677 = arith.addf %add3A_1557, %get3A_1623 : vector<16xf32>
    %add3A_1678 = arith.addf %add3A_1558, %get3A_1625 : vector<16xf32>
    %add3A_1679 = arith.addf %add3A_1559, %get3A_1627 : vector<16xf32>
    %add3A_1680 = arith.addf %add3A_1560, %get3A_1629 : vector<16xf32>
    %add3A_1681 = arith.addf %add3A_1561, %get3A_1631 : vector<16xf32>
    %add3A_1682 = arith.addf %add3A_1562, %get3A_1633 : vector<16xf32>
    %add3A_1683 = arith.addf %add3A_1563, %get3A_1635 : vector<16xf32>
    %add3A_1684 = arith.addf %add3A_1564, %get3A_1637 : vector<16xf32>
    %add3A_1685 = arith.addf %add3A_1565, %get3A_1639 : vector<16xf32>
    %add3A_1686 = arith.addf %add3A_1566, %get3A_1641 : vector<16xf32>
    %add3A_1687 = arith.addf %add3A_1567, %get3A_1643 : vector<16xf32>
    %add3A_1688 = arith.addf %add3A_1568, %get3A_1645 : vector<16xf32>
    %add3A_1689 = arith.addf %add3A_1569, %get3A_1647 : vector<16xf32>
    %add3A_1690 = arith.addf %add3A_1570, %get3A_1649 : vector<16xf32>
    %add3A_1691 = arith.addf %add3A_1571, %get3A_1651 : vector<16xf32>
    %get3A_1692 = arith.constant 8974 : index
    %get3A_1693 = tpu.vector_load %arg6[%get3A_1692] {strides = array<i32>} : memref<10368xf32, #tpu.memory_space<vmem>>, vector<16xf32>,
    %get3A_1694 = arith.constant 8990 : index
    %get3A_1695 = tpu.vector_load %arg6[%get3A_1694] {strides = array<i32>} : memref<10368xf32, #tpu.memory_space<vmem>>, vector<16xf32>,
    %get3A_1696 = arith.constant 9006 : index
    %get3A_1697 = tpu.vector_load %arg6[%get3A_1696] {strides = array<i32>} : memref<10368xf32, #tpu.memory_space<vmem>>, vector<16xf32>,
    %get3A_1698 = arith.constant 9022 : index
    %get3A_1699 = tpu.vector_load %arg6[%get3A_1698] {strides = array<i32>} : memref<10368xf32, #tpu.memory_space<vmem>>, vector<16xf32>,
    %get3A_1700 = arith.constant 9038 : index
    %get3A_1701 = tpu.vector_load %arg6[%get3A_1700] {strides = array<i32>} : memref<10368xf32, #tpu.memory_space<vmem>>, vector<16xf32>,
    %get3A_1702 = arith.constant 9054 : index
    %get3A_1703 = tpu.vector_load %arg6[%get3A_1702] {strides = array<i32>} : memref<10368xf32, #tpu.memory_space<vmem>>, vector<16xf32>,
    %get3A_1704 = arith.constant 9070 : index
    %get3A_1705 = tpu.vector_load %arg6[%get3A_1704] {strides = array<i32>} : memref<10368xf32, #tpu.memory_space<vmem>>, vector<16xf32>,
    %get3A_1706 = arith.constant 9086 : index
    %get3A_1707 = tpu.vector_load %arg6[%get3A_1706] {strides = array<i32>} : memref<10368xf32, #tpu.memory_space<vmem>>, vector<16xf32>,
    %get3A_1708 = arith.constant 9102 : index
    %get3A_1709 = tpu.vector_load %arg6[%get3A_1708] {strides = array<i32>} : memref<10368xf32, #tpu.memory_space<vmem>>, vector<16xf32>,
    %get3A_1710 = arith.constant 9118 : index
    %get3A_1711 = tpu.vector_load %arg6[%get3A_1710] {strides = array<i32>} : memref<10368xf32, #tpu.memory_space<vmem>>, vector<16xf32>,
    %get3A_1712 = arith.constant 9134 : index
    %get3A_1713 = tpu.vector_load %arg6[%get3A_1712] {strides = array<i32>} : memref<10368xf32, #tpu.memory_space<vmem>>, vector<16xf32>,
    %get3A_1714 = arith.constant 9150 : index
    %get3A_1715 = tpu.vector_load %arg6[%get3A_1714] {strides = array<i32>} : memref<10368xf32, #tpu.memory_space<vmem>>, vector<16xf32>,
    %get3A_1716 = arith.constant 9166 : index
    %get3A_1717 = tpu.vector_load %arg6[%get3A_1716] {strides = array<i32>} : memref<10368xf32, #tpu.memory_space<vmem>>, vector<16xf32>,
    %get3A_1718 = arith.constant 9182 : index
    %get3A_1719 = tpu.vector_load %arg6[%get3A_1718] {strides = array<i32>} : memref<10368xf32, #tpu.memory_space<vmem>>, vector<16xf32>,
    %get3A_1720 = arith.constant 9198 : index
    %get3A_1721 = tpu.vector_load %arg6[%get3A_1720] {strides = array<i32>} : memref<10368xf32, #tpu.memory_space<vmem>>, vector<16xf32>,
    %get3A_1722 = arith.constant 9214 : index
    %get3A_1723 = tpu.vector_load %arg6[%get3A_1722] {strides = array<i32>} : memref<10368xf32, #tpu.memory_space<vmem>>, vector<16xf32>,
    %get3A_1724 = arith.constant 9230 : index
    %get3A_1725 = tpu.vector_load %arg6[%get3A_1724] {strides = array<i32>} : memref<10368xf32, #tpu.memory_space<vmem>>, vector<16xf32>,
    %get3A_1726 = arith.constant 9246 : index
    %get3A_1727 = tpu.vector_load %arg6[%get3A_1726] {strides = array<i32>} : memref<10368xf32, #tpu.memory_space<vmem>>, vector<16xf32>,
    %get3A_1728 = arith.constant 9262 : index
    %get3A_1729 = tpu.vector_load %arg6[%get3A_1728] {strides = array<i32>} : memref<10368xf32, #tpu.memory_space<vmem>>, vector<16xf32>,
    %get3A_1730 = arith.constant 9278 : index
    %get3A_1731 = tpu.vector_load %arg6[%get3A_1730] {strides = array<i32>} : memref<10368xf32, #tpu.memory_space<vmem>>, vector<16xf32>,
    %get3A_1732 = arith.constant 9294 : index
    %get3A_1733 = tpu.vector_load %arg6[%get3A_1732] {strides = array<i32>} : memref<10368xf32, #tpu.memory_space<vmem>>, vector<16xf32>,
    %get3A_1734 = arith.constant 9310 : index
    %get3A_1735 = tpu.vector_load %arg6[%get3A_1734] {strides = array<i32>} : memref<10368xf32, #tpu.memory_space<vmem>>, vector<16xf32>,
    %get3A_1736 = arith.constant 9326 : index
    %get3A_1737 = tpu.vector_load %arg6[%get3A_1736] {strides = array<i32>} : memref<10368xf32, #tpu.memory_space<vmem>>, vector<16xf32>,
    %get3A_1738 = arith.constant 9342 : index
    %get3A_1739 = tpu.vector_load %arg6[%get3A_1738] {strides = array<i32>} : memref<10368xf32, #tpu.memory_space<vmem>>, vector<16xf32>,
    %get3A_1740 = arith.constant 9358 : index
    %get3A_1741 = tpu.vector_load %arg6[%get3A_1740] {strides = array<i32>} : memref<10368xf32, #tpu.memory_space<vmem>>, vector<16xf32>,
    %get3A_1742 = arith.constant 9374 : index
    %get3A_1743 = tpu.vector_load %arg6[%get3A_1742] {strides = array<i32>} : memref<10368xf32, #tpu.memory_space<vmem>>, vector<16xf32>,
    %get3A_1744 = arith.constant 9390 : index
    %get3A_1745 = tpu.vector_load %arg6[%get3A_1744] {strides = array<i32>} : memref<10368xf32, #tpu.memory_space<vmem>>, vector<16xf32>,
    %get3A_1746 = arith.constant 9406 : index
    %get3A_1747 = tpu.vector_load %arg6[%get3A_1746] {strides = array<i32>} : memref<10368xf32, #tpu.memory_space<vmem>>, vector<16xf32>,
    %get3A_1748 = arith.constant 9422 : index
    %get3A_1749 = tpu.vector_load %arg6[%get3A_1748] {strides = array<i32>} : memref<10368xf32, #tpu.memory_space<vmem>>, vector<16xf32>,
    %get3A_1750 = arith.constant 9438 : index
    %get3A_1751 = tpu.vector_load %arg6[%get3A_1750] {strides = array<i32>} : memref<10368xf32, #tpu.memory_space<vmem>>, vector<16xf32>,
    %get3A_1752 = arith.constant 9454 : index
    %get3A_1753 = tpu.vector_load %arg6[%get3A_1752] {strides = array<i32>} : memref<10368xf32, #tpu.memory_space<vmem>>, vector<16xf32>,
    %get3A_1754 = arith.constant 9470 : index
    %get3A_1755 = tpu.vector_load %arg6[%get3A_1754] {strides = array<i32>} : memref<10368xf32, #tpu.memory_space<vmem>>, vector<16xf32>,
    %get3A_1756 = arith.constant 9486 : index
    %get3A_1757 = tpu.vector_load %arg6[%get3A_1756] {strides = array<i32>} : memref<10368xf32, #tpu.memory_space<vmem>>, vector<16xf32>,
    %get3A_1758 = arith.constant 9502 : index
    %get3A_1759 = tpu.vector_load %arg6[%get3A_1758] {strides = array<i32>} : memref<10368xf32, #tpu.memory_space<vmem>>, vector<16xf32>,
    %get3A_1760 = arith.constant 9518 : index
    %get3A_1761 = tpu.vector_load %arg6[%get3A_1760] {strides = array<i32>} : memref<10368xf32, #tpu.memory_space<vmem>>, vector<16xf32>,
    %get3A_1762 = arith.constant 9534 : index
    %get3A_1763 = tpu.vector_load %arg6[%get3A_1762] {strides = array<i32>} : memref<10368xf32, #tpu.memory_space<vmem>>, vector<16xf32>,
    %get3A_1764 = arith.constant 9550 : index
    %get3A_1765 = tpu.vector_load %arg6[%get3A_1764] {strides = array<i32>} : memref<10368xf32, #tpu.memory_space<vmem>>, vector<16xf32>,
    %get3A_1766 = arith.constant 9566 : index
    %get3A_1767 = tpu.vector_load %arg6[%get3A_1766] {strides = array<i32>} : memref<10368xf32, #tpu.memory_space<vmem>>, vector<16xf32>,
    %get3A_1768 = arith.constant 9582 : index
    %get3A_1769 = tpu.vector_load %arg6[%get3A_1768] {strides = array<i32>} : memref<10368xf32, #tpu.memory_space<vmem>>, vector<16xf32>,
    %get3A_1770 = arith.constant 9598 : index
    %get3A_1771 = tpu.vector_load %arg6[%get3A_1770] {strides = array<i32>} : memref<10368xf32, #tpu.memory_space<vmem>>, vector<16xf32>,
    %add3A_1772 = arith.addf %add3A_1652, %get3A_1693 : vector<16xf32>
    %add3A_1773 = arith.addf %add3A_1653, %get3A_1695 : vector<16xf32>
    %add3A_1774 = arith.addf %add3A_1654, %get3A_1697 : vector<16xf32>
    %add3A_1775 = arith.addf %add3A_1655, %get3A_1699 : vector<16xf32>
    %add3A_1776 = arith.addf %add3A_1656, %get3A_1701 : vector<16xf32>
    %add3A_1777 = arith.addf %add3A_1657, %get3A_1703 : vector<16xf32>
    %add3A_1778 = arith.addf %add3A_1658, %get3A_1705 : vector<16xf32>
    %add3A_1779 = arith.addf %add3A_1659, %get3A_1707 : vector<16xf32>
    %add3A_1780 = arith.addf %add3A_1660, %get3A_1709 : vector<16xf32>
    %add3A_1781 = arith.addf %add3A_1661, %get3A_1711 : vector<16xf32>
    %add3A_1782 = arith.addf %add3A_1662, %get3A_1713 : vector<16xf32>
    %add3A_1783 = arith.addf %add3A_1663, %get3A_1715 : vector<16xf32>
    %add3A_1784 = arith.addf %add3A_1664, %get3A_1717 : vector<16xf32>
    %add3A_1785 = arith.addf %add3A_1665, %get3A_1719 : vector<16xf32>
    %add3A_1786 = arith.addf %add3A_1666, %get3A_1721 : vector<16xf32>
    %add3A_1787 = arith.addf %add3A_1667, %get3A_1723 : vector<16xf32>
    %add3A_1788 = arith.addf %add3A_1668, %get3A_1725 : vector<16xf32>
    %add3A_1789 = arith.addf %add3A_1669, %get3A_1727 : vector<16xf32>
    %add3A_1790 = arith.addf %add3A_1670, %get3A_1729 : vector<16xf32>
    %add3A_1791 = arith.addf %add3A_1671, %get3A_1731 : vector<16xf32>
    %add3A_1792 = arith.addf %add3A_1672, %get3A_1733 : vector<16xf32>
    %add3A_1793 = arith.addf %add3A_1673, %get3A_1735 : vector<16xf32>
    %add3A_1794 = arith.addf %add3A_1674, %get3A_1737 : vector<16xf32>
    %add3A_1795 = arith.addf %add3A_1675, %get3A_1739 : vector<16xf32>
    %add3A_1796 = arith.addf %add3A_1676, %get3A_1741 : vector<16xf32>
    %add3A_1797 = arith.addf %add3A_1677, %get3A_1743 : vector<16xf32>
    %add3A_1798 = arith.addf %add3A_1678, %get3A_1745 : vector<16xf32>
    %add3A_1799 = arith.addf %add3A_1679, %get3A_1747 : vector<16xf32>
    %add3A_1800 = arith.addf %add3A_1680, %get3A_1749 : vector<16xf32>
    %add3A_1801 = arith.addf %add3A_1681, %get3A_1751 : vector<16xf32>
    %add3A_1802 = arith.addf %add3A_1682, %get3A_1753 : vector<16xf32>
    %add3A_1803 = arith.addf %add3A_1683, %get3A_1755 : vector<16xf32>
    %add3A_1804 = arith.addf %add3A_1684, %get3A_1757 : vector<16xf32>
    %add3A_1805 = arith.addf %add3A_1685, %get3A_1759 : vector<16xf32>
    %add3A_1806 = arith.addf %add3A_1686, %get3A_1761 : vector<16xf32>
    %add3A_1807 = arith.addf %add3A_1687, %get3A_1763 : vector<16xf32>
    %add3A_1808 = arith.addf %add3A_1688, %get3A_1765 : vector<16xf32>
    %add3A_1809 = arith.addf %add3A_1689, %get3A_1767 : vector<16xf32>
    %add3A_1810 = arith.addf %add3A_1690, %get3A_1769 : vector<16xf32>
    %add3A_1811 = arith.addf %add3A_1691, %get3A_1771 : vector<16xf32>
    %get3A_1812 = arith.constant 9615 : index
    %get3A_1813 = tpu.vector_load %arg6[%get3A_1812] {strides = array<i32>} : memref<10368xf32, #tpu.memory_space<vmem>>, vector<16xf32>,
    %get3A_1814 = arith.constant 9631 : index
    %get3A_1815 = tpu.vector_load %arg6[%get3A_1814] {strides = array<i32>} : memref<10368xf32, #tpu.memory_space<vmem>>, vector<16xf32>,
    %get3A_1816 = arith.constant 9647 : index
    %get3A_1817 = tpu.vector_load %arg6[%get3A_1816] {strides = array<i32>} : memref<10368xf32, #tpu.memory_space<vmem>>, vector<16xf32>,
    %get3A_1818 = arith.constant 9663 : index
    %get3A_1819 = tpu.vector_load %arg6[%get3A_1818] {strides = array<i32>} : memref<10368xf32, #tpu.memory_space<vmem>>, vector<16xf32>,
    %get3A_1820 = arith.constant 9679 : index
    %get3A_1821 = tpu.vector_load %arg6[%get3A_1820] {strides = array<i32>} : memref<10368xf32, #tpu.memory_space<vmem>>, vector<16xf32>,
    %get3A_1822 = arith.constant 9695 : index
    %get3A_1823 = tpu.vector_load %arg6[%get3A_1822] {strides = array<i32>} : memref<10368xf32, #tpu.memory_space<vmem>>, vector<16xf32>,
    %get3A_1824 = arith.constant 9711 : index
    %get3A_1825 = tpu.vector_load %arg6[%get3A_1824] {strides = array<i32>} : memref<10368xf32, #tpu.memory_space<vmem>>, vector<16xf32>,
    %get3A_1826 = arith.constant 9727 : index
    %get3A_1827 = tpu.vector_load %arg6[%get3A_1826] {strides = array<i32>} : memref<10368xf32, #tpu.memory_space<vmem>>, vector<16xf32>,
    %get3A_1828 = arith.constant 9743 : index
    %get3A_1829 = tpu.vector_load %arg6[%get3A_1828] {strides = array<i32>} : memref<10368xf32, #tpu.memory_space<vmem>>, vector<16xf32>,
    %get3A_1830 = arith.constant 9759 : index
    %get3A_1831 = tpu.vector_load %arg6[%get3A_1830] {strides = array<i32>} : memref<10368xf32, #tpu.memory_space<vmem>>, vector<16xf32>,
    %get3A_1832 = arith.constant 9775 : index
    %get3A_1833 = tpu.vector_load %arg6[%get3A_1832] {strides = array<i32>} : memref<10368xf32, #tpu.memory_space<vmem>>, vector<16xf32>,
    %get3A_1834 = arith.constant 9791 : index
    %get3A_1835 = tpu.vector_load %arg6[%get3A_1834] {strides = array<i32>} : memref<10368xf32, #tpu.memory_space<vmem>>, vector<16xf32>,
    %get3A_1836 = arith.constant 9807 : index
    %get3A_1837 = tpu.vector_load %arg6[%get3A_1836] {strides = array<i32>} : memref<10368xf32, #tpu.memory_space<vmem>>, vector<16xf32>,
    %get3A_1838 = arith.constant 9823 : index
    %get3A_1839 = tpu.vector_load %arg6[%get3A_1838] {strides = array<i32>} : memref<10368xf32, #tpu.memory_space<vmem>>, vector<16xf32>,
    %get3A_1840 = arith.constant 9839 : index
    %get3A_1841 = tpu.vector_load %arg6[%get3A_1840] {strides = array<i32>} : memref<10368xf32, #tpu.memory_space<vmem>>, vector<16xf32>,
    %get3A_1842 = arith.constant 9855 : index
    %get3A_1843 = tpu.vector_load %arg6[%get3A_1842] {strides = array<i32>} : memref<10368xf32, #tpu.memory_space<vmem>>, vector<16xf32>,
    %get3A_1844 = arith.constant 9871 : index
    %get3A_1845 = tpu.vector_load %arg6[%get3A_1844] {strides = array<i32>} : memref<10368xf32, #tpu.memory_space<vmem>>, vector<16xf32>,
    %get3A_1846 = arith.constant 9887 : index
    %get3A_1847 = tpu.vector_load %arg6[%get3A_1846] {strides = array<i32>} : memref<10368xf32, #tpu.memory_space<vmem>>, vector<16xf32>,
    %get3A_1848 = arith.constant 9903 : index
    %get3A_1849 = tpu.vector_load %arg6[%get3A_1848] {strides = array<i32>} : memref<10368xf32, #tpu.memory_space<vmem>>, vector<16xf32>,
    %get3A_1850 = arith.constant 9919 : index
    %get3A_1851 = tpu.vector_load %arg6[%get3A_1850] {strides = array<i32>} : memref<10368xf32, #tpu.memory_space<vmem>>, vector<16xf32>,
    %get3A_1852 = arith.constant 9935 : index
    %get3A_1853 = tpu.vector_load %arg6[%get3A_1852] {strides = array<i32>} : memref<10368xf32, #tpu.memory_space<vmem>>, vector<16xf32>,
    %get3A_1854 = arith.constant 9951 : index
    %get3A_1855 = tpu.vector_load %arg6[%get3A_1854] {strides = array<i32>} : memref<10368xf32, #tpu.memory_space<vmem>>, vector<16xf32>,
    %get3A_1856 = arith.constant 9967 : index
    %get3A_1857 = tpu.vector_load %arg6[%get3A_1856] {strides = array<i32>} : memref<10368xf32, #tpu.memory_space<vmem>>, vector<16xf32>,
    %get3A_1858 = arith.constant 9983 : index
    %get3A_1859 = tpu.vector_load %arg6[%get3A_1858] {strides = array<i32>} : memref<10368xf32, #tpu.memory_space<vmem>>, vector<16xf32>,
    %get3A_1860 = arith.constant 9999 : index
    %get3A_1861 = tpu.vector_load %arg6[%get3A_1860] {strides = array<i32>} : memref<10368xf32, #tpu.memory_space<vmem>>, vector<16xf32>,
    %get3A_1862 = arith.constant 10015 : index
    %get3A_1863 = tpu.vector_load %arg6[%get3A_1862] {strides = array<i32>} : memref<10368xf32, #tpu.memory_space<vmem>>, vector<16xf32>,
    %get3A_1864 = arith.constant 10031 : index
    %get3A_1865 = tpu.vector_load %arg6[%get3A_1864] {strides = array<i32>} : memref<10368xf32, #tpu.memory_space<vmem>>, vector<16xf32>,
    %get3A_1866 = arith.constant 10047 : index
    %get3A_1867 = tpu.vector_load %arg6[%get3A_1866] {strides = array<i32>} : memref<10368xf32, #tpu.memory_space<vmem>>, vector<16xf32>,
    %get3A_1868 = arith.constant 10063 : index
    %get3A_1869 = tpu.vector_load %arg6[%get3A_1868] {strides = array<i32>} : memref<10368xf32, #tpu.memory_space<vmem>>, vector<16xf32>,
    %get3A_1870 = arith.constant 10079 : index
    %get3A_1871 = tpu.vector_load %arg6[%get3A_1870] {strides = array<i32>} : memref<10368xf32, #tpu.memory_space<vmem>>, vector<16xf32>,
    %get3A_1872 = arith.constant 10095 : index
    %get3A_1873 = tpu.vector_load %arg6[%get3A_1872] {strides = array<i32>} : memref<10368xf32, #tpu.memory_space<vmem>>, vector<16xf32>,
    %get3A_1874 = arith.constant 10111 : index
    %get3A_1875 = tpu.vector_load %arg6[%get3A_1874] {strides = array<i32>} : memref<10368xf32, #tpu.memory_space<vmem>>, vector<16xf32>,
    %get3A_1876 = arith.constant 10127 : index
    %get3A_1877 = tpu.vector_load %arg6[%get3A_1876] {strides = array<i32>} : memref<10368xf32, #tpu.memory_space<vmem>>, vector<16xf32>,
    %get3A_1878 = arith.constant 10143 : index
    %get3A_1879 = tpu.vector_load %arg6[%get3A_1878] {strides = array<i32>} : memref<10368xf32, #tpu.memory_space<vmem>>, vector<16xf32>,
    %get3A_1880 = arith.constant 10159 : index
    %get3A_1881 = tpu.vector_load %arg6[%get3A_1880] {strides = array<i32>} : memref<10368xf32, #tpu.memory_space<vmem>>, vector<16xf32>,
    %get3A_1882 = arith.constant 10175 : index
    %get3A_1883 = tpu.vector_load %arg6[%get3A_1882] {strides = array<i32>} : memref<10368xf32, #tpu.memory_space<vmem>>, vector<16xf32>,
    %get3A_1884 = arith.constant 10191 : index
    %get3A_1885 = tpu.vector_load %arg6[%get3A_1884] {strides = array<i32>} : memref<10368xf32, #tpu.memory_space<vmem>>, vector<16xf32>,
    %get3A_1886 = arith.constant 10207 : index
    %get3A_1887 = tpu.vector_load %arg6[%get3A_1886] {strides = array<i32>} : memref<10368xf32, #tpu.memory_space<vmem>>, vector<16xf32>,
    %get3A_1888 = arith.constant 10223 : index
    %get3A_1889 = tpu.vector_load %arg6[%get3A_1888] {strides = array<i32>} : memref<10368xf32, #tpu.memory_space<vmem>>, vector<16xf32>,
    %get3A_1890 = arith.constant 10239 : index
    %get3A_1891 = tpu.vector_load %arg6[%get3A_1890] {strides = array<i32>} : memref<10368xf32, #tpu.memory_space<vmem>>, vector<16xf32>,
    %add3A_1892 = arith.addf %add3A_1772, %get3A_1813 : vector<16xf32>
    %add3A_1893 = arith.addf %add3A_1773, %get3A_1815 : vector<16xf32>
    %add3A_1894 = arith.addf %add3A_1774, %get3A_1817 : vector<16xf32>
    %add3A_1895 = arith.addf %add3A_1775, %get3A_1819 : vector<16xf32>
    %add3A_1896 = arith.addf %add3A_1776, %get3A_1821 : vector<16xf32>
    %add3A_1897 = arith.addf %add3A_1777, %get3A_1823 : vector<16xf32>
    %add3A_1898 = arith.addf %add3A_1778, %get3A_1825 : vector<16xf32>
    %add3A_1899 = arith.addf %add3A_1779, %get3A_1827 : vector<16xf32>
    %add3A_1900 = arith.addf %add3A_1780, %get3A_1829 : vector<16xf32>
    %add3A_1901 = arith.addf %add3A_1781, %get3A_1831 : vector<16xf32>
    %add3A_1902 = arith.addf %add3A_1782, %get3A_1833 : vector<16xf32>
    %add3A_1903 = arith.addf %add3A_1783, %get3A_1835 : vector<16xf32>
    %add3A_1904 = arith.addf %add3A_1784, %get3A_1837 : vector<16xf32>
    %add3A_1905 = arith.addf %add3A_1785, %get3A_1839 : vector<16xf32>
    %add3A_1906 = arith.addf %add3A_1786, %get3A_1841 : vector<16xf32>
    %add3A_1907 = arith.addf %add3A_1787, %get3A_1843 : vector<16xf32>
    %add3A_1908 = arith.addf %add3A_1788, %get3A_1845 : vector<16xf32>
    %add3A_1909 = arith.addf %add3A_1789, %get3A_1847 : vector<16xf32>
    %add3A_1910 = arith.addf %add3A_1790, %get3A_1849 : vector<16xf32>
    %add3A_1911 = arith.addf %add3A_1791, %get3A_1851 : vector<16xf32>
    %add3A_1912 = arith.addf %add3A_1792, %get3A_1853 : vector<16xf32>
    %add3A_1913 = arith.addf %add3A_1793, %get3A_1855 : vector<16xf32>
    %add3A_1914 = arith.addf %add3A_1794, %get3A_1857 : vector<16xf32>
    %add3A_1915 = arith.addf %add3A_1795, %get3A_1859 : vector<16xf32>
    %add3A_1916 = arith.addf %add3A_1796, %get3A_1861 : vector<16xf32>
    %add3A_1917 = arith.addf %add3A_1797, %get3A_1863 : vector<16xf32>
    %add3A_1918 = arith.addf %add3A_1798, %get3A_1865 : vector<16xf32>
    %add3A_1919 = arith.addf %add3A_1799, %get3A_1867 : vector<16xf32>
    %add3A_1920 = arith.addf %add3A_1800, %get3A_1869 : vector<16xf32>
    %add3A_1921 = arith.addf %add3A_1801, %get3A_1871 : vector<16xf32>
    %add3A_1922 = arith.addf %add3A_1802, %get3A_1873 : vector<16xf32>
    %add3A_1923 = arith.addf %add3A_1803, %get3A_1875 : vector<16xf32>
    %add3A_1924 = arith.addf %add3A_1804, %get3A_1877 : vector<16xf32>
    %add3A_1925 = arith.addf %add3A_1805, %get3A_1879 : vector<16xf32>
    %add3A_1926 = arith.addf %add3A_1806, %get3A_1881 : vector<16xf32>
    %add3A_1927 = arith.addf %add3A_1807, %get3A_1883 : vector<16xf32>
    %add3A_1928 = arith.addf %add3A_1808, %get3A_1885 : vector<16xf32>
    %add3A_1929 = arith.addf %add3A_1809, %get3A_1887 : vector<16xf32>
    %add3A_1930 = arith.addf %add3A_1810, %get3A_1889 : vector<16xf32>
    %add3A_1931 = arith.addf %add3A_1811, %get3A_1891 : vector<16xf32>
    %swap3A = arith.constant 0 : i32
    %swap3A_1932 = arith.index_cast %swap3A : i32 to index
    %swap3A_1933 = arith.constant 0 : index
    %swap3A_1934 = tpu.vector_load %arg7[%swap3A_1932, %swap3A_1933] {strides = array<i32>} : memref<20x32xf32, #tpu.memory_space<vmem>>, vector<16xf32>,
    tpu.vector_store %arg7[%swap3A_1932, %swap3A_1933], %add3A_1892 {strides = array<i32>} : memref<20x32xf32, #tpu.memory_space<vmem>>, vector<16xf32>,
    %swap3A_1935 = arith.constant 0 : i32
    %swap3A_1936 = arith.index_cast %swap3A_1935 : i32 to index
    %swap3A_1937 = arith.constant 16 : index
    %swap3A_1938 = tpu.vector_load %arg7[%swap3A_1936, %swap3A_1937] {strides = array<i32>} : memref<20x32xf32, #tpu.memory_space<vmem>>, vector<16xf32>,
    tpu.vector_store %arg7[%swap3A_1936, %swap3A_1937], %add3A_1893 {strides = array<i32>} : memref<20x32xf32, #tpu.memory_space<vmem>>, vector<16xf32>,
    %swap3A_1939 = arith.constant 1 : i32
    %swap3A_1940 = arith.index_cast %swap3A_1939 : i32 to index
    %swap3A_1941 = arith.constant 0 : index
    %swap3A_1942 = tpu.vector_load %arg7[%swap3A_1940, %swap3A_1941] {strides = array<i32>} : memref<20x32xf32, #tpu.memory_space<vmem>>, vector<16xf32>,
    tpu.vector_store %arg7[%swap3A_1940, %swap3A_1941], %add3A_1894 {strides = array<i32>} : memref<20x32xf32, #tpu.memory_space<vmem>>, vector<16xf32>,
    %swap3A_1943 = arith.constant 1 : i32
    %swap3A_1944 = arith.index_cast %swap3A_1943 : i32 to index
    %swap3A_1945 = arith.constant 16 : index
    %swap3A_1946 = tpu.vector_load %arg7[%swap3A_1944, %swap3A_1945] {strides = array<i32>} : memref<20x32xf32, #tpu.memory_space<vmem>>, vector<16xf32>,
    tpu.vector_store %arg7[%swap3A_1944, %swap3A_1945], %add3A_1895 {strides = array<i32>} : memref<20x32xf32, #tpu.memory_space<vmem>>, vector<16xf32>,
    %swap3A_1947 = arith.constant 2 : i32
    %swap3A_1948 = arith.index_cast %swap3A_1947 : i32 to index
    %swap3A_1949 = arith.constant 0 : index
    %swap3A_1950 = tpu.vector_load %arg7[%swap3A_1948, %swap3A_1949] {strides = array<i32>} : memref<20x32xf32, #tpu.memory_space<vmem>>, vector<16xf32>,
    tpu.vector_store %arg7[%swap3A_1948, %swap3A_1949], %add3A_1896 {strides = array<i32>} : memref<20x32xf32, #tpu.memory_space<vmem>>, vector<16xf32>,
    %swap3A_1951 = arith.constant 2 : i32
    %swap3A_1952 = arith.index_cast %swap3A_1951 : i32 to index
    %swap3A_1953 = arith.constant 16 : index
    %swap3A_1954 = tpu.vector_load %arg7[%swap3A_1952, %swap3A_1953] {strides = array<i32>} : memref<20x32xf32, #tpu.memory_space<vmem>>, vector<16xf32>,
    tpu.vector_store %arg7[%swap3A_1952, %swap3A_1953], %add3A_1897 {strides = array<i32>} : memref<20x32xf32, #tpu.memory_space<vmem>>, vector<16xf32>,
    %swap3A_1955 = arith.constant 3 : i32
    %swap3A_1956 = arith.index_cast %swap3A_1955 : i32 to index
    %swap3A_1957 = arith.constant 0 : index
    %swap3A_1958 = tpu.vector_load %arg7[%swap3A_1956, %swap3A_1957] {strides = array<i32>} : memref<20x32xf32, #tpu.memory_space<vmem>>, vector<16xf32>,
    tpu.vector_store %arg7[%swap3A_1956, %swap3A_1957], %add3A_1898 {strides = array<i32>} : memref<20x32xf32, #tpu.memory_space<vmem>>, vector<16xf32>,
    %swap3A_1959 = arith.constant 3 : i32
    %swap3A_1960 = arith.index_cast %swap3A_1959 : i32 to index
    %swap3A_1961 = arith.constant 16 : index
    %swap3A_1962 = tpu.vector_load %arg7[%swap3A_1960, %swap3A_1961] {strides = array<i32>} : memref<20x32xf32, #tpu.memory_space<vmem>>, vector<16xf32>,
    tpu.vector_store %arg7[%swap3A_1960, %swap3A_1961], %add3A_1899 {strides = array<i32>} : memref<20x32xf32, #tpu.memory_space<vmem>>, vector<16xf32>,
    %swap3A_1963 = arith.constant 4 : i32
    %swap3A_1964 = arith.index_cast %swap3A_1963 : i32 to index
    %swap3A_1965 = arith.constant 0 : index
    %swap3A_1966 = tpu.vector_load %arg7[%swap3A_1964, %swap3A_1965] {strides = array<i32>} : memref<20x32xf32, #tpu.memory_space<vmem>>, vector<16xf32>,
    tpu.vector_store %arg7[%swap3A_1964, %swap3A_1965], %add3A_1900 {strides = array<i32>} : memref<20x32xf32, #tpu.memory_space<vmem>>, vector<16xf32>,
    %swap3A_1967 = arith.constant 4 : i32
    %swap3A_1968 = arith.index_cast %swap3A_1967 : i32 to index
    %swap3A_1969 = arith.constant 16 : index
    %swap3A_1970 = tpu.vector_load %arg7[%swap3A_1968, %swap3A_1969] {strides = array<i32>} : memref<20x32xf32, #tpu.memory_space<vmem>>, vector<16xf32>,
    tpu.vector_store %arg7[%swap3A_1968, %swap3A_1969], %add3A_1901 {strides = array<i32>} : memref<20x32xf32, #tpu.memory_space<vmem>>, vector<16xf32>,
    %swap3A_1971 = arith.constant 5 : i32
    %swap3A_1972 = arith.index_cast %swap3A_1971 : i32 to index
    %swap3A_1973 = arith.constant 0 : index
    %swap3A_1974 = tpu.vector_load %arg7[%swap3A_1972, %swap3A_1973] {strides = array<i32>} : memref<20x32xf32, #tpu.memory_space<vmem>>, vector<16xf32>,
    tpu.vector_store %arg7[%swap3A_1972, %swap3A_1973], %add3A_1902 {strides = array<i32>} : memref<20x32xf32, #tpu.memory_space<vmem>>, vector<16xf32>,
    %swap3A_1975 = arith.constant 5 : i32
    %swap3A_1976 = arith.index_cast %swap3A_1975 : i32 to index
    %swap3A_1977 = arith.constant 16 : index
    %swap3A_1978 = tpu.vector_load %arg7[%swap3A_1976, %swap3A_1977] {strides = array<i32>} : memref<20x32xf32, #tpu.memory_space<vmem>>, vector<16xf32>,
    tpu.vector_store %arg7[%swap3A_1976, %swap3A_1977], %add3A_1903 {strides = array<i32>} : memref<20x32xf32, #tpu.memory_space<vmem>>, vector<16xf32>,
    %swap3A_1979 = arith.constant 6 : i32
    %swap3A_1980 = arith.index_cast %swap3A_1979 : i32 to index
    %swap3A_1981 = arith.constant 0 : index
    %swap3A_1982 = tpu.vector_load %arg7[%swap3A_1980, %swap3A_1981] {strides = array<i32>} : memref<20x32xf32, #tpu.memory_space<vmem>>, vector<16xf32>,
    tpu.vector_store %arg7[%swap3A_1980, %swap3A_1981], %add3A_1904 {strides = array<i32>} : memref<20x32xf32, #tpu.memory_space<vmem>>, vector<16xf32>,
    %swap3A_1983 = arith.constant 6 : i32
    %swap3A_1984 = arith.index_cast %swap3A_1983 : i32 to index
    %swap3A_1985 = arith.constant 16 : index
    %swap3A_1986 = tpu.vector_load %arg7[%swap3A_1984, %swap3A_1985] {strides = array<i32>} : memref<20x32xf32, #tpu.memory_space<vmem>>, vector<16xf32>,
    tpu.vector_store %arg7[%swap3A_1984, %swap3A_1985], %add3A_1905 {strides = array<i32>} : memref<20x32xf32, #tpu.memory_space<vmem>>, vector<16xf32>,
    %swap3A_1987 = arith.constant 7 : i32
    %swap3A_1988 = arith.index_cast %swap3A_1987 : i32 to index
    %swap3A_1989 = arith.constant 0 : index
    %swap3A_1990 = tpu.vector_load %arg7[%swap3A_1988, %swap3A_1989] {strides = array<i32>} : memref<20x32xf32, #tpu.memory_space<vmem>>, vector<16xf32>,
    tpu.vector_store %arg7[%swap3A_1988, %swap3A_1989], %add3A_1906 {strides = array<i32>} : memref<20x32xf32, #tpu.memory_space<vmem>>, vector<16xf32>,
    %swap3A_1991 = arith.constant 7 : i32
    %swap3A_1992 = arith.index_cast %swap3A_1991 : i32 to index
    %swap3A_1993 = arith.constant 16 : index
    %swap3A_1994 = tpu.vector_load %arg7[%swap3A_1992, %swap3A_1993] {strides = array<i32>} : memref<20x32xf32, #tpu.memory_space<vmem>>, vector<16xf32>,
    tpu.vector_store %arg7[%swap3A_1992, %swap3A_1993], %add3A_1907 {strides = array<i32>} : memref<20x32xf32, #tpu.memory_space<vmem>>, vector<16xf32>,
    %swap3A_1995 = arith.constant 8 : i32
    %swap3A_1996 = arith.index_cast %swap3A_1995 : i32 to index
    %swap3A_1997 = arith.constant 0 : index
    %swap3A_1998 = tpu.vector_load %arg7[%swap3A_1996, %swap3A_1997] {strides = array<i32>} : memref<20x32xf32, #tpu.memory_space<vmem>>, vector<16xf32>,
    tpu.vector_store %arg7[%swap3A_1996, %swap3A_1997], %add3A_1908 {strides = array<i32>} : memref<20x32xf32, #tpu.memory_space<vmem>>, vector<16xf32>,
    %swap3A_1999 = arith.constant 8 : i32
    %swap3A_2000 = arith.index_cast %swap3A_1999 : i32 to index
    %swap3A_2001 = arith.constant 16 : index
    %swap3A_2002 = tpu.vector_load %arg7[%swap3A_2000, %swap3A_2001] {strides = array<i32>} : memref<20x32xf32, #tpu.memory_space<vmem>>, vector<16xf32>,
    tpu.vector_store %arg7[%swap3A_2000, %swap3A_2001], %add3A_1909 {strides = array<i32>} : memref<20x32xf32, #tpu.memory_space<vmem>>, vector<16xf32>,
    %swap3A_2003 = arith.constant 9 : i32
    %swap3A_2004 = arith.index_cast %swap3A_2003 : i32 to index
    %swap3A_2005 = arith.constant 0 : index
    %swap3A_2006 = tpu.vector_load %arg7[%swap3A_2004, %swap3A_2005] {strides = array<i32>} : memref<20x32xf32, #tpu.memory_space<vmem>>, vector<16xf32>,
    tpu.vector_store %arg7[%swap3A_2004, %swap3A_2005], %add3A_1910 {strides = array<i32>} : memref<20x32xf32, #tpu.memory_space<vmem>>, vector<16xf32>,
    %swap3A_2007 = arith.constant 9 : i32
    %swap3A_2008 = arith.index_cast %swap3A_2007 : i32 to index
    %swap3A_2009 = arith.constant 16 : index
    %swap3A_2010 = tpu.vector_load %arg7[%swap3A_2008, %swap3A_2009] {strides = array<i32>} : memref<20x32xf32, #tpu.memory_space<vmem>>, vector<16xf32>,
    tpu.vector_store %arg7[%swap3A_2008, %swap3A_2009], %add3A_1911 {strides = array<i32>} : memref<20x32xf32, #tpu.memory_space<vmem>>, vector<16xf32>,
    %swap3A_2011 = arith.constant 10 : i32
    %swap3A_2012 = arith.index_cast %swap3A_2011 : i32 to index
    %swap3A_2013 = arith.constant 0 : index
    %swap3A_2014 = tpu.vector_load %arg7[%swap3A_2012, %swap3A_2013] {strides = array<i32>} : memref<20x32xf32, #tpu.memory_space<vmem>>, vector<16xf32>,
    tpu.vector_store %arg7[%swap3A_2012, %swap3A_2013], %add3A_1912 {strides = array<i32>} : memref<20x32xf32, #tpu.memory_space<vmem>>, vector<16xf32>,
    %swap3A_2015 = arith.constant 10 : i32
    %swap3A_2016 = arith.index_cast %swap3A_2015 : i32 to index
    %swap3A_2017 = arith.constant 16 : index
    %swap3A_2018 = tpu.vector_load %arg7[%swap3A_2016, %swap3A_2017] {strides = array<i32>} : memref<20x32xf32, #tpu.memory_space<vmem>>, vector<16xf32>,
    tpu.vector_store %arg7[%swap3A_2016, %swap3A_2017], %add3A_1913 {strides = array<i32>} : memref<20x32xf32, #tpu.memory_space<vmem>>, vector<16xf32>,
    %swap3A_2019 = arith.constant 11 : i32
    %swap3A_2020 = arith.index_cast %swap3A_2019 : i32 to index
    %swap3A_2021 = arith.constant 0 : index
    %swap3A_2022 = tpu.vector_load %arg7[%swap3A_2020, %swap3A_2021] {strides = array<i32>} : memref<20x32xf32, #tpu.memory_space<vmem>>, vector<16xf32>,
    tpu.vector_store %arg7[%swap3A_2020, %swap3A_2021], %add3A_1914 {strides = array<i32>} : memref<20x32xf32, #tpu.memory_space<vmem>>, vector<16xf32>,
    %swap3A_2023 = arith.constant 11 : i32
    %swap3A_2024 = arith.index_cast %swap3A_2023 : i32 to index
    %swap3A_2025 = arith.constant 16 : index
    %swap3A_2026 = tpu.vector_load %arg7[%swap3A_2024, %swap3A_2025] {strides = array<i32>} : memref<20x32xf32, #tpu.memory_space<vmem>>, vector<16xf32>,
    tpu.vector_store %arg7[%swap3A_2024, %swap3A_2025], %add3A_1915 {strides = array<i32>} : memref<20x32xf32, #tpu.memory_space<vmem>>, vector<16xf32>,
    %swap3A_2027 = arith.constant 12 : i32
    %swap3A_2028 = arith.index_cast %swap3A_2027 : i32 to index
    %swap3A_2029 = arith.constant 0 : index
    %swap3A_2030 = tpu.vector_load %arg7[%swap3A_2028, %swap3A_2029] {strides = array<i32>} : memref<20x32xf32, #tpu.memory_space<vmem>>, vector<16xf32>,
    tpu.vector_store %arg7[%swap3A_2028, %swap3A_2029], %add3A_1916 {strides = array<i32>} : memref<20x32xf32, #tpu.memory_space<vmem>>, vector<16xf32>,
    %swap3A_2031 = arith.constant 12 : i32
    %swap3A_2032 = arith.index_cast %swap3A_2031 : i32 to index
    %swap3A_2033 = arith.constant 16 : index
    %swap3A_2034 = tpu.vector_load %arg7[%swap3A_2032, %swap3A_2033] {strides = array<i32>} : memref<20x32xf32, #tpu.memory_space<vmem>>, vector<16xf32>,
    tpu.vector_store %arg7[%swap3A_2032, %swap3A_2033], %add3A_1917 {strides = array<i32>} : memref<20x32xf32, #tpu.memory_space<vmem>>, vector<16xf32>,
    %swap3A_2035 = arith.constant 13 : i32
    %swap3A_2036 = arith.index_cast %swap3A_2035 : i32 to index
    %swap3A_2037 = arith.constant 0 : index
    %swap3A_2038 = tpu.vector_load %arg7[%swap3A_2036, %swap3A_2037] {strides = array<i32>} : memref<20x32xf32, #tpu.memory_space<vmem>>, vector<16xf32>,
    tpu.vector_store %arg7[%swap3A_2036, %swap3A_2037], %add3A_1918 {strides = array<i32>} : memref<20x32xf32, #tpu.memory_space<vmem>>, vector<16xf32>,
    %swap3A_2039 = arith.constant 13 : i32
    %swap3A_2040 = arith.index_cast %swap3A_2039 : i32 to index
    %swap3A_2041 = arith.constant 16 : index
    %swap3A_2042 = tpu.vector_load %arg7[%swap3A_2040, %swap3A_2041] {strides = array<i32>} : memref<20x32xf32, #tpu.memory_space<vmem>>, vector<16xf32>,
    tpu.vector_store %arg7[%swap3A_2040, %swap3A_2041], %add3A_1919 {strides = array<i32>} : memref<20x32xf32, #tpu.memory_space<vmem>>, vector<16xf32>,
    %swap3A_2043 = arith.constant 14 : i32
    %swap3A_2044 = arith.index_cast %swap3A_2043 : i32 to index
    %swap3A_2045 = arith.constant 0 : index
    %swap3A_2046 = tpu.vector_load %arg7[%swap3A_2044, %swap3A_2045] {strides = array<i32>} : memref<20x32xf32, #tpu.memory_space<vmem>>, vector<16xf32>,
    tpu.vector_store %arg7[%swap3A_2044, %swap3A_2045], %add3A_1920 {strides = array<i32>} : memref<20x32xf32, #tpu.memory_space<vmem>>, vector<16xf32>,
    %swap3A_2047 = arith.constant 14 : i32
    %swap3A_2048 = arith.index_cast %swap3A_2047 : i32 to index
    %swap3A_2049 = arith.constant 16 : index
    %swap3A_2050 = tpu.vector_load %arg7[%swap3A_2048, %swap3A_2049] {strides = array<i32>} : memref<20x32xf32, #tpu.memory_space<vmem>>, vector<16xf32>,
    tpu.vector_store %arg7[%swap3A_2048, %swap3A_2049], %add3A_1921 {strides = array<i32>} : memref<20x32xf32, #tpu.memory_space<vmem>>, vector<16xf32>,
    %swap3A_2051 = arith.constant 15 : i32
    %swap3A_2052 = arith.index_cast %swap3A_2051 : i32 to index
    %swap3A_2053 = arith.constant 0 : index
    %swap3A_2054 = tpu.vector_load %arg7[%swap3A_2052, %swap3A_2053] {strides = array<i32>} : memref<20x32xf32, #tpu.memory_space<vmem>>, vector<16xf32>,
    tpu.vector_store %arg7[%swap3A_2052, %swap3A_2053], %add3A_1922 {strides = array<i32>} : memref<20x32xf32, #tpu.memory_space<vmem>>, vector<16xf32>,
    %swap3A_2055 = arith.constant 15 : i32
    %swap3A_2056 = arith.index_cast %swap3A_2055 : i32 to index
    %swap3A_2057 = arith.constant 16 : index
    %swap3A_2058 = tpu.vector_load %arg7[%swap3A_2056, %swap3A_2057] {strides = array<i32>} : memref<20x32xf32, #tpu.memory_space<vmem>>, vector<16xf32>,
    tpu.vector_store %arg7[%swap3A_2056, %swap3A_2057], %add3A_1923 {strides = array<i32>} : memref<20x32xf32, #tpu.memory_space<vmem>>, vector<16xf32>,
    %swap3A_2059 = arith.constant 16 : i32
    %swap3A_2060 = arith.index_cast %swap3A_2059 : i32 to index
    %swap3A_2061 = arith.constant 0 : index
    %swap3A_2062 = tpu.vector_load %arg7[%swap3A_2060, %swap3A_2061] {strides = array<i32>} : memref<20x32xf32, #tpu.memory_space<vmem>>, vector<16xf32>,
    tpu.vector_store %arg7[%swap3A_2060, %swap3A_2061], %add3A_1924 {strides = array<i32>} : memref<20x32xf32, #tpu.memory_space<vmem>>, vector<16xf32>,
    %swap3A_2063 = arith.constant 16 : i32
    %swap3A_2064 = arith.index_cast %swap3A_2063 : i32 to index
    %swap3A_2065 = arith.constant 16 : index
    %swap3A_2066 = tpu.vector_load %arg7[%swap3A_2064, %swap3A_2065] {strides = array<i32>} : memref<20x32xf32, #tpu.memory_space<vmem>>, vector<16xf32>,
    tpu.vector_store %arg7[%swap3A_2064, %swap3A_2065], %add3A_1925 {strides = array<i32>} : memref<20x32xf32, #tpu.memory_space<vmem>>, vector<16xf32>,
    %swap3A_2067 = arith.constant 17 : i32
    %swap3A_2068 = arith.index_cast %swap3A_2067 : i32 to index
    %swap3A_2069 = arith.constant 0 : index
    %swap3A_2070 = tpu.vector_load %arg7[%swap3A_2068, %swap3A_2069] {strides = array<i32>} : memref<20x32xf32, #tpu.memory_space<vmem>>, vector<16xf32>,
    tpu.vector_store %arg7[%swap3A_2068, %swap3A_2069], %add3A_1926 {strides = array<i32>} : memref<20x32xf32, #tpu.memory_space<vmem>>, vector<16xf32>,
    %swap3A_2071 = arith.constant 17 : i32
    %swap3A_2072 = arith.index_cast %swap3A_2071 : i32 to index
    %swap3A_2073 = arith.constant 16 : index
    %swap3A_2074 = tpu.vector_load %arg7[%swap3A_2072, %swap3A_2073] {strides = array<i32>} : memref<20x32xf32, #tpu.memory_space<vmem>>, vector<16xf32>,
    tpu.vector_store %arg7[%swap3A_2072, %swap3A_2073], %add3A_1927 {strides = array<i32>} : memref<20x32xf32, #tpu.memory_space<vmem>>, vector<16xf32>,
    %swap3A_2075 = arith.constant 18 : i32
    %swap3A_2076 = arith.index_cast %swap3A_2075 : i32 to index
    %swap3A_2077 = arith.constant 0 : index
    %swap3A_2078 = tpu.vector_load %arg7[%swap3A_2076, %swap3A_2077] {strides = array<i32>} : memref<20x32xf32, #tpu.memory_space<vmem>>, vector<16xf32>,
    tpu.vector_store %arg7[%swap3A_2076, %swap3A_2077], %add3A_1928 {strides = array<i32>} : memref<20x32xf32, #tpu.memory_space<vmem>>, vector<16xf32>,
    %swap3A_2079 = arith.constant 18 : i32
    %swap3A_2080 = arith.index_cast %swap3A_2079 : i32 to index
    %swap3A_2081 = arith.constant 16 : index
    %swap3A_2082 = tpu.vector_load %arg7[%swap3A_2080, %swap3A_2081] {strides = array<i32>} : memref<20x32xf32, #tpu.memory_space<vmem>>, vector<16xf32>,
    tpu.vector_store %arg7[%swap3A_2080, %swap3A_2081], %add3A_1929 {strides = array<i32>} : memref<20x32xf32, #tpu.memory_space<vmem>>, vector<16xf32>,
    %swap3A_2083 = arith.constant 19 : i32
    %swap3A_2084 = arith.index_cast %swap3A_2083 : i32 to index
    %swap3A_2085 = arith.constant 0 : index
    %swap3A_2086 = tpu.vector_load %arg7[%swap3A_2084, %swap3A_2085] {strides = array<i32>} : memref<20x32xf32, #tpu.memory_space<vmem>>, vector<16xf32>,
    tpu.vector_store %arg7[%swap3A_2084, %swap3A_2085], %add3A_1930 {strides = array<i32>} : memref<20x32xf32, #tpu.memory_space<vmem>>, vector<16xf32>,
    %swap3A_2087 = arith.constant 19 : i32
    %swap3A_2088 = arith.index_cast %swap3A_2087 : i32 to index
    %swap3A_2089 = arith.constant 16 : index
    %swap3A_2090 = tpu.vector_load %arg7[%swap3A_2088, %swap3A_2089] {strides = array<i32>} : memref<20x32xf32, #tpu.memory_space<vmem>>, vector<16xf32>,
    tpu.vector_store %arg7[%swap3A_2088, %swap3A_2089], %add3A_1931 {strides = array<i32>} : memref<20x32xf32, #tpu.memory_space<vmem>>, vector<16xf32>,
    "tpu.region"() ({
      %run_scoped3A = tpu.sem_alloc : memref<!tpu.dma_semaphore, #tpu.memory_space<semaphore_mem>>
      %dma_start3A_2091 = arith.constant 0 : i32
      %dma_start3A_2092 = arith.constant 0 : i32
      %dma_start3A_2093 = tpu.memref_slice %arg3[%add3A, %dma_start3A_2091, %dma_start3A_2092] : memref<32x20x32xf32, #tpu.memory_space<hbm>> -> memref<1x20x32xf32, #tpu.memory_space<hbm>>
      %dma_start3A_2094 = tpu.memref_squeeze %dma_start3A_2093 : memref<1x20x32xf32, #tpu.memory_space<hbm>> -> memref<20x32xf32, #tpu.memory_space<hbm>>
      %dma_start3A_2095 = arith.constant 0 : i32
      %dma_start3A_2096 = arith.constant 0 : i32
      %dma_start3A_2097 = tpu.memref_slice %arg3[%add3A, %dma_start3A_2095, %dma_start3A_2096] : memref<32x20x32xf32, #tpu.memory_space<hbm>> -> memref<1x20x32xf32, #tpu.memory_space<hbm>>
      %dma_start3A_2098 = tpu.memref_squeeze %dma_start3A_2097 : memref<1x20x32xf32, #tpu.memory_space<hbm>> -> memref<20x32xf32, #tpu.memory_space<hbm>>
      tpu.enqueue_dma source(%arg7 : memref<20x32xf32, #tpu.memory_space<vmem>>) target(%dma_start3A_2098 : memref<20x32xf32, #tpu.memory_space<hbm>>) target_semaphore(%run_scoped3A : memref<!tpu.dma_semaphore, #tpu.memory_space<semaphore_mem>>)
      %dma_wait3A_2099 = arith.constant 0 : i32
      %dma_wait3A_2100 = arith.constant 0 : i32
      %dma_wait3A_2101 = tpu.memref_slice %arg3[%add3A, %dma_wait3A_2099, %dma_wait3A_2100] : memref<32x20x32xf32, #tpu.memory_space<hbm>> -> memref<1x20x32xf32, #tpu.memory_space<hbm>>
      %dma_wait3A_2102 = tpu.memref_squeeze %dma_wait3A_2101 : memref<1x20x32xf32, #tpu.memory_space<hbm>> -> memref<20x32xf32, #tpu.memory_space<hbm>>
      %dma_wait3A_2103 = arith.constant 0 : i32
      %dma_wait3A_2104 = arith.constant 0 : i32
      %dma_wait3A_2105 = tpu.memref_slice %arg3[%add3A, %dma_wait3A_2103, %dma_wait3A_2104] : memref<32x20x32xf32, #tpu.memory_space<hbm>> -> memref<1x20x32xf32, #tpu.memory_space<hbm>>
      %dma_wait3A_2106 = tpu.memref_squeeze %dma_wait3A_2105 : memref<1x20x32xf32, #tpu.memory_space<hbm>> -> memref<20x32xf32, #tpu.memory_space<hbm>>
      tpu.wait_dma2 semaphore(%run_scoped3A : memref<!tpu.dma_semaphore, #tpu.memory_space<semaphore_mem>>) src(%arg7 : memref<20x32xf32, #tpu.memory_space<vmem>>) dst(%dma_wait3A_2106 : memref<20x32xf32, #tpu.memory_space<hbm>>)
      tpu.yield
    }) : () -> ()
    return
  }
}

module attributes {stable_mosaic.version = 14 : i64} {
  func.func @_iou_body(%arg0: memref<32x20x32xf32, #tpu.memory_space<vmem>>, %arg1: memref<1x32xf32, #tpu.memory_space<vmem>>) attributes {dimension_semantics = [], scalar_prefetch = 0 : i64, scratch_operands = 0 : i64, tpu.core_type = #tpu.core_type<tc>} {
    %get3A = arith.constant 0 : index
    %get3A_0 = arith.constant 0 : index
    %get3A_1 = arith.constant 0 : index
    %get3A_2 = vector.load %arg0[%get3A, %get3A_0, %get3A_1] : memref<32x20x32xf32, #tpu.memory_space<vmem>>, vector<32x20x32xf32>
    %reduce_sum3A = arith.constant dense<0.000000e+00> : vector<20x32xf32>
    %reduce_sum3A_3 = vector.multi_reduction <add>, %get3A_2, %reduce_sum3A [0] : vector<32x20x32xf32> to vector<20x32xf32>
    %iota3A = tpu.iota {dimensions = array<i32: 0>} : vector<20x32xi32>
    %iota3A_4 = tpu.iota {dimensions = array<i32: 1>} : vector<20x32xi32>
    %reduce_sum3A_5 = arith.constant dense<0.000000e+00> : vector<20xf32>
    %reduce_sum3A_6 = vector.multi_reduction <add>, %reduce_sum3A_3, %reduce_sum3A_5 [1] : vector<20x32xf32> to vector<20xf32>
    %broadcast_in_dim3A = vector.shape_cast %reduce_sum3A_6 : vector<20xf32> to vector<20x1xf32>
    %lt3A = arith.constant 19 : i32
    %lt3A_7 = vector.broadcast %lt3A : i32 to vector<20x32xi32>
    %lt3A_8 = arith.cmpi slt, %iota3A, %lt3A_7 : vector<20x32xi32>
    %jit3A = arith.constant 0.000000e+00 : f32
    %broadcast_in_dim3A_9 = vector.broadcast %jit3A : f32 to vector<20x32xf32>
    %select_n3A = arith.select %lt3A_8, %reduce_sum3A_3, %broadcast_in_dim3A_9 : vector<20x32xi1>, vector<20x32xf32>
    %reduce_sum3A_10 = arith.constant dense<0.000000e+00> : vector<32xf32>
    %reduce_sum3A_11 = vector.multi_reduction <add>, %select_n3A, %reduce_sum3A_10 [0] : vector<20x32xf32> to vector<32xf32>
    %broadcast_in_dim3A_12 = vector.shape_cast %reduce_sum3A_11 : vector<32xf32> to vector<1x32xf32>
    %add3A = vector.broadcast %broadcast_in_dim3A : vector<20x1xf32> to vector<20x32xf32>
    %add3A_13 = vector.broadcast %broadcast_in_dim3A_12 : vector<1x32xf32> to vector<20x32xf32>
    %add3A_14 = arith.addf %add3A, %add3A_13 : vector<20x32xf32>
    %sub3A = arith.subf %add3A_14, %reduce_sum3A_3 : vector<20x32xf32>
    %max3A = arith.constant 1.000000e+00 : f32
    %max3A_15 = vector.broadcast %max3A : f32 to vector<20x32xf32>
    %max3A_16 = arith.maximumf %sub3A, %max3A_15 : vector<20x32xf32>
    %div3A = arith.divf %reduce_sum3A_3, %max3A_16 : vector<20x32xf32>
    %eq3A = arith.cmpi eq, %iota3A, %iota3A_4 : vector<20x32xi32>
    %jit3A_17 = arith.constant 0.000000e+00 : f32
    %broadcast_in_dim3A_18 = vector.broadcast %jit3A_17 : f32 to vector<20x32xf32>
    %select_n3A_19 = arith.select %eq3A, %div3A, %broadcast_in_dim3A_18 : vector<20x32xi1>, vector<20x32xf32>
    %reduce_sum3A_20 = arith.constant dense<0.000000e+00> : vector<32xf32>
    %reduce_sum3A_21 = vector.multi_reduction <add>, %select_n3A_19, %reduce_sum3A_20 [0] : vector<20x32xf32> to vector<32xf32>
    %broadcast_in_dim3A_22 = vector.shape_cast %reduce_sum3A_21 : vector<32xf32> to vector<1x32xf32>
    %swap3A = arith.constant 0 : index
    %swap3A_23 = arith.constant 0 : index
    %swap3A_24 = vector.load %arg1[%swap3A, %swap3A_23] : memref<1x32xf32, #tpu.memory_space<vmem>>, vector<1x32xf32>
    tpu.vector_store %arg1[%swap3A, %swap3A_23], %broadcast_in_dim3A_22 {strides = array<i32>} : memref<1x32xf32, #tpu.memory_space<vmem>>, vector<1x32xf32>,
    return
  }
}

module attributes {stable_mosaic.version = 14 : i64} {
  func.func @_argmax_bin_body(%arg0: i32, %arg1: i32, %arg2: memref<1x19x128x512xf32, #tpu.memory_space<vmem>>, %arg3: memref<1x128x512xi32, #tpu.memory_space<vmem>>, %arg4: memref<1x128x512xi32, #tpu.memory_space<vmem>>) attributes {dimension_semantics = [#tpu.dimension_semantics<arbitrary>, #tpu.dimension_semantics<arbitrary>], iteration_bounds = array<i64: 8, 4>, scalar_prefetch = 0 : i64, scratch_operands = 0 : i64, tpu.core_type = #tpu.core_type<tc>, window_params = [{transform_indices = @transform_0, window_bounds = array<i64: 1, 19, 128, 512>}, {transform_indices = @transform_1, window_bounds = array<i64: 1, 128, 512>}, {transform_indices = @transform_2, window_bounds = array<i64: 1, 128, 512>}]} {
    %get3A = arith.constant 0 : index
    %get3A_0 = arith.constant 0 : index
    %get3A_1 = arith.constant 0 : index
    %get3A_2 = arith.constant 0 : index
    %get3A_3 = vector.load %arg2[%get3A, %get3A_0, %get3A_1, %get3A_2] : memref<1x19x128x512xf32, #tpu.memory_space<vmem>>, vector<1x19x128x512xf32>
    %get3A_4 = vector.shape_cast %get3A_3 : vector<1x19x128x512xf32> to vector<19x128x512xf32>
    %slice3A = vector.extract_strided_slice %get3A_4 {offsets = [0, 0, 0], sizes = [1, 128, 512], strides = [1, 1, 1]} : vector<19x128x512xf32> to vector<1x128x512xf32>
    %squeeze3A = vector.shape_cast %slice3A : vector<1x128x512xf32> to vector<128x512xf32>
    %broadcast_in_dim3A = arith.constant 0 : i32
    %broadcast_in_dim3A_5 = vector.broadcast %broadcast_in_dim3A : i32 to vector<128x512xi32>
    %slice3A_6 = vector.extract_strided_slice %get3A_4 {offsets = [1, 0, 0], sizes = [1, 128, 512], strides = [1, 1, 1]} : vector<19x128x512xf32> to vector<1x128x512xf32>
    %squeeze3A_7 = vector.shape_cast %slice3A_6 : vector<1x128x512xf32> to vector<128x512xf32>
    %gt3A = arith.cmpf ogt, %squeeze3A_7, %squeeze3A : vector<128x512xf32>
    %select_n3A = arith.select %gt3A, %squeeze3A_7, %squeeze3A : vector<128x512xi1>, vector<128x512xf32>
    %jit3A = arith.constant 1 : i32
    %broadcast_in_dim3A_8 = vector.broadcast %jit3A : i32 to vector<128x512xi32>
    %select_n3A_9 = arith.select %gt3A, %broadcast_in_dim3A_8, %broadcast_in_dim3A_5 : vector<128x512xi1>, vector<128x512xi32>
    %slice3A_10 = vector.extract_strided_slice %get3A_4 {offsets = [2, 0, 0], sizes = [1, 128, 512], strides = [1, 1, 1]} : vector<19x128x512xf32> to vector<1x128x512xf32>
    %squeeze3A_11 = vector.shape_cast %slice3A_10 : vector<1x128x512xf32> to vector<128x512xf32>
    %gt3A_12 = arith.cmpf ogt, %squeeze3A_11, %select_n3A : vector<128x512xf32>
    %select_n3A_13 = arith.select %gt3A_12, %squeeze3A_11, %select_n3A : vector<128x512xi1>, vector<128x512xf32>
    %jit3A_14 = arith.constant 2 : i32
    %broadcast_in_dim3A_15 = vector.broadcast %jit3A_14 : i32 to vector<128x512xi32>
    %select_n3A_16 = arith.select %gt3A_12, %broadcast_in_dim3A_15, %select_n3A_9 : vector<128x512xi1>, vector<128x512xi32>
    %slice3A_17 = vector.extract_strided_slice %get3A_4 {offsets = [3, 0, 0], sizes = [1, 128, 512], strides = [1, 1, 1]} : vector<19x128x512xf32> to vector<1x128x512xf32>
    %squeeze3A_18 = vector.shape_cast %slice3A_17 : vector<1x128x512xf32> to vector<128x512xf32>
    %gt3A_19 = arith.cmpf ogt, %squeeze3A_18, %select_n3A_13 : vector<128x512xf32>
    %select_n3A_20 = arith.select %gt3A_19, %squeeze3A_18, %select_n3A_13 : vector<128x512xi1>, vector<128x512xf32>
    %jit3A_21 = arith.constant 3 : i32
    %broadcast_in_dim3A_22 = vector.broadcast %jit3A_21 : i32 to vector<128x512xi32>
    %select_n3A_23 = arith.select %gt3A_19, %broadcast_in_dim3A_22, %select_n3A_16 : vector<128x512xi1>, vector<128x512xi32>
    %slice3A_24 = vector.extract_strided_slice %get3A_4 {offsets = [4, 0, 0], sizes = [1, 128, 512], strides = [1, 1, 1]} : vector<19x128x512xf32> to vector<1x128x512xf32>
    %squeeze3A_25 = vector.shape_cast %slice3A_24 : vector<1x128x512xf32> to vector<128x512xf32>
    %gt3A_26 = arith.cmpf ogt, %squeeze3A_25, %select_n3A_20 : vector<128x512xf32>
    %select_n3A_27 = arith.select %gt3A_26, %squeeze3A_25, %select_n3A_20 : vector<128x512xi1>, vector<128x512xf32>
    %jit3A_28 = arith.constant 4 : i32
    %broadcast_in_dim3A_29 = vector.broadcast %jit3A_28 : i32 to vector<128x512xi32>
    %select_n3A_30 = arith.select %gt3A_26, %broadcast_in_dim3A_29, %select_n3A_23 : vector<128x512xi1>, vector<128x512xi32>
    %slice3A_31 = vector.extract_strided_slice %get3A_4 {offsets = [5, 0, 0], sizes = [1, 128, 512], strides = [1, 1, 1]} : vector<19x128x512xf32> to vector<1x128x512xf32>
    %squeeze3A_32 = vector.shape_cast %slice3A_31 : vector<1x128x512xf32> to vector<128x512xf32>
    %gt3A_33 = arith.cmpf ogt, %squeeze3A_32, %select_n3A_27 : vector<128x512xf32>
    %select_n3A_34 = arith.select %gt3A_33, %squeeze3A_32, %select_n3A_27 : vector<128x512xi1>, vector<128x512xf32>
    %jit3A_35 = arith.constant 5 : i32
    %broadcast_in_dim3A_36 = vector.broadcast %jit3A_35 : i32 to vector<128x512xi32>
    %select_n3A_37 = arith.select %gt3A_33, %broadcast_in_dim3A_36, %select_n3A_30 : vector<128x512xi1>, vector<128x512xi32>
    %slice3A_38 = vector.extract_strided_slice %get3A_4 {offsets = [6, 0, 0], sizes = [1, 128, 512], strides = [1, 1, 1]} : vector<19x128x512xf32> to vector<1x128x512xf32>
    %squeeze3A_39 = vector.shape_cast %slice3A_38 : vector<1x128x512xf32> to vector<128x512xf32>
    %gt3A_40 = arith.cmpf ogt, %squeeze3A_39, %select_n3A_34 : vector<128x512xf32>
    %select_n3A_41 = arith.select %gt3A_40, %squeeze3A_39, %select_n3A_34 : vector<128x512xi1>, vector<128x512xf32>
    %jit3A_42 = arith.constant 6 : i32
    %broadcast_in_dim3A_43 = vector.broadcast %jit3A_42 : i32 to vector<128x512xi32>
    %select_n3A_44 = arith.select %gt3A_40, %broadcast_in_dim3A_43, %select_n3A_37 : vector<128x512xi1>, vector<128x512xi32>
    %slice3A_45 = vector.extract_strided_slice %get3A_4 {offsets = [7, 0, 0], sizes = [1, 128, 512], strides = [1, 1, 1]} : vector<19x128x512xf32> to vector<1x128x512xf32>
    %squeeze3A_46 = vector.shape_cast %slice3A_45 : vector<1x128x512xf32> to vector<128x512xf32>
    %gt3A_47 = arith.cmpf ogt, %squeeze3A_46, %select_n3A_41 : vector<128x512xf32>
    %select_n3A_48 = arith.select %gt3A_47, %squeeze3A_46, %select_n3A_41 : vector<128x512xi1>, vector<128x512xf32>
    %jit3A_49 = arith.constant 7 : i32
    %broadcast_in_dim3A_50 = vector.broadcast %jit3A_49 : i32 to vector<128x512xi32>
    %select_n3A_51 = arith.select %gt3A_47, %broadcast_in_dim3A_50, %select_n3A_44 : vector<128x512xi1>, vector<128x512xi32>
    %slice3A_52 = vector.extract_strided_slice %get3A_4 {offsets = [8, 0, 0], sizes = [1, 128, 512], strides = [1, 1, 1]} : vector<19x128x512xf32> to vector<1x128x512xf32>
    %squeeze3A_53 = vector.shape_cast %slice3A_52 : vector<1x128x512xf32> to vector<128x512xf32>
    %gt3A_54 = arith.cmpf ogt, %squeeze3A_53, %select_n3A_48 : vector<128x512xf32>
    %select_n3A_55 = arith.select %gt3A_54, %squeeze3A_53, %select_n3A_48 : vector<128x512xi1>, vector<128x512xf32>
    %jit3A_56 = arith.constant 8 : i32
    %broadcast_in_dim3A_57 = vector.broadcast %jit3A_56 : i32 to vector<128x512xi32>
    %select_n3A_58 = arith.select %gt3A_54, %broadcast_in_dim3A_57, %select_n3A_51 : vector<128x512xi1>, vector<128x512xi32>
    %slice3A_59 = vector.extract_strided_slice %get3A_4 {offsets = [9, 0, 0], sizes = [1, 128, 512], strides = [1, 1, 1]} : vector<19x128x512xf32> to vector<1x128x512xf32>
    %squeeze3A_60 = vector.shape_cast %slice3A_59 : vector<1x128x512xf32> to vector<128x512xf32>
    %gt3A_61 = arith.cmpf ogt, %squeeze3A_60, %select_n3A_55 : vector<128x512xf32>
    %select_n3A_62 = arith.select %gt3A_61, %squeeze3A_60, %select_n3A_55 : vector<128x512xi1>, vector<128x512xf32>
    %jit3A_63 = arith.constant 9 : i32
    %broadcast_in_dim3A_64 = vector.broadcast %jit3A_63 : i32 to vector<128x512xi32>
    %select_n3A_65 = arith.select %gt3A_61, %broadcast_in_dim3A_64, %select_n3A_58 : vector<128x512xi1>, vector<128x512xi32>
    %slice3A_66 = vector.extract_strided_slice %get3A_4 {offsets = [10, 0, 0], sizes = [1, 128, 512], strides = [1, 1, 1]} : vector<19x128x512xf32> to vector<1x128x512xf32>
    %squeeze3A_67 = vector.shape_cast %slice3A_66 : vector<1x128x512xf32> to vector<128x512xf32>
    %gt3A_68 = arith.cmpf ogt, %squeeze3A_67, %select_n3A_62 : vector<128x512xf32>
    %select_n3A_69 = arith.select %gt3A_68, %squeeze3A_67, %select_n3A_62 : vector<128x512xi1>, vector<128x512xf32>
    %jit3A_70 = arith.constant 10 : i32
    %broadcast_in_dim3A_71 = vector.broadcast %jit3A_70 : i32 to vector<128x512xi32>
    %select_n3A_72 = arith.select %gt3A_68, %broadcast_in_dim3A_71, %select_n3A_65 : vector<128x512xi1>, vector<128x512xi32>
    %slice3A_73 = vector.extract_strided_slice %get3A_4 {offsets = [11, 0, 0], sizes = [1, 128, 512], strides = [1, 1, 1]} : vector<19x128x512xf32> to vector<1x128x512xf32>
    %squeeze3A_74 = vector.shape_cast %slice3A_73 : vector<1x128x512xf32> to vector<128x512xf32>
    %gt3A_75 = arith.cmpf ogt, %squeeze3A_74, %select_n3A_69 : vector<128x512xf32>
    %select_n3A_76 = arith.select %gt3A_75, %squeeze3A_74, %select_n3A_69 : vector<128x512xi1>, vector<128x512xf32>
    %jit3A_77 = arith.constant 11 : i32
    %broadcast_in_dim3A_78 = vector.broadcast %jit3A_77 : i32 to vector<128x512xi32>
    %select_n3A_79 = arith.select %gt3A_75, %broadcast_in_dim3A_78, %select_n3A_72 : vector<128x512xi1>, vector<128x512xi32>
    %slice3A_80 = vector.extract_strided_slice %get3A_4 {offsets = [12, 0, 0], sizes = [1, 128, 512], strides = [1, 1, 1]} : vector<19x128x512xf32> to vector<1x128x512xf32>
    %squeeze3A_81 = vector.shape_cast %slice3A_80 : vector<1x128x512xf32> to vector<128x512xf32>
    %gt3A_82 = arith.cmpf ogt, %squeeze3A_81, %select_n3A_76 : vector<128x512xf32>
    %select_n3A_83 = arith.select %gt3A_82, %squeeze3A_81, %select_n3A_76 : vector<128x512xi1>, vector<128x512xf32>
    %jit3A_84 = arith.constant 12 : i32
    %broadcast_in_dim3A_85 = vector.broadcast %jit3A_84 : i32 to vector<128x512xi32>
    %select_n3A_86 = arith.select %gt3A_82, %broadcast_in_dim3A_85, %select_n3A_79 : vector<128x512xi1>, vector<128x512xi32>
    %slice3A_87 = vector.extract_strided_slice %get3A_4 {offsets = [13, 0, 0], sizes = [1, 128, 512], strides = [1, 1, 1]} : vector<19x128x512xf32> to vector<1x128x512xf32>
    %squeeze3A_88 = vector.shape_cast %slice3A_87 : vector<1x128x512xf32> to vector<128x512xf32>
    %gt3A_89 = arith.cmpf ogt, %squeeze3A_88, %select_n3A_83 : vector<128x512xf32>
    %select_n3A_90 = arith.select %gt3A_89, %squeeze3A_88, %select_n3A_83 : vector<128x512xi1>, vector<128x512xf32>
    %jit3A_91 = arith.constant 13 : i32
    %broadcast_in_dim3A_92 = vector.broadcast %jit3A_91 : i32 to vector<128x512xi32>
    %select_n3A_93 = arith.select %gt3A_89, %broadcast_in_dim3A_92, %select_n3A_86 : vector<128x512xi1>, vector<128x512xi32>
    %slice3A_94 = vector.extract_strided_slice %get3A_4 {offsets = [14, 0, 0], sizes = [1, 128, 512], strides = [1, 1, 1]} : vector<19x128x512xf32> to vector<1x128x512xf32>
    %squeeze3A_95 = vector.shape_cast %slice3A_94 : vector<1x128x512xf32> to vector<128x512xf32>
    %gt3A_96 = arith.cmpf ogt, %squeeze3A_95, %select_n3A_90 : vector<128x512xf32>
    %select_n3A_97 = arith.select %gt3A_96, %squeeze3A_95, %select_n3A_90 : vector<128x512xi1>, vector<128x512xf32>
    %jit3A_98 = arith.constant 14 : i32
    %broadcast_in_dim3A_99 = vector.broadcast %jit3A_98 : i32 to vector<128x512xi32>
    %select_n3A_100 = arith.select %gt3A_96, %broadcast_in_dim3A_99, %select_n3A_93 : vector<128x512xi1>, vector<128x512xi32>
    %slice3A_101 = vector.extract_strided_slice %get3A_4 {offsets = [15, 0, 0], sizes = [1, 128, 512], strides = [1, 1, 1]} : vector<19x128x512xf32> to vector<1x128x512xf32>
    %squeeze3A_102 = vector.shape_cast %slice3A_101 : vector<1x128x512xf32> to vector<128x512xf32>
    %gt3A_103 = arith.cmpf ogt, %squeeze3A_102, %select_n3A_97 : vector<128x512xf32>
    %select_n3A_104 = arith.select %gt3A_103, %squeeze3A_102, %select_n3A_97 : vector<128x512xi1>, vector<128x512xf32>
    %jit3A_105 = arith.constant 15 : i32
    %broadcast_in_dim3A_106 = vector.broadcast %jit3A_105 : i32 to vector<128x512xi32>
    %select_n3A_107 = arith.select %gt3A_103, %broadcast_in_dim3A_106, %select_n3A_100 : vector<128x512xi1>, vector<128x512xi32>
    %slice3A_108 = vector.extract_strided_slice %get3A_4 {offsets = [16, 0, 0], sizes = [1, 128, 512], strides = [1, 1, 1]} : vector<19x128x512xf32> to vector<1x128x512xf32>
    %squeeze3A_109 = vector.shape_cast %slice3A_108 : vector<1x128x512xf32> to vector<128x512xf32>
    %gt3A_110 = arith.cmpf ogt, %squeeze3A_109, %select_n3A_104 : vector<128x512xf32>
    %select_n3A_111 = arith.select %gt3A_110, %squeeze3A_109, %select_n3A_104 : vector<128x512xi1>, vector<128x512xf32>
    %jit3A_112 = arith.constant 16 : i32
    %broadcast_in_dim3A_113 = vector.broadcast %jit3A_112 : i32 to vector<128x512xi32>
    %select_n3A_114 = arith.select %gt3A_110, %broadcast_in_dim3A_113, %select_n3A_107 : vector<128x512xi1>, vector<128x512xi32>
    %slice3A_115 = vector.extract_strided_slice %get3A_4 {offsets = [17, 0, 0], sizes = [1, 128, 512], strides = [1, 1, 1]} : vector<19x128x512xf32> to vector<1x128x512xf32>
    %squeeze3A_116 = vector.shape_cast %slice3A_115 : vector<1x128x512xf32> to vector<128x512xf32>
    %gt3A_117 = arith.cmpf ogt, %squeeze3A_116, %select_n3A_111 : vector<128x512xf32>
    %select_n3A_118 = arith.select %gt3A_117, %squeeze3A_116, %select_n3A_111 : vector<128x512xi1>, vector<128x512xf32>
    %jit3A_119 = arith.constant 17 : i32
    %broadcast_in_dim3A_120 = vector.broadcast %jit3A_119 : i32 to vector<128x512xi32>
    %select_n3A_121 = arith.select %gt3A_117, %broadcast_in_dim3A_120, %select_n3A_114 : vector<128x512xi1>, vector<128x512xi32>
    %slice3A_122 = vector.extract_strided_slice %get3A_4 {offsets = [18, 0, 0], sizes = [1, 128, 512], strides = [1, 1, 1]} : vector<19x128x512xf32> to vector<1x128x512xf32>
    %squeeze3A_123 = vector.shape_cast %slice3A_122 : vector<1x128x512xf32> to vector<128x512xf32>
    %gt3A_124 = arith.cmpf ogt, %squeeze3A_123, %select_n3A_118 : vector<128x512xf32>
    %jit3A_125 = arith.constant 18 : i32
    %broadcast_in_dim3A_126 = vector.broadcast %jit3A_125 : i32 to vector<128x512xi32>
    %select_n3A_127 = arith.select %gt3A_124, %broadcast_in_dim3A_126, %select_n3A_121 : vector<128x512xi1>, vector<128x512xi32>
    %get3A_128 = arith.constant 0 : index
    %get3A_129 = arith.constant 0 : index
    %get3A_130 = arith.constant 0 : index
    %get3A_131 = vector.load %arg3[%get3A_128, %get3A_129, %get3A_130] : memref<1x128x512xi32, #tpu.memory_space<vmem>>, vector<1x128x512xi32>
    %get3A_132 = vector.shape_cast %get3A_131 : vector<1x128x512xi32> to vector<128x512xi32>
    %ge3A = arith.constant 0 : i32
    %ge3A_133 = vector.broadcast %ge3A : i32 to vector<128x512xi32>
    %ge3A_134 = arith.cmpi sge, %get3A_132, %ge3A_133 : vector<128x512xi32>
    %lt3A = arith.constant 19 : i32
    %lt3A_135 = vector.broadcast %lt3A : i32 to vector<128x512xi32>
    %lt3A_136 = arith.cmpi slt, %get3A_132, %lt3A_135 : vector<128x512xi32>
    %and3A = arith.andi %ge3A_134, %lt3A_136 : vector<128x512xi1>
    %mul3A = arith.constant 32 : i32
    %mul3A_137 = vector.broadcast %mul3A : i32 to vector<128x512xi32>
    %mul3A_138 = arith.muli %get3A_132, %mul3A_137 : vector<128x512xi32>
    %add3A = arith.addi %mul3A_138, %select_n3A_127 : vector<128x512xi32>
    %jit3A_139 = arith.constant 608 : i32
    %broadcast_in_dim3A_140 = vector.broadcast %jit3A_139 : i32 to vector<128x512xi32>
    %select_n3A_141 = arith.select %and3A, %add3A, %broadcast_in_dim3A_140 : vector<128x512xi1>, vector<128x512xi32>
    %iota3A = tpu.iota {dimensions = array<i32: 1>} : vector<128x512xi32>
    %jit3A_142 = arith.constant 16 : i32
    %eq3A = arith.constant 0 : i32
    %eq3A_143 = arith.cmpi eq, %jit3A_142, %eq3A : i32
    %jit3A_144 = arith.constant 1 : i32
    %select_n3A_145 = arith.select %eq3A_143, %jit3A_144, %jit3A_142 : i32
    %rem3A = vector.broadcast %select_n3A_145 : i32 to vector<128x512xi32>
    %rem3A_146 = arith.remsi %iota3A, %rem3A : vector<128x512xi32>
    %ne3A = arith.constant 0 : i32
    %ne3A_147 = vector.broadcast %ne3A : i32 to vector<128x512xi32>
    %ne3A_148 = arith.cmpi ne, %rem3A_146, %ne3A_147 : vector<128x512xi32>
    %lt3A_149 = arith.constant 0 : i32
    %lt3A_150 = vector.broadcast %lt3A_149 : i32 to vector<128x512xi32>
    %lt3A_151 = arith.cmpi slt, %rem3A_146, %lt3A_150 : vector<128x512xi32>
    %lt3A_152 = arith.constant 0 : i32
    %lt3A_153 = arith.cmpi slt, %select_n3A_145, %lt3A_152 : i32
    %ne3A_154 = vector.broadcast %lt3A_153 : i1 to vector<128x512xi1>
    %ne3A_155 = vector.broadcast %ne3A_154 : vector<128x512xi1> to vector<128x512xi1>
    %ne3A_156 = arith.xori %lt3A_151, %ne3A_155 : vector<128x512xi1>
    %and3A_157 = arith.andi %ne3A_156, %ne3A_148 : vector<128x512xi1>
    %add3A_158 = vector.broadcast %select_n3A_145 : i32 to vector<128x512xi32>
    %add3A_159 = arith.addi %rem3A_146, %add3A_158 : vector<128x512xi32>
    %select_n3A_160 = arith.select %and3A_157, %add3A_159, %rem3A_146 : vector<128x512xi1>, vector<128x512xi32>
    %mul3A_161 = arith.constant 641 : i32
    %mul3A_162 = vector.broadcast %mul3A_161 : i32 to vector<128x512xi32>
    %mul3A_163 = arith.muli %select_n3A_160, %mul3A_162 : vector<128x512xi32>
    %add3A_164 = arith.addi %select_n3A_141, %mul3A_163 : vector<128x512xi32>
    %swap3A = arith.constant 0 : index
    %swap3A_165 = arith.constant 0 : index
    %swap3A_166 = arith.constant 0 : index
    %swap3A_167 = vector.load %arg4[%swap3A, %swap3A_165, %swap3A_166] : memref<1x128x512xi32, #tpu.memory_space<vmem>>, vector<1x128x512xi32>
    %swap3A_168 = vector.shape_cast %swap3A_167 : vector<1x128x512xi32> to vector<128x512xi32>
    %swap3A_169 = vector.shape_cast %add3A_164 : vector<128x512xi32> to vector<1x128x512xi32>
    tpu.vector_store %arg4[%swap3A, %swap3A_165, %swap3A_166], %swap3A_169 {strides = array<i32>} : memref<1x128x512xi32, #tpu.memory_space<vmem>>, vector<1x128x512xi32>,
    return
  }
  func.func @transform_0(%arg0: i32, %arg1: i32) -> (i32, i32, i32, i32) {
    %c0_i32 = arith.constant 0 : i32
    %c0_i32_0 = arith.constant 0 : i32
    %c0_i32_1 = arith.constant 0 : i32
    return %arg0, %c0_i32, %arg1, %c0_i32_0 : i32, i32, i32, i32
  }
  func.func @transform_1(%arg0: i32, %arg1: i32) -> (i32, i32, i32) {
    %c0_i32 = arith.constant 0 : i32
    %c0_i32_0 = arith.constant 0 : i32
    return %arg0, %arg1, %c0_i32 : i32, i32, i32
  }
  func.func @transform_2(%arg0: i32, %arg1: i32) -> (i32, i32, i32) {
    %c0_i32 = arith.constant 0 : i32
    %c0_i32_0 = arith.constant 0 : i32
    return %arg0, %arg1, %c0_i32 : i32, i32, i32
  }
}

</mosaic_0001>

<sc_bundles>
// kernel: kernel.5.cloned.1.call-start
scs
__scs_entry_jumppad:
0x0: {  	(pc) =	sbr.rel $0x88, $3  }
0x1: {  	(tag) =	ssettag $0x0;
	lr =	simm.s32 $0x1  }
0x2: {  	[smem:$0x3F9F] =	sst lr;
	_ =	strace $0xD0000000  }
0x3: {  	_ = 	snop  }
0x4: {  	_ = 	snop  }
0x5: {  	_ = 	snop  }
0x6: {  	_ = 	snop  }
0x7: {  	_ = 	snop  }
__scs_overlays_trampoline_lowered:
0x8: {  	[smem:$0x3FAE] =	sst s0  }
0x9: {  	[smem:$0x3FAF] =	sst s1  }
0xa: {  	[smem:$0x3FB0] =	sst s2  }
0xb: {  	[smem:$0x3FB1] =	sst s3  }
0xc: {  	[smem:$0x3FB2] =	sst s4  }
0xd: {  	[smem:$0x3FB3] =	sst s5  }
0xe: {  	[smem:$0x3FB4] =	sst s6  }
0xf: {  	[smem:$0x3FB5] =	sst s7  }
0x10: {  	[smem:$0x3FB6] =	sst s8  }
0x11: {  	[smem:$0x3FB7] =	sst s9;
	s0 =	simm.s32 @!p0 $0x0  }
0x12: {  	s1 =	sld [smem:$0x3F9D];
	s0 =	simm.s32 @p0 $0x1  }
0x13: {  	[smem:$0x3FB8] =	sst s0;
	s0 =	simm.s32 @!p1 $0x0  }
0x14: {  	s2 =	sld [smem:$0x3F9C];
	s0 =	simm.s32 @p1 $0x1  }
0x15: {  	[smem:$0x3FB9] =	sst s0;
	s0 =	simm.s32 @!p2 $0x0  }
0x16: {  	s3 =	sld [smem:$0x3FDB];
	s0 =	simm.s32 @p2 $0x1  }
0x17: {  	s4 =	simm.s32 $0x1BF5;
	[smem:$0x3FBB] =	sst s0  }
0x18: {  	s0 =	sld [smem:$0x3F9E];
	_ =	swait.ge [sflag:s4], $0x0  }
0x19: {  	s7 =	sld [smem:$0x3F9F]  }
0x1a: {  	s8 =	sadd.s32 $0xFFFFE003, lr  }
0x1b: {  	s9 =	sadd.s32 $0xFFFFFEF7, lr;
	s5 =	simm.s32 $0xFFFFFFFF;
	p2 =	slt.u32 s8, $0xFFFFF086  }
0x1c: {  	p1 =	slt.u32 s9, $0xF7A;
	s5 =	simm.s32 @!p2 $0x0  }
0x1d: {  	s5 =	simm.s32 @p1 $0x1;
	p0 =	seq.s32 s7, s2  }
0x1e: {  	s7 =	smul.u32 @!p0 $0xF7A, s2;
	p2 =	seq.s32 @!p0 s5, $0x0  }
0x1f: {  	s9 =	smul.u32 $0xF7A, s1;
	s8 =	simm.s32 @!p0 $0x1BF5;
	p2 =	por !p2, p0  }
0x20: {  	[sflag:s8] =	ssyncset.s32 @!p0 $0xFFFFF086;
	s6 =	sadd.s32 @!p0 s3, s7;
	s7 =	simm.s32 @!p0 $0x108  }
0x21: {  	s3 =	sadd.s32 s3, s9;
	s6 =	sadd.s32 @!p0 $0x88, s6;
	s7 =	simm.s32 @p2 $0x1082  }
0x22: {  	[simem:s7], [sflag:s8] =	dma.local @!p0 [hbm:s6], $0xF7A  }
0x23: {  	s9 =	sor.u32 $0xD0000000, s2;
	s6 =	simm.s32 $0x108;
	_ =	swait.ge @!p0 [sflag:s8], $0x0  }
0x24: {  	s3 =	sadd.s32 $0x88, s3;
	s6 =	simm.s32 @!p1 $0x1082;
	[sflag:s4] =	ssyncset.s32 $0xFFFFF086  }
0x25: {  	[simem:s6], [sflag:s4] =	dma.local [hbm:s3], $0xF7A  }
0x26: {  	[smem:$0x3F9F] =	sst s1;
	(tag) =	ssettag s2;
	_ =	strace s9  }
0x27: {  	s1 =	sld [smem:$0x3FAF]  }
0x28: {  	s2 =	sld [smem:$0x3FB0]  }
0x29: {  	s4 =	sld [smem:$0x3FB2]  }
0x2a: {  	p0 =	seq.s32 s5, $0x0;
	s5 =	sld [smem:$0x3FB3]  }
0x2b: {  	s6 =	sld [smem:$0x3FB4]  }
0x2c: {  	s7 =	sld [smem:$0x3FB5]  }
0x2d: {  	s3 =	simm.s32 $0x108;
	s8 =	sld [smem:$0x3FB6]  }
0x2e: {  	s3 =	simm.s32 @!p0 $0x1082;
	s9 =	sld [smem:$0x3FB7]  }
0x2f: {  	lr =	sadd.s32 s0, s3;
	s0 =	sld [smem:$0x3FAE]  }
0x30: {  	s3 =	sld [smem:$0x3FB1]  }
0x31: {  	[smem:$0x3FBA] =	sst s10  }
0x32: {  	s10 =	sld [smem:$0x3FB8];
	_ =	sdelay $0x3  }
0x33: {  	p0 =	seq.s32 s10, $0x1;
	s10 =	sld [smem:$0x3FBA];
	_ =	sdelay $0x3  }
0x34: {  	[smem:$0x3FBA] =	sst s10  }
0x35: {  	s10 =	sld [smem:$0x3FB9];
	_ =	sdelay $0x3  }
0x36: {  	p1 =	seq.s32 s10, $0x1;
	s10 =	sld [smem:$0x3FBA];
	_ =	sdelay $0x3  }
0x37: {  	[smem:$0x3FBA] =	sst s10  }
0x38: {  	s10 =	sld [smem:$0x3FBB]  }
0x39: {  	_ = 	snop;
	(pc) =	sbr.ind lr, $3  }
0x3a: {  	_ = 	snop  }
0x3b: {  	_ = 	snop  }
0x3c: {  	p2 =	seq.s32 s10, $0x1;
	s10 =	sld [smem:$0x3FBA]  }
0x3d: {  	_ =	shalt  }
0x3e: {  	_ =	shalt  }
0x3f: {  	_ =	shalt  }
0x40: {  	_ =	shalt  }
0x41: {  	_ =	shalt  }
0x42: {  	_ =	shalt  }
0x43: {  	_ =	shalt  }
0x44: {  	_ =	shalt  }
0x45: {  	_ =	shalt  }
0x46: {  	_ =	shalt  }
0x47: {  	_ =	shalt  }
0x48: {  	_ =	shalt  }
0x49: {  	_ =	shalt  }
0x4a: {  	_ =	shalt  }
0x4b: {  	_ =	shalt  }
0x4c: {  	_ =	shalt  }
0x4d: {  	_ =	shalt  }
0x4e: {  	_ =	shalt  }
0x4f: {  	_ =	shalt  }
0x50: {  	_ =	shalt  }
0x51: {  	_ =	shalt  }
0x52: {  	_ =	shalt  }
0x53: {  	_ =	shalt  }
0x54: {  	_ =	shalt  }
0x55: {  	_ =	shalt  }
0x56: {  	_ =	shalt  }
0x57: {  	_ =	shalt  }
0x58: {  	_ =	shalt  }
0x59: {  	_ =	shalt  }
0x5a: {  	_ =	shalt  }
0x5b: {  	_ =	shalt  }
0x5c: {  	_ =	shalt  }
0x5d: {  	_ =	shalt  }
0x5e: {  	_ =	shalt  }
0x5f: {  	_ =	shalt  }
0x60: {  	_ =	shalt  }
0x61: {  	_ =	shalt  }
0x62: {  	_ =	shalt  }
0x63: {  	_ =	shalt  }
0x64: {  	_ =	shalt  }
0x65: {  	_ =	shalt  }
0x66: {  	_ =	shalt  }
0x67: {  	_ =	shalt  }
0x68: {  	_ =	shalt  }
0x69: {  	_ =	shalt  }
0x6a: {  	_ =	shalt  }
0x6b: {  	_ =	shalt  }
0x6c: {  	_ =	shalt  }
0x6d: {  	_ =	shalt  }
0x6e: {  	_ =	shalt  }
0x6f: {  	_ =	shalt  }
0x70: {  	_ =	shalt  }
0x71: {  	_ =	shalt  }
0x72: {  	_ =	shalt  }
0x73: {  	_ =	shalt  }
0x74: {  	_ =	shalt  }
0x75: {  	_ =	shalt  }
0x76: {  	_ =	shalt  }
0x77: {  	_ =	shalt  }
0x78: {  	_ =	shalt  }
0x79: {  	_ =	shalt  }
0x7a: {  	_ =	shalt  }
0x7b: {  	_ =	shalt  }
0x7c: {  	_ =	shalt  }
0x7d: {  	_ =	shalt  }
0x7e: {  	_ =	shalt  }
0x7f: {  	_ =	shalt  }
0x80: {  	_ =	shalt  }
0x81: {  	_ =	shalt  }
0x82: {  	_ =	shalt  }
0x83: {  	_ =	shalt  }
0x84: {  	_ =	shalt  }
0x85: {  	_ =	shalt  }
0x86: {  	_ =	shalt  }
0x87: {  	_ =	shalt  }
.Lfunc_end0:
.L_simem_size_0:
called_computation_lowered:
.L_overlay_start_0:
0x88: {  	s2 =	sld [smem:$0x3FD9]  }
0x89: {  	s3 =	sld [smem:$0x3FFE];
	_ =	sdelay $0x1  }
0x8a: {  	s1 =	srdreg.scid  }
0x8b: {  	s0 =	sand.u32 $0x1, s1  }
0x8c: {  	s16 =	sshll.u32 s0, $0xA;
	s2 =	sadd.s32 s3, s2  }
0x8d: {  	s2 =	sadd.s32 s2, s16  }
0x8e: {  	[smem:$0x3FC6] =	sst s2  }
0x8f: {  	_ = 	snop  }
0x90: {  	(tm) =	ssettm $0x1  }
0x91: {  	s17 =	sld [smem:$0x3FFB];
	_ =	sdelay $0x3  }
0x92: {  	_ =	strace s17  }
0x93: {  	s2 =	sld [smem:$0x3FFC];
	_ =	sdelay $0x3  }
0x94: {  	_ =	strace s2  }
0x95: {  	s2 =	sld [smem:$0x3FFD];
	_ =	sdelay $0x3  }
0x96: {  	_ =	strace s2  }
0x97: {  	_ =	strace $0x8FFFFFFF  }
0x98: {  	s18 =	sld [smem:$0x3FDB];
	_ =	sdelay $0x1  }
0x99: {  	s19 =	simm.s32 $_scs_section_size  }
0x9a: {  	s4 =	simm.s32 $_size__tile_overlayer_lowered;
	s5 =	simm.s32 $_tile_overlayer_lowered  }
0x9b: {  	s22 =	simm.s32 $0x1BFF;
	s21 =	sshll.u32 s5, $0x1;
	s2 =	sadd.s32 s19, s18  }
0x9c: {  	s6 =	simm.s32 $0x0;
	s20 =	sshll.u32 s4, $0x1;
	s4 =	sadd.s32 s21, s2  }
0x9d: {  	[timem:s6], [sflag:s22] =	dma.local [hbm:s4], s20  }
0x9e: {  	_ =	swait.ge [sflag:s22], s20  }
0x9f: {  	s3 =	ssub.s32 $0x0, s20;
	[sflag:s22] =	ssyncset.done $0x0  }
0xa0: {  	[sflag:s22] =	ssyncadd.s32 s3;
	_ =	sdelay $0x1  }
0xa1: {  	s23 =	simm.s32 $0x1B8B  }
0xa2: {  	_ =	swait.ge [sflag:s23], $0x1  }
0xa3: {  	[sflag:s23] =	ssyncset.done $0x0  }
0xa4: {  	s25 =	simm.s32 $0x1B8E;
	s24 =	sld [smem:$0x3FFE];
	[sflag:s23] =	ssyncadd.s32 $0xFFFFFFFF  }
0xa5: {  	s26 =	simm.s32 $execute0_lowered;
	[smem:$0x3FD2] =	sst s25  }
0xa6: {  	s4 =	sshll.u32 s26, $0x1;
	_ =	strace $0x80000046;
	[dreg:$0x1] =	wrdreg $0xFFFFFFFF  }
0xa7: {  	s28 =	simm.s32 $_size_execute0_lowered;
	s2 =	sadd.s32 s2, s4;
	[dreg:$0x0] =	wrdreg $0x0  }
0xa8: {  	s4 =	sshll.u32 s28, $0x1;
	[dreg:$0x2] =	wrdreg s2  }
0xa9: {  	[dreg:$0x3] =	wrdreg s4  }
0xaa: {  	[dreg:$0x4] =	wrdreg $0xC0  }
0xab: {  	_ =	task [dreg:s6], $0x5FFFF  }
0xac: {  	[dreg:$0x1] =	wrdreg $0xFFFFFFFF  }
0xad: {  	[dreg:$0x0] =	wrdreg $0x60  }
0xae: {  	[dreg:$0x2] =	wrdreg s24  }
0xaf: {  	[dreg:$0x3] =	wrdreg $0x9  }
0xb0: {  	_ =	task.clear_ibuf [dreg:s6], $0x4FFFF;
	_ =	strace $0x90000046  }
0xb1: {  	s29 =	simm.s32 $0x9;
	_ =	strace $0x80000048  }
0xb2: {  	_ =	swait.ge [sflag:s29], $0x1  }
0xb3: {  	[sflag:s29] =	ssyncadd.s32 $0xFFFFFFFF  }
0xb4: {  	_ =	strace $0x90000048  }
0xb5: {  	_ =	sfence  }
0xb6: {  	s30 =	sld [smem:$0x0];
	_ =	sdelay $0x2  }
0xb7: {  	s31 =	sshll.u32 s1, $0xD;
	s1 =	sshrl.u32 s1, $0x2  }
0xb8: {  	s3 =	sand.u32 $0x4000, s31;
	s1 =	sadd.s32 s1, s30  }
0xb9: {  	s0 =	sor.u32 s3, s0;
	s1 =	sshll.u32 s1, $0x11  }
0xba: {  	s0 =	sor.u32 s1, s0  }
0xbb: {  	s0 =	sadd.s32 $0x8F2B, s0  }
0xbc: {  	[sflag:s0] =	ssyncadd.remote.s32 $0x1  }
0xbd: {  	_ =	sfence.sel $0xFFFF  }
0xbe: {  	[dreg:$0x0] =	wrdreg $0xFFFFFFFF;
	(pc) =	sbr.abs _section_cstart, $3  }
0xbf: {  	[dreg:$0x1] =	wrdreg $0xFFFFFFFF  }
0xc0: {  	_ =	task.clear_ibuf [dreg:s6], $0x2FFFF;
	_ =	strace $0x9FFFFFFF  }
0xc1: {  	(tm) =	ssettm $0x7FFFFFFF  }
tec
execute0_lowered:
.L_overlay_start_1:
0x0: {  	(tag) =	ssettag $0x1  }
0x1: {  	s3 =	rddreg [dreg:$0x0]  }
0x2: {  	s0 =	rddreg [dreg:$0x1]  }
0x3: {  	s2 =	simm.s32 $0x0;
	s1 =	stileid.u32;
	s4 =	srdreg.scid  }
0x4: {  	s8 =	simm.s32 $0x12880;
	s9 =	simm.s32 $0x2;
	s10 =	simm.s32 $0x0  }
0x5: {  	s4 =	sand.u32 $0x1, s4;
	s5 =	sshll.u32 s1, $0x1;
	s6 =	sshll.u32 s1, $0xE  }
0x6: {  	[smem:$0x7FF] =	sst s2;
	s5 =	sor.u32 s4, s5;
	s6 =	sand.u32 $0x38000, s6  }
0x7: {  	s4 =	ssub.s32 $0x2, s4;
	s7 =	smul.u32 $0x180, s5;
	s5 =	sshll.u32 s5, $0xD  }
0x8: {  	s6 =	sadd.s32 s6, s3;
	s30 =	sshrl.u32 s4, $0x1;
	s5 =	sand.u32 $0x6000, s5  }
0x9: {  	_ =	strace $0x80000047;
	s31 =	ssub.s32 s4, s30;
	s5 =	sadd.s32 s5, s6  }
0xa: {  	s7 =	sadd.s32 s7, s3;
	s6 =	simm.s32 $0x1;
	s3 =	sadd.s32 $0xA00, s5  }
0xb: {  	v0 =	vimm.f32 $0.0e+00;
	v1 =	vimm.f32 $1.000000000e+00;
	s4 =	sadd.s32 $0x40A00, s7;
	s5 =	smax.u32 s31, $0x1;
	s7 =	simm.s32 $0x10000  }
.LBB2_1:
0xc: {  	[tilespmem:s2], [sflag:$0x1] =	stream.linear.gather [hbm4b:s3+s2], $0x10000, $0x38;
	[tilespmem:$0x13480] =	vst v63  }
0xd: {  	s11 =	simm.s32 $0x0;
	s12 =	simm.s32 $0x200  }
.LBB2_2:
0xe: {  	p0 =	sne.s32 s12, $0xA000;
	[tilespmem:s11+$0x10070] =	vst v0  }
0xf: {  	[tilespmem:s11+$0x10000] =	vst v0  }
0x10: {  	[tilespmem:s11+$0x10010] =	vst v0  }
.Ltmp0:
0x11: {  	[tilespmem:s11+$0x10020] =	vst v0;
	(pc) =	sbr.rel @p0 .LBB2_2-.Ltmp0, $4  }
0x12: {  	[tilespmem:s11+$0x10030] =	vst v0  }
0x13: {  	[tilespmem:s11+$0x10040] =	vst v0  }
0x14: {  	[tilespmem:s11+$0x10050] =	vst v0  }
0x15: {  	[tilespmem:s11+$0x10060] =	vst v0;
	s11 =	sshra.s32 s12, $0x2;
	s12 =	sadd.s32 $0x200, s12  }
0x16: {  	[tilespmem:s11+$0x10070] =	vst v0  }
0x17: {  	[tilespmem:s11+$0x10000] =	vst v0  }
0x18: {  	[tilespmem:s11+$0x10010] =	vst v0  }
0x19: {  	[tilespmem:s11+$0x10020] =	vst v0  }
0x1a: {  	[tilespmem:s11+$0x10030] =	vst v0  }
0x1b: {  	[tilespmem:s11+$0x10040] =	vst v0  }
0x1c: {  	[tilespmem:s11+$0x10050] =	vst v0  }
0x1d: {  	[tilespmem:s11+$0x10060] =	vst v0  }
0x1e: {  	s11 =	simm.s32 $0x0;
	_ =	swait.ge [sflag:s6], $0x10000  }
0x1f: {  	s12 =	sand.u32 $0xF000, s11;
	s13 =	sand.u32 $0x380, s11;
	[sflag:s6] =	ssyncset.done $0x0  }
0x20: {  	s12 =	sor.u32 s13, s12;
	[sflag:s6] =	ssyncadd.s32 $0xFFFF0000  }
0x21: {  	v12 =	vld [tilespmem:s12+$0x0]  }
0x22: {  	v13 =	vld [tilespmem:s12+$0x10]  }
0x23: {  	v14 =	vld [tilespmem:s12+$0x20]  }
0x24: {  	v15 =	vld [tilespmem:s12+$0x30]  }
0x25: {  	v16 =	vld [tilespmem:s12+$0x40]  }
0x26: {  	v17 =	vld [tilespmem:s12+$0x50]  }
0x27: {  	v18 =	vld [tilespmem:s12+$0x60]  }
0x28: {  	v19 =	vld [tilespmem:s12+$0x70]  }
0x29: {  	v20 =	vld [tilespmem:s12+$0x400]  }
0x2a: {  	v21 =	vld [tilespmem:s12+$0x410]  }
0x2b: {  	v22 =	vld [tilespmem:s12+$0x420]  }
0x2c: {  	v23 =	vld [tilespmem:s12+$0x430]  }
0x2d: {  	v24 =	vld [tilespmem:s12+$0x440]  }
0x2e: {  	v25 =	vld [tilespmem:s12+$0x450]  }
0x2f: {  	v26 =	vld [tilespmem:s12+$0x460]  }
0x30: {  	v27 =	vld [tilespmem:s12+$0x470]  }
0x31: {  	v28 =	vld [tilespmem:s12+$0x800]  }
0x32: {  	v29 =	vld [tilespmem:s12+$0x810]  }
0x33: {  	v30 =	vld [tilespmem:s12+$0x820]  }
0x34: {  	v31 =	vld [tilespmem:s12+$0x830]  }
0x35: {  	v32 =	vld [tilespmem:s12+$0x840]  }
0x36: {  	v33 =	vld [tilespmem:s12+$0x850]  }
0x37: {  	v4 =	vld [tilespmem:s12+$0x860]  }
0x38: {  	v5 =	vld [tilespmem:s12+$0x870]  }
0x39: {  	v6 =	vld [tilespmem:s12+$0xC00]  }
0x3a: {  	v7 =	vld [tilespmem:s12+$0xC10]  }
0x3b: {  	v8 =	vld [tilespmem:s12+$0xC20]  }
0x3c: {  	v9 =	vld [tilespmem:s12+$0xC30]  }
0x3d: {  	v10 =	vld [tilespmem:s12+$0xC40]  }
0x3e: {  	v11 =	vld [tilespmem:s12+$0xC50]  }
0x3f: {  	v3 =	vld [tilespmem:s12+$0xC60]  }
0x40: {  	v2 =	vld [tilespmem:s12+$0xC70]  }
0x41: {  	[tilespmem:v12+s7+$0x0] =	vst.idx.add.f32.msk $0xffff, v1  }
0x42: {  	[tilespmem:v13+s7+$0x0] =	vst.idx.add.f32.msk $0xffff, v1  }
0x43: {  	[tilespmem:v14+s7+$0x0] =	vst.idx.add.f32.msk $0xffff, v1  }
0x44: {  	[tilespmem:v15+s7+$0x0] =	vst.idx.add.f32.msk $0xffff, v1  }
0x45: {  	[tilespmem:v16+s7+$0x0] =	vst.idx.add.f32.msk $0xffff, v1  }
0x46: {  	[tilespmem:v17+s7+$0x0] =	vst.idx.add.f32.msk $0xffff, v1  }
0x47: {  	[tilespmem:v18+s7+$0x0] =	vst.idx.add.f32.msk $0xffff, v1  }
0x48: {  	[tilespmem:v19+s7+$0x0] =	vst.idx.add.f32.msk $0xffff, v1  }
0x49: {  	[tilespmem:v20+s7+$0x0] =	vst.idx.add.f32.msk $0xffff, v1  }
0x4a: {  	[tilespmem:v21+s7+$0x0] =	vst.idx.add.f32.msk $0xffff, v1  }
0x4b: {  	[tilespmem:v22+s7+$0x0] =	vst.idx.add.f32.msk $0xffff, v1  }
0x4c: {  	[tilespmem:v23+s7+$0x0] =	vst.idx.add.f32.msk $0xffff, v1  }
0x4d: {  	[tilespmem:v24+s7+$0x0] =	vst.idx.add.f32.msk $0xffff, v1  }
0x4e: {  	[tilespmem:v25+s7+$0x0] =	vst.idx.add.f32.msk $0xffff, v1  }
0x4f: {  	[tilespmem:v26+s7+$0x0] =	vst.idx.add.f32.msk $0xffff, v1  }
0x50: {  	[tilespmem:v27+s7+$0x0] =	vst.idx.add.f32.msk $0xffff, v1  }
0x51: {  	[tilespmem:v28+s7+$0x0] =	vst.idx.add.f32.msk $0xffff, v1  }
0x52: {  	[tilespmem:v29+s7+$0x0] =	vst.idx.add.f32.msk $0xffff, v1  }
0x53: {  	[tilespmem:v30+s7+$0x0] =	vst.idx.add.f32.msk $0xffff, v1  }
0x54: {  	[tilespmem:v31+s7+$0x0] =	vst.idx.add.f32.msk $0xffff, v1  }
0x55: {  	[tilespmem:v32+s7+$0x0] =	vst.idx.add.f32.msk $0xffff, v1  }
0x56: {  	s12 =	simm.s32 $0x200;
	[tilespmem:v33+s7+$0x0] =	vst.idx.add.f32.msk $0xffff, v1  }
.LBB2_4:
0x57: {  	p0 =	sne.s32 s12, $0xFE00;
	[tilespmem:v4+s7+$0x0] =	vst.idx.add.f32.msk $0xffff, v1  }
0x58: {  	[tilespmem:v5+s7+$0x0] =	vst.idx.add.f32.msk $0xffff, v1  }
0x59: {  	[tilespmem:v6+s7+$0x0] =	vst.idx.add.f32.msk $0xffff, v1  }
0x5a: {  	[tilespmem:v7+s7+$0x0] =	vst.idx.add.f32.msk $0xffff, v1  }
0x5b: {  	[tilespmem:v8+s7+$0x0] =	vst.idx.add.f32.msk $0xffff, v1  }
0x5c: {  	[tilespmem:v9+s7+$0x0] =	vst.idx.add.f32.msk $0xffff, v1  }
0x5d: {  	[tilespmem:v10+s7+$0x0] =	vst.idx.add.f32.msk $0xffff, v1  }
0x5e: {  	s11 =	sadd.s32 $0x80, s11;
	[tilespmem:v11+s7+$0x0] =	vst.idx.add.f32.msk $0xffff, v1  }
0x5f: {  	s13 =	sand.u32 $0xF000, s12;
	s14 =	sand.u32 $0x380, s11;
	[tilespmem:v3+s7+$0x0] =	vst.idx.add.f32.msk $0xffff, v1  }
0x60: {  	s13 =	sor.u32 s14, s13;
	[tilespmem:v2+s7+$0x0] =	vst.idx.add.f32.msk $0xffff, v1  }
0x61: {  	v12 =	vld [tilespmem:s13+$0x0]  }
0x62: {  	v13 =	vld [tilespmem:s13+$0x10]  }
0x63: {  	v14 =	vld [tilespmem:s13+$0x20]  }
0x64: {  	v15 =	vld [tilespmem:s13+$0x30]  }
0x65: {  	v16 =	vld [tilespmem:s13+$0x40]  }
0x66: {  	v17 =	vld [tilespmem:s13+$0x50]  }
0x67: {  	v18 =	vld [tilespmem:s13+$0x60]  }
0x68: {  	v19 =	vld [tilespmem:s13+$0x70]  }
0x69: {  	v20 =	vld [tilespmem:s13+$0x400]  }
0x6a: {  	v21 =	vld [tilespmem:s13+$0x410]  }
0x6b: {  	v22 =	vld [tilespmem:s13+$0x420]  }
0x6c: {  	v23 =	vld [tilespmem:s13+$0x430]  }
0x6d: {  	v24 =	vld [tilespmem:s13+$0x440]  }
0x6e: {  	v25 =	vld [tilespmem:s13+$0x450]  }
0x6f: {  	v26 =	vld [tilespmem:s13+$0x460]  }
0x70: {  	v27 =	vld [tilespmem:s13+$0x470]  }
0x71: {  	v28 =	vld [tilespmem:s13+$0x800]  }
0x72: {  	v29 =	vld [tilespmem:s13+$0x810]  }
0x73: {  	v30 =	vld [tilespmem:s13+$0x820]  }
0x74: {  	v31 =	vld [tilespmem:s13+$0x830]  }
0x75: {  	v32 =	vld [tilespmem:s13+$0x840]  }
0x76: {  	v33 =	vld [tilespmem:s13+$0x850]  }
0x77: {  	v4 =	vld [tilespmem:s13+$0x860]  }
0x78: {  	v5 =	vld [tilespmem:s13+$0x870]  }
0x79: {  	v6 =	vld [tilespmem:s13+$0xC00]  }
0x7a: {  	v7 =	vld [tilespmem:s13+$0xC10]  }
0x7b: {  	v8 =	vld [tilespmem:s13+$0xC20]  }
0x7c: {  	v9 =	vld [tilespmem:s13+$0xC30]  }
0x7d: {  	v10 =	vld [tilespmem:s13+$0xC40]  }
0x7e: {  	v11 =	vld [tilespmem:s13+$0xC50]  }
0x7f: {  	v3 =	vld [tilespmem:s13+$0xC60]  }
0x80: {  	v2 =	vld [tilespmem:s13+$0xC70]  }
0x81: {  	[tilespmem:v12+s7+$0x0] =	vst.idx.add.f32.msk $0xffff, v1  }
0x82: {  	[tilespmem:v13+s7+$0x0] =	vst.idx.add.f32.msk $0xffff, v1  }
0x83: {  	[tilespmem:v14+s7+$0x0] =	vst.idx.add.f32.msk $0xffff, v1  }
0x84: {  	[tilespmem:v15+s7+$0x0] =	vst.idx.add.f32.msk $0xffff, v1  }
0x85: {  	[tilespmem:v16+s7+$0x0] =	vst.idx.add.f32.msk $0xffff, v1  }
0x86: {  	[tilespmem:v17+s7+$0x0] =	vst.idx.add.f32.msk $0xffff, v1  }
0x87: {  	[tilespmem:v18+s7+$0x0] =	vst.idx.add.f32.msk $0xffff, v1  }
0x88: {  	[tilespmem:v19+s7+$0x0] =	vst.idx.add.f32.msk $0xffff, v1  }
0x89: {  	[tilespmem:v20+s7+$0x0] =	vst.idx.add.f32.msk $0xffff, v1  }
0x8a: {  	[tilespmem:v21+s7+$0x0] =	vst.idx.add.f32.msk $0xffff, v1  }
0x8b: {  	[tilespmem:v22+s7+$0x0] =	vst.idx.add.f32.msk $0xffff, v1  }
0x8c: {  	[tilespmem:v23+s7+$0x0] =	vst.idx.add.f32.msk $0xffff, v1  }
0x8d: {  	[tilespmem:v24+s7+$0x0] =	vst.idx.add.f32.msk $0xffff, v1  }
0x8e: {  	[tilespmem:v25+s7+$0x0] =	vst.idx.add.f32.msk $0xffff, v1  }
0x8f: {  	[tilespmem:v26+s7+$0x0] =	vst.idx.add.f32.msk $0xffff, v1  }
0x90: {  	[tilespmem:v27+s7+$0x0] =	vst.idx.add.f32.msk $0xffff, v1  }
0x91: {  	[tilespmem:v28+s7+$0x0] =	vst.idx.add.f32.msk $0xffff, v1  }
.Ltmp1:
0x92: {  	[tilespmem:v29+s7+$0x0] =	vst.idx.add.f32.msk $0xffff, v1;
	(pc) =	sbr.rel @p0 .LBB2_4-.Ltmp1, $4  }
0x93: {  	[tilespmem:v30+s7+$0x0] =	vst.idx.add.f32.msk $0xffff, v1  }
0x94: {  	[tilespmem:v31+s7+$0x0] =	vst.idx.add.f32.msk $0xffff, v1  }
0x95: {  	[tilespmem:v32+s7+$0x0] =	vst.idx.add.f32.msk $0xffff, v1  }
0x96: {  	s12 =	sadd.s32 $0x200, s12;
	[tilespmem:v33+s7+$0x0] =	vst.idx.add.f32.msk $0xffff, v1  }
0x97: {  	_ =	sdelay $0x3  }
0x98: {  	[tilespmem:v4+s7+$0x0] =	vst.idx.add.f32.msk $0xffff, v1  }
0x99: {  	[tilespmem:v5+s7+$0x0] =	vst.idx.add.f32.msk $0xffff, v1  }
0x9a: {  	[tilespmem:v6+s7+$0x0] =	vst.idx.add.f32.msk $0xffff, v1  }
0x9b: {  	[tilespmem:v7+s7+$0x0] =	vst.idx.add.f32.msk $0xffff, v1  }
0x9c: {  	[tilespmem:v8+s7+$0x0] =	vst.idx.add.f32.msk $0xffff, v1  }
0x9d: {  	[tilespmem:v9+s7+$0x0] =	vst.idx.add.f32.msk $0xffff, v1  }
0x9e: {  	[tilespmem:v10+s7+$0x0] =	vst.idx.add.f32.msk $0xffff, v1  }
0x9f: {  	[tilespmem:v11+s7+$0x0] =	vst.idx.add.f32.msk $0xffff, v1  }
0xa0: {  	[tilespmem:v3+s7+$0x0] =	vst.idx.add.f32.msk $0xffff, v1  }
0xa1: {  	[tilespmem:v2+s7+$0x0] =	vst.idx.add.f32.msk $0xffff, v1  }
0xa2: {  	v2 =	vld [tilespmem:$0x10000];
	_ =	sdelay $0x4  }
0xa3: {  	[tilespmem:$0x1E0D0] =	vst v2;
	v2 =	vld [tilespmem:$0x10010];
	_ =	sdelay $0x4  }
0xa4: {  	[tilespmem:$0x1E0E0] =	vst v2;
	v2 =	vld [tilespmem:$0x10020];
	_ =	sdelay $0x4  }
0xa5: {  	[tilespmem:$0x1E0F0] =	vst v2;
	v2 =	vld [tilespmem:$0x10030];
	_ =	sdelay $0x4  }
0xa6: {  	[tilespmem:$0x1E100] =	vst v2;
	v2 =	vld [tilespmem:$0x10040];
	_ =	sdelay $0x4  }
0xa7: {  	[tilespmem:$0x1E110] =	vst v2;
	v2 =	vld [tilespmem:$0x10050];
	_ =	sdelay $0x4  }
0xa8: {  	[tilespmem:$0x1E120] =	vst v2;
	v2 =	vld [tilespmem:$0x10060];
	_ =	sdelay $0x4  }
0xa9: {  	[tilespmem:$0x1E130] =	vst v2;
	v2 =	vld [tilespmem:$0x10070];
	_ =	sdelay $0x4  }
0xaa: {  	[tilespmem:$0x1E140] =	vst v2;
	v2 =	vld [tilespmem:$0x10080];
	_ =	sdelay $0x4  }
0xab: {  	[tilespmem:$0x1E150] =	vst v2;
	v2 =	vld [tilespmem:$0x10090];
	_ =	sdelay $0x4  }
0xac: {  	[tilespmem:$0x1E160] =	vst v2;
	v2 =	vld [tilespmem:$0x100A0];
	_ =	sdelay $0x4  }
0xad: {  	[tilespmem:$0x1E170] =	vst v2;
	v2 =	vld [tilespmem:$0x100B0];
	_ =	sdelay $0x4  }
0xae: {  	[tilespmem:$0x1E180] =	vst v2;
	v2 =	vld [tilespmem:$0x100C0];
	_ =	sdelay $0x4  }
0xaf: {  	[tilespmem:$0x1E190] =	vst v2;
	v2 =	vld [tilespmem:$0x100D0];
	_ =	sdelay $0x4  }
0xb0: {  	[tilespmem:$0x1E1A0] =	vst v2;
	v2 =	vld [tilespmem:$0x100E0];
	_ =	sdelay $0x4  }
0xb1: {  	[tilespmem:$0x1E1B0] =	vst v2;
	v2 =	vld [tilespmem:$0x100F0];
	_ =	sdelay $0x4  }
0xb2: {  	[tilespmem:$0x1E1C0] =	vst v2;
	v2 =	vld [tilespmem:$0x10100];
	_ =	sdelay $0x4  }
0xb3: {  	[tilespmem:$0x1E1D0] =	vst v2;
	v2 =	vld [tilespmem:$0x10110];
	_ =	sdelay $0x4  }
0xb4: {  	[tilespmem:$0x1E1E0] =	vst v2;
	v2 =	vld [tilespmem:$0x10120];
	_ =	sdelay $0x4  }
0xb5: {  	[tilespmem:$0x1E1F0] =	vst v2;
	v2 =	vld [tilespmem:$0x10130];
	_ =	sdelay $0x3  }
0xb6: {  	v62 =	vld [tilespmem:$0x10642]  }
0xb7: {  	[tilespmem:$0x1E200] =	vst v2;
	v2 =	vld [tilespmem:$0x10140];
	_ =	sdelay $0x1  }
0xb8: {  	v3 =	vld [tilespmem:$0x10291]  }
0xb9: {  	v4 =	vld [tilespmem:$0x102A1]  }
0xba: {  	[tilespmem:$0x1E350] =	vst v62;
	v62 =	vld [tilespmem:$0x10662]  }
0xbb: {  	[tilespmem:$0x1E210] =	vst v2;
	v2 =	vld [tilespmem:$0x10150]  }
0xbc: {  	v5 =	vld [tilespmem:$0x102B1]  }
0xbd: {  	v6 =	vld [tilespmem:$0x102C1]  }
0xbe: {  	v7 =	vld [tilespmem:$0x102D1]  }
0xbf: {  	[tilespmem:$0x1E360] =	vst v62;
	v62 =	vld [tilespmem:$0x10672]  }
0xc0: {  	[tilespmem:$0x1E220] =	vst v2;
	v2 =	vld [tilespmem:$0x10160]  }
0xc1: {  	v8 =	vld [tilespmem:$0x102E1]  }
0xc2: {  	v9 =	vld [tilespmem:$0x102F1]  }
0xc3: {  	v10 =	vld [tilespmem:$0x10301]  }
0xc4: {  	[tilespmem:$0x1E370] =	vst v62;
	v62 =	vld [tilespmem:$0x10682]  }
0xc5: {  	[tilespmem:$0x1E230] =	vst v2;
	v2 =	vld [tilespmem:$0x10170]  }
0xc6: {  	v11 =	vld [tilespmem:$0x10311]  }
0xc7: {  	v12 =	vld [tilespmem:$0x10321]  }
0xc8: {  	v13 =	vld [tilespmem:$0x10331]  }
0xc9: {  	[tilespmem:$0x1E380] =	vst v62;
	v62 =	vld [tilespmem:$0x10692]  }
0xca: {  	[tilespmem:$0x1E240] =	vst v2;
	v2 =	vld [tilespmem:$0x10180]  }
0xcb: {  	v14 =	vld [tilespmem:$0x10341]  }
0xcc: {  	v15 =	vld [tilespmem:$0x10351]  }
0xcd: {  	v16 =	vld [tilespmem:$0x10361]  }
0xce: {  	[tilespmem:$0x1E390] =	vst v62;
	v62 =	vld [tilespmem:$0x106A2]  }
0xcf: {  	[tilespmem:$0x1E250] =	vst v2;
	v2 =	vld [tilespmem:$0x10190]  }
0xd0: {  	v17 =	vld [tilespmem:$0x10371]  }
0xd1: {  	v18 =	vld [tilespmem:$0x10381]  }
0xd2: {  	v19 =	vld [tilespmem:$0x10391]  }
0xd3: {  	[tilespmem:$0x1E3A0] =	vst v62;
	v62 =	vld [tilespmem:$0x106B2]  }
0xd4: {  	[tilespmem:$0x1E260] =	vst v2;
	v2 =	vld [tilespmem:$0x101A0]  }
0xd5: {  	v20 =	vld [tilespmem:$0x103A1]  }
0xd6: {  	v21 =	vld [tilespmem:$0x103B1]  }
0xd7: {  	v22 =	vld [tilespmem:$0x103C1]  }
0xd8: {  	[tilespmem:$0x1E3B0] =	vst v62;
	v62 =	vld [tilespmem:$0x106C2]  }
0xd9: {  	[tilespmem:$0x1E270] =	vst v2;
	v2 =	vld [tilespmem:$0x101B0]  }
0xda: {  	v23 =	vld [tilespmem:$0x103D1]  }
0xdb: {  	v24 =	vld [tilespmem:$0x103E1]  }
0xdc: {  	v25 =	vld [tilespmem:$0x103F1]  }
0xdd: {  	[tilespmem:$0x1E3C0] =	vst v62;
	v62 =	vld [tilespmem:$0x106D2]  }
0xde: {  	[tilespmem:$0x1E280] =	vst v2;
	v2 =	vld [tilespmem:$0x101C0]  }
0xdf: {  	v26 =	vld [tilespmem:$0x10401]  }
0xe0: {  	v27 =	vld [tilespmem:$0x10411]  }
0xe1: {  	v28 =	vld [tilespmem:$0x10421]  }
0xe2: {  	[tilespmem:$0x1E3D0] =	vst v62;
	v62 =	vld [tilespmem:$0x106E2]  }
0xe3: {  	[tilespmem:$0x1E290] =	vst v2;
	v2 =	vld [tilespmem:$0x101D0]  }
0xe4: {  	v29 =	vld [tilespmem:$0x10431]  }
0xe5: {  	v30 =	vld [tilespmem:$0x10441]  }
0xe6: {  	v31 =	vld [tilespmem:$0x10451]  }
0xe7: {  	[tilespmem:$0x1E3E0] =	vst v62;
	v62 =	vld [tilespmem:$0x106F2]  }
0xe8: {  	[tilespmem:$0x1E2A0] =	vst v2;
	v2 =	vld [tilespmem:$0x101E0]  }
0xe9: {  	v32 =	vld [tilespmem:$0x10461]  }
0xea: {  	v33 =	vld [tilespmem:$0x10471]  }
0xeb: {  	v34 =	vld [tilespmem:$0x10481]  }
0xec: {  	[tilespmem:$0x1E3F0] =	vst v62;
	v62 =	vld [tilespmem:$0x10702]  }
0xed: {  	[tilespmem:$0x1E2B0] =	vst v2;
	v2 =	vld [tilespmem:$0x101F0]  }
0xee: {  	v35 =	vld [tilespmem:$0x10491]  }
0xef: {  	v36 =	vld [tilespmem:$0x104A1]  }
0xf0: {  	v37 =	vld [tilespmem:$0x104B1]  }
0xf1: {  	[tilespmem:$0x1E400] =	vst v62;
	v62 =	vld [tilespmem:$0x10712]  }
0xf2: {  	[tilespmem:$0x1E2C0] =	vst v2;
	v2 =	vld [tilespmem:$0x10200]  }
0xf3: {  	v38 =	vld [tilespmem:$0x104C1]  }
0xf4: {  	v39 =	vld [tilespmem:$0x104D1]  }
0xf5: {  	v40 =	vld [tilespmem:$0x104E1]  }
0xf6: {  	[tilespmem:$0x1E410] =	vst v62;
	v62 =	vld [tilespmem:$0x10722]  }
0xf7: {  	[tilespmem:$0x1E2D0] =	vst v2;
	v2 =	vld [tilespmem:$0x10210]  }
0xf8: {  	v41 =	vld [tilespmem:$0x104F1]  }
0xf9: {  	v42 =	vld [tilespmem:$0x10502]  }
0xfa: {  	v43 =	vld [tilespmem:$0x10512]  }
0xfb: {  	[tilespmem:$0x1E420] =	vst v62;
	v62 =	vld [tilespmem:$0x10732]  }
0xfc: {  	[tilespmem:$0x1E2E0] =	vst v2;
	v2 =	vld [tilespmem:$0x10220]  }
0xfd: {  	v44 =	vld [tilespmem:$0x10522]  }
0xfe: {  	v45 =	vld [tilespmem:$0x10532]  }
0xff: {  	v46 =	vld [tilespmem:$0x10542]  }
0x100: {  	[tilespmem:$0x1E430] =	vst v62;
	v62 =	vld [tilespmem:$0x10742]  }
0x101: {  	[tilespmem:$0x1E2F0] =	vst v2;
	v2 =	vld [tilespmem:$0x10230]  }
0x102: {  	v47 =	vld [tilespmem:$0x10552]  }
0x103: {  	v48 =	vld [tilespmem:$0x10562]  }
0x104: {  	v49 =	vld [tilespmem:$0x10572]  }
0x105: {  	[tilespmem:$0x1E440] =	vst v62;
	v62 =	vld [tilespmem:$0x10752]  }
0x106: {  	[tilespmem:$0x1E300] =	vst v2;
	v2 =	vld [tilespmem:$0x10240]  }
0x107: {  	v50 =	vld [tilespmem:$0x10582]  }
0x108: {  	v51 =	vld [tilespmem:$0x10592]  }
0x109: {  	v52 =	vld [tilespmem:$0x105A2]  }
0x10a: {  	[tilespmem:$0x1E450] =	vst v62;
	v62 =	vld [tilespmem:$0x10762]  }
0x10b: {  	[tilespmem:$0x1E310] =	vst v2;
	v2 =	vld [tilespmem:$0x10250]  }
0x10c: {  	v53 =	vld [tilespmem:$0x105B2]  }
0x10d: {  	v54 =	vld [tilespmem:$0x105C2]  }
0x10e: {  	v55 =	vld [tilespmem:$0x105D2]  }
0x10f: {  	[tilespmem:$0x1E460] =	vst v62;
	v62 =	vld [tilespmem:$0x10772]  }
0x110: {  	[tilespmem:$0x1E320] =	vst v2;
	v2 =	vld [tilespmem:$0x10260]  }
0x111: {  	v56 =	vld [tilespmem:$0x105E2]  }
0x112: {  	v57 =	vld [tilespmem:$0x105F2]  }
0x113: {  	v58 =	vld [tilespmem:$0x10602]  }
0x114: {  	[tilespmem:$0x1E470] =	vst v62;
	v62 =	vld [tilespmem:$0x10783]  }
0x115: {  	[tilespmem:$0x1E330] =	vst v2;
	v2 =	vld [tilespmem:$0x10270]  }
0x116: {  	v59 =	vld [tilespmem:$0x10612]  }
0x117: {  	v60 =	vld [tilespmem:$0x10622]  }
0x118: {  	v61 =	vld [tilespmem:$0x10632]  }
0x119: {  	v63 =	vld [tilespmem:$0x10652];
	[tilespmem:$0x1E480] =	vst v62  }
0x11a: {  	[tilespmem:$0x1E340] =	vst v2;
	v2 =	vld [tilespmem:$0x10281]  }
0x11b: {  	v62 =	vld [tilespmem:$0x10793];
	_ =	sdelay $0x4  }
0x11c: {  	[tilespmem:$0x1E490] =	vst v62;
	v62 =	vld [tilespmem:$0x107A3];
	_ =	sdelay $0x4  }
0x11d: {  	[tilespmem:$0x1E4A0] =	vst v62;
	v62 =	vld [tilespmem:$0x107B3];
	_ =	sdelay $0x4  }
0x11e: {  	[tilespmem:$0x1E4B0] =	vst v62;
	v62 =	vld [tilespmem:$0x107C3];
	_ =	sdelay $0x4  }
0x11f: {  	[tilespmem:$0x1E4C0] =	vst v62;
	v62 =	vld [tilespmem:$0x107D3];
	_ =	sdelay $0x4  }
0x120: {  	[tilespmem:$0x1E4D0] =	vst v62;
	v62 =	vld [tilespmem:$0x107E3];
	_ =	sdelay $0x4  }
0x121: {  	[tilespmem:$0x1E4E0] =	vst v62;
	v62 =	vld [tilespmem:$0x107F3];
	_ =	sdelay $0x4  }
0x122: {  	[tilespmem:$0x1E4F0] =	vst v62;
	v62 =	vld [tilespmem:$0x10803];
	_ =	sdelay $0x4  }
0x123: {  	[tilespmem:$0x1E500] =	vst v62;
	v62 =	vld [tilespmem:$0x10813];
	_ =	sdelay $0x4  }
0x124: {  	[tilespmem:$0x1E510] =	vst v62;
	v62 =	vld [tilespmem:$0x10823];
	_ =	sdelay $0x4  }
0x125: {  	[tilespmem:$0x1E520] =	vst v62;
	v62 =	vld [tilespmem:$0x10833];
	_ =	sdelay $0x4  }
0x126: {  	[tilespmem:$0x1E530] =	vst v62;
	v62 =	vld [tilespmem:$0x10843];
	_ =	sdelay $0x4  }
0x127: {  	[tilespmem:$0x1E540] =	vst v62;
	v62 =	vld [tilespmem:$0x10853];
	_ =	sdelay $0x4  }
0x128: {  	[tilespmem:$0x1E550] =	vst v62;
	v62 =	vld [tilespmem:$0x10863];
	_ =	sdelay $0x4  }
0x129: {  	[tilespmem:$0x1E560] =	vst v62;
	v62 =	vld [tilespmem:$0x10873];
	_ =	sdelay $0x4  }
0x12a: {  	[tilespmem:$0x1E570] =	vst v62;
	v62 =	vld [tilespmem:$0x10883];
	_ =	sdelay $0x4  }
0x12b: {  	[tilespmem:$0x1E580] =	vst v62;
	v62 =	vld [tilespmem:$0x10893];
	_ =	sdelay $0x4  }
0x12c: {  	[tilespmem:$0x1E590] =	vst v62;
	v62 =	vld [tilespmem:$0x108A3];
	_ =	sdelay $0x4  }
0x12d: {  	[tilespmem:$0x1E5A0] =	vst v62;
	v62 =	vld [tilespmem:$0x108B3];
	_ =	sdelay $0x4  }
0x12e: {  	[tilespmem:$0x1E5B0] =	vst v62;
	v62 =	vld [tilespmem:$0x108C3];
	_ =	sdelay $0x4  }
0x12f: {  	[tilespmem:$0x1E5C0] =	vst v62;
	v62 =	vld [tilespmem:$0x108D3];
	_ =	sdelay $0x4  }
0x130: {  	[tilespmem:$0x1E5D0] =	vst v62;
	v62 =	vld [tilespmem:$0x108E3];
	_ =	sdelay $0x4  }
0x131: {  	[tilespmem:$0x1E5E0] =	vst v62;
	v62 =	vld [tilespmem:$0x108F3];
	_ =	sdelay $0x4  }
0x132: {  	[tilespmem:$0x1E5F0] =	vst v62;
	v62 =	vld [tilespmem:$0x10903];
	_ =	sdelay $0x4  }
0x133: {  	[tilespmem:$0x1E600] =	vst v62;
	v62 =	vld [tilespmem:$0x10913];
	_ =	sdelay $0x4  }
0x134: {  	[tilespmem:$0x1E610] =	vst v62;
	v62 =	vld [tilespmem:$0x10923];
	_ =	sdelay $0x4  }
0x135: {  	[tilespmem:$0x1E620] =	vst v62;
	v62 =	vld [tilespmem:$0x10933];
	_ =	sdelay $0x4  }
0x136: {  	[tilespmem:$0x1E630] =	vst v62;
	v62 =	vld [tilespmem:$0x10943];
	_ =	sdelay $0x4  }
0x137: {  	[tilespmem:$0x1E640] =	vst v62;
	v62 =	vld [tilespmem:$0x10953];
	_ =	sdelay $0x4  }
0x138: {  	[tilespmem:$0x1E650] =	vst v62;
	v62 =	vld [tilespmem:$0x10963];
	_ =	sdelay $0x4  }
0x139: {  	[tilespmem:$0x1E660] =	vst v62;
	v62 =	vld [tilespmem:$0x10973];
	_ =	sdelay $0x4  }
0x13a: {  	[tilespmem:$0x1E670] =	vst v62;
	v62 =	vld [tilespmem:$0x10983];
	_ =	sdelay $0x4  }
0x13b: {  	[tilespmem:$0x1E680] =	vst v62;
	v62 =	vld [tilespmem:$0x10993];
	_ =	sdelay $0x4  }
0x13c: {  	[tilespmem:$0x1E690] =	vst v62;
	v62 =	vld [tilespmem:$0x109A3];
	_ =	sdelay $0x4  }
0x13d: {  	[tilespmem:$0x1E6A0] =	vst v62;
	v62 =	vld [tilespmem:$0x109B3];
	_ =	sdelay $0x4  }
0x13e: {  	[tilespmem:$0x1E6B0] =	vst v62;
	v62 =	vld [tilespmem:$0x109C3];
	_ =	sdelay $0x4  }
0x13f: {  	[tilespmem:$0x1E6C0] =	vst v62;
	v62 =	vld [tilespmem:$0x109D3];
	_ =	sdelay $0x4  }
0x140: {  	[tilespmem:$0x1E6D0] =	vst v62;
	v62 =	vld [tilespmem:$0x109E3];
	_ =	sdelay $0x4  }
0x141: {  	[tilespmem:$0x1E6E0] =	vst v62;
	v62 =	vld [tilespmem:$0x109F3];
	_ =	sdelay $0x4  }
0x142: {  	[tilespmem:$0x1E6F0] =	vst v62;
	v62 =	vld [tilespmem:$0x10A04];
	_ =	sdelay $0x4  }
0x143: {  	[tilespmem:$0x1E700] =	vst v62;
	v62 =	vld [tilespmem:$0x10A14];
	_ =	sdelay $0x4  }
0x144: {  	[tilespmem:$0x1E710] =	vst v62;
	v62 =	vld [tilespmem:$0x10A24];
	_ =	sdelay $0x4  }
0x145: {  	[tilespmem:$0x1E720] =	vst v62;
	v62 =	vld [tilespmem:$0x10A34];
	_ =	sdelay $0x4  }
0x146: {  	[tilespmem:$0x1E730] =	vst v62;
	v62 =	vld [tilespmem:$0x10A44];
	_ =	sdelay $0x4  }
0x147: {  	[tilespmem:$0x1E740] =	vst v62;
	v62 =	vld [tilespmem:$0x10A54];
	_ =	sdelay $0x4  }
0x148: {  	[tilespmem:$0x1E750] =	vst v62;
	v62 =	vld [tilespmem:$0x10A64];
	_ =	sdelay $0x4  }
0x149: {  	[tilespmem:$0x1E760] =	vst v62;
	v62 =	vld [tilespmem:$0x10A74];
	_ =	sdelay $0x4  }
0x14a: {  	[tilespmem:$0x1E770] =	vst v62;
	v62 =	vld [tilespmem:$0x10A84];
	_ =	sdelay $0x4  }
0x14b: {  	[tilespmem:$0x1E780] =	vst v62;
	v62 =	vld [tilespmem:$0x10A94];
	_ =	sdelay $0x4  }
0x14c: {  	[tilespmem:$0x1E790] =	vst v62;
	v62 =	vld [tilespmem:$0x10AA4];
	_ =	sdelay $0x4  }
0x14d: {  	[tilespmem:$0x1E7A0] =	vst v62;
	v62 =	vld [tilespmem:$0x10AB4];
	_ =	sdelay $0x4  }
0x14e: {  	[tilespmem:$0x1E7B0] =	vst v62;
	v62 =	vld [tilespmem:$0x10AC4];
	_ =	sdelay $0x4  }
0x14f: {  	[tilespmem:$0x1E7C0] =	vst v62;
	v62 =	vld [tilespmem:$0x10AD4];
	_ =	sdelay $0x4  }
0x150: {  	[tilespmem:$0x1E7D0] =	vst v62;
	v62 =	vld [tilespmem:$0x10AE4];
	_ =	sdelay $0x4  }
0x151: {  	[tilespmem:$0x1E7E0] =	vst v62;
	v62 =	vld [tilespmem:$0x10AF4];
	_ =	sdelay $0x4  }
0x152: {  	[tilespmem:$0x1E7F0] =	vst v62;
	v62 =	vld [tilespmem:$0x10B04];
	_ =	sdelay $0x4  }
0x153: {  	[tilespmem:$0x1E800] =	vst v62;
	v62 =	vld [tilespmem:$0x10B14];
	_ =	sdelay $0x4  }
0x154: {  	[tilespmem:$0x1E810] =	vst v62;
	v62 =	vld [tilespmem:$0x10B24];
	_ =	sdelay $0x4  }
0x155: {  	[tilespmem:$0x1E820] =	vst v62;
	v62 =	vld [tilespmem:$0x10B34];
	_ =	sdelay $0x4  }
0x156: {  	[tilespmem:$0x1E830] =	vst v62;
	v62 =	vld [tilespmem:$0x10B44];
	_ =	sdelay $0x4  }
0x157: {  	[tilespmem:$0x1E840] =	vst v62;
	v62 =	vld [tilespmem:$0x10B54];
	_ =	sdelay $0x4  }
0x158: {  	[tilespmem:$0x1E850] =	vst v62;
	v62 =	vld [tilespmem:$0x10B64];
	_ =	sdelay $0x4  }
0x159: {  	[tilespmem:$0x1E860] =	vst v62;
	v62 =	vld [tilespmem:$0x10B74];
	_ =	sdelay $0x4  }
0x15a: {  	[tilespmem:$0x1E870] =	vst v62;
	v62 =	vld [tilespmem:$0x10B84];
	_ =	sdelay $0x4  }
0x15b: {  	[tilespmem:$0x1E880] =	vst v62;
	v62 =	vld [tilespmem:$0x10B94];
	_ =	sdelay $0x4  }
0x15c: {  	[tilespmem:$0x1E890] =	vst v62;
	v62 =	vld [tilespmem:$0x10BA4];
	_ =	sdelay $0x4  }
0x15d: {  	[tilespmem:$0x1E8A0] =	vst v62;
	v62 =	vld [tilespmem:$0x10BB4];
	_ =	sdelay $0x4  }
0x15e: {  	[tilespmem:$0x1E8B0] =	vst v62;
	v62 =	vld [tilespmem:$0x10BC4];
	_ =	sdelay $0x4  }
0x15f: {  	[tilespmem:$0x1E8C0] =	vst v62;
	v62 =	vld [tilespmem:$0x10BD4];
	_ =	sdelay $0x4  }
0x160: {  	[tilespmem:$0x1E8D0] =	vst v62;
	v62 =	vld [tilespmem:$0x10BE4];
	_ =	sdelay $0x4  }
0x161: {  	[tilespmem:$0x1E8E0] =	vst v62;
	v62 =	vld [tilespmem:$0x10BF4];
	_ =	sdelay $0x4  }
0x162: {  	[tilespmem:$0x1E8F0] =	vst v62;
	v62 =	vld [tilespmem:$0x10C04];
	_ =	sdelay $0x4  }
0x163: {  	[tilespmem:$0x1E900] =	vst v62;
	v62 =	vld [tilespmem:$0x10C14];
	_ =	sdelay $0x4  }
0x164: {  	[tilespmem:$0x1E910] =	vst v62;
	v62 =	vld [tilespmem:$0x10C24];
	_ =	sdelay $0x4  }
0x165: {  	[tilespmem:$0x1E920] =	vst v62;
	v62 =	vld [tilespmem:$0x10C34];
	_ =	sdelay $0x4  }
0x166: {  	[tilespmem:$0x1E930] =	vst v62;
	v62 =	vld [tilespmem:$0x10C44];
	_ =	sdelay $0x4  }
0x167: {  	[tilespmem:$0x1E940] =	vst v62;
	v62 =	vld [tilespmem:$0x10C54];
	_ =	sdelay $0x4  }
0x168: {  	[tilespmem:$0x1E950] =	vst v62;
	v62 =	vld [tilespmem:$0x10C64];
	_ =	sdelay $0x4  }
0x169: {  	[tilespmem:$0x1E960] =	vst v62;
	v62 =	vld [tilespmem:$0x10C74];
	_ =	sdelay $0x4  }
0x16a: {  	[tilespmem:$0x1E970] =	vst v62;
	v62 =	vld [tilespmem:$0x10C85];
	_ =	sdelay $0x4  }
0x16b: {  	[tilespmem:$0x1E980] =	vst v62;
	v62 =	vld [tilespmem:$0x10C95];
	_ =	sdelay $0x4  }
0x16c: {  	[tilespmem:$0x1E990] =	vst v62;
	v62 =	vld [tilespmem:$0x10CA5];
	_ =	sdelay $0x4  }
0x16d: {  	[tilespmem:$0x1E9A0] =	vst v62;
	v62 =	vld [tilespmem:$0x10CB5];
	_ =	sdelay $0x4  }
0x16e: {  	[tilespmem:$0x1E9B0] =	vst v62;
	v62 =	vld [tilespmem:$0x10CC5];
	_ =	sdelay $0x4  }
0x16f: {  	[tilespmem:$0x1E9C0] =	vst v62;
	v62 =	vld [tilespmem:$0x10CD5];
	_ =	sdelay $0x4  }
0x170: {  	[tilespmem:$0x1E9D0] =	vst v62;
	v62 =	vld [tilespmem:$0x10CE5];
	_ =	sdelay $0x4  }
0x171: {  	[tilespmem:$0x1E9E0] =	vst v62;
	v62 =	vld [tilespmem:$0x10CF5];
	_ =	sdelay $0x4  }
0x172: {  	[tilespmem:$0x1E9F0] =	vst v62;
	v62 =	vld [tilespmem:$0x10D05];
	_ =	sdelay $0x4  }
0x173: {  	[tilespmem:$0x1EA00] =	vst v62;
	v62 =	vld [tilespmem:$0x10D15];
	_ =	sdelay $0x4  }
0x174: {  	[tilespmem:$0x1EA10] =	vst v62;
	v62 =	vld [tilespmem:$0x10D25];
	_ =	sdelay $0x4  }
0x175: {  	[tilespmem:$0x1EA20] =	vst v62;
	v62 =	vld [tilespmem:$0x10D35];
	_ =	sdelay $0x4  }
0x176: {  	[tilespmem:$0x1EA30] =	vst v62;
	v62 =	vld [tilespmem:$0x10D45];
	_ =	sdelay $0x4  }
0x177: {  	[tilespmem:$0x1EA40] =	vst v62;
	v62 =	vld [tilespmem:$0x10D55];
	_ =	sdelay $0x4  }
0x178: {  	[tilespmem:$0x1EA50] =	vst v62;
	v62 =	vld [tilespmem:$0x10D65];
	_ =	sdelay $0x4  }
0x179: {  	[tilespmem:$0x1EA60] =	vst v62;
	v62 =	vld [tilespmem:$0x10D75];
	_ =	sdelay $0x4  }
0x17a: {  	[tilespmem:$0x1EA70] =	vst v62;
	v62 =	vld [tilespmem:$0x10D85];
	_ =	sdelay $0x4  }
0x17b: {  	[tilespmem:$0x1EA80] =	vst v62;
	v62 =	vld [tilespmem:$0x10D95];
	_ =	sdelay $0x4  }
0x17c: {  	[tilespmem:$0x1EA90] =	vst v62;
	v62 =	vld [tilespmem:$0x10DA5];
	_ =	sdelay $0x4  }
0x17d: {  	[tilespmem:$0x1EAA0] =	vst v62;
	v62 =	vld [tilespmem:$0x10DB5];
	_ =	sdelay $0x4  }
0x17e: {  	[tilespmem:$0x1EAB0] =	vst v62;
	v62 =	vld [tilespmem:$0x10DC5];
	_ =	sdelay $0x4  }
0x17f: {  	[tilespmem:$0x1EAC0] =	vst v62;
	v62 =	vld [tilespmem:$0x10DD5];
	_ =	sdelay $0x4  }
0x180: {  	[tilespmem:$0x1EAD0] =	vst v62;
	v62 =	vld [tilespmem:$0x10DE5];
	_ =	sdelay $0x4  }
0x181: {  	[tilespmem:$0x1EAE0] =	vst v62;
	v62 =	vld [tilespmem:$0x10DF5];
	_ =	sdelay $0x4  }
0x182: {  	[tilespmem:$0x1EAF0] =	vst v62;
	v62 =	vld [tilespmem:$0x10E05];
	_ =	sdelay $0x4  }
0x183: {  	[tilespmem:$0x1EB00] =	vst v62;
	v62 =	vld [tilespmem:$0x10E15];
	_ =	sdelay $0x4  }
0x184: {  	[tilespmem:$0x1EB10] =	vst v62;
	v62 =	vld [tilespmem:$0x10E25];
	_ =	sdelay $0x4  }
0x185: {  	[tilespmem:$0x1EB20] =	vst v62;
	v62 =	vld [tilespmem:$0x10E35];
	_ =	sdelay $0x4  }
0x186: {  	[tilespmem:$0x1EB30] =	vst v62;
	v62 =	vld [tilespmem:$0x10E45];
	_ =	sdelay $0x4  }
0x187: {  	[tilespmem:$0x1EB40] =	vst v62;
	v62 =	vld [tilespmem:$0x10E55];
	_ =	sdelay $0x4  }
0x188: {  	[tilespmem:$0x1EB50] =	vst v62;
	v62 =	vld [tilespmem:$0x10E65];
	_ =	sdelay $0x4  }
0x189: {  	[tilespmem:$0x1EB60] =	vst v62;
	v62 =	vld [tilespmem:$0x10E75];
	_ =	sdelay $0x4  }
0x18a: {  	[tilespmem:$0x1EB70] =	vst v62;
	v62 =	vld [tilespmem:$0x10E85];
	_ =	sdelay $0x4  }
0x18b: {  	[tilespmem:$0x1EB80] =	vst v62;
	v62 =	vld [tilespmem:$0x10E95];
	_ =	sdelay $0x4  }
0x18c: {  	[tilespmem:$0x1EB90] =	vst v62;
	v62 =	vld [tilespmem:$0x10EA5];
	_ =	sdelay $0x4  }
0x18d: {  	[tilespmem:$0x1EBA0] =	vst v62;
	v62 =	vld [tilespmem:$0x10EB5];
	_ =	sdelay $0x4  }
0x18e: {  	[tilespmem:$0x1EBB0] =	vst v62;
	v62 =	vld [tilespmem:$0x10EC5];
	_ =	sdelay $0x4  }
0x18f: {  	[tilespmem:$0x1EBC0] =	vst v62;
	v62 =	vld [tilespmem:$0x10ED5];
	_ =	sdelay $0x4  }
0x190: {  	[tilespmem:$0x1EBD0] =	vst v62;
	v62 =	vld [tilespmem:$0x10EE5];
	_ =	sdelay $0x4  }
0x191: {  	[tilespmem:$0x1EBE0] =	vst v62;
	v62 =	vld [tilespmem:$0x10EF5];
	_ =	sdelay $0x4  }
0x192: {  	[tilespmem:$0x1EBF0] =	vst v62;
	v62 =	vld [tilespmem:$0x10F06];
	_ =	sdelay $0x4  }
0x193: {  	[tilespmem:$0x1EC00] =	vst v62;
	v62 =	vld [tilespmem:$0x10F16];
	_ =	sdelay $0x4  }
0x194: {  	[tilespmem:$0x1EC10] =	vst v62;
	v62 =	vld [tilespmem:$0x10F26];
	_ =	sdelay $0x4  }
0x195: {  	[tilespmem:$0x1EC20] =	vst v62;
	v62 =	vld [tilespmem:$0x10F36];
	_ =	sdelay $0x4  }
0x196: {  	[tilespmem:$0x1EC30] =	vst v62;
	v62 =	vld [tilespmem:$0x10F46];
	_ =	sdelay $0x4  }
0x197: {  	[tilespmem:$0x1EC40] =	vst v62;
	v62 =	vld [tilespmem:$0x10F56];
	_ =	sdelay $0x4  }
0x198: {  	[tilespmem:$0x1EC50] =	vst v62;
	v62 =	vld [tilespmem:$0x10F66];
	_ =	sdelay $0x4  }
0x199: {  	[tilespmem:$0x1EC60] =	vst v62;
	v62 =	vld [tilespmem:$0x10F76];
	_ =	sdelay $0x4  }
0x19a: {  	[tilespmem:$0x1EC70] =	vst v62;
	v62 =	vld [tilespmem:$0x10F86];
	_ =	sdelay $0x4  }
0x19b: {  	[tilespmem:$0x1EC80] =	vst v62;
	v62 =	vld [tilespmem:$0x10F96];
	_ =	sdelay $0x4  }
0x19c: {  	[tilespmem:$0x1EC90] =	vst v62;
	v62 =	vld [tilespmem:$0x10FA6];
	_ =	sdelay $0x4  }
0x19d: {  	[tilespmem:$0x1ECA0] =	vst v62;
	v62 =	vld [tilespmem:$0x10FB6];
	_ =	sdelay $0x4  }
0x19e: {  	[tilespmem:$0x1ECB0] =	vst v62;
	v62 =	vld [tilespmem:$0x10FC6];
	_ =	sdelay $0x4  }
0x19f: {  	[tilespmem:$0x1ECC0] =	vst v62;
	v62 =	vld [tilespmem:$0x10FD6];
	_ =	sdelay $0x4  }
0x1a0: {  	[tilespmem:$0x1ECD0] =	vst v62;
	v62 =	vld [tilespmem:$0x10FE6];
	_ =	sdelay $0x4  }
0x1a1: {  	[tilespmem:$0x1ECE0] =	vst v62;
	v62 =	vld [tilespmem:$0x10FF6];
	_ =	sdelay $0x4  }
0x1a2: {  	[tilespmem:$0x1ECF0] =	vst v62;
	v62 =	vld [tilespmem:$0x11006];
	_ =	sdelay $0x4  }
0x1a3: {  	[tilespmem:$0x1ED00] =	vst v62;
	v62 =	vld [tilespmem:$0x11016];
	_ =	sdelay $0x4  }
0x1a4: {  	[tilespmem:$0x1ED10] =	vst v62;
	v62 =	vld [tilespmem:$0x11026];
	_ =	sdelay $0x4  }
0x1a5: {  	[tilespmem:$0x1ED20] =	vst v62;
	v62 =	vld [tilespmem:$0x11036];
	_ =	sdelay $0x4  }
0x1a6: {  	[tilespmem:$0x1ED30] =	vst v62;
	v62 =	vld [tilespmem:$0x11046];
	_ =	sdelay $0x4  }
0x1a7: {  	[tilespmem:$0x1ED40] =	vst v62;
	v62 =	vld [tilespmem:$0x11056];
	_ =	sdelay $0x4  }
0x1a8: {  	[tilespmem:$0x1ED50] =	vst v62;
	v62 =	vld [tilespmem:$0x11066];
	_ =	sdelay $0x4  }
0x1a9: {  	[tilespmem:$0x1ED60] =	vst v62;
	v62 =	vld [tilespmem:$0x11076];
	_ =	sdelay $0x4  }
0x1aa: {  	[tilespmem:$0x1ED70] =	vst v62;
	v62 =	vld [tilespmem:$0x11086];
	_ =	sdelay $0x4  }
0x1ab: {  	[tilespmem:$0x1ED80] =	vst v62;
	v62 =	vld [tilespmem:$0x11096];
	_ =	sdelay $0x4  }
0x1ac: {  	[tilespmem:$0x1ED90] =	vst v62;
	v62 =	vld [tilespmem:$0x110A6];
	_ =	sdelay $0x4  }
0x1ad: {  	[tilespmem:$0x1EDA0] =	vst v62;
	v62 =	vld [tilespmem:$0x110B6];
	_ =	sdelay $0x4  }
0x1ae: {  	[tilespmem:$0x1EDB0] =	vst v62;
	v62 =	vld [tilespmem:$0x110C6];
	_ =	sdelay $0x4  }
0x1af: {  	[tilespmem:$0x1EDC0] =	vst v62;
	v62 =	vld [tilespmem:$0x110D6];
	_ =	sdelay $0x4  }
0x1b0: {  	[tilespmem:$0x1EDD0] =	vst v62;
	v62 =	vld [tilespmem:$0x110E6];
	_ =	sdelay $0x4  }
0x1b1: {  	[tilespmem:$0x1EDE0] =	vst v62;
	v62 =	vld [tilespmem:$0x110F6];
	_ =	sdelay $0x4  }
0x1b2: {  	[tilespmem:$0x1EDF0] =	vst v62;
	v62 =	vld [tilespmem:$0x11106];
	_ =	sdelay $0x4  }
0x1b3: {  	[tilespmem:$0x1EE00] =	vst v62;
	v62 =	vld [tilespmem:$0x11116];
	_ =	sdelay $0x4  }
0x1b4: {  	[tilespmem:$0x1EE10] =	vst v62;
	v62 =	vld [tilespmem:$0x11126];
	_ =	sdelay $0x4  }
0x1b5: {  	[tilespmem:$0x1EE20] =	vst v62;
	v62 =	vld [tilespmem:$0x11136];
	_ =	sdelay $0x4  }
0x1b6: {  	[tilespmem:$0x1EE30] =	vst v62;
	v62 =	vld [tilespmem:$0x11146];
	_ =	sdelay $0x4  }
0x1b7: {  	[tilespmem:$0x1EE40] =	vst v62;
	v62 =	vld [tilespmem:$0x11156];
	_ =	sdelay $0x4  }
0x1b8: {  	[tilespmem:$0x1EE50] =	vst v62;
	v62 =	vld [tilespmem:$0x11166];
	_ =	sdelay $0x4  }
0x1b9: {  	[tilespmem:$0x1EE60] =	vst v62;
	v62 =	vld [tilespmem:$0x11176];
	_ =	sdelay $0x4  }
0x1ba: {  	[tilespmem:$0x1EE70] =	vst v62;
	v62 =	vld [tilespmem:$0x11187];
	_ =	sdelay $0x4  }
0x1bb: {  	[tilespmem:$0x1EE80] =	vst v62;
	v62 =	vld [tilespmem:$0x11197];
	_ =	sdelay $0x4  }
0x1bc: {  	[tilespmem:$0x1EE90] =	vst v62;
	v62 =	vld [tilespmem:$0x111A7];
	_ =	sdelay $0x4  }
0x1bd: {  	[tilespmem:$0x1EEA0] =	vst v62;
	v62 =	vld [tilespmem:$0x111B7];
	_ =	sdelay $0x4  }
0x1be: {  	[tilespmem:$0x1EEB0] =	vst v62;
	v62 =	vld [tilespmem:$0x111C7];
	_ =	sdelay $0x4  }
0x1bf: {  	[tilespmem:$0x1EEC0] =	vst v62;
	v62 =	vld [tilespmem:$0x111D7];
	_ =	sdelay $0x4  }
0x1c0: {  	[tilespmem:$0x1EED0] =	vst v62;
	v62 =	vld [tilespmem:$0x111E7];
	_ =	sdelay $0x4  }
0x1c1: {  	[tilespmem:$0x1EEE0] =	vst v62;
	v62 =	vld [tilespmem:$0x111F7];
	_ =	sdelay $0x4  }
0x1c2: {  	[tilespmem:$0x1EEF0] =	vst v62;
	v62 =	vld [tilespmem:$0x11207];
	_ =	sdelay $0x4  }
0x1c3: {  	[tilespmem:$0x1EF00] =	vst v62;
	v62 =	vld [tilespmem:$0x11217];
	_ =	sdelay $0x4  }
0x1c4: {  	[tilespmem:$0x1EF10] =	vst v62;
	v62 =	vld [tilespmem:$0x11227];
	_ =	sdelay $0x4  }
0x1c5: {  	[tilespmem:$0x1EF20] =	vst v62;
	v62 =	vld [tilespmem:$0x11237];
	_ =	sdelay $0x4  }
0x1c6: {  	[tilespmem:$0x1EF30] =	vst v62;
	v62 =	vld [tilespmem:$0x11247];
	_ =	sdelay $0x4  }
0x1c7: {  	[tilespmem:$0x1EF40] =	vst v62;
	v62 =	vld [tilespmem:$0x11257];
	_ =	sdelay $0x4  }
0x1c8: {  	[tilespmem:$0x1EF50] =	vst v62;
	v62 =	vld [tilespmem:$0x11267];
	_ =	sdelay $0x4  }
0x1c9: {  	[tilespmem:$0x1EF60] =	vst v62;
	v62 =	vld [tilespmem:$0x11277];
	_ =	sdelay $0x4  }
0x1ca: {  	[tilespmem:$0x1EF70] =	vst v62;
	v62 =	vld [tilespmem:$0x11287];
	_ =	sdelay $0x4  }
0x1cb: {  	[tilespmem:$0x1EF80] =	vst v62;
	v62 =	vld [tilespmem:$0x11297];
	_ =	sdelay $0x4  }
0x1cc: {  	[tilespmem:$0x1EF90] =	vst v62;
	v62 =	vld [tilespmem:$0x112A7];
	_ =	sdelay $0x4  }
0x1cd: {  	[tilespmem:$0x1EFA0] =	vst v62;
	v62 =	vld [tilespmem:$0x112B7];
	_ =	sdelay $0x4  }
0x1ce: {  	[tilespmem:$0x1EFB0] =	vst v62;
	v62 =	vld [tilespmem:$0x112C7];
	_ =	sdelay $0x4  }
0x1cf: {  	[tilespmem:$0x1EFC0] =	vst v62;
	v62 =	vld [tilespmem:$0x112D7];
	_ =	sdelay $0x4  }
0x1d0: {  	[tilespmem:$0x1EFD0] =	vst v62;
	v62 =	vld [tilespmem:$0x112E7];
	_ =	sdelay $0x4  }
0x1d1: {  	[tilespmem:$0x1EFE0] =	vst v62;
	v62 =	vld [tilespmem:$0x112F7];
	_ =	sdelay $0x4  }
0x1d2: {  	[tilespmem:$0x1EFF0] =	vst v62;
	v62 =	vld [tilespmem:$0x11307];
	_ =	sdelay $0x4  }
0x1d3: {  	[tilespmem:$0x1F000] =	vst v62;
	v62 =	vld [tilespmem:$0x11317];
	_ =	sdelay $0x4  }
0x1d4: {  	[tilespmem:$0x1F010] =	vst v62;
	v62 =	vld [tilespmem:$0x11327];
	_ =	sdelay $0x4  }
0x1d5: {  	[tilespmem:$0x1F020] =	vst v62;
	v62 =	vld [tilespmem:$0x11337];
	_ =	sdelay $0x4  }
0x1d6: {  	[tilespmem:$0x1F030] =	vst v62;
	v62 =	vld [tilespmem:$0x11347];
	_ =	sdelay $0x4  }
0x1d7: {  	[tilespmem:$0x1F040] =	vst v62;
	v62 =	vld [tilespmem:$0x11357];
	_ =	sdelay $0x4  }
0x1d8: {  	[tilespmem:$0x1F050] =	vst v62;
	v62 =	vld [tilespmem:$0x11367];
	_ =	sdelay $0x4  }
0x1d9: {  	[tilespmem:$0x1F060] =	vst v62;
	v62 =	vld [tilespmem:$0x11377];
	_ =	sdelay $0x4  }
0x1da: {  	[tilespmem:$0x1F070] =	vst v62;
	v62 =	vld [tilespmem:$0x11387];
	_ =	sdelay $0x4  }
0x1db: {  	[tilespmem:$0x1F080] =	vst v62;
	v62 =	vld [tilespmem:$0x11397];
	_ =	sdelay $0x4  }
0x1dc: {  	[tilespmem:$0x1F090] =	vst v62;
	v62 =	vld [tilespmem:$0x113A7];
	_ =	sdelay $0x4  }
0x1dd: {  	[tilespmem:$0x1F0A0] =	vst v62;
	v62 =	vld [tilespmem:$0x113B7];
	_ =	sdelay $0x4  }
0x1de: {  	[tilespmem:$0x1F0B0] =	vst v62;
	v62 =	vld [tilespmem:$0x113C7];
	_ =	sdelay $0x4  }
0x1df: {  	[tilespmem:$0x1F0C0] =	vst v62;
	v62 =	vld [tilespmem:$0x113D7];
	_ =	sdelay $0x4  }
0x1e0: {  	[tilespmem:$0x1F0D0] =	vst v62;
	v62 =	vld [tilespmem:$0x113E7];
	_ =	sdelay $0x4  }
0x1e1: {  	[tilespmem:$0x1F0E0] =	vst v62;
	v62 =	vld [tilespmem:$0x113F7];
	_ =	sdelay $0x4  }
0x1e2: {  	[tilespmem:$0x1F0F0] =	vst v62;
	v62 =	vld [tilespmem:$0x11408];
	_ =	sdelay $0x4  }
0x1e3: {  	[tilespmem:$0x1F100] =	vst v62;
	v62 =	vld [tilespmem:$0x11418];
	_ =	sdelay $0x4  }
0x1e4: {  	[tilespmem:$0x1F110] =	vst v62;
	v62 =	vld [tilespmem:$0x11428];
	_ =	sdelay $0x4  }
0x1e5: {  	[tilespmem:$0x1F120] =	vst v62;
	v62 =	vld [tilespmem:$0x11438];
	_ =	sdelay $0x4  }
0x1e6: {  	[tilespmem:$0x1F130] =	vst v62;
	v62 =	vld [tilespmem:$0x11448];
	_ =	sdelay $0x4  }
0x1e7: {  	[tilespmem:$0x1F140] =	vst v62;
	v62 =	vld [tilespmem:$0x11458];
	_ =	sdelay $0x4  }
0x1e8: {  	[tilespmem:$0x1F150] =	vst v62;
	v62 =	vld [tilespmem:$0x11468];
	_ =	sdelay $0x4  }
0x1e9: {  	[tilespmem:$0x1F160] =	vst v62;
	v62 =	vld [tilespmem:$0x11478];
	_ =	sdelay $0x4  }
0x1ea: {  	[tilespmem:$0x1F170] =	vst v62;
	v62 =	vld [tilespmem:$0x11488];
	_ =	sdelay $0x4  }
0x1eb: {  	[tilespmem:$0x1F180] =	vst v62;
	v62 =	vld [tilespmem:$0x11498];
	_ =	sdelay $0x4  }
0x1ec: {  	[tilespmem:$0x1F190] =	vst v62;
	v62 =	vld [tilespmem:$0x114A8];
	_ =	sdelay $0x4  }
0x1ed: {  	[tilespmem:$0x1F1A0] =	vst v62;
	v62 =	vld [tilespmem:$0x114B8];
	_ =	sdelay $0x4  }
0x1ee: {  	[tilespmem:$0x1F1B0] =	vst v62;
	v62 =	vld [tilespmem:$0x114C8];
	_ =	sdelay $0x4  }
0x1ef: {  	[tilespmem:$0x1F1C0] =	vst v62;
	v62 =	vld [tilespmem:$0x114D8];
	_ =	sdelay $0x4  }
0x1f0: {  	[tilespmem:$0x1F1D0] =	vst v62;
	v62 =	vld [tilespmem:$0x114E8];
	_ =	sdelay $0x4  }
0x1f1: {  	[tilespmem:$0x1F1E0] =	vst v62;
	v62 =	vld [tilespmem:$0x114F8];
	_ =	sdelay $0x4  }
0x1f2: {  	[tilespmem:$0x1F1F0] =	vst v62;
	v62 =	vld [tilespmem:$0x11508];
	_ =	sdelay $0x4  }
0x1f3: {  	[tilespmem:$0x1F200] =	vst v62;
	v62 =	vld [tilespmem:$0x11518];
	_ =	sdelay $0x4  }
0x1f4: {  	[tilespmem:$0x1F210] =	vst v62;
	v62 =	vld [tilespmem:$0x11528];
	_ =	sdelay $0x4  }
0x1f5: {  	[tilespmem:$0x1F220] =	vst v62;
	v62 =	vld [tilespmem:$0x11538];
	_ =	sdelay $0x4  }
0x1f6: {  	[tilespmem:$0x1F230] =	vst v62;
	v62 =	vld [tilespmem:$0x11548];
	_ =	sdelay $0x4  }
0x1f7: {  	[tilespmem:$0x1F240] =	vst v62;
	v62 =	vld [tilespmem:$0x11558];
	_ =	sdelay $0x4  }
0x1f8: {  	[tilespmem:$0x1F250] =	vst v62;
	v62 =	vld [tilespmem:$0x11568];
	_ =	sdelay $0x4  }
0x1f9: {  	[tilespmem:$0x1F260] =	vst v62;
	v62 =	vld [tilespmem:$0x11578];
	_ =	sdelay $0x4  }
0x1fa: {  	[tilespmem:$0x1F270] =	vst v62;
	v62 =	vld [tilespmem:$0x1E0D0];
	_ =	sdelay $0x4  }
0x1fb: {  	v2 =	vadd.f32 v2, v62;
	v62 =	vld [tilespmem:$0x1E0E0];
	_ =	sdelay $0x4  }
0x1fc: {  	v3 =	vadd.f32 v3, v62;
	v62 =	vld [tilespmem:$0x11588];
	_ =	sdelay $0x4  }
0x1fd: {  	[tilespmem:$0x1F280] =	vst v62;
	v62 =	vld [tilespmem:$0x1E0F0];
	_ =	sdelay $0x4  }
0x1fe: {  	v4 =	vadd.f32 v4, v62;
	v62 =	vld [tilespmem:$0x1E100];
	_ =	sdelay $0x4  }
0x1ff: {  	v5 =	vadd.f32 v5, v62;
	v62 =	vld [tilespmem:$0x11598];
	_ =	sdelay $0x4  }
0x200: {  	[tilespmem:$0x1F290] =	vst v62;
	v62 =	vld [tilespmem:$0x1E110];
	_ =	sdelay $0x4  }
0x201: {  	v6 =	vadd.f32 v6, v62;
	v62 =	vld [tilespmem:$0x1E120];
	_ =	sdelay $0x4  }
0x202: {  	v7 =	vadd.f32 v7, v62;
	v62 =	vld [tilespmem:$0x115A8];
	_ =	sdelay $0x4  }
0x203: {  	[tilespmem:$0x1F2A0] =	vst v62;
	v62 =	vld [tilespmem:$0x1E130];
	_ =	sdelay $0x4  }
0x204: {  	v8 =	vadd.f32 v8, v62;
	v62 =	vld [tilespmem:$0x1E140];
	_ =	sdelay $0x4  }
0x205: {  	v9 =	vadd.f32 v9, v62;
	v62 =	vld [tilespmem:$0x115B8];
	_ =	sdelay $0x4  }
0x206: {  	[tilespmem:$0x1F2B0] =	vst v62;
	v62 =	vld [tilespmem:$0x1E150];
	_ =	sdelay $0x4  }
0x207: {  	v10 =	vadd.f32 v10, v62;
	v62 =	vld [tilespmem:$0x1E160];
	_ =	sdelay $0x4  }
0x208: {  	v11 =	vadd.f32 v11, v62;
	v62 =	vld [tilespmem:$0x115C8];
	_ =	sdelay $0x4  }
0x209: {  	[tilespmem:$0x1F2C0] =	vst v62;
	v62 =	vld [tilespmem:$0x1E170];
	_ =	sdelay $0x4  }
0x20a: {  	v12 =	vadd.f32 v12, v62;
	v62 =	vld [tilespmem:$0x1E180];
	_ =	sdelay $0x4  }
0x20b: {  	v13 =	vadd.f32 v13, v62;
	v62 =	vld [tilespmem:$0x115D8];
	_ =	sdelay $0x4  }
0x20c: {  	[tilespmem:$0x1F2D0] =	vst v62;
	v62 =	vld [tilespmem:$0x1E190];
	_ =	sdelay $0x4  }
0x20d: {  	v14 =	vadd.f32 v14, v62;
	v62 =	vld [tilespmem:$0x1E1A0];
	_ =	sdelay $0x4  }
0x20e: {  	v15 =	vadd.f32 v15, v62;
	v62 =	vld [tilespmem:$0x115E8];
	_ =	sdelay $0x4  }
0x20f: {  	[tilespmem:$0x1F2E0] =	vst v62;
	v62 =	vld [tilespmem:$0x1E1B0];
	_ =	sdelay $0x4  }
0x210: {  	v16 =	vadd.f32 v16, v62;
	v62 =	vld [tilespmem:$0x1E1C0];
	_ =	sdelay $0x4  }
0x211: {  	v17 =	vadd.f32 v17, v62;
	v62 =	vld [tilespmem:$0x115F8];
	_ =	sdelay $0x4  }
0x212: {  	[tilespmem:$0x1F2F0] =	vst v62;
	v62 =	vld [tilespmem:$0x1E1D0];
	_ =	sdelay $0x4  }
0x213: {  	v18 =	vadd.f32 v18, v62;
	v62 =	vld [tilespmem:$0x1E1E0];
	_ =	sdelay $0x4  }
0x214: {  	v19 =	vadd.f32 v19, v62;
	v62 =	vld [tilespmem:$0x11608];
	_ =	sdelay $0x4  }
0x215: {  	[tilespmem:$0x1F300] =	vst v62;
	v62 =	vld [tilespmem:$0x1E1F0];
	_ =	sdelay $0x4  }
0x216: {  	v20 =	vadd.f32 v20, v62;
	v62 =	vld [tilespmem:$0x1E200];
	_ =	sdelay $0x4  }
0x217: {  	v21 =	vadd.f32 v21, v62;
	v62 =	vld [tilespmem:$0x11618];
	_ =	sdelay $0x4  }
0x218: {  	[tilespmem:$0x1F310] =	vst v62;
	v62 =	vld [tilespmem:$0x1E210];
	_ =	sdelay $0x4  }
0x219: {  	v22 =	vadd.f32 v22, v62;
	v62 =	vld [tilespmem:$0x1E220];
	_ =	sdelay $0x4  }
0x21a: {  	v23 =	vadd.f32 v23, v62;
	v62 =	vld [tilespmem:$0x11628];
	_ =	sdelay $0x4  }
0x21b: {  	[tilespmem:$0x1F320] =	vst v62;
	v62 =	vld [tilespmem:$0x1E230];
	_ =	sdelay $0x4  }
0x21c: {  	v24 =	vadd.f32 v24, v62;
	v62 =	vld [tilespmem:$0x1E240];
	_ =	sdelay $0x4  }
0x21d: {  	v25 =	vadd.f32 v25, v62;
	v62 =	vld [tilespmem:$0x11638];
	_ =	sdelay $0x4  }
0x21e: {  	[tilespmem:$0x1F330] =	vst v62;
	v62 =	vld [tilespmem:$0x1E250];
	_ =	sdelay $0x4  }
0x21f: {  	v26 =	vadd.f32 v26, v62;
	v62 =	vld [tilespmem:$0x1E260];
	_ =	sdelay $0x4  }
0x220: {  	v27 =	vadd.f32 v27, v62;
	v62 =	vld [tilespmem:$0x11648];
	_ =	sdelay $0x4  }
0x221: {  	[tilespmem:$0x1F340] =	vst v62;
	v62 =	vld [tilespmem:$0x1E270];
	_ =	sdelay $0x4  }
0x222: {  	v28 =	vadd.f32 v28, v62;
	v62 =	vld [tilespmem:$0x1E280];
	_ =	sdelay $0x4  }
0x223: {  	v29 =	vadd.f32 v29, v62;
	v62 =	vld [tilespmem:$0x11658];
	_ =	sdelay $0x4  }
0x224: {  	[tilespmem:$0x1F350] =	vst v62;
	v62 =	vld [tilespmem:$0x1E290];
	_ =	sdelay $0x4  }
0x225: {  	v30 =	vadd.f32 v30, v62;
	v62 =	vld [tilespmem:$0x1E2A0];
	_ =	sdelay $0x4  }
0x226: {  	v31 =	vadd.f32 v31, v62;
	v62 =	vld [tilespmem:$0x11668];
	_ =	sdelay $0x4  }
0x227: {  	[tilespmem:$0x1F360] =	vst v62;
	v62 =	vld [tilespmem:$0x1E2B0];
	_ =	sdelay $0x4  }
0x228: {  	v32 =	vadd.f32 v32, v62;
	v62 =	vld [tilespmem:$0x1E2C0];
	_ =	sdelay $0x4  }
0x229: {  	v33 =	vadd.f32 v33, v62;
	v62 =	vld [tilespmem:$0x11678];
	_ =	sdelay $0x4  }
0x22a: {  	[tilespmem:$0x1F370] =	vst v62;
	v62 =	vld [tilespmem:$0x1E2D0];
	_ =	sdelay $0x4  }
0x22b: {  	v34 =	vadd.f32 v34, v62;
	v62 =	vld [tilespmem:$0x1E2E0];
	_ =	sdelay $0x4  }
0x22c: {  	v35 =	vadd.f32 v35, v62;
	v62 =	vld [tilespmem:$0x11689];
	_ =	sdelay $0x4  }
0x22d: {  	[tilespmem:$0x1F380] =	vst v62;
	v62 =	vld [tilespmem:$0x1E2F0];
	_ =	sdelay $0x4  }
0x22e: {  	v36 =	vadd.f32 v36, v62;
	v62 =	vld [tilespmem:$0x1E300]  }
0x22f: {  	v21 =	vadd.f32 v61, v21;
	v61 =	vld [tilespmem:$0x1E380];
	_ =	sdelay $0x3  }
0x230: {  	v37 =	vadd.f32 v37, v62;
	v62 =	vld [tilespmem:$0x11699]  }
0x231: {  	v26 =	vadd.f32 v61, v26;
	v61 =	vld [tilespmem:$0x1E3E0]  }
0x232: {  	v19 =	vadd.f32 v59, v19;
	v59 =	vld [tilespmem:$0x1E360];
	_ =	sdelay $0x1  }
0x233: {  	v6 =	vadd.f32 v46, v6;
	v46 =	vld [tilespmem:$0x1E3A0]  }
0x234: {  	[tilespmem:$0x1F390] =	vst v62;
	v62 =	vld [tilespmem:$0x1E310]  }
0x235: {  	v32 =	vadd.f32 v61, v32;
	v61 =	vld [tilespmem:$0x117C9]  }
0x236: {  	v24 =	vadd.f32 v59, v24;
	v59 =	vld [tilespmem:$0x1E3C0];
	_ =	sdelay $0x1  }
0x237: {  	v28 =	vadd.f32 v46, v28;
	v46 =	vld [tilespmem:$0x1E400]  }
0x238: {  	v38 =	vadd.f32 v38, v62;
	v62 =	vld [tilespmem:$0x1E320]  }
0x239: {  	[tilespmem:$0x1F3B0] =	vst v61;
	v61 =	vld [tilespmem:$0x117D9]  }
0x23a: {  	v30 =	vadd.f32 v59, v30;
	v59 =	vld [tilespmem:$0x1E410];
	_ =	sdelay $0x1  }
0x23b: {  	v34 =	vadd.f32 v46, v34;
	v46 =	vld [tilespmem:$0x1E420]  }
0x23c: {  	v39 =	vadd.f32 v39, v62;
	v62 =	vld [tilespmem:$0x116A9]  }
0x23d: {  	[tilespmem:$0x1F3C0] =	vst v61;
	v61 =	vld [tilespmem:$0x117E9]  }
0x23e: {  	v35 =	vadd.f32 v59, v35;
	v59 =	vld [tilespmem:$0x1E430];
	_ =	sdelay $0x1  }
0x23f: {  	v36 =	vadd.f32 v46, v36;
	v46 =	vld [tilespmem:$0x1E440]  }
0x240: {  	[tilespmem:$0x1F3A0] =	vst v62;
	v62 =	vld [tilespmem:$0x1E330]  }
0x241: {  	[tilespmem:$0x1F3D0] =	vst v61;
	v61 =	vld [tilespmem:$0x117F9]  }
0x242: {  	v37 =	vadd.f32 v59, v37;
	v59 =	vld [tilespmem:$0x1E450];
	_ =	sdelay $0x1  }
0x243: {  	v38 =	vadd.f32 v46, v38;
	v46 =	vld [tilespmem:$0x1E460]  }
0x244: {  	v40 =	vadd.f32 v40, v62;
	v62 =	vld [tilespmem:$0x1E340]  }
0x245: {  	[tilespmem:$0x1F3E0] =	vst v61;
	v61 =	vld [tilespmem:$0x11809]  }
0x246: {  	v39 =	vadd.f32 v59, v39;
	v59 =	vld [tilespmem:$0x1E470];
	_ =	sdelay $0x1  }
0x247: {  	v40 =	vadd.f32 v46, v40;
	v46 =	vld [tilespmem:$0x1E480]  }
0x248: {  	v41 =	vadd.f32 v41, v62  }
0x249: {  	[tilespmem:$0x1F3F0] =	vst v61;
	v61 =	vld [tilespmem:$0x11819]  }
0x24a: {  	v2 =	vadd.f32 v42, v2;
	v41 =	vadd.f32 v59, v41;
	v59 =	vld [tilespmem:$0x1E490];
	_ =	sdelay $0x1  }
0x24b: {  	v2 =	vadd.f32 v46, v2;
	v46 =	vld [tilespmem:$0x1E4A0]  }
0x24c: {  	v3 =	vadd.f32 v43, v3  }
0x24d: {  	[tilespmem:$0x1F400] =	vst v61;
	v61 =	vld [tilespmem:$0x11829]  }
0x24e: {  	v4 =	vadd.f32 v44, v4;
	v3 =	vadd.f32 v59, v3;
	v59 =	vld [tilespmem:$0x1E4B0];
	_ =	sdelay $0x1  }
0x24f: {  	v4 =	vadd.f32 v46, v4;
	v46 =	vld [tilespmem:$0x1E4C0]  }
0x250: {  	v5 =	vadd.f32 v45, v5  }
0x251: {  	[tilespmem:$0x1F410] =	vst v61;
	v61 =	vld [tilespmem:$0x11839]  }
0x252: {  	v5 =	vadd.f32 v59, v5;
	v59 =	vld [tilespmem:$0x1E4D0];
	_ =	sdelay $0x1  }
0x253: {  	v6 =	vadd.f32 v46, v6;
	v46 =	vld [tilespmem:$0x1E4E0]  }
0x254: {  	v7 =	vadd.f32 v47, v7  }
0x255: {  	[tilespmem:$0x1F420] =	vst v61;
	v61 =	vld [tilespmem:$0x11849]  }
0x256: {  	v8 =	vadd.f32 v48, v8;
	v7 =	vadd.f32 v59, v7;
	v59 =	vld [tilespmem:$0x1E4F0];
	_ =	sdelay $0x1  }
0x257: {  	v8 =	vadd.f32 v46, v8;
	v46 =	vld [tilespmem:$0x1E500]  }
0x258: {  	v9 =	vadd.f32 v49, v9  }
0x259: {  	[tilespmem:$0x1F430] =	vst v61;
	v61 =	vld [tilespmem:$0x11859]  }
0x25a: {  	v10 =	vadd.f32 v50, v10;
	v9 =	vadd.f32 v59, v9;
	v59 =	vld [tilespmem:$0x1E510];
	_ =	sdelay $0x1  }
0x25b: {  	v10 =	vadd.f32 v46, v10;
	v46 =	vld [tilespmem:$0x1E520]  }
0x25c: {  	v11 =	vadd.f32 v51, v11  }
0x25d: {  	[tilespmem:$0x1F440] =	vst v61;
	v61 =	vld [tilespmem:$0x11869]  }
0x25e: {  	v12 =	vadd.f32 v52, v12;
	v11 =	vadd.f32 v59, v11;
	v59 =	vld [tilespmem:$0x1E530];
	_ =	sdelay $0x1  }
0x25f: {  	v12 =	vadd.f32 v46, v12;
	v46 =	vld [tilespmem:$0x1E540]  }
0x260: {  	v13 =	vadd.f32 v53, v13  }
0x261: {  	[tilespmem:$0x1F450] =	vst v61;
	v61 =	vld [tilespmem:$0x11879]  }
0x262: {  	v14 =	vadd.f32 v54, v14;
	v13 =	vadd.f32 v59, v13;
	v59 =	vld [tilespmem:$0x1E550];
	_ =	sdelay $0x1  }
0x263: {  	v14 =	vadd.f32 v46, v14;
	v46 =	vld [tilespmem:$0x1E560]  }
0x264: {  	v15 =	vadd.f32 v55, v15  }
0x265: {  	[tilespmem:$0x1F460] =	vst v61;
	v61 =	vld [tilespmem:$0x11889]  }
0x266: {  	v16 =	vadd.f32 v56, v16;
	v15 =	vadd.f32 v59, v15;
	v59 =	vld [tilespmem:$0x1E570];
	_ =	sdelay $0x1  }
0x267: {  	v16 =	vadd.f32 v46, v16;
	v46 =	vld [tilespmem:$0x1E580]  }
0x268: {  	v17 =	vadd.f32 v57, v17  }
0x269: {  	[tilespmem:$0x1F470] =	vst v61;
	v61 =	vld [tilespmem:$0x11899]  }
0x26a: {  	v18 =	vadd.f32 v58, v18;
	v17 =	vadd.f32 v59, v17;
	v59 =	vld [tilespmem:$0x1E590];
	_ =	sdelay $0x1  }
0x26b: {  	v18 =	vadd.f32 v46, v18;
	v46 =	vld [tilespmem:$0x1E5A0]  }
0x26c: {  	v58 =	vld [tilespmem:$0x1E350]  }
0x26d: {  	[tilespmem:$0x1F480] =	vst v61;
	v61 =	vld [tilespmem:$0x118A9]  }
0x26e: {  	v20 =	vadd.f32 v60, v20;
	v19 =	vadd.f32 v59, v19;
	v59 =	vld [tilespmem:$0x1E5B0];
	_ =	sdelay $0x1  }
0x26f: {  	v20 =	vadd.f32 v46, v20;
	v46 =	vld [tilespmem:$0x1E5C0];
	_ =	sdelay $0x1  }
0x270: {  	[tilespmem:$0x1F490] =	vst v61;
	v61 =	vld [tilespmem:$0x118B9]  }
0x271: {  	v22 =	vadd.f32 v58, v22;
	v21 =	vadd.f32 v59, v21;
	v59 =	vld [tilespmem:$0x1E5D0];
	_ =	sdelay $0x1  }
0x272: {  	v22 =	vadd.f32 v46, v22;
	v46 =	vld [tilespmem:$0x1E5E0]  }
0x273: {  	v23 =	vadd.f32 v63, v23;
	v60 =	vld [tilespmem:$0x1E370]  }
0x274: {  	[tilespmem:$0x1F4A0] =	vst v61;
	v61 =	vld [tilespmem:$0x118C9]  }
0x275: {  	v23 =	vadd.f32 v59, v23;
	v59 =	vld [tilespmem:$0x1E5F0];
	_ =	sdelay $0x1  }
0x276: {  	v24 =	vadd.f32 v46, v24;
	v46 =	vld [tilespmem:$0x1E600]  }
0x277: {  	v63 =	vld [tilespmem:$0x1E390];
	v25 =	vadd.f32 v60, v25  }
0x278: {  	[tilespmem:$0x1F4B0] =	vst v61;
	v61 =	vld [tilespmem:$0x118D9]  }
0x279: {  	v25 =	vadd.f32 v59, v25;
	v59 =	vld [tilespmem:$0x1E610];
	_ =	sdelay $0x1  }
0x27a: {  	v26 =	vadd.f32 v46, v26;
	v46 =	vld [tilespmem:$0x1E620]  }
0x27b: {  	v27 =	vadd.f32 v63, v27;
	v58 =	vld [tilespmem:$0x1E3B0]  }
0x27c: {  	[tilespmem:$0x1F4C0] =	vst v61;
	v61 =	vld [tilespmem:$0x118E9]  }
0x27d: {  	v27 =	vadd.f32 v59, v27;
	v59 =	vld [tilespmem:$0x1E630];
	_ =	sdelay $0x1  }
0x27e: {  	v28 =	vadd.f32 v46, v28;
	v46 =	vld [tilespmem:$0x1E640]  }
0x27f: {  	v60 =	vld [tilespmem:$0x1E3D0];
	v29 =	vadd.f32 v58, v29  }
0x280: {  	[tilespmem:$0x1F4D0] =	vst v61;
	v61 =	vld [tilespmem:$0x118F9]  }
0x281: {  	v29 =	vadd.f32 v59, v29;
	v59 =	vld [tilespmem:$0x1E650];
	_ =	sdelay $0x1  }
0x282: {  	v30 =	vadd.f32 v46, v30;
	v46 =	vld [tilespmem:$0x1E660]  }
0x283: {  	v63 =	vld [tilespmem:$0x1E3F0];
	v31 =	vadd.f32 v60, v31  }
0x284: {  	[tilespmem:$0x1F4E0] =	vst v61;
	v61 =	vld [tilespmem:$0x1190A]  }
0x285: {  	v31 =	vadd.f32 v59, v31;
	v59 =	vld [tilespmem:$0x1E670];
	_ =	sdelay $0x1  }
0x286: {  	v32 =	vadd.f32 v46, v32;
	v46 =	vld [tilespmem:$0x1E680]  }
0x287: {  	v33 =	vadd.f32 v63, v33  }
0x288: {  	[tilespmem:$0x1F4F0] =	vst v61;
	v61 =	vld [tilespmem:$0x1191A]  }
0x289: {  	v33 =	vadd.f32 v59, v33;
	v59 =	vld [tilespmem:$0x1E690];
	_ =	sdelay $0x1  }
0x28a: {  	v34 =	vadd.f32 v46, v34;
	v46 =	vld [tilespmem:$0x1E6A0];
	_ =	sdelay $0x1  }
0x28b: {  	[tilespmem:$0x1F500] =	vst v61;
	v61 =	vld [tilespmem:$0x1192A]  }
0x28c: {  	v35 =	vadd.f32 v59, v35;
	v59 =	vld [tilespmem:$0x1E6B0];
	_ =	sdelay $0x1  }
0x28d: {  	v36 =	vadd.f32 v46, v36;
	v46 =	vld [tilespmem:$0x1E6C0];
	_ =	sdelay $0x1  }
0x28e: {  	[tilespmem:$0x1F510] =	vst v61;
	v61 =	vld [tilespmem:$0x1193A]  }
0x28f: {  	v37 =	vadd.f32 v59, v37;
	v59 =	vld [tilespmem:$0x1E6D0];
	_ =	sdelay $0x1  }
0x290: {  	v38 =	vadd.f32 v46, v38;
	v46 =	vld [tilespmem:$0x1E6E0];
	_ =	sdelay $0x1  }
0x291: {  	[tilespmem:$0x1F520] =	vst v61;
	v61 =	vld [tilespmem:$0x1194A]  }
0x292: {  	v39 =	vadd.f32 v59, v39;
	v59 =	vld [tilespmem:$0x1E6F0];
	_ =	sdelay $0x1  }
0x293: {  	v40 =	vadd.f32 v46, v40;
	v46 =	vld [tilespmem:$0x1E700];
	_ =	sdelay $0x1  }
0x294: {  	[tilespmem:$0x1F530] =	vst v61;
	v61 =	vld [tilespmem:$0x1195A]  }
0x295: {  	v41 =	vadd.f32 v59, v41;
	v59 =	vld [tilespmem:$0x1E710];
	_ =	sdelay $0x1  }
0x296: {  	v2 =	vadd.f32 v46, v2;
	v46 =	vld [tilespmem:$0x1E720];
	_ =	sdelay $0x1  }
0x297: {  	[tilespmem:$0x1F540] =	vst v61;
	v61 =	vld [tilespmem:$0x1196A]  }
0x298: {  	v3 =	vadd.f32 v59, v3;
	v59 =	vld [tilespmem:$0x1E730];
	_ =	sdelay $0x1  }
0x299: {  	v4 =	vadd.f32 v46, v4;
	v46 =	vld [tilespmem:$0x1E740];
	_ =	sdelay $0x1  }
0x29a: {  	[tilespmem:$0x1F550] =	vst v61;
	v61 =	vld [tilespmem:$0x1197A]  }
0x29b: {  	v5 =	vadd.f32 v59, v5;
	v59 =	vld [tilespmem:$0x1E750];
	_ =	sdelay $0x1  }
0x29c: {  	v6 =	vadd.f32 v46, v6;
	v46 =	vld [tilespmem:$0x1E760];
	_ =	sdelay $0x1  }
0x29d: {  	[tilespmem:$0x1F560] =	vst v61;
	v61 =	vld [tilespmem:$0x119AA]  }
0x29e: {  	v7 =	vadd.f32 v59, v7;
	v59 =	vld [tilespmem:$0x1E770];
	_ =	sdelay $0x1  }
0x29f: {  	v8 =	vadd.f32 v46, v8;
	v46 =	vld [tilespmem:$0x1E780];
	_ =	sdelay $0x1  }
0x2a0: {  	[tilespmem:$0x1F590] =	vst v61;
	v61 =	vld [tilespmem:$0x1198A]  }
0x2a1: {  	v9 =	vadd.f32 v59, v9;
	v59 =	vld [tilespmem:$0x1E790];
	_ =	sdelay $0x1  }
0x2a2: {  	v10 =	vadd.f32 v46, v10;
	v46 =	vld [tilespmem:$0x1E7A0];
	_ =	sdelay $0x1  }
0x2a3: {  	[tilespmem:$0x1F570] =	vst v61;
	v61 =	vld [tilespmem:$0x1199A]  }
0x2a4: {  	v11 =	vadd.f32 v59, v11;
	v59 =	vld [tilespmem:$0x1E7B0];
	_ =	sdelay $0x1  }
0x2a5: {  	v12 =	vadd.f32 v46, v12;
	v46 =	vld [tilespmem:$0x1E7C0];
	_ =	sdelay $0x1  }
0x2a6: {  	[tilespmem:$0x1F580] =	vst v61;
	v61 =	vld [tilespmem:$0x119BA]  }
0x2a7: {  	v13 =	vadd.f32 v59, v13;
	v59 =	vld [tilespmem:$0x1E7D0];
	_ =	sdelay $0x1  }
0x2a8: {  	v14 =	vadd.f32 v46, v14;
	v46 =	vld [tilespmem:$0x1E7E0];
	_ =	sdelay $0x1  }
0x2a9: {  	[tilespmem:$0x1F5A0] =	vst v61;
	v61 =	vld [tilespmem:$0x119CA]  }
0x2aa: {  	v15 =	vadd.f32 v59, v15;
	v59 =	vld [tilespmem:$0x1E7F0];
	_ =	sdelay $0x1  }
0x2ab: {  	v16 =	vadd.f32 v46, v16;
	v46 =	vld [tilespmem:$0x1E800];
	_ =	sdelay $0x1  }
0x2ac: {  	[tilespmem:$0x1F5B0] =	vst v61;
	v61 =	vld [tilespmem:$0x119DA]  }
0x2ad: {  	v17 =	vadd.f32 v59, v17;
	v59 =	vld [tilespmem:$0x1E810];
	_ =	sdelay $0x1  }
0x2ae: {  	v18 =	vadd.f32 v46, v18;
	v46 =	vld [tilespmem:$0x1E820];
	_ =	sdelay $0x1  }
0x2af: {  	[tilespmem:$0x1F5C0] =	vst v61;
	v61 =	vld [tilespmem:$0x119EA]  }
0x2b0: {  	v19 =	vadd.f32 v59, v19;
	v59 =	vld [tilespmem:$0x1E830];
	_ =	sdelay $0x1  }
0x2b1: {  	v20 =	vadd.f32 v46, v20;
	v46 =	vld [tilespmem:$0x1E840];
	_ =	sdelay $0x1  }
0x2b2: {  	[tilespmem:$0x1F5D0] =	vst v61;
	v61 =	vld [tilespmem:$0x119FA]  }
0x2b3: {  	v21 =	vadd.f32 v59, v21;
	v59 =	vld [tilespmem:$0x1E850];
	_ =	sdelay $0x1  }
0x2b4: {  	v22 =	vadd.f32 v46, v22;
	v46 =	vld [tilespmem:$0x1E860];
	_ =	sdelay $0x1  }
0x2b5: {  	[tilespmem:$0x1F5E0] =	vst v61;
	v61 =	vld [tilespmem:$0x11A0A]  }
0x2b6: {  	v23 =	vadd.f32 v59, v23;
	v59 =	vld [tilespmem:$0x1E870];
	_ =	sdelay $0x1  }
0x2b7: {  	v24 =	vadd.f32 v46, v24;
	v46 =	vld [tilespmem:$0x1E880];
	_ =	sdelay $0x1  }
0x2b8: {  	[tilespmem:$0x1F5F0] =	vst v61;
	v61 =	vld [tilespmem:$0x11A1A]  }
0x2b9: {  	v25 =	vadd.f32 v59, v25;
	v59 =	vld [tilespmem:$0x1E890];
	_ =	sdelay $0x1  }
0x2ba: {  	v26 =	vadd.f32 v46, v26;
	v46 =	vld [tilespmem:$0x1E8A0];
	_ =	sdelay $0x1  }
0x2bb: {  	[tilespmem:$0x1F600] =	vst v61;
	v61 =	vld [tilespmem:$0x11A2A]  }
0x2bc: {  	v27 =	vadd.f32 v59, v27;
	v59 =	vld [tilespmem:$0x1E8B0];
	_ =	sdelay $0x1  }
0x2bd: {  	v28 =	vadd.f32 v46, v28;
	v46 =	vld [tilespmem:$0x1E8C0];
	_ =	sdelay $0x1  }
0x2be: {  	[tilespmem:$0x1F610] =	vst v61;
	v61 =	vld [tilespmem:$0x11A4A]  }
0x2bf: {  	v29 =	vadd.f32 v59, v29;
	v59 =	vld [tilespmem:$0x1E8D0];
	_ =	sdelay $0x1  }
0x2c0: {  	v30 =	vadd.f32 v46, v30;
	v46 =	vld [tilespmem:$0x1E8E0];
	_ =	sdelay $0x1  }
0x2c1: {  	[tilespmem:$0x1F630] =	vst v61;
	v61 =	vld [tilespmem:$0x11A3A]  }
0x2c2: {  	v31 =	vadd.f32 v59, v31;
	v59 =	vld [tilespmem:$0x1E8F0];
	_ =	sdelay $0x1  }
0x2c3: {  	v32 =	vadd.f32 v46, v32;
	v46 =	vld [tilespmem:$0x1E900];
	_ =	sdelay $0x1  }
0x2c4: {  	[tilespmem:$0x1F620] =	vst v61;
	v61 =	vld [tilespmem:$0x11A5A]  }
0x2c5: {  	v33 =	vadd.f32 v59, v33;
	v59 =	vld [tilespmem:$0x1E910];
	_ =	sdelay $0x1  }
0x2c6: {  	v34 =	vadd.f32 v46, v34;
	v46 =	vld [tilespmem:$0x1E920];
	_ =	sdelay $0x1  }
0x2c7: {  	[tilespmem:$0x1F640] =	vst v61;
	v61 =	vld [tilespmem:$0x11A6A]  }
0x2c8: {  	v35 =	vadd.f32 v59, v35;
	v59 =	vld [tilespmem:$0x1E930];
	_ =	sdelay $0x1  }
0x2c9: {  	v36 =	vadd.f32 v46, v36;
	v46 =	vld [tilespmem:$0x1E940];
	_ =	sdelay $0x1  }
0x2ca: {  	[tilespmem:$0x1F650] =	vst v61;
	v61 =	vld [tilespmem:$0x11A7A]  }
0x2cb: {  	v37 =	vadd.f32 v59, v37;
	v59 =	vld [tilespmem:$0x1E950];
	_ =	sdelay $0x1  }
0x2cc: {  	v38 =	vadd.f32 v46, v38;
	v46 =	vld [tilespmem:$0x1E960];
	_ =	sdelay $0x1  }
0x2cd: {  	[tilespmem:$0x1F660] =	vst v61;
	v61 =	vld [tilespmem:$0x11A8A]  }
0x2ce: {  	v39 =	vadd.f32 v59, v39;
	v59 =	vld [tilespmem:$0x1E970];
	_ =	sdelay $0x1  }
0x2cf: {  	v40 =	vadd.f32 v46, v40;
	v46 =	vld [tilespmem:$0x1E980];
	_ =	sdelay $0x1  }
0x2d0: {  	[tilespmem:$0x1F670] =	vst v61;
	v61 =	vld [tilespmem:$0x11A9A]  }
0x2d1: {  	v41 =	vadd.f32 v59, v41;
	v59 =	vld [tilespmem:$0x1E990];
	_ =	sdelay $0x1  }
0x2d2: {  	v2 =	vadd.f32 v46, v2;
	v46 =	vld [tilespmem:$0x1E9A0];
	_ =	sdelay $0x1  }
0x2d3: {  	[tilespmem:$0x1F680] =	vst v61;
	v61 =	vld [tilespmem:$0x11AAA]  }
0x2d4: {  	v3 =	vadd.f32 v59, v3;
	v59 =	vld [tilespmem:$0x1E9B0];
	_ =	sdelay $0x1  }
0x2d5: {  	v4 =	vadd.f32 v46, v4;
	v46 =	vld [tilespmem:$0x1E9C0];
	_ =	sdelay $0x1  }
0x2d6: {  	[tilespmem:$0x1F690] =	vst v61;
	v61 =	vld [tilespmem:$0x11ABA]  }
0x2d7: {  	v5 =	vadd.f32 v59, v5;
	v59 =	vld [tilespmem:$0x1E9D0];
	_ =	sdelay $0x1  }
0x2d8: {  	v6 =	vadd.f32 v46, v6;
	v46 =	vld [tilespmem:$0x1E9E0];
	_ =	sdelay $0x1  }
0x2d9: {  	[tilespmem:$0x1F6A0] =	vst v61;
	v61 =	vld [tilespmem:$0x11ACA]  }
0x2da: {  	v7 =	vadd.f32 v59, v7;
	v59 =	vld [tilespmem:$0x1E9F0];
	_ =	sdelay $0x1  }
0x2db: {  	v8 =	vadd.f32 v46, v8;
	v46 =	vld [tilespmem:$0x1EA00];
	_ =	sdelay $0x1  }
0x2dc: {  	[tilespmem:$0x1F6B0] =	vst v61;
	v61 =	vld [tilespmem:$0x11ADA]  }
0x2dd: {  	v9 =	vadd.f32 v59, v9;
	v59 =	vld [tilespmem:$0x1EA10];
	_ =	sdelay $0x1  }
0x2de: {  	v10 =	vadd.f32 v46, v10;
	v46 =	vld [tilespmem:$0x1EA20];
	_ =	sdelay $0x1  }
0x2df: {  	[tilespmem:$0x1F6C0] =	vst v61;
	v61 =	vld [tilespmem:$0x11AEA]  }
0x2e0: {  	v11 =	vadd.f32 v59, v11;
	v59 =	vld [tilespmem:$0x1EA30];
	_ =	sdelay $0x1  }
0x2e1: {  	v12 =	vadd.f32 v46, v12;
	v46 =	vld [tilespmem:$0x1EA40];
	_ =	sdelay $0x1  }
0x2e2: {  	[tilespmem:$0x1F6D0] =	vst v61;
	v61 =	vld [tilespmem:$0x11AFA]  }
0x2e3: {  	v13 =	vadd.f32 v59, v13;
	v59 =	vld [tilespmem:$0x1EA50];
	_ =	sdelay $0x1  }
0x2e4: {  	v14 =	vadd.f32 v46, v14;
	v46 =	vld [tilespmem:$0x1EA60];
	_ =	sdelay $0x1  }
0x2e5: {  	[tilespmem:$0x1F6E0] =	vst v61;
	v61 =	vld [tilespmem:$0x11B0A]  }
0x2e6: {  	v15 =	vadd.f32 v59, v15;
	v59 =	vld [tilespmem:$0x1EA70];
	_ =	sdelay $0x1  }
0x2e7: {  	v16 =	vadd.f32 v46, v16;
	v46 =	vld [tilespmem:$0x1EA80];
	_ =	sdelay $0x1  }
0x2e8: {  	[tilespmem:$0x1F6F0] =	vst v61;
	v61 =	vld [tilespmem:$0x11B1A]  }
0x2e9: {  	v17 =	vadd.f32 v59, v17;
	v59 =	vld [tilespmem:$0x1EA90];
	_ =	sdelay $0x1  }
0x2ea: {  	v18 =	vadd.f32 v46, v18;
	v46 =	vld [tilespmem:$0x1EAA0];
	_ =	sdelay $0x1  }
0x2eb: {  	[tilespmem:$0x1F700] =	vst v61;
	v61 =	vld [tilespmem:$0x11B2A]  }
0x2ec: {  	v19 =	vadd.f32 v59, v19;
	v59 =	vld [tilespmem:$0x1EAB0];
	_ =	sdelay $0x1  }
0x2ed: {  	v20 =	vadd.f32 v46, v20;
	v46 =	vld [tilespmem:$0x1EAC0];
	_ =	sdelay $0x1  }
0x2ee: {  	[tilespmem:$0x1F710] =	vst v61;
	v61 =	vld [tilespmem:$0x11B3A]  }
0x2ef: {  	v21 =	vadd.f32 v59, v21;
	v59 =	vld [tilespmem:$0x1EAD0];
	_ =	sdelay $0x1  }
0x2f0: {  	v22 =	vadd.f32 v46, v22;
	v46 =	vld [tilespmem:$0x1EAE0];
	_ =	sdelay $0x1  }
0x2f1: {  	[tilespmem:$0x1F720] =	vst v61;
	v61 =	vld [tilespmem:$0x11B4A]  }
0x2f2: {  	v23 =	vadd.f32 v59, v23;
	v59 =	vld [tilespmem:$0x1EAF0];
	_ =	sdelay $0x1  }
0x2f3: {  	v24 =	vadd.f32 v46, v24;
	v46 =	vld [tilespmem:$0x1EB00];
	_ =	sdelay $0x1  }
0x2f4: {  	[tilespmem:$0x1F730] =	vst v61;
	v61 =	vld [tilespmem:$0x11B5A]  }
0x2f5: {  	v25 =	vadd.f32 v59, v25;
	v59 =	vld [tilespmem:$0x1EB10];
	_ =	sdelay $0x1  }
0x2f6: {  	v26 =	vadd.f32 v46, v26;
	v46 =	vld [tilespmem:$0x1EB20];
	_ =	sdelay $0x1  }
0x2f7: {  	[tilespmem:$0x1F740] =	vst v61;
	v61 =	vld [tilespmem:$0x11B6A]  }
0x2f8: {  	v27 =	vadd.f32 v59, v27;
	v59 =	vld [tilespmem:$0x1EB30];
	_ =	sdelay $0x1  }
0x2f9: {  	v28 =	vadd.f32 v46, v28;
	v46 =	vld [tilespmem:$0x1EB40];
	_ =	sdelay $0x1  }
0x2fa: {  	[tilespmem:$0x1F750] =	vst v61;
	v61 =	vld [tilespmem:$0x11B7A]  }
0x2fb: {  	v29 =	vadd.f32 v59, v29;
	v59 =	vld [tilespmem:$0x1EB50];
	_ =	sdelay $0x1  }
0x2fc: {  	v30 =	vadd.f32 v46, v30;
	v46 =	vld [tilespmem:$0x1EB60];
	_ =	sdelay $0x1  }
0x2fd: {  	[tilespmem:$0x1F760] =	vst v61;
	v61 =	vld [tilespmem:$0x11B8B]  }
0x2fe: {  	v31 =	vadd.f32 v59, v31;
	v59 =	vld [tilespmem:$0x1EB70];
	_ =	sdelay $0x1  }
0x2ff: {  	v32 =	vadd.f32 v46, v32;
	v46 =	vld [tilespmem:$0x1EB80];
	_ =	sdelay $0x1  }
0x300: {  	[tilespmem:$0x1F770] =	vst v61;
	v61 =	vld [tilespmem:$0x11B9B]  }
0x301: {  	v33 =	vadd.f32 v59, v33;
	v59 =	vld [tilespmem:$0x1EB90];
	_ =	sdelay $0x1  }
0x302: {  	v34 =	vadd.f32 v46, v34;
	v46 =	vld [tilespmem:$0x1EBA0];
	_ =	sdelay $0x1  }
0x303: {  	[tilespmem:$0x1F780] =	vst v61;
	v61 =	vld [tilespmem:$0x11BAB]  }
0x304: {  	v35 =	vadd.f32 v59, v35;
	v59 =	vld [tilespmem:$0x1EBB0];
	_ =	sdelay $0x1  }
0x305: {  	v36 =	vadd.f32 v46, v36;
	v46 =	vld [tilespmem:$0x1EBC0];
	_ =	sdelay $0x1  }
0x306: {  	[tilespmem:$0x1F790] =	vst v61;
	v61 =	vld [tilespmem:$0x11BBB]  }
0x307: {  	v37 =	vadd.f32 v59, v37;
	v59 =	vld [tilespmem:$0x1EBD0];
	_ =	sdelay $0x1  }
0x308: {  	v38 =	vadd.f32 v46, v38;
	v46 =	vld [tilespmem:$0x1EBE0];
	_ =	sdelay $0x1  }
0x309: {  	[tilespmem:$0x1F7A0] =	vst v61;
	v61 =	vld [tilespmem:$0x11BCB]  }
0x30a: {  	v39 =	vadd.f32 v59, v39;
	v59 =	vld [tilespmem:$0x1EBF0];
	_ =	sdelay $0x1  }
0x30b: {  	v40 =	vadd.f32 v46, v40;
	v46 =	vld [tilespmem:$0x1EC00];
	_ =	sdelay $0x1  }
0x30c: {  	[tilespmem:$0x1F7B0] =	vst v61;
	v61 =	vld [tilespmem:$0x11BDB]  }
0x30d: {  	v41 =	vadd.f32 v59, v41;
	v59 =	vld [tilespmem:$0x1EC10];
	_ =	sdelay $0x1  }
0x30e: {  	v2 =	vadd.f32 v46, v2;
	v46 =	vld [tilespmem:$0x1EC20];
	_ =	sdelay $0x1  }
0x30f: {  	[tilespmem:$0x1F7C0] =	vst v61;
	v61 =	vld [tilespmem:$0x11BEB]  }
0x310: {  	v3 =	vadd.f32 v59, v3;
	v59 =	vld [tilespmem:$0x1EC30];
	_ =	sdelay $0x1  }
0x311: {  	v4 =	vadd.f32 v46, v4;
	v46 =	vld [tilespmem:$0x1EC40];
	_ =	sdelay $0x1  }
0x312: {  	[tilespmem:$0x1F7D0] =	vst v61;
	v61 =	vld [tilespmem:$0x11BFB]  }
0x313: {  	v5 =	vadd.f32 v59, v5;
	v59 =	vld [tilespmem:$0x1EC50];
	_ =	sdelay $0x1  }
0x314: {  	v6 =	vadd.f32 v46, v6;
	v46 =	vld [tilespmem:$0x1EC60];
	_ =	sdelay $0x1  }
0x315: {  	[tilespmem:$0x1F7E0] =	vst v61;
	v61 =	vld [tilespmem:$0x11C0B]  }
0x316: {  	v7 =	vadd.f32 v59, v7;
	v59 =	vld [tilespmem:$0x1EC70];
	_ =	sdelay $0x1  }
0x317: {  	v8 =	vadd.f32 v46, v8;
	v46 =	vld [tilespmem:$0x1EC80];
	_ =	sdelay $0x1  }
0x318: {  	[tilespmem:$0x1F7F0] =	vst v61;
	v61 =	vld [tilespmem:$0x11C1B]  }
0x319: {  	v9 =	vadd.f32 v59, v9;
	v59 =	vld [tilespmem:$0x1EC90];
	_ =	sdelay $0x1  }
0x31a: {  	v10 =	vadd.f32 v46, v10;
	v46 =	vld [tilespmem:$0x1ECA0];
	_ =	sdelay $0x1  }
0x31b: {  	[tilespmem:$0x1F800] =	vst v61;
	v61 =	vld [tilespmem:$0x11C2B]  }
0x31c: {  	v11 =	vadd.f32 v59, v11;
	v59 =	vld [tilespmem:$0x1ECB0];
	_ =	sdelay $0x1  }
0x31d: {  	v12 =	vadd.f32 v46, v12;
	v46 =	vld [tilespmem:$0x1ECC0];
	_ =	sdelay $0x1  }
0x31e: {  	[tilespmem:$0x1F810] =	vst v61;
	v61 =	vld [tilespmem:$0x11C3B]  }
0x31f: {  	v13 =	vadd.f32 v59, v13;
	v59 =	vld [tilespmem:$0x1ECD0];
	_ =	sdelay $0x1  }
0x320: {  	v14 =	vadd.f32 v46, v14;
	v46 =	vld [tilespmem:$0x1ECE0];
	_ =	sdelay $0x1  }
0x321: {  	[tilespmem:$0x1F820] =	vst v61;
	v61 =	vld [tilespmem:$0x11C4B]  }
0x322: {  	v15 =	vadd.f32 v59, v15;
	v59 =	vld [tilespmem:$0x1ECF0];
	_ =	sdelay $0x1  }
0x323: {  	v16 =	vadd.f32 v46, v16;
	v46 =	vld [tilespmem:$0x1ED00];
	_ =	sdelay $0x1  }
0x324: {  	[tilespmem:$0x1F830] =	vst v61;
	v61 =	vld [tilespmem:$0x11C5B]  }
0x325: {  	v17 =	vadd.f32 v59, v17;
	v59 =	vld [tilespmem:$0x1ED10];
	_ =	sdelay $0x1  }
0x326: {  	v18 =	vadd.f32 v46, v18;
	v46 =	vld [tilespmem:$0x1ED20];
	_ =	sdelay $0x1  }
0x327: {  	[tilespmem:$0x1F840] =	vst v61;
	v61 =	vld [tilespmem:$0x11C6B]  }
0x328: {  	v19 =	vadd.f32 v59, v19;
	v59 =	vld [tilespmem:$0x1ED30];
	_ =	sdelay $0x1  }
0x329: {  	v20 =	vadd.f32 v46, v20;
	v46 =	vld [tilespmem:$0x1ED40];
	_ =	sdelay $0x1  }
0x32a: {  	[tilespmem:$0x1F850] =	vst v61;
	v61 =	vld [tilespmem:$0x11C7B]  }
0x32b: {  	v21 =	vadd.f32 v59, v21;
	v59 =	vld [tilespmem:$0x1ED50];
	_ =	sdelay $0x1  }
0x32c: {  	v22 =	vadd.f32 v46, v22;
	v46 =	vld [tilespmem:$0x1ED60];
	_ =	sdelay $0x1  }
0x32d: {  	[tilespmem:$0x1F860] =	vst v61;
	v61 =	vld [tilespmem:$0x11C8B]  }
0x32e: {  	v23 =	vadd.f32 v59, v23;
	v59 =	vld [tilespmem:$0x1ED70];
	_ =	sdelay $0x1  }
0x32f: {  	v24 =	vadd.f32 v46, v24;
	v46 =	vld [tilespmem:$0x1ED80];
	_ =	sdelay $0x1  }
0x330: {  	[tilespmem:$0x1F870] =	vst v61;
	v61 =	vld [tilespmem:$0x11C9B]  }
0x331: {  	v25 =	vadd.f32 v59, v25;
	v59 =	vld [tilespmem:$0x1ED90];
	_ =	sdelay $0x1  }
0x332: {  	v26 =	vadd.f32 v46, v26;
	v46 =	vld [tilespmem:$0x1EDA0];
	_ =	sdelay $0x1  }
0x333: {  	[tilespmem:$0x1F880] =	vst v61;
	v61 =	vld [tilespmem:$0x11CAB]  }
0x334: {  	v27 =	vadd.f32 v59, v27;
	v59 =	vld [tilespmem:$0x1EDB0];
	_ =	sdelay $0x1  }
0x335: {  	v28 =	vadd.f32 v46, v28;
	v46 =	vld [tilespmem:$0x1EDC0];
	_ =	sdelay $0x1  }
0x336: {  	[tilespmem:$0x1F890] =	vst v61;
	v61 =	vld [tilespmem:$0x11CBB]  }
0x337: {  	v29 =	vadd.f32 v59, v29;
	v59 =	vld [tilespmem:$0x1EDD0];
	_ =	sdelay $0x1  }
0x338: {  	v30 =	vadd.f32 v46, v30;
	v46 =	vld [tilespmem:$0x1EDE0];
	_ =	sdelay $0x1  }
0x339: {  	[tilespmem:$0x1F8A0] =	vst v61;
	v61 =	vld [tilespmem:$0x11CCB]  }
0x33a: {  	v31 =	vadd.f32 v59, v31;
	v59 =	vld [tilespmem:$0x1EDF0];
	_ =	sdelay $0x1  }
0x33b: {  	v32 =	vadd.f32 v46, v32;
	v46 =	vld [tilespmem:$0x1EE00];
	_ =	sdelay $0x1  }
0x33c: {  	[tilespmem:$0x1F8B0] =	vst v61;
	v61 =	vld [tilespmem:$0x11CDB]  }
0x33d: {  	v33 =	vadd.f32 v59, v33;
	v59 =	vld [tilespmem:$0x1EE10];
	_ =	sdelay $0x1  }
0x33e: {  	v34 =	vadd.f32 v46, v34;
	v46 =	vld [tilespmem:$0x1EE20];
	_ =	sdelay $0x1  }
0x33f: {  	[tilespmem:$0x1F8C0] =	vst v61;
	v61 =	vld [tilespmem:$0x11CEB]  }
0x340: {  	v35 =	vadd.f32 v59, v35;
	v59 =	vld [tilespmem:$0x1EE30];
	_ =	sdelay $0x1  }
0x341: {  	v36 =	vadd.f32 v46, v36;
	v46 =	vld [tilespmem:$0x1EE40];
	_ =	sdelay $0x1  }
0x342: {  	[tilespmem:$0x1F8D0] =	vst v61;
	v61 =	vld [tilespmem:$0x11CFB]  }
0x343: {  	v37 =	vadd.f32 v59, v37;
	v59 =	vld [tilespmem:$0x1EE50];
	_ =	sdelay $0x1  }
0x344: {  	v38 =	vadd.f32 v46, v38;
	v46 =	vld [tilespmem:$0x1EE60];
	_ =	sdelay $0x1  }
0x345: {  	[tilespmem:$0x1F8E0] =	vst v61;
	v61 =	vld [tilespmem:$0x11D0B]  }
0x346: {  	v39 =	vadd.f32 v59, v39;
	v59 =	vld [tilespmem:$0x1EE70];
	_ =	sdelay $0x1  }
0x347: {  	v40 =	vadd.f32 v46, v40;
	v46 =	vld [tilespmem:$0x1EE80];
	_ =	sdelay $0x1  }
0x348: {  	[tilespmem:$0x1F8F0] =	vst v61;
	v61 =	vld [tilespmem:$0x11D1B]  }
0x349: {  	v41 =	vadd.f32 v59, v41;
	v59 =	vld [tilespmem:$0x1EE90];
	_ =	sdelay $0x1  }
0x34a: {  	v2 =	vadd.f32 v46, v2;
	v46 =	vld [tilespmem:$0x1EEA0];
	_ =	sdelay $0x1  }
0x34b: {  	[tilespmem:$0x1F900] =	vst v61;
	v61 =	vld [tilespmem:$0x11D2B]  }
0x34c: {  	v3 =	vadd.f32 v59, v3;
	v59 =	vld [tilespmem:$0x1EEB0];
	_ =	sdelay $0x1  }
0x34d: {  	v4 =	vadd.f32 v46, v4;
	v46 =	vld [tilespmem:$0x1EEC0];
	_ =	sdelay $0x1  }
0x34e: {  	[tilespmem:$0x1F910] =	vst v61;
	v61 =	vld [tilespmem:$0x11D3B]  }
0x34f: {  	v5 =	vadd.f32 v59, v5;
	v59 =	vld [tilespmem:$0x1EED0];
	_ =	sdelay $0x1  }
0x350: {  	v6 =	vadd.f32 v46, v6;
	v46 =	vld [tilespmem:$0x1EEE0];
	_ =	sdelay $0x1  }
0x351: {  	[tilespmem:$0x1F920] =	vst v61;
	v61 =	vld [tilespmem:$0x11D4B]  }
0x352: {  	v7 =	vadd.f32 v59, v7;
	v59 =	vld [tilespmem:$0x1EEF0];
	_ =	sdelay $0x1  }
0x353: {  	v8 =	vadd.f32 v46, v8;
	v46 =	vld [tilespmem:$0x1EF00];
	_ =	sdelay $0x1  }
0x354: {  	[tilespmem:$0x1F930] =	vst v61;
	v61 =	vld [tilespmem:$0x11D5B]  }
0x355: {  	v9 =	vadd.f32 v59, v9;
	v59 =	vld [tilespmem:$0x1EF10];
	_ =	sdelay $0x1  }
0x356: {  	v10 =	vadd.f32 v46, v10;
	v46 =	vld [tilespmem:$0x1EF20];
	_ =	sdelay $0x1  }
0x357: {  	[tilespmem:$0x1F940] =	vst v61;
	v61 =	vld [tilespmem:$0x11D6B]  }
0x358: {  	v11 =	vadd.f32 v59, v11;
	v59 =	vld [tilespmem:$0x1EF30];
	_ =	sdelay $0x1  }
0x359: {  	v12 =	vadd.f32 v46, v12;
	v46 =	vld [tilespmem:$0x1EF40];
	_ =	sdelay $0x1  }
0x35a: {  	[tilespmem:$0x1F950] =	vst v61;
	v61 =	vld [tilespmem:$0x11D7B]  }
0x35b: {  	v13 =	vadd.f32 v59, v13;
	v59 =	vld [tilespmem:$0x1EF50];
	_ =	sdelay $0x1  }
0x35c: {  	v14 =	vadd.f32 v46, v14;
	v46 =	vld [tilespmem:$0x1EF60];
	_ =	sdelay $0x1  }
0x35d: {  	[tilespmem:$0x1F960] =	vst v61;
	v61 =	vld [tilespmem:$0x11D8B]  }
0x35e: {  	v15 =	vadd.f32 v59, v15;
	v59 =	vld [tilespmem:$0x1EF70];
	_ =	sdelay $0x1  }
0x35f: {  	v16 =	vadd.f32 v46, v16;
	v46 =	vld [tilespmem:$0x1EF80];
	_ =	sdelay $0x1  }
0x360: {  	[tilespmem:$0x1F970] =	vst v61;
	v61 =	vld [tilespmem:$0x11D9B]  }
0x361: {  	v17 =	vadd.f32 v59, v17;
	v59 =	vld [tilespmem:$0x1EF90];
	_ =	sdelay $0x1  }
0x362: {  	v18 =	vadd.f32 v46, v18;
	v46 =	vld [tilespmem:$0x1EFA0];
	_ =	sdelay $0x1  }
0x363: {  	[tilespmem:$0x1F980] =	vst v61;
	v61 =	vld [tilespmem:$0x11DAB]  }
0x364: {  	v19 =	vadd.f32 v59, v19;
	v59 =	vld [tilespmem:$0x1EFB0];
	_ =	sdelay $0x1  }
0x365: {  	v20 =	vadd.f32 v46, v20;
	v46 =	vld [tilespmem:$0x1EFC0];
	_ =	sdelay $0x1  }
0x366: {  	[tilespmem:$0x1F990] =	vst v61;
	v61 =	vld [tilespmem:$0x11DBB]  }
0x367: {  	v21 =	vadd.f32 v59, v21;
	v59 =	vld [tilespmem:$0x1EFD0];
	_ =	sdelay $0x1  }
0x368: {  	v22 =	vadd.f32 v46, v22;
	v46 =	vld [tilespmem:$0x1EFE0];
	_ =	sdelay $0x1  }
0x369: {  	[tilespmem:$0x1F9A0] =	vst v61;
	v61 =	vld [tilespmem:$0x11DCB]  }
0x36a: {  	v23 =	vadd.f32 v59, v23;
	v59 =	vld [tilespmem:$0x1EFF0];
	_ =	sdelay $0x1  }
0x36b: {  	v24 =	vadd.f32 v46, v24;
	v46 =	vld [tilespmem:$0x1F000];
	_ =	sdelay $0x1  }
0x36c: {  	[tilespmem:$0x1F9B0] =	vst v61;
	v61 =	vld [tilespmem:$0x11DDB]  }
0x36d: {  	v25 =	vadd.f32 v59, v25;
	v59 =	vld [tilespmem:$0x1F010];
	_ =	sdelay $0x1  }
0x36e: {  	v26 =	vadd.f32 v46, v26;
	v46 =	vld [tilespmem:$0x1F020];
	_ =	sdelay $0x1  }
0x36f: {  	[tilespmem:$0x1F9C0] =	vst v61;
	v61 =	vld [tilespmem:$0x11DEB]  }
0x370: {  	v27 =	vadd.f32 v59, v27;
	v59 =	vld [tilespmem:$0x1F030];
	_ =	sdelay $0x1  }
0x371: {  	v28 =	vadd.f32 v46, v28;
	v46 =	vld [tilespmem:$0x1F040];
	_ =	sdelay $0x1  }
0x372: {  	[tilespmem:$0x1F9D0] =	vst v61;
	v61 =	vld [tilespmem:$0x11DFB]  }
0x373: {  	v29 =	vadd.f32 v59, v29;
	v59 =	vld [tilespmem:$0x1F050];
	_ =	sdelay $0x1  }
0x374: {  	v30 =	vadd.f32 v46, v30;
	v46 =	vld [tilespmem:$0x1F060];
	_ =	sdelay $0x1  }
0x375: {  	[tilespmem:$0x1F9E0] =	vst v61;
	v61 =	vld [tilespmem:$0x11E0C]  }
0x376: {  	v31 =	vadd.f32 v59, v31;
	v59 =	vld [tilespmem:$0x1F070];
	_ =	sdelay $0x1  }
0x377: {  	v32 =	vadd.f32 v46, v32;
	v46 =	vld [tilespmem:$0x1F080];
	_ =	sdelay $0x1  }
0x378: {  	[tilespmem:$0x1F9F0] =	vst v61;
	v61 =	vld [tilespmem:$0x11E1C]  }
0x379: {  	v33 =	vadd.f32 v59, v33;
	v59 =	vld [tilespmem:$0x1F090];
	_ =	sdelay $0x1  }
0x37a: {  	v34 =	vadd.f32 v46, v34;
	v46 =	vld [tilespmem:$0x1F0A0];
	_ =	sdelay $0x1  }
0x37b: {  	[tilespmem:$0x1FA00] =	vst v61;
	v61 =	vld [tilespmem:$0x11E2C]  }
0x37c: {  	v35 =	vadd.f32 v59, v35;
	v59 =	vld [tilespmem:$0x1F0B0];
	_ =	sdelay $0x1  }
0x37d: {  	v36 =	vadd.f32 v46, v36;
	v46 =	vld [tilespmem:$0x1F0C0];
	_ =	sdelay $0x1  }
0x37e: {  	[tilespmem:$0x1FA10] =	vst v61;
	v61 =	vld [tilespmem:$0x11E3C]  }
0x37f: {  	v37 =	vadd.f32 v59, v37;
	v59 =	vld [tilespmem:$0x1F0D0];
	_ =	sdelay $0x1  }
0x380: {  	v38 =	vadd.f32 v46, v38;
	v46 =	vld [tilespmem:$0x1F0E0];
	_ =	sdelay $0x1  }
0x381: {  	[tilespmem:$0x1FA20] =	vst v61;
	v61 =	vld [tilespmem:$0x11E4C]  }
0x382: {  	v39 =	vadd.f32 v59, v39;
	v59 =	vld [tilespmem:$0x1F0F0]  }
0x383: {  	v43 =	vld [tilespmem:$0x116C9]  }
0x384: {  	v40 =	vadd.f32 v46, v40;
	v46 =	vld [tilespmem:$0x1F100]  }
0x385: {  	v45 =	vld [tilespmem:$0x116D9]  }
0x386: {  	[tilespmem:$0x1FA30] =	vst v61;
	v61 =	vld [tilespmem:$0x11E5C]  }
0x387: {  	v41 =	vadd.f32 v59, v41;
	v59 =	vld [tilespmem:$0x1F110]  }
0x388: {  	v47 =	vld [tilespmem:$0x116E9]  }
0x389: {  	v2 =	vadd.f32 v46, v2;
	v46 =	vld [tilespmem:$0x1F120]  }
0x38a: {  	v48 =	vld [tilespmem:$0x116F9]  }
0x38b: {  	[tilespmem:$0x1FA40] =	vst v61;
	v61 =	vld [tilespmem:$0x11E6C]  }
0x38c: {  	v3 =	vadd.f32 v59, v3;
	v59 =	vld [tilespmem:$0x1F130]  }
0x38d: {  	v49 =	vld [tilespmem:$0x11709]  }
0x38e: {  	v4 =	vadd.f32 v46, v4;
	v46 =	vld [tilespmem:$0x1F140]  }
0x38f: {  	v50 =	vld [tilespmem:$0x11719]  }
0x390: {  	[tilespmem:$0x1FA50] =	vst v61;
	v61 =	vld [tilespmem:$0x11E7C]  }
0x391: {  	v5 =	vadd.f32 v59, v5;
	v59 =	vld [tilespmem:$0x1F150]  }
0x392: {  	v51 =	vld [tilespmem:$0x11729]  }
0x393: {  	v6 =	vadd.f32 v46, v6;
	v46 =	vld [tilespmem:$0x1F160]  }
0x394: {  	v52 =	vld [tilespmem:$0x11739]  }
0x395: {  	[tilespmem:$0x1FA60] =	vst v61;
	v61 =	vld [tilespmem:$0x11E8C]  }
0x396: {  	v7 =	vadd.f32 v59, v7;
	v59 =	vld [tilespmem:$0x1F170]  }
0x397: {  	v53 =	vld [tilespmem:$0x11749]  }
0x398: {  	v8 =	vadd.f32 v46, v8;
	v46 =	vld [tilespmem:$0x1F180]  }
0x399: {  	v54 =	vld [tilespmem:$0x11759]  }
0x39a: {  	[tilespmem:$0x1FA70] =	vst v61;
	v61 =	vld [tilespmem:$0x11E9C]  }
0x39b: {  	v9 =	vadd.f32 v59, v9;
	v59 =	vld [tilespmem:$0x1F190]  }
0x39c: {  	v55 =	vld [tilespmem:$0x11769]  }
0x39d: {  	v10 =	vadd.f32 v46, v10;
	v46 =	vld [tilespmem:$0x1F1A0]  }
0x39e: {  	v56 =	vld [tilespmem:$0x11779]  }
0x39f: {  	[tilespmem:$0x1FA80] =	vst v61;
	v61 =	vld [tilespmem:$0x11EAC]  }
0x3a0: {  	v11 =	vadd.f32 v59, v11;
	v59 =	vld [tilespmem:$0x1F1B0]  }
0x3a1: {  	v57 =	vld [tilespmem:$0x11789]  }
0x3a2: {  	v12 =	vadd.f32 v46, v12;
	v46 =	vld [tilespmem:$0x1F1C0]  }
0x3a3: {  	v58 =	vld [tilespmem:$0x11799]  }
0x3a4: {  	[tilespmem:$0x1FA90] =	vst v61;
	v61 =	vld [tilespmem:$0x11EBC]  }
0x3a5: {  	v13 =	vadd.f32 v59, v13;
	v59 =	vld [tilespmem:$0x1F1D0]  }
0x3a6: {  	v60 =	vld [tilespmem:$0x117A9]  }
0x3a7: {  	v14 =	vadd.f32 v46, v14;
	v46 =	vld [tilespmem:$0x1F1E0]  }
0x3a8: {  	v63 =	vld [tilespmem:$0x117B9]  }
0x3a9: {  	v62 =	vld [tilespmem:$0x116B9]  }
0x3aa: {  	[tilespmem:$0x1FAA0] =	vst v61;
	v15 =	vadd.f32 v59, v15;
	v59 =	vld [tilespmem:$0x1F1F0]  }
0x3ab: {  	v42 =	vld [tilespmem:$0x1F200]  }
0x3ac: {  	v16 =	vadd.f32 v46, v16;
	v46 =	vld [tilespmem:$0x1F210];
	_ =	sdelay $0x4  }
0x3ad: {  	v19 =	vadd.f32 v46, v19;
	v46 =	vld [tilespmem:$0x1F230];
	_ =	sdelay $0x4  }
0x3ae: {  	v21 =	vadd.f32 v46, v21;
	v46 =	vld [tilespmem:$0x1F250];
	_ =	sdelay $0x4  }
0x3af: {  	v23 =	vadd.f32 v46, v23;
	v46 =	vld [tilespmem:$0x1F270];
	_ =	sdelay $0x4  }
0x3b0: {  	v25 =	vadd.f32 v46, v25;
	v46 =	vld [tilespmem:$0x1F290];
	_ =	sdelay $0x4  }
0x3b1: {  	v27 =	vadd.f32 v46, v27;
	v46 =	vld [tilespmem:$0x1F2B0];
	_ =	sdelay $0x3  }
0x3b2: {  	v61 =	vld [tilespmem:$0x1F220]  }
0x3b3: {  	v29 =	vadd.f32 v46, v29;
	v46 =	vld [tilespmem:$0x1F2D0]  }
0x3b4: {  	v44 =	vld [tilespmem:$0x1F320]  }
0x3b5: {  	v7 =	vadd.f32 v45, v7;
	v45 =	vld [tilespmem:$0x11FAC]  }
0x3b6: {  	v9 =	vadd.f32 v48, v9;
	v48 =	vld [tilespmem:$0x11FBC]  }
0x3b7: {  	v11 =	vadd.f32 v50, v11;
	v50 =	vld [tilespmem:$0x11FCC]  }
0x3b8: {  	v31 =	vadd.f32 v46, v31;
	v46 =	vld [tilespmem:$0x1F2E0]  }
0x3b9: {  	v13 =	vadd.f32 v52, v13;
	v52 =	vld [tilespmem:$0x11FDC]  }
0x3ba: {  	v5 =	vadd.f32 v62, v5;
	v62 =	vld [tilespmem:$0x1200C]  }
0x3bb: {  	v6 =	vadd.f32 v43, v6;
	v43 =	vld [tilespmem:$0x1202C]  }
0x3bc: {  	v8 =	vadd.f32 v47, v8;
	v47 =	vld [tilespmem:$0x1F3E0]  }
0x3bd: {  	v32 =	vadd.f32 v46, v32;
	v46 =	vld [tilespmem:$0x1F300]  }
0x3be: {  	v10 =	vadd.f32 v49, v10;
	v49 =	vld [tilespmem:$0x1F3F0]  }
0x3bf: {  	v12 =	vadd.f32 v51, v12;
	v51 =	vld [tilespmem:$0x1204C]  }
0x3c0: {  	v15 =	vadd.f32 v54, v15;
	v54 =	vld [tilespmem:$0x11FEC]  }
0x3c1: {  	v16 =	vadd.f32 v55, v16;
	v55 =	vld [tilespmem:$0x1F430]  }
0x3c2: {  	v34 =	vadd.f32 v46, v34;
	v46 =	vld [tilespmem:$0x1F310]  }
0x3c3: {  	v17 =	vadd.f32 v59, v17;
	v59 =	vld [tilespmem:$0x11ECC]  }
0x3c4: {  	v20 =	vadd.f32 v61, v20;
	v61 =	vld [tilespmem:$0x1F240]  }
0x3c5: {  	[tilespmem:$0x1FB70] =	vst v45;
	v45 =	vld [tilespmem:$0x1F3D0]  }
0x3c6: {  	[tilespmem:$0x1FB80] =	vst v48;
	v48 =	vld [tilespmem:$0x1203C]  }
0x3c7: {  	v18 =	vadd.f32 v42, v18;
	v42 =	vadd.f32 v46, v35;
	v46 =	vld [tilespmem:$0x11F4C]  }
0x3c8: {  	[tilespmem:$0x1FB90] =	vst v50;
	v50 =	vld [tilespmem:$0x1F400]  }
0x3c9: {  	[tilespmem:$0x1FBA0] =	vst v52;
	v52 =	vld [tilespmem:$0x1F410]  }
0x3ca: {  	[tilespmem:$0x1FBD0] =	vst v62;
	v62 =	vld [tilespmem:$0x1207C]  }
0x3cb: {  	[tilespmem:$0x1FBF0] =	vst v43;
	v43 =	vld [tilespmem:$0x1F4A0]  }
0x3cc: {  	[tilespmem:$0x1FB10] =	vst v46;
	v46 =	vld [tilespmem:$0x1F330]  }
0x3cd: {  	[tilespmem:$0x1FC10] =	vst v51;
	v51 =	vld [tilespmem:$0x1F4E0]  }
0x3ce: {  	v17 =	vadd.f32 v56, v17;
	v56 =	vld [tilespmem:$0x11FFC]  }
0x3cf: {  	[tilespmem:$0x1FBB0] =	vst v54;
	v54 =	vld [tilespmem:$0x1205C]  }
0x3d0: {  	v18 =	vadd.f32 v57, v18;
	v57 =	vld [tilespmem:$0x1206C]  }
0x3d1: {  	v36 =	vadd.f32 v44, v36;
	v44 =	vadd.f32 v46, v37;
	v37 =	vld [tilespmem:$0x11F5C]  }
0x3d2: {  	v19 =	vadd.f32 v58, v19;
	v58 =	vld [tilespmem:$0x1F450]  }
0x3d3: {  	v20 =	vadd.f32 v60, v20;
	v60 =	vld [tilespmem:$0x1F460]  }
0x3d4: {  	[tilespmem:$0x1FAB0] =	vst v59;
	v59 =	vld [tilespmem:$0x11EDC]  }
0x3d5: {  	v46 =	vld [tilespmem:$0x1F340]  }
0x3d6: {  	[tilespmem:$0x1FB20] =	vst v37;
	v37 =	vld [tilespmem:$0x1F350]  }
0x3d7: {  	v22 =	vadd.f32 v61, v22;
	v61 =	vld [tilespmem:$0x1F260]  }
0x3d8: {  	[tilespmem:$0x1FC00] =	vst v48;
	v48 =	vld [tilespmem:$0x1F4C0]  }
0x3d9: {  	[tilespmem:$0x1FC40] =	vst v62;
	v62 =	vld [tilespmem:$0x1F540]  }
0x3da: {  	v38 =	vadd.f32 v46, v38;
	v46 =	vld [tilespmem:$0x11F6C]  }
0x3db: {  	v39 =	vadd.f32 v37, v39;
	v37 =	vld [tilespmem:$0x1F360]  }
0x3dc: {  	v21 =	vadd.f32 v63, v21;
	v63 =	vld [tilespmem:$0x1201C]  }
0x3dd: {  	[tilespmem:$0x1FBC0] =	vst v56;
	v56 =	vld [tilespmem:$0x1F440]  }
0x3de: {  	[tilespmem:$0x1FC20] =	vst v54;
	v54 =	vld [tilespmem:$0x1F500]  }
0x3df: {  	[tilespmem:$0x1FC30] =	vst v57;
	v57 =	vld [tilespmem:$0x1F520]  }
0x3e0: {  	[tilespmem:$0x1FB30] =	vst v46;
	v46 =	vadd.f32 v37, v40;
	v40 =	vld [tilespmem:$0x1F370]  }
0x3e1: {  	[tilespmem:$0x1FAC0] =	vst v59;
	v59 =	vld [tilespmem:$0x11EEC]  }
0x3e2: {  	v24 =	vadd.f32 v61, v24;
	v61 =	vld [tilespmem:$0x1F280]  }
0x3e3: {  	v7 =	vadd.f32 v62, v7;
	v62 =	vld [tilespmem:$0x1F5F0]  }
0x3e4: {  	[tilespmem:$0x1FBE0] =	vst v63;
	v63 =	vld [tilespmem:$0x1F470]  }
0x3e5: {  	v41 =	vadd.f32 v40, v41;
	v40 =	vld [tilespmem:$0x1F380]  }
0x3e6: {  	v37 =	vld [tilespmem:$0x11F7C]  }
0x3e7: {  	v24 =	vadd.f32 v45, v24;
	v45 =	vld [tilespmem:$0x1209D]  }
0x3e8: {  	[tilespmem:$0x1FAD0] =	vst v59;
	v59 =	vld [tilespmem:$0x11EFC]  }
0x3e9: {  	v26 =	vadd.f32 v61, v26;
	v61 =	vld [tilespmem:$0x1F2A0]  }
0x3ea: {  	v2 =	vadd.f32 v40, v2;
	v40 =	vld [tilespmem:$0x11F8C]  }
0x3eb: {  	[tilespmem:$0x1FB40] =	vst v37;
	v37 =	vld [tilespmem:$0x1F390]  }
0x3ec: {  	v26 =	vadd.f32 v49, v26;
	v49 =	vld [tilespmem:$0x120AD]  }
0x3ed: {  	[tilespmem:$0x1FC60] =	vst v45;
	v45 =	vld [tilespmem:$0x1F550]  }
0x3ee: {  	[tilespmem:$0x1FAE0] =	vst v59;
	v59 =	vld [tilespmem:$0x11F0C]  }
0x3ef: {  	[tilespmem:$0x1FB50] =	vst v40;
	v40 =	vld [tilespmem:$0x11F9C]  }
0x3f0: {  	v3 =	vadd.f32 v37, v3;
	v37 =	vld [tilespmem:$0x1F3A0]  }
0x3f1: {  	v28 =	vadd.f32 v61, v28;
	v27 =	vadd.f32 v50, v27;
	v50 =	vld [tilespmem:$0x1F4D0]  }
0x3f2: {  	v3 =	vadd.f32 v54, v3;
	v54 =	vld [tilespmem:$0x1F5B0]  }
0x3f3: {  	v28 =	vadd.f32 v52, v28;
	v52 =	vld [tilespmem:$0x120BD]  }
0x3f4: {  	[tilespmem:$0x1FB60] =	vst v40;
	v40 =	vld [tilespmem:$0x1F3C0]  }
0x3f5: {  	v14 =	vadd.f32 v53, v14;
	v4 =	vadd.f32 v37, v4;
	v37 =	vld [tilespmem:$0x1F3B0]  }
0x3f6: {  	[tilespmem:$0x1FC70] =	vst v49;
	v49 =	vld [tilespmem:$0x1F580]  }
0x3f7: {  	v14 =	vadd.f32 v54, v14;
	v54 =	vld [tilespmem:$0x1217D]  }
0x3f8: {  	[tilespmem:$0x1FAF0] =	vst v59;
	v59 =	vld [tilespmem:$0x1F2C0]  }
0x3f9: {  	v23 =	vadd.f32 v40, v23;
	v40 =	vld [tilespmem:$0x1208D]  }
0x3fa: {  	v22 =	vadd.f32 v37, v22;
	v37 =	vld [tilespmem:$0x1F480]  }
0x3fb: {  	[tilespmem:$0x1FC80] =	vst v52;
	v52 =	vld [tilespmem:$0x1F5A0]  }
0x3fc: {  	[tilespmem:$0x1FD40] =	vst v54;
	v54 =	vld [tilespmem:$0x1F720]  }
0x3fd: {  	v11 =	vadd.f32 v49, v11;
	v49 =	vld [tilespmem:$0x1F630]  }
0x3fe: {  	[tilespmem:$0x1FC50] =	vst v40;
	v40 =	vadd.f32 v50, v46;
	v46 =	vld [tilespmem:$0x1F560]  }
0x3ff: {  	v35 =	vadd.f32 v37, v42;
	v37 =	vadd.f32 v43, v44;
	v50 =	vld [tilespmem:$0x1210D]  }
0x400: {  	v30 =	vadd.f32 v59, v30;
	v59 =	vld [tilespmem:$0x11F2C]  }
0x401: {  	v37 =	vadd.f32 v54, v37;
	v54 =	vld [tilespmem:$0x1F7D0]  }
0x402: {  	v39 =	vadd.f32 v48, v39;
	v48 =	vld [tilespmem:$0x1F570]  }
0x403: {  	v9 =	vadd.f32 v46, v9;
	v46 =	vld [tilespmem:$0x1F610]  }
0x404: {  	v8 =	vadd.f32 v45, v8;
	[tilespmem:$0x1FCD0] =	vst v50;
	v50 =	vld [tilespmem:$0x1F640]  }
0x405: {  	[tilespmem:$0x1FB00] =	vst v59;
	v59 =	vld [tilespmem:$0x1F2F0]  }
0x406: {  	v8 =	vadd.f32 v54, v8;
	v54 =	vld [tilespmem:$0x1228D]  }
0x407: {  	v10 =	vadd.f32 v48, v10;
	v48 =	vld [tilespmem:$0x1215D]  }
0x408: {  	v20 =	vadd.f32 v46, v20;
	v46 =	vld [tilespmem:$0x121AD]  }
0x409: {  	v23 =	vadd.f32 v50, v23;
	v50 =	vld [tilespmem:$0x1F6F0]  }
0x40a: {  	v31 =	vadd.f32 v56, v31;
	v56 =	vld [tilespmem:$0x1F510]  }
0x40b: {  	[tilespmem:$0x1FE50] =	vst v54;
	v54 =	vld [tilespmem:$0x1F970]  }
0x40c: {  	v34 =	vadd.f32 v63, v34;
	v41 =	vadd.f32 v51, v41;
	v51 =	vld [tilespmem:$0x1F590]  }
0x40d: {  	[tilespmem:$0x1FD20] =	vst v48;
	v48 =	vld [tilespmem:$0x1F6E0]  }
0x40e: {  	v33 =	vadd.f32 v59, v33;
	[tilespmem:$0x1FD70] =	vst v46;
	v34 =	vadd.f32 v50, v34;
	v46 =	vld [tilespmem:$0x1F780]  }
0x40f: {  	v42 =	vld [tilespmem:$0x1F490]  }
0x410: {  	v33 =	vadd.f32 v60, v33;
	v34 =	vadd.f32 v54, v34;
	v54 =	vld [tilespmem:$0x1FA00]  }
0x411: {  	v12 =	vadd.f32 v51, v12;
	v51 =	vld [tilespmem:$0x1216D]  }
0x412: {  	v33 =	vadd.f32 v48, v33;
	v48 =	vld [tilespmem:$0x1F790]  }
0x413: {  	v22 =	vadd.f32 v49, v22;
	v49 =	vld [tilespmem:$0x121BD];
	v3 =	vadd.f32 v46, v3  }
0x414: {  	v30 =	vadd.f32 v55, v30;
	v55 =	vld [tilespmem:$0x120CD]  }
0x415: {  	v36 =	vadd.f32 v42, v36;
	v42 =	vadd.f32 v54, v3;
	v3 =	vld [tilespmem:$0x1FA10]  }
0x416: {  	v13 =	vadd.f32 v52, v13;
	v52 =	vld [tilespmem:$0x1F650];
	v4 =	vadd.f32 v56, v4  }
0x417: {  	[tilespmem:$0x1FD30] =	vst v51;
	v51 =	vld [tilespmem:$0x1F700]  }
0x418: {  	v4 =	vadd.f32 v48, v4;
	[tilespmem:$0x1FD80] =	vst v49;
	v49 =	vld [tilespmem:$0x1F7A0]  }
0x419: {  	[tilespmem:$0x1FC90] =	vst v55;
	v55 =	vld [tilespmem:$0x1F5C0]  }
0x41a: {  	v4 =	vadd.f32 v3, v4;
	v3 =	vld [tilespmem:$0x1FA20]  }
0x41b: {  	v5 =	vadd.f32 v57, v5;
	v60 =	vld [tilespmem:$0x1F530]  }
0x41c: {  	v24 =	vadd.f32 v52, v24;
	v52 =	vld [tilespmem:$0x121CD]  }
0x41d: {  	v35 =	vadd.f32 v51, v35;
	v51 =	vld [tilespmem:$0x1F7B0];
	v5 =	vadd.f32 v49, v5  }
0x41e: {  	v57 =	vld [tilespmem:$0x1F5D0]  }
0x41f: {  	v5 =	vadd.f32 v3, v5;
	v3 =	vld [tilespmem:$0x1FA30]  }
0x420: {  	v32 =	vadd.f32 v58, v32;
	v58 =	vld [tilespmem:$0x120DD];
	v6 =	vadd.f32 v60, v6  }
0x421: {  	v15 =	vadd.f32 v55, v15;
	v55 =	vld [tilespmem:$0x1F670]  }
0x422: {  	[tilespmem:$0x1FD90] =	vst v52;
	v52 =	vld [tilespmem:$0x1F7C0];
	v6 =	vadd.f32 v51, v6  }
0x423: {  	v16 =	vadd.f32 v57, v16;
	v57 =	vld [tilespmem:$0x1218D]  }
0x424: {  	v6 =	vadd.f32 v3, v6;
	v3 =	vld [tilespmem:$0x1FA40]  }
0x425: {  	v18 =	vadd.f32 v62, v18;
	v62 =	vld [tilespmem:$0x1219D]  }
0x426: {  	[tilespmem:$0x1FCA0] =	vst v58;
	v58 =	vld [tilespmem:$0x1F5E0]  }
0x427: {  	v26 =	vadd.f32 v55, v26;
	v55 =	vld [tilespmem:$0x121DD];
	v7 =	vadd.f32 v52, v7  }
0x428: {  	[tilespmem:$0x1FD50] =	vst v57;
	v57 =	vld [tilespmem:$0x1F740]  }
0x429: {  	v7 =	vadd.f32 v3, v7;
	v3 =	vld [tilespmem:$0x1FA50]  }
0x42a: {  	v63 =	vld [tilespmem:$0x120ED]  }
0x42b: {  	v17 =	vadd.f32 v58, v17;
	v58 =	vld [tilespmem:$0x1F690]  }
0x42c: {  	[tilespmem:$0x1FDA0] =	vst v55;
	v55 =	vld [tilespmem:$0x1F7E0]  }
0x42d: {  	v25 =	vadd.f32 v47, v25;
	v47 =	vld [tilespmem:$0x1F4B0]  }
0x42e: {  	v8 =	vadd.f32 v3, v8;
	v3 =	vld [tilespmem:$0x1FA60]  }
0x42f: {  	[tilespmem:$0x1FCB0] =	vst v63;
	v63 =	vld [tilespmem:$0x1F600]  }
0x430: {  	v28 =	vadd.f32 v58, v28;
	v58 =	vld [tilespmem:$0x121ED]  }
0x431: {  	v39 =	vadd.f32 v57, v39;
	v57 =	vld [tilespmem:$0x1F7F0];
	v9 =	vadd.f32 v55, v9  }
0x432: {  	[tilespmem:$0x1FD60] =	vst v62;
	v62 =	vld [tilespmem:$0x1F760]  }
0x433: {  	v9 =	vadd.f32 v3, v9;
	v3 =	vld [tilespmem:$0x1FA70]  }
0x434: {  	v19 =	vadd.f32 v63, v19;
	v63 =	vld [tilespmem:$0x1F6B0]  }
0x435: {  	v38 =	vadd.f32 v47, v38;
	v47 =	vld [tilespmem:$0x120FD]  }
0x436: {  	[tilespmem:$0x1FDB0] =	vst v58;
	v58 =	vld [tilespmem:$0x1F800];
	v10 =	vadd.f32 v57, v10;
	_ =	sdelay $0x1  }
0x437: {  	v10 =	vadd.f32 v3, v10;
	v3 =	vld [tilespmem:$0x1FA80]  }
0x438: {  	v30 =	vadd.f32 v63, v30;
	v63 =	vld [tilespmem:$0x121FD]  }
0x439: {  	[tilespmem:$0x1FCC0] =	vst v47;
	v47 =	vld [tilespmem:$0x1F620]  }
0x43a: {  	v11 =	vadd.f32 v58, v11;
	v41 =	vadd.f32 v62, v41;
	v62 =	vld [tilespmem:$0x1F810];
	_ =	sdelay $0x1  }
0x43b: {  	v11 =	vadd.f32 v3, v11;
	v3 =	vld [tilespmem:$0x1FA90];
	_ =	sdelay $0x1  }
0x43c: {  	v21 =	vadd.f32 v47, v21;
	v47 =	vld [tilespmem:$0x1F6D0]  }
0x43d: {  	[tilespmem:$0x1FDC0] =	vst v63;
	v63 =	vld [tilespmem:$0x1F820];
	v12 =	vadd.f32 v62, v12;
	_ =	sdelay $0x1  }
0x43e: {  	v12 =	vadd.f32 v3, v12;
	v3 =	vld [tilespmem:$0x1FAA0];
	_ =	sdelay $0x1  }
0x43f: {  	v32 =	vadd.f32 v47, v32;
	v47 =	vld [tilespmem:$0x1220D]  }
0x440: {  	v13 =	vadd.f32 v63, v13;
	v46 =	vld [tilespmem:$0x1F830];
	_ =	sdelay $0x1  }
0x441: {  	v13 =	vadd.f32 v3, v13;
	v3 =	vld [tilespmem:$0x1FAB0];
	_ =	sdelay $0x2  }
0x442: {  	[tilespmem:$0x1FDD0] =	vst v47;
	v47 =	vld [tilespmem:$0x1F840];
	v14 =	vadd.f32 v46, v14;
	_ =	sdelay $0x1  }
0x443: {  	v14 =	vadd.f32 v3, v14;
	v3 =	vld [tilespmem:$0x1FAC0];
	_ =	sdelay $0x1  }
0x444: {  	v49 =	vld [tilespmem:$0x1F850]  }
0x445: {  	v15 =	vadd.f32 v47, v15;
	v50 =	vld [tilespmem:$0x1221D];
	_ =	sdelay $0x1  }
0x446: {  	v15 =	vadd.f32 v3, v15;
	v3 =	vld [tilespmem:$0x1FAD0];
	_ =	sdelay $0x1  }
0x447: {  	v60 =	vld [tilespmem:$0x1213D]  }
0x448: {  	v16 =	vadd.f32 v49, v16;
	[tilespmem:$0x1FDE0] =	vst v50;
	v50 =	vld [tilespmem:$0x1F860]  }
0x449: {  	v53 =	vld [tilespmem:$0x1F420]  }
0x44a: {  	v16 =	vadd.f32 v3, v16;
	v3 =	vld [tilespmem:$0x1FAE0];
	_ =	sdelay $0x1  }
0x44b: {  	[tilespmem:$0x1FD00] =	vst v60;
	v60 =	vld [tilespmem:$0x1F6A0]  }
0x44c: {  	v52 =	vld [tilespmem:$0x1F870];
	v17 =	vadd.f32 v50, v17;
	_ =	sdelay $0x1  }
0x44d: {  	v29 =	vadd.f32 v53, v29;
	v17 =	vadd.f32 v3, v17;
	v3 =	vld [tilespmem:$0x1FAF0]  }
0x44e: {  	v45 =	vld [tilespmem:$0x1214D]  }
0x44f: {  	v29 =	vadd.f32 v60, v29;
	v60 =	vld [tilespmem:$0x1F750]  }
0x450: {  	v18 =	vadd.f32 v52, v18;
	v55 =	vld [tilespmem:$0x1F890];
	_ =	sdelay $0x1  }
0x451: {  	v18 =	vadd.f32 v3, v18;
	v3 =	vld [tilespmem:$0x1FB00]  }
0x452: {  	[tilespmem:$0x1FD10] =	vst v45;
	v45 =	vld [tilespmem:$0x1F6C0]  }
0x453: {  	v58 =	vld [tilespmem:$0x1F8B0]  }
0x454: {  	v40 =	vadd.f32 v60, v40;
	v60 =	vld [tilespmem:$0x1224D];
	v20 =	vadd.f32 v55, v20  }
0x455: {  	v53 =	vld [tilespmem:$0x1F4F0]  }
0x456: {  	v20 =	vadd.f32 v3, v20;
	v3 =	vld [tilespmem:$0x1FB10];
	_ =	sdelay $0x1  }
0x457: {  	v31 =	vadd.f32 v45, v31;
	v45 =	vld [tilespmem:$0x1F770]  }
0x458: {  	v22 =	vadd.f32 v58, v22;
	[tilespmem:$0x1FE10] =	vst v60;
	v60 =	vld [tilespmem:$0x1F8C0];
	_ =	sdelay $0x1  }
0x459: {  	v2 =	vadd.f32 v53, v2;
	v22 =	vadd.f32 v3, v22;
	v3 =	vld [tilespmem:$0x1FB20]  }
0x45a: {  	v53 =	vld [tilespmem:$0x1211D]  }
0x45b: {  	v2 =	vadd.f32 v45, v2;
	v45 =	vld [tilespmem:$0x1225D]  }
0x45c: {  	v62 =	vld [tilespmem:$0x1F8D0];
	v23 =	vadd.f32 v60, v23;
	_ =	sdelay $0x1  }
0x45d: {  	v23 =	vadd.f32 v3, v23;
	v3 =	vld [tilespmem:$0x1FB30]  }
0x45e: {  	[tilespmem:$0x1FCE0] =	vst v53;
	v53 =	vld [tilespmem:$0x1F660];
	_ =	sdelay $0x1  }
0x45f: {  	[tilespmem:$0x1FE20] =	vst v45;
	v24 =	vadd.f32 v62, v24;
	v45 =	vld [tilespmem:$0x1F8E0];
	_ =	sdelay $0x1  }
0x460: {  	v24 =	vadd.f32 v3, v24;
	v3 =	vld [tilespmem:$0x1FB40]  }
0x461: {  	v25 =	vadd.f32 v53, v25;
	_ =	sdelay $0x1  }
0x462: {  	v25 =	vadd.f32 v45, v25;
	_ =	sdelay $0x1  }
0x463: {  	v25 =	vadd.f32 v3, v25;
	v3 =	vld [tilespmem:$0x123FE]  }
0x464: {  	v56 =	vld [tilespmem:$0x1212D];
	_ =	sdelay $0x1  }
0x465: {  	v46 =	vld [tilespmem:$0x1F8F0];
	_ =	sdelay $0x1  }
0x466: {  	[tilespmem:$0x1FE70] =	vst v3;
	v3 =	vld [tilespmem:$0x1FB50]  }
0x467: {  	[tilespmem:$0x1FCF0] =	vst v56;
	v56 =	vld [tilespmem:$0x1F680];
	_ =	sdelay $0x1  }
0x468: {  	v47 =	vld [tilespmem:$0x1F900];
	v26 =	vadd.f32 v46, v26;
	_ =	sdelay $0x1  }
0x469: {  	v26 =	vadd.f32 v3, v26;
	v3 =	vld [tilespmem:$0x1FB60]  }
0x46a: {  	v27 =	vadd.f32 v56, v27;
	_ =	sdelay $0x1  }
0x46b: {  	v48 =	vld [tilespmem:$0x1226D];
	v27 =	vadd.f32 v47, v27;
	_ =	sdelay $0x1  }
0x46c: {  	v27 =	vadd.f32 v3, v27;
	v3 =	vld [tilespmem:$0x1240E];
	_ =	sdelay $0x2  }
0x46d: {  	[tilespmem:$0x1FE30] =	vst v48;
	v48 =	vld [tilespmem:$0x1F910];
	_ =	sdelay $0x1  }
0x46e: {  	[tilespmem:$0x1FE80] =	vst v3;
	v3 =	vld [tilespmem:$0x1FB70];
	_ =	sdelay $0x2  }
0x46f: {  	v28 =	vadd.f32 v48, v28;
	v49 =	vld [tilespmem:$0x1F920];
	_ =	sdelay $0x1  }
0x470: {  	v28 =	vadd.f32 v3, v28;
	v3 =	vld [tilespmem:$0x1FB80];
	_ =	sdelay $0x2  }
0x471: {  	v29 =	vadd.f32 v49, v29;
	_ =	sdelay $0x1  }
0x472: {  	v29 =	vadd.f32 v3, v29;
	v3 =	vld [tilespmem:$0x1241E];
	_ =	sdelay $0x1  }
0x473: {  	v51 =	vld [tilespmem:$0x1227D]  }
0x474: {  	v50 =	vld [tilespmem:$0x1F930];
	_ =	sdelay $0x1  }
0x475: {  	[tilespmem:$0x1FE90] =	vst v3;
	v3 =	vld [tilespmem:$0x1FB90];
	_ =	sdelay $0x1  }
0x476: {  	v53 =	vld [tilespmem:$0x1F710]  }
0x477: {  	[tilespmem:$0x1FE40] =	vst v51;
	v51 =	vld [tilespmem:$0x1F940];
	v30 =	vadd.f32 v50, v30;
	_ =	sdelay $0x1  }
0x478: {  	v30 =	vadd.f32 v3, v30;
	v3 =	vld [tilespmem:$0x1FBA0];
	_ =	sdelay $0x2  }
0x479: {  	v36 =	vadd.f32 v53, v36;
	v53 =	vld [tilespmem:$0x1222D];
	v31 =	vadd.f32 v51, v31;
	_ =	sdelay $0x1  }
0x47a: {  	v31 =	vadd.f32 v3, v31;
	v3 =	vld [tilespmem:$0x1242E];
	_ =	sdelay $0x1  }
0x47b: {  	v52 =	vld [tilespmem:$0x1F950]  }
0x47c: {  	[tilespmem:$0x1FDF0] =	vst v53;
	v53 =	vld [tilespmem:$0x1F880];
	_ =	sdelay $0x1  }
0x47d: {  	[tilespmem:$0x1FEA0] =	vst v3;
	v3 =	vld [tilespmem:$0x1FBB0];
	_ =	sdelay $0x1  }
0x47e: {  	v56 =	vld [tilespmem:$0x1F730]  }
0x47f: {  	v32 =	vadd.f32 v52, v32;
	v19 =	vadd.f32 v53, v19;
	v53 =	vld [tilespmem:$0x1F960];
	_ =	sdelay $0x1  }
0x480: {  	v32 =	vadd.f32 v3, v32;
	v3 =	vld [tilespmem:$0x1FBC0];
	_ =	sdelay $0x2  }
0x481: {  	v38 =	vadd.f32 v56, v38;
	v56 =	vld [tilespmem:$0x1223D];
	v33 =	vadd.f32 v53, v33;
	_ =	sdelay $0x1  }
0x482: {  	v33 =	vadd.f32 v3, v33;
	v3 =	vld [tilespmem:$0x1243E];
	_ =	sdelay $0x2  }
0x483: {  	[tilespmem:$0x1FE00] =	vst v56;
	v56 =	vld [tilespmem:$0x1F8A0];
	_ =	sdelay $0x1  }
0x484: {  	[tilespmem:$0x1FEB0] =	vst v3;
	v3 =	vld [tilespmem:$0x1FBD0];
	_ =	sdelay $0x2  }
0x485: {  	v21 =	vadd.f32 v56, v21;
	v56 =	vld [tilespmem:$0x1F980];
	_ =	sdelay $0x1  }
0x486: {  	v34 =	vadd.f32 v3, v34;
	v3 =	vld [tilespmem:$0x1FBE0];
	_ =	sdelay $0x2  }
0x487: {  	v35 =	vadd.f32 v56, v35;
	_ =	sdelay $0x1  }
0x488: {  	v35 =	vadd.f32 v3, v35;
	v3 =	vld [tilespmem:$0x1244E];
	_ =	sdelay $0x2  }
0x489: {  	v60 =	vld [tilespmem:$0x1F990];
	_ =	sdelay $0x1  }
0x48a: {  	[tilespmem:$0x1FEC0] =	vst v3;
	v3 =	vld [tilespmem:$0x1FBF0];
	_ =	sdelay $0x2  }
0x48b: {  	v45 =	vld [tilespmem:$0x1F9A0];
	v36 =	vadd.f32 v60, v36;
	_ =	sdelay $0x1  }
0x48c: {  	v36 =	vadd.f32 v3, v36;
	v3 =	vld [tilespmem:$0x1FC00];
	_ =	sdelay $0x2  }
0x48d: {  	v37 =	vadd.f32 v45, v37;
	_ =	sdelay $0x1  }
0x48e: {  	v37 =	vadd.f32 v3, v37;
	v3 =	vld [tilespmem:$0x1245E];
	_ =	sdelay $0x2  }
0x48f: {  	v47 =	vld [tilespmem:$0x1F9B0];
	_ =	sdelay $0x1  }
0x490: {  	[tilespmem:$0x1FED0] =	vst v3;
	v3 =	vld [tilespmem:$0x1FC10];
	_ =	sdelay $0x2  }
0x491: {  	v38 =	vadd.f32 v47, v38;
	v49 =	vld [tilespmem:$0x1F9C0];
	_ =	sdelay $0x1  }
0x492: {  	v38 =	vadd.f32 v3, v38;
	v3 =	vld [tilespmem:$0x1FC20];
	_ =	sdelay $0x2  }
0x493: {  	v39 =	vadd.f32 v49, v39;
	_ =	sdelay $0x1  }
0x494: {  	v39 =	vadd.f32 v3, v39;
	v3 =	vld [tilespmem:$0x1246E];
	_ =	sdelay $0x2  }
0x495: {  	v50 =	vld [tilespmem:$0x1F9D0];
	_ =	sdelay $0x1  }
0x496: {  	[tilespmem:$0x1FEE0] =	vst v3;
	v3 =	vld [tilespmem:$0x1FC30];
	_ =	sdelay $0x2  }
0x497: {  	v51 =	vld [tilespmem:$0x1F9E0];
	v40 =	vadd.f32 v50, v40;
	_ =	sdelay $0x1  }
0x498: {  	v40 =	vadd.f32 v3, v40;
	v3 =	vld [tilespmem:$0x1FC40];
	_ =	sdelay $0x2  }
0x499: {  	v41 =	vadd.f32 v51, v41;
	_ =	sdelay $0x1  }
0x49a: {  	v41 =	vadd.f32 v3, v41;
	v3 =	vld [tilespmem:$0x1247E];
	_ =	sdelay $0x2  }
0x49b: {  	v52 =	vld [tilespmem:$0x1F9F0];
	_ =	sdelay $0x1  }
0x49c: {  	[tilespmem:$0x1FEF0] =	vst v3;
	v3 =	vld [tilespmem:$0x1FC50];
	_ =	sdelay $0x2  }
0x49d: {  	v2 =	vadd.f32 v52, v2;
	_ =	sdelay $0x1  }
0x49e: {  	v3 =	vadd.f32 v3, v2;
	v2 =	vld [tilespmem:$0x1FC60];
	_ =	sdelay $0x4  }
0x49f: {  	v42 =	vadd.f32 v2, v42;
	v2 =	vld [tilespmem:$0x1248E];
	_ =	sdelay $0x4  }
0x4a0: {  	[tilespmem:$0x1FF00] =	vst v2;
	v2 =	vld [tilespmem:$0x1FC70];
	_ =	sdelay $0x4  }
0x4a1: {  	v4 =	vadd.f32 v2, v4;
	v2 =	vld [tilespmem:$0x1FC80];
	_ =	sdelay $0x4  }
0x4a2: {  	v5 =	vadd.f32 v2, v5;
	v2 =	vld [tilespmem:$0x1249E];
	_ =	sdelay $0x4  }
0x4a3: {  	[tilespmem:$0x1FF10] =	vst v2;
	v2 =	vld [tilespmem:$0x1FC90];
	_ =	sdelay $0x4  }
0x4a4: {  	v6 =	vadd.f32 v2, v6;
	v2 =	vld [tilespmem:$0x1FCA0];
	_ =	sdelay $0x4  }
0x4a5: {  	v7 =	vadd.f32 v2, v7;
	v2 =	vld [tilespmem:$0x124AE];
	_ =	sdelay $0x4  }
0x4a6: {  	[tilespmem:$0x1FF20] =	vst v2;
	v2 =	vld [tilespmem:$0x1FCB0];
	_ =	sdelay $0x4  }
0x4a7: {  	v8 =	vadd.f32 v2, v8;
	v2 =	vld [tilespmem:$0x1FCC0];
	_ =	sdelay $0x4  }
0x4a8: {  	v9 =	vadd.f32 v2, v9;
	v2 =	vld [tilespmem:$0x124BE];
	_ =	sdelay $0x4  }
0x4a9: {  	[tilespmem:$0x1FF30] =	vst v2;
	v2 =	vld [tilespmem:$0x1FCD0];
	_ =	sdelay $0x4  }
0x4aa: {  	v10 =	vadd.f32 v2, v10;
	v2 =	vld [tilespmem:$0x1FCE0];
	_ =	sdelay $0x4  }
0x4ab: {  	v11 =	vadd.f32 v2, v11;
	v2 =	vld [tilespmem:$0x124CE];
	_ =	sdelay $0x4  }
0x4ac: {  	[tilespmem:$0x1FF40] =	vst v2;
	v2 =	vld [tilespmem:$0x1FCF0];
	_ =	sdelay $0x4  }
0x4ad: {  	v12 =	vadd.f32 v2, v12;
	v2 =	vld [tilespmem:$0x1FD00];
	_ =	sdelay $0x4  }
0x4ae: {  	v13 =	vadd.f32 v2, v13;
	v2 =	vld [tilespmem:$0x124DE];
	_ =	sdelay $0x4  }
0x4af: {  	[tilespmem:$0x1FF50] =	vst v2;
	v2 =	vld [tilespmem:$0x1FD10];
	_ =	sdelay $0x4  }
0x4b0: {  	v14 =	vadd.f32 v2, v14;
	v2 =	vld [tilespmem:$0x1FD20];
	_ =	sdelay $0x4  }
0x4b1: {  	v15 =	vadd.f32 v2, v15;
	v2 =	vld [tilespmem:$0x124EE];
	_ =	sdelay $0x4  }
0x4b2: {  	[tilespmem:$0x1FF60] =	vst v2;
	v2 =	vld [tilespmem:$0x1FD30];
	_ =	sdelay $0x4  }
0x4b3: {  	v16 =	vadd.f32 v2, v16;
	v2 =	vld [tilespmem:$0x1FD40];
	_ =	sdelay $0x4  }
0x4b4: {  	v17 =	vadd.f32 v2, v17;
	v2 =	vld [tilespmem:$0x124FE];
	_ =	sdelay $0x4  }
0x4b5: {  	[tilespmem:$0x1FF70] =	vst v2;
	v2 =	vld [tilespmem:$0x1FD50];
	_ =	sdelay $0x2  }
0x4b6: {  	v61 =	vld [tilespmem:$0x11F1C];
	_ =	sdelay $0x1  }
0x4b7: {  	v18 =	vadd.f32 v2, v18;
	v2 =	vld [tilespmem:$0x1FD60];
	_ =	sdelay $0x2  }
0x4b8: {  	v19 =	vadd.f32 v61, v19;
	_ =	sdelay $0x1  }
0x4b9: {  	v19 =	vadd.f32 v2, v19;
	v2 =	vld [tilespmem:$0x1250E];
	_ =	sdelay $0x4  }
0x4ba: {  	[tilespmem:$0x1FF80] =	vst v2;
	v2 =	vld [tilespmem:$0x1FD70];
	_ =	sdelay $0x2  }
0x4bb: {  	v59 =	vld [tilespmem:$0x11F3C];
	_ =	sdelay $0x1  }
0x4bc: {  	v20 =	vadd.f32 v2, v20;
	v2 =	vld [tilespmem:$0x1FD80];
	_ =	sdelay $0x2  }
0x4bd: {  	v21 =	vadd.f32 v59, v21;
	_ =	sdelay $0x1  }
0x4be: {  	v21 =	vadd.f32 v2, v21;
	v2 =	vld [tilespmem:$0x1251E];
	_ =	sdelay $0x4  }
0x4bf: {  	[tilespmem:$0x1FF90] =	vst v2;
	v2 =	vld [tilespmem:$0x1FD90];
	_ =	sdelay $0x4  }
0x4c0: {  	v22 =	vadd.f32 v2, v22;
	v2 =	vld [tilespmem:$0x1FDA0];
	_ =	sdelay $0x4  }
0x4c1: {  	v23 =	vadd.f32 v2, v23;
	v2 =	vld [tilespmem:$0x1252E];
	_ =	sdelay $0x4  }
0x4c2: {  	[tilespmem:$0x1FFA0] =	vst v2;
	v2 =	vld [tilespmem:$0x1FDB0];
	_ =	sdelay $0x4  }
0x4c3: {  	v24 =	vadd.f32 v2, v24;
	v2 =	vld [tilespmem:$0x1FDC0];
	_ =	sdelay $0x4  }
0x4c4: {  	v25 =	vadd.f32 v2, v25;
	v2 =	vld [tilespmem:$0x1253E];
	_ =	sdelay $0x4  }
0x4c5: {  	[tilespmem:$0x1FFB0] =	vst v2;
	v2 =	vld [tilespmem:$0x1FDD0];
	_ =	sdelay $0x4  }
0x4c6: {  	v26 =	vadd.f32 v2, v26;
	v2 =	vld [tilespmem:$0x1FDE0];
	_ =	sdelay $0x4  }
0x4c7: {  	v27 =	vadd.f32 v2, v27;
	v2 =	vld [tilespmem:$0x1254E];
	_ =	sdelay $0x4  }
0x4c8: {  	[tilespmem:$0x1FFC0] =	vst v2;
	v2 =	vld [tilespmem:$0x1FDF0];
	_ =	sdelay $0x4  }
0x4c9: {  	v28 =	vadd.f32 v2, v28;
	v2 =	vld [tilespmem:$0x1FE00]  }
0x4ca: {  	v57 =	vld [tilespmem:$0x1229D];
	_ =	sdelay $0x2  }
0x4cb: {  	v63 =	vld [tilespmem:$0x122AD]  }
0x4cc: {  	v29 =	vadd.f32 v2, v29;
	v2 =	vld [tilespmem:$0x1255E]  }
0x4cd: {  	[tilespmem:$0x1FE60] =	vst v57;
	v57 =	vld [tilespmem:$0x122DD]  }
0x4ce: {  	v52 =	vld [tilespmem:$0x1239E]  }
0x4cf: {  	v62 =	vld [tilespmem:$0x122BD]  }
0x4d0: {  	v58 =	vld [tilespmem:$0x122CD]  }
0x4d1: {  	[tilespmem:$0x1FFD0] =	vst v2;
	v2 =	vld [tilespmem:$0x1FE10]  }
0x4d2: {  	v43 =	vld [tilespmem:$0x1233E]  }
0x4d3: {  	v44 =	vld [tilespmem:$0x1234E]  }
0x4d4: {  	v48 =	vld [tilespmem:$0x1231E]  }
0x4d5: {  	v45 =	vld [tilespmem:$0x1232E]  }
0x4d6: {  	v30 =	vadd.f32 v2, v30;
	v2 =	vld [tilespmem:$0x1FE20]  }
0x4d7: {  	v47 =	vld [tilespmem:$0x1235E]  }
0x4d8: {  	v55 =	vld [tilespmem:$0x122ED]  }
0x4d9: {  	v61 =	vld [tilespmem:$0x123CE]  }
0x4da: {  	v59 =	vld [tilespmem:$0x123DE]  }
0x4db: {  	v31 =	vadd.f32 v2, v31;
	v2 =	vld [tilespmem:$0x1256E]  }
0x4dc: {  	v53 =	vld [tilespmem:$0x122FD]  }
0x4dd: {  	v49 =	vld [tilespmem:$0x1236E]  }
0x4de: {  	v51 =	vld [tilespmem:$0x1238E]  }
0x4df: {  	v56 =	vld [tilespmem:$0x123BE]  }
0x4e0: {  	[tilespmem:$0x1FFE0] =	vst v2;
	v2 =	vld [tilespmem:$0x1FE30]  }
0x4e1: {  	v60 =	vld [tilespmem:$0x123EE]  }
0x4e2: {  	v54 =	vld [tilespmem:$0x123AE]  }
0x4e3: {  	v46 =	vld [tilespmem:$0x1230E]  }
0x4e4: {  	v50 =	vld [tilespmem:$0x1237E]  }
0x4e5: {  	v32 =	vadd.f32 v2, v32;
	v2 =	vld [tilespmem:$0x1FE40]  }
0x4e6: {  	v63 =	vadd.f32 v63, v36;
	v36 =	vadd.f32 v62, v37;
	v62 =	vld [tilespmem:$0x1259F]  }
0x4e7: {  	v38 =	vadd.f32 v58, v38;
	v58 =	vld [tilespmem:$0x125CF]  }
0x4e8: {  	v39 =	vadd.f32 v57, v39;
	v57 =	vld [tilespmem:$0x125AF]  }
0x4e9: {  	v37 =	vadd.f32 v55, v40;
	v40 =	vadd.f32 v53, v41;
	v53 =	vld [tilespmem:$0x1265F]  }
0x4ea: {  	v33 =	vadd.f32 v2, v33;
	v2 =	vld [tilespmem:$0x1257E]  }
0x4eb: {  	v3 =	vadd.f32 v46, v3;
	v46 =	vld [tilespmem:$0x125BF];
	v55 =	vadd.f32 v48, v42  }
0x4ec: {  	v48 =	vld [tilespmem:$0x1262F]  }
0x4ed: {  	v41 =	vadd.f32 v62, v55;
	v62 =	vld [tilespmem:$0x126AF]  }
0x4ee: {  	v4 =	vadd.f32 v45, v4;
	v45 =	vld [tilespmem:$0x125EF]  }
0x4ef: {  	v5 =	vadd.f32 v43, v5;
	[tilespmem:$0x1FFF0] =	vst v2;
	v2 =	vld [tilespmem:$0x1FE50]  }
0x4f0: {  	v43 =	vld [tilespmem:$0x1275F]  }
0x4f1: {  	v5 =	vadd.f32 v46, v5;
	v46 =	vld [tilespmem:$0x1260F];
	v6 =	vadd.f32 v44, v6  }
0x4f2: {  	[tilespmem:$0x12890] =	vst v41;
	v41 =	vld [tilespmem:$0x1FF10]  }
0x4f3: {  	v6 =	vadd.f32 v58, v6;
	v58 =	vld [tilespmem:$0x1268F]  }
0x4f4: {  	v34 =	vadd.f32 v2, v34;
	v2 =	vld [tilespmem:$0x1FE60]  }
0x4f5: {  	v7 =	vadd.f32 v47, v7;
	v47 =	vld [tilespmem:$0x1261F];
	v8 =	vadd.f32 v49, v8  }
0x4f6: {  	v42 =	vld [tilespmem:$0x1FF20]  }
0x4f7: {  	v4 =	vadd.f32 v57, v4;
	v8 =	vadd.f32 v45, v8;
	v45 =	vld [tilespmem:$0x1276F]  }
0x4f8: {  	v9 =	vadd.f32 v50, v9;
	v50 =	vld [tilespmem:$0x1263F];
	v49 =	vadd.f32 v51, v10  }
0x4f9: {  	v51 =	vadd.f32 v52, v11;
	v35 =	vadd.f32 v2, v35;
	v2 =	vld [tilespmem:$0x1258F]  }
0x4fa: {  	v44 =	vld [tilespmem:$0x1FF30]  }
0x4fb: {  	[tilespmem:$0x12900] =	vst v4;
	v4 =	vadd.f32 v47, v51;
	v47 =	vld [tilespmem:$0x1277F];
	v52 =	vadd.f32 v54, v12  }
0x4fc: {  	v12 =	vld [tilespmem:$0x1FE80]  }
0x4fd: {  	[tilespmem:$0x12910] =	vst v5;
	v5 =	vadd.f32 v48, v52;
	v52 =	vld [tilespmem:$0x127AF]  }
0x4fe: {  	v2 =	vadd.f32 v2, v3;
	v3 =	vld [tilespmem:$0x125DF]  }
0x4ff: {  	v54 =	vadd.f32 v56, v13;
	v56 =	vld [tilespmem:$0x1267F]  }
0x500: {  	v13 =	vld [tilespmem:$0x1FE90]  }
0x501: {  	[tilespmem:$0x12880] =	vst v2;
	v2 =	vld [tilespmem:$0x125FF]  }
0x502: {  	v48 =	vld [tilespmem:$0x1FF50]  }
0x503: {  	v55 =	vadd.f32 v61, v14;
	v61 =	vld [tilespmem:$0x1FE70];
	v3 =	vadd.f32 v3, v7  }
0x504: {  	v57 =	vadd.f32 v59, v15;
	v59 =	vadd.f32 v60, v16;
	v60 =	vld [tilespmem:$0x1269F]  }
0x505: {  	[tilespmem:$0x12990] =	vst v3;
	v3 =	vld [tilespmem:$0x1264F]  }
0x506: {  	v2 =	vadd.f32 v2, v9;
	v9 =	vadd.f32 v12, v18;
	v18 =	vld [tilespmem:$0x1FEC0]  }
0x507: {  	v14 =	vld [tilespmem:$0x126CF]  }
0x508: {  	v15 =	vld [tilespmem:$0x1FEA0]  }
0x509: {  	[tilespmem:$0x12A00] =	vst v8;
	v8 =	vadd.f32 v53, v57;
	v57 =	vld [tilespmem:$0x127DF];
	v11 =	vadd.f32 v13, v19  }
0x50a: {  	[tilespmem:$0x12980] =	vst v6;
	v16 =	vld [tilespmem:$0x1FEB0];
	v3 =	vadd.f32 v3, v55  }
0x50b: {  	[tilespmem:$0x12B00] =	vst v5;
	v5 =	vadd.f32 v60, v11;
	v11 =	vadd.f32 v18, v22;
	v22 =	vld [tilespmem:$0x1FEE0]  }
0x50c: {  	[tilespmem:$0x12B80] =	vst v3;
	v3 =	vld [tilespmem:$0x126BF]  }
0x50d: {  	v6 =	vadd.f32 v50, v54;
	[tilespmem:$0x12A10] =	vst v2;
	v2 =	vld [tilespmem:$0x1266F]  }
0x50e: {  	v50 =	vld [tilespmem:$0x1FF60];
	v10 =	vadd.f32 v61, v17;
	v7 =	vadd.f32 v46, v49  }
0x50f: {  	[tilespmem:$0x12A90] =	vst v4;
	v17 =	vld [tilespmem:$0x126EF];
	v4 =	vadd.f32 v58, v9;
	v9 =	vadd.f32 v16, v21  }
0x510: {  	v51 =	vld [tilespmem:$0x1FF70];
	[tilespmem:$0x12A80] =	vst v7;
	v7 =	vadd.f32 v56, v10  }
0x511: {  	v3 =	vadd.f32 v3, v9;
	v9 =	vadd.f32 v22, v24;
	v24 =	vld [tilespmem:$0x1FEF0]  }
0x512: {  	v10 =	vadd.f32 v15, v20;
	v20 =	vld [tilespmem:$0x1FED0];
	v2 =	vadd.f32 v2, v59  }
0x513: {  	v19 =	vld [tilespmem:$0x126FF]  }
0x514: {  	[tilespmem:$0x12C00] =	vst v2;
	v2 =	vld [tilespmem:$0x126DF]  }
0x515: {  	v53 =	vld [tilespmem:$0x1FF80]  }
0x516: {  	[tilespmem:$0x12B90] =	vst v8;
	v8 =	vadd.f32 v14, v11;
	v11 =	vadd.f32 v24, v25;
	v25 =	vld [tilespmem:$0x1FF00]  }
0x517: {  	[tilespmem:$0x12B10] =	vst v6;
	v6 =	vadd.f32 v62, v10;
	v10 =	vadd.f32 v20, v23;
	v23 =	vld [tilespmem:$0x1271F]  }
0x518: {  	[tilespmem:$0x12D10] =	vst v3;
	v3 =	vld [tilespmem:$0x1272F]  }
0x519: {  	[tilespmem:$0x12C10] =	vst v7;
	v21 =	vld [tilespmem:$0x1270F];
	v2 =	vadd.f32 v2, v10;
	v7 =	vadd.f32 v17, v9  }
0x51a: {  	v46 =	vld [tilespmem:$0x1FF40];
	[tilespmem:$0x12C80] =	vst v4;
	v9 =	vadd.f32 v41, v27;
	v4 =	vadd.f32 v19, v11  }
0x51b: {  	[tilespmem:$0x12C90] =	vst v5;
	v11 =	vadd.f32 v42, v28;
	v10 =	vadd.f32 v25, v26;
	v26 =	vld [tilespmem:$0x1273F]  }
0x51c: {  	[tilespmem:$0x12D90] =	vst v2;
	v2 =	vld [tilespmem:$0x1274F]  }
0x51d: {  	v54 =	vld [tilespmem:$0x1FF90];
	[tilespmem:$0x12D00] =	vst v6;
	v6 =	vadd.f32 v23, v9;
	v3 =	vadd.f32 v3, v11  }
0x51e: {  	v60 =	vld [tilespmem:$0x1FFC0];
	[tilespmem:$0x12D80] =	vst v8;
	v5 =	vadd.f32 v21, v10;
	v10 =	vadd.f32 v44, v29  }
0x51f: {  	v9 =	vadd.f32 v46, v30;
	v11 =	vadd.f32 v48, v31;
	[tilespmem:$0x12F00] =	vst v3;
	v3 =	vld [tilespmem:$0x1279F]  }
0x520: {  	v49 =	vld [tilespmem:$0x1278F];
	[tilespmem:$0x12E00] =	vst v7;
	v8 =	vadd.f32 v26, v10;
	v10 =	vadd.f32 v50, v32  }
0x521: {  	v58 =	vld [tilespmem:$0x1FFB0];
	[tilespmem:$0x12E90] =	vst v6;
	v2 =	vadd.f32 v2, v9;
	v7 =	vadd.f32 v43, v11  }
0x522: {  	v56 =	vld [tilespmem:$0x1FFA0];
	[tilespmem:$0x12E10] =	vst v4;
	v4 =	vadd.f32 v45, v10;
	v10 =	vadd.f32 v54, v35  }
0x523: {  	v11 =	vadd.f32 v53, v34;
	[tilespmem:$0x12F80] =	vst v2;
	v2 =	vld [tilespmem:$0x127BF]  }
0x524: {  	v62 =	vld [tilespmem:$0x1FFD0];
	v9 =	vadd.f32 v51, v33;
	[tilespmem:$0x12F90] =	vst v7;
	v3 =	vadd.f32 v3, v10  }
0x525: {  	v55 =	vld [tilespmem:$0x127CF];
	v6 =	vadd.f32 v49, v11;
	[tilespmem:$0x12E80] =	vst v5  }
0x526: {  	v11 =	vadd.f32 v58, v36;
	v5 =	vadd.f32 v47, v9;
	[tilespmem:$0x13090] =	vst v3;
	v3 =	vld [tilespmem:$0x1FFE0]  }
0x527: {  	v9 =	vadd.f32 v56, v63;
	v63 =	vld [tilespmem:$0x1FFF0];
	[tilespmem:$0x13080] =	vst v6  }
0x528: {  	v59 =	vld [tilespmem:$0x127EF];
	[tilespmem:$0x13010] =	vst v5;
	v2 =	vadd.f32 v2, v11  }
0x529: {  	v61 =	vld [tilespmem:$0x127FF];
	[tilespmem:$0x12F10] =	vst v8;
	v8 =	vadd.f32 v52, v9;
	v9 =	vadd.f32 v62, v39  }
0x52a: {  	[tilespmem:$0x13110] =	vst v2;
	v10 =	vadd.f32 v60, v38  }
0x52b: {  	[tilespmem:$0x13000] =	vst v4;
	v4 =	vadd.f32 v57, v9;
	v3 =	vadd.f32 v3, v37  }
0x52c: {  	[tilespmem:$0x13100] =	vst v8;
	v8 =	vadd.f32 v63, v40;
	v7 =	vadd.f32 v55, v10  }
0x52d: {  	[tilespmem:$0x13190] =	vst v4;
	v2 =	vadd.f32 v59, v3  }
0x52e: {  	s10 =	sadd.s32 $0x1, s10;
	[tilespmem:$0x13180] =	vst v7;
	v3 =	vadd.f32 v61, v8  }
0x52f: {  	p0 =	sne.s32 s10, s5;
	[tilespmem:$0x13200] =	vst v2  }
.Ltmp2:
0x530: {  	[tilespmem:$0x13210] =	vst v3;
	(pc) =	sbr.rel @p0 .LBB2_1-.Ltmp2, $4  }
0x531: {  	[hbm4b:s4+s2] =	stream.linear.scatter [tilespmem:s8], [sflag:$0x2], $0xA00, $0x38;
	[tilespmem:$0x13480] =	vst v63  }
0x532: {  	_ =	swait.ge [sflag:s9], $0xA00  }
0x533: {  	[sflag:s9] =	ssyncset.done $0x0  }
0x534: {  	[sflag:s9] =	ssyncadd.s32 $0xFFFFF600  }
0x535: {  	_ =	sfence.sel $0x180000  }
0x536: {  	[bflag:$0x0] =	sbarrier.arrive $0xFFFF  }
0x537: {  	p0 =	sne.s32 s1, $0x0;
	_ =	strace $0x90000047  }
0x538: {  	s0 =	sadd.s32 @!p0 $0x100000, s0;
	[bflag:$0x2] =	sbarrier.arrive $0xFFFF  }
0x539: {  	[sflag:s0] =	ssyncadd.tile.s32 @!p0 $0x1;
	_ =	shalt  }
.Lfunc_end2:
_tile_overlayer_lowered:
.L_overlay_start_2:
0x53a: {  	(tag) =	ssettag $0x2  }
0x53b: {  	s0 =	rddreg [dreg:$0x0];
	s2 =	stileid.u32  }
0x53c: {  	s1 =	rddreg [dreg:$0x1];
	p0 =	sne.s32 s2, $0x0  }
0x53d: {  	s3 =	rddreg [dreg:$0x2];
	[bflag:$0x3] =	sbarrier.arrive $0xFFFF;
	s2 =	simm.s32 @!p0 $0x1C02  }
0x53e: {  	[timem:s3], [sflag:s2] =	dma.local @!p0 [hbm:s0], s1  }
0x53f: {  	s0 =	simm.s32 @!p0 $0x2  }
0x540: {  	_ =	swait.ge @!p0 [sflag:s0], s1  }
0x541: {  	s1 =	ssub.s32 @!p0 $0x0, s1;
	[sflag:s0] =	ssyncset.done @!p0 $0x0  }
0x542: {  	[sflag:s0] =	ssyncadd.s32 @!p0 s1  }
0x543: {  	[bflag:$0x3] =	sbarrier.arrive $0xFFFF  }
0x544: {  	_ =	shalt  }

</sc_bundles>
